<compile_context>
chip_gen: v7x
topology: tpu7x:2x2x1
jax: 0.10.2.dev20260603
libtpu: 0.0.44.dev20260713+nightly
codegen_flags: <defaults>
</compile_context>

<pallas_src>
import functools

import jax
import jax.numpy as jnp
from jax import lax
from jax.experimental import pallas as pl
from jax.experimental.pallas import tpu as pltpu
from jax.experimental.pallas import tpu_sc as plsc

N = 4096
B = 64
NC = 2
NS = 16
L = 16
NW = NC * NS
RPW = N // NW
RCHUNKS = RPW // L
W = 128

_MAGIC = 0x5F3759DF


def _rsqrt(d2):
    bits = jnp.int32(_MAGIC) - (lax.bitcast_convert_type(d2, jnp.int32) >> 1)
    y = lax.bitcast_convert_type(bits, jnp.float32)
    hx = 0.5 * d2
    y = y * (1.5 - (hx * y) * y)
    y = y * (1.5 - (hx * y) * y)
    return y


def _sc_body(pos_h, q_h, lj_h, sb_h, mol_h,
             out_h,
             sbv, posf, qv, ljt, molv, facc, c1s, sem):
    cid = lax.axis_index("c")
    sid = lax.axis_index("s")
    wid = cid * NS + sid
    wstart = wid * RPW

    pltpu.sync_copy(sb_h, sbv)

    z16 = jnp.zeros((L,), jnp.float32)
    for k in range(B // L):
        facc[pl.ds(k * L, L)] = z16
    iota = lax.iota(jnp.int32, L)

    last_row = jnp.minimum(wstart + iota * L + (L - 1), N - 1)
    fhi = plsc.load_gather(sbv, [last_row])
    cpos = jnp.zeros((L,), jnp.int32)
    step = N // 2
    while step >= 1:
        cand = cpos + step
        v = plsc.load_gather(sbv, [cand - 1])
        cpos = jnp.where(v <= fhi, cand, cpos)
        step //= 2
    c1s[pl.ds(0, L)] = (cpos + (L - 1)) >> 4

    wend = jnp.max(cpos)
    nch = (wend - wstart + (W - 1)) >> 7

    def issue(k, carry):
        goff = jnp.minimum(wstart + k * W, N - W)
        off = goff - wstart
        pltpu.async_copy(pos_h.at[pl.ds(3 * goff, 3 * W)],
                         posf.at[pl.ds(3 * off, 3 * W)], sem)
        pltpu.async_copy(q_h.at[pl.ds(goff, W)],
                         qv.at[pl.ds(off, W)], sem)
        pltpu.async_copy(lj_h.at[pl.ds(2 * goff, 2 * W)],
                         ljt.at[pl.ds(2 * off, 2 * W)], sem)
        pltpu.async_copy(mol_h.at[pl.ds(goff, W)],
                         molv.at[pl.ds(off, W)], sem)
        return carry

    lax.fori_loop(0, nch, issue, 0)

    def drain(k, carry):
        pltpu.make_async_copy(pos_h.at[pl.ds(0, 3 * W)],
                              posf.at[pl.ds(0, 3 * W)], sem).wait()
        pltpu.make_async_copy(q_h.at[pl.ds(0, W)],
                              qv.at[pl.ds(0, W)], sem).wait()
        pltpu.make_async_copy(lj_h.at[pl.ds(0, 2 * W)],
                              ljt.at[pl.ds(0, 2 * W)], sem).wait()
        pltpu.make_async_copy(mol_h.at[pl.ds(0, W)],
                              molv.at[pl.ds(0, W)], sem).wait()
        return carry

    lax.fori_loop(0, nch, drain, 0)

    odd = (iota & 1) == 1

    def lj_tr(k, carry):
        for u in range(2 * W // L):
            o = 2 * W * k + u * L
            v = ljt[pl.ds(o, L)]
            sq = v * _rsqrt(v)
            ljt[pl.ds(o, L)] = jnp.where(odd, sq + sq, 0.5 * v)
        return carry

    lax.fori_loop(0, nch, lj_tr, 0)

    def rc_body(rc, carry):
        rel = rc * L
        ri3 = (rel + rel + rel) + (iota + iota + iota)
        ri2 = (rel + rel) + (iota + iota)
        rx = plsc.load_gather(posf, [ri3])
        ry = plsc.load_gather(posf, [ri3 + 1])
        rz = plsc.load_gather(posf, [ri3 + 2])
        rq = qv[pl.ds(rel, L)]
        rhs = plsc.load_gather(ljt, [ri2])
        res = plsc.load_gather(ljt, [ri2 + 1])
        rsb = sbv[pl.ds(wstart + rel, L)]
        rmol = molv[pl.ds(rel, L)]
        c1 = jnp.max(plsc.load_gather(c1s, [jnp.full((L,), rc, jnp.int32)]))

        def pair_block(cc, acc):
            cb = cc * L
            cbr = cb - wstart
            bacc = z16
            for jj in range(L):
                j3 = jnp.full((L,), 3 * cbr + 3 * jj, jnp.int32)
                j2 = jnp.full((L,), 2 * cbr + 2 * jj, jnp.int32)
                jr = jnp.full((L,), cbr + jj, jnp.int32)
                jg = jnp.full((L,), cb + jj, jnp.int32)
                bx = plsc.load_gather(posf, [j3])
                by = plsc.load_gather(posf, [j3 + 1])
                bz = plsc.load_gather(posf, [j3 + 2])
                bq = plsc.load_gather(qv, [jr])
                bhs = plsc.load_gather(ljt, [j2])
                bes = plsc.load_gather(ljt, [j2 + 1])
                bsb = plsc.load_gather(sbv, [jg])
                bmol = plsc.load_gather(molv, [jr])
                dx = rx - bx
                dy = ry - by
                dz = rz - bz
                d2 = dx * dx + dy * dy + dz * dz
                y = _rsqrt(d2)
                coul = (rq * bq) * y
                sig = rhs + bhs
                sr = sig * y
                sr2 = sr * sr
                sr6 = sr2 * sr2 * sr2
                e4 = res * bes
                lj = (e4 * sr6) * (sr6 - 1.0)
                msk = (rsb == bsb) & (rmol != bmol)
                bacc = bacc + jnp.where(msk, coul + lj, 0.0)
            return acc + jnp.where(cc == g, bacc, bacc + bacc)

        g = wid * RCHUNKS + rc
        rowsum = lax.fori_loop(g, c1, pair_block, z16)
        for i in range(L):
            plsc.addupdate_scatter(facc, [rsb], rowsum, mask=iota == i)
        return carry

    lax.fori_loop(0, RCHUNKS, rc_body, 0)

    pltpu.sync_copy(facc, out_h.at[wid])


@jax.jit
def _sc_call(posf, q, ljt, sb, mol):
    mesh = plsc.VectorSubcoreMesh(core_axis_name="c", subcore_axis_name="s")
    f = pl.kernel(
        _sc_body,
        out_type=jax.ShapeDtypeStruct((NW, B), jnp.float32),
        mesh=mesh,
        compiler_params=pltpu.CompilerParams(needs_layout_passes=False),
        scratch_types=[
            pltpu.VMEM((N,), jnp.int32),
            pltpu.VMEM((3 * N,), jnp.float32),
            pltpu.VMEM((N,), jnp.float32),
            pltpu.VMEM((2 * N,), jnp.float32),
            pltpu.VMEM((N,), jnp.int32),
            pltpu.VMEM((B,), jnp.float32),
            pltpu.VMEM((L,), jnp.int32),
            pltpu.SemaphoreType.DMA,
        ],
    )
    return f(posf, q, ljt, sb, mol)


def kernel(pos, charges, lj_params, sites_batch, sites_mol, batch_size):
    posf = jnp.ravel(pos.astype(jnp.float32))
    q = jnp.ravel(charges).astype(jnp.float32)
    ljf = jnp.ravel(lj_params.astype(jnp.float32))
    sb = sites_batch.astype(jnp.int32)
    mol = sites_mol.astype(jnp.int32)
    out = _sc_call(posf, q, ljf, sb, mol)
    total = jnp.sum(out, axis=0)
    return total + (0 * jnp.asarray(batch_size)).astype(total.dtype)

# --- scband reference (transcript-rebuilt; emitter-appended) ---
"""Pipeline reference for scband-lennard-jones-coulomb-79852031967360 (READ-ONLY COPY).

The authoritative reference and input builder live on the scoring server;
editing this copy changes nothing except your own understanding.
"""

import jax, jax.numpy as jnp
import numpy as np

N = 4096
B = 64


def setup_inputs(seed: int = 0) -> dict:
    key = jax.random.key(seed)
    k0, k1, k2, k3, k4 = jax.random.split(key, 5)
    pos = jax.random.normal(k0, (N, 3), dtype=jnp.float32) * 5.0
    charges = jax.random.normal(k1, (N, 1), dtype=jnp.float32)
    lj_params = jax.random.uniform(k2, (N, 2), dtype=jnp.float32) + 0.1
    sites_batch = jnp.sort(jax.random.randint(k3, (N,), 0, B))
    sites_mol = jax.random.randint(k4, (N,), 0, 1024)
    return {
        "pos": pos,
        "charges": charges,
        "lj_params": lj_params,
        "sites_batch": sites_batch,
        "sites_mol": sites_mol,
        "batch_size": B,
    }


def reference(pos, charges, lj_params, sites_batch, sites_mol, batch_size):
    # pair selection: same frame, different molecule (equivalent to torch.nonzero
    # gather of interacting_pairs, realized as a dense mask; masked-out pairs
    # contribute exactly zero, so the scatter result is identical)
    same_frame = sites_batch[None, :] == sites_batch[:, None]
    diff_mol = sites_mol[None, :] != sites_mol[:, None]
    mask = same_frame & diff_mol
    maskf = mask.astype(pos.dtype)

    diff = pos[:, None, :] - pos[None, :, :]
    d2 = jnp.sum(diff * diff, axis=-1)
    dist = jnp.sqrt(jnp.where(mask, d2, 1.0))  # safe sqrt for masked pairs

    # Coulomb: q_i * q_j / r
    q = charges[:, 0]
    coul = (q[:, None] * q[None, :] / dist) * maskf

    # Lennard-Jones with Lorentz-Berthelot mixing of per-site (sigma, eps)
    sigma = 0.5 * (lj_params[:, 0][:, None] + lj_params[:, 0][None, :])
    eps = jnp.sqrt(lj_params[:, 1][:, None] * lj_params[:, 1][None, :])
    sr6 = (sigma / dist) ** 6
    lj = (4.0 * eps * (sr6 * sr6 - sr6)) * maskf

    # scatter(contribs, pair_frame) -> per-frame energies
    coulomb_energy = jax.ops.segment_sum(jnp.sum(coul, axis=1), sites_batch, num_segments=B)
    lj_energy = jax.ops.segment_sum(jnp.sum(lj, axis=1), sites_batch, num_segments=B)
    total = coulomb_energy + lj_energy
    return total + (0 * jnp.asarray(batch_size)).astype(total.dtype)

if __name__ == "__main__":
    import jax
    _d = setup_inputs()
    print(jax.jit(kernel)(*tuple(_d.values())))

</pallas_src>

<mosaic_0001>
#map = affine_map<(d0, d1) -> (0)>
#map1 = affine_map<(d0, d1) -> (0, 0)>
module attributes {stable_mosaic.version = 14 : i64} {
  func.func @_sc_body(%arg0: i32, %arg1: i32, %arg2: memref<12288xf32, #tpu.memory_space<hbm>>, %arg3: memref<4096xf32, #tpu.memory_space<hbm>>, %arg4: memref<8192xf32, #tpu.memory_space<hbm>>, %arg5: memref<4096xi32, #tpu.memory_space<hbm>>, %arg6: memref<4096xi32, #tpu.memory_space<hbm>>, %arg7: memref<32x64xf32, #tpu.memory_space<hbm>>, %arg8: memref<4096xi32, #tpu.memory_space<vmem>>, %arg9: memref<12288xf32, #tpu.memory_space<vmem>>, %arg10: memref<4096xf32, #tpu.memory_space<vmem>>, %arg11: memref<8192xf32, #tpu.memory_space<vmem>>, %arg12: memref<4096xi32, #tpu.memory_space<vmem>>, %arg13: memref<64xf32, #tpu.memory_space<vmem>>, %arg14: memref<16xi32, #tpu.memory_space<vmem>>, %arg15: memref<!tpu.dma_semaphore, #tpu.memory_space<semaphore_mem>>) attributes {dimension_semantics = [#tpu.dimension_semantics<core_parallel>, #tpu.dimension_semantics<subcore_parallel>], iteration_bounds = array<i64: 2, 16>, scalar_prefetch = 0 : i64, scratch_operands = 8 : i64, tpu.core_type = #tpu.core_type<sc_vector_subcore>, window_params = [{transform_indices = #map}, {transform_indices = #map}, {transform_indices = #map}, {transform_indices = #map}, {transform_indices = #map}, {transform_indices = #map1}]} {
    %mul3A = arith.constant 16 : i32
    %mul3A_0 = arith.muli %arg0, %mul3A : i32
    %add3A = arith.addi %mul3A_0, %arg1 : i32
    %mul3A_1 = arith.constant 128 : i32
    %mul3A_2 = arith.muli %add3A, %mul3A_1 : i32
    "tpu.region"() ({
      %run_scoped3A = tpu.sem_alloc : memref<!tpu.dma_semaphore, #tpu.memory_space<semaphore_mem>>
      tpu.enqueue_dma source(%arg5 : memref<4096xi32, #tpu.memory_space<hbm>>) target(%arg8 : memref<4096xi32, #tpu.memory_space<vmem>>) target_semaphore(%run_scoped3A : memref<!tpu.dma_semaphore, #tpu.memory_space<semaphore_mem>>)
      tpu.wait_dma2 semaphore(%run_scoped3A : memref<!tpu.dma_semaphore, #tpu.memory_space<semaphore_mem>>) src(%arg5 : memref<4096xi32, #tpu.memory_space<hbm>>) dst(%arg8 : memref<4096xi32, #tpu.memory_space<vmem>>)
      tpu.yield
    }) : () -> ()
    %broadcast_in_dim3A = arith.constant 0.000000e+00 : f32
    %broadcast_in_dim3A_3 = vector.broadcast %broadcast_in_dim3A : f32 to vector<16xf32>
    %swap3A = arith.constant 0 : index
    %swap3A_4 = tpu.vector_load %arg13[%swap3A] {strides = array<i32>} : memref<64xf32, #tpu.memory_space<vmem>>, vector<16xf32>,
    tpu.vector_store %arg13[%swap3A], %broadcast_in_dim3A_3 {strides = array<i32>} : memref<64xf32, #tpu.memory_space<vmem>>, vector<16xf32>,
    %swap3A_5 = arith.constant 16 : index
    %swap3A_6 = tpu.vector_load %arg13[%swap3A_5] {strides = array<i32>} : memref<64xf32, #tpu.memory_space<vmem>>, vector<16xf32>,
    tpu.vector_store %arg13[%swap3A_5], %broadcast_in_dim3A_3 {strides = array<i32>} : memref<64xf32, #tpu.memory_space<vmem>>, vector<16xf32>,
    %swap3A_7 = arith.constant 32 : index
    %swap3A_8 = tpu.vector_load %arg13[%swap3A_7] {strides = array<i32>} : memref<64xf32, #tpu.memory_space<vmem>>, vector<16xf32>,
    tpu.vector_store %arg13[%swap3A_7], %broadcast_in_dim3A_3 {strides = array<i32>} : memref<64xf32, #tpu.memory_space<vmem>>, vector<16xf32>,
    %swap3A_9 = arith.constant 48 : index
    %swap3A_10 = tpu.vector_load %arg13[%swap3A_9] {strides = array<i32>} : memref<64xf32, #tpu.memory_space<vmem>>, vector<16xf32>,
    tpu.vector_store %arg13[%swap3A_9], %broadcast_in_dim3A_3 {strides = array<i32>} : memref<64xf32, #tpu.memory_space<vmem>>, vector<16xf32>,
    %iota3A = tpu.iota {dimensions = array<i32: 0>} : vector<16xi32>
    %mul3A_11 = arith.constant 16 : i32
    %mul3A_12 = vector.broadcast %mul3A_11 : i32 to vector<16xi32>
    %mul3A_13 = arith.muli %iota3A, %mul3A_12 : vector<16xi32>
    %add3A_14 = vector.broadcast %mul3A_2 : i32 to vector<16xi32>
    %add3A_15 = arith.addi %add3A_14, %mul3A_13 : vector<16xi32>
    %add3A_16 = arith.constant 15 : i32
    %add3A_17 = vector.broadcast %add3A_16 : i32 to vector<16xi32>
    %add3A_18 = arith.addi %add3A_15, %add3A_17 : vector<16xi32>
    %min3A = arith.constant 4095 : i32
    %min3A_19 = vector.broadcast %min3A : i32 to vector<16xi32>
    %min3A_20 = arith.minsi %add3A_18, %min3A_19 : vector<16xi32>
    %gather3A = tpu.vector_load_idx %arg8[%min3A_20] : memref<4096xi32, #tpu.memory_space<vmem>>[vector<16xi32>], vector<16xi32>,
    %broadcast_in_dim3A_21 = arith.constant 0 : i32
    %broadcast_in_dim3A_22 = vector.broadcast %broadcast_in_dim3A_21 : i32 to vector<16xi32>
    %add3A_23 = arith.constant 2048 : i32
    %add3A_24 = vector.broadcast %add3A_23 : i32 to vector<16xi32>
    %add3A_25 = arith.addi %broadcast_in_dim3A_22, %add3A_24 : vector<16xi32>
    %sub3A = arith.constant 1 : i32
    %sub3A_26 = vector.broadcast %sub3A : i32 to vector<16xi32>
    %sub3A_27 = arith.subi %add3A_25, %sub3A_26 : vector<16xi32>
    %gather3A_28 = tpu.vector_load_idx %arg8[%sub3A_27] : memref<4096xi32, #tpu.memory_space<vmem>>[vector<16xi32>], vector<16xi32>,
    %le3A = arith.cmpi sle, %gather3A_28, %gather3A : vector<16xi32>
    %select_n3A = arith.select %le3A, %add3A_25, %broadcast_in_dim3A_22 : vector<16xi1>, vector<16xi32>
    %add3A_29 = arith.constant 1024 : i32
    %add3A_30 = vector.broadcast %add3A_29 : i32 to vector<16xi32>
    %add3A_31 = arith.addi %select_n3A, %add3A_30 : vector<16xi32>
    %sub3A_32 = arith.constant 1 : i32
    %sub3A_33 = vector.broadcast %sub3A_32 : i32 to vector<16xi32>
    %sub3A_34 = arith.subi %add3A_31, %sub3A_33 : vector<16xi32>
    %gather3A_35 = tpu.vector_load_idx %arg8[%sub3A_34] : memref<4096xi32, #tpu.memory_space<vmem>>[vector<16xi32>], vector<16xi32>,
    %le3A_36 = arith.cmpi sle, %gather3A_35, %gather3A : vector<16xi32>
    %select_n3A_37 = arith.select %le3A_36, %add3A_31, %select_n3A : vector<16xi1>, vector<16xi32>
    %add3A_38 = arith.constant 512 : i32
    %add3A_39 = vector.broadcast %add3A_38 : i32 to vector<16xi32>
    %add3A_40 = arith.addi %select_n3A_37, %add3A_39 : vector<16xi32>
    %sub3A_41 = arith.constant 1 : i32
    %sub3A_42 = vector.broadcast %sub3A_41 : i32 to vector<16xi32>
    %sub3A_43 = arith.subi %add3A_40, %sub3A_42 : vector<16xi32>
    %gather3A_44 = tpu.vector_load_idx %arg8[%sub3A_43] : memref<4096xi32, #tpu.memory_space<vmem>>[vector<16xi32>], vector<16xi32>,
    %le3A_45 = arith.cmpi sle, %gather3A_44, %gather3A : vector<16xi32>
    %select_n3A_46 = arith.select %le3A_45, %add3A_40, %select_n3A_37 : vector<16xi1>, vector<16xi32>
    %add3A_47 = arith.constant 256 : i32
    %add3A_48 = vector.broadcast %add3A_47 : i32 to vector<16xi32>
    %add3A_49 = arith.addi %select_n3A_46, %add3A_48 : vector<16xi32>
    %sub3A_50 = arith.constant 1 : i32
    %sub3A_51 = vector.broadcast %sub3A_50 : i32 to vector<16xi32>
    %sub3A_52 = arith.subi %add3A_49, %sub3A_51 : vector<16xi32>
    %gather3A_53 = tpu.vector_load_idx %arg8[%sub3A_52] : memref<4096xi32, #tpu.memory_space<vmem>>[vector<16xi32>], vector<16xi32>,
    %le3A_54 = arith.cmpi sle, %gather3A_53, %gather3A : vector<16xi32>
    %select_n3A_55 = arith.select %le3A_54, %add3A_49, %select_n3A_46 : vector<16xi1>, vector<16xi32>
    %add3A_56 = arith.constant 128 : i32
    %add3A_57 = vector.broadcast %add3A_56 : i32 to vector<16xi32>
    %add3A_58 = arith.addi %select_n3A_55, %add3A_57 : vector<16xi32>
    %sub3A_59 = arith.constant 1 : i32
    %sub3A_60 = vector.broadcast %sub3A_59 : i32 to vector<16xi32>
    %sub3A_61 = arith.subi %add3A_58, %sub3A_60 : vector<16xi32>
    %gather3A_62 = tpu.vector_load_idx %arg8[%sub3A_61] : memref<4096xi32, #tpu.memory_space<vmem>>[vector<16xi32>], vector<16xi32>,
    %le3A_63 = arith.cmpi sle, %gather3A_62, %gather3A : vector<16xi32>
    %select_n3A_64 = arith.select %le3A_63, %add3A_58, %select_n3A_55 : vector<16xi1>, vector<16xi32>
    %add3A_65 = arith.constant 64 : i32
    %add3A_66 = vector.broadcast %add3A_65 : i32 to vector<16xi32>
    %add3A_67 = arith.addi %select_n3A_64, %add3A_66 : vector<16xi32>
    %sub3A_68 = arith.constant 1 : i32
    %sub3A_69 = vector.broadcast %sub3A_68 : i32 to vector<16xi32>
    %sub3A_70 = arith.subi %add3A_67, %sub3A_69 : vector<16xi32>
    %gather3A_71 = tpu.vector_load_idx %arg8[%sub3A_70] : memref<4096xi32, #tpu.memory_space<vmem>>[vector<16xi32>], vector<16xi32>,
    %le3A_72 = arith.cmpi sle, %gather3A_71, %gather3A : vector<16xi32>
    %select_n3A_73 = arith.select %le3A_72, %add3A_67, %select_n3A_64 : vector<16xi1>, vector<16xi32>
    %add3A_74 = arith.constant 32 : i32
    %add3A_75 = vector.broadcast %add3A_74 : i32 to vector<16xi32>
    %add3A_76 = arith.addi %select_n3A_73, %add3A_75 : vector<16xi32>
    %sub3A_77 = arith.constant 1 : i32
    %sub3A_78 = vector.broadcast %sub3A_77 : i32 to vector<16xi32>
    %sub3A_79 = arith.subi %add3A_76, %sub3A_78 : vector<16xi32>
    %gather3A_80 = tpu.vector_load_idx %arg8[%sub3A_79] : memref<4096xi32, #tpu.memory_space<vmem>>[vector<16xi32>], vector<16xi32>,
    %le3A_81 = arith.cmpi sle, %gather3A_80, %gather3A : vector<16xi32>
    %select_n3A_82 = arith.select %le3A_81, %add3A_76, %select_n3A_73 : vector<16xi1>, vector<16xi32>
    %add3A_83 = arith.constant 16 : i32
    %add3A_84 = vector.broadcast %add3A_83 : i32 to vector<16xi32>
    %add3A_85 = arith.addi %select_n3A_82, %add3A_84 : vector<16xi32>
    %sub3A_86 = arith.constant 1 : i32
    %sub3A_87 = vector.broadcast %sub3A_86 : i32 to vector<16xi32>
    %sub3A_88 = arith.subi %add3A_85, %sub3A_87 : vector<16xi32>
    %gather3A_89 = tpu.vector_load_idx %arg8[%sub3A_88] : memref<4096xi32, #tpu.memory_space<vmem>>[vector<16xi32>], vector<16xi32>,
    %le3A_90 = arith.cmpi sle, %gather3A_89, %gather3A : vector<16xi32>
    %select_n3A_91 = arith.select %le3A_90, %add3A_85, %select_n3A_82 : vector<16xi1>, vector<16xi32>
    %add3A_92 = arith.constant 8 : i32
    %add3A_93 = vector.broadcast %add3A_92 : i32 to vector<16xi32>
    %add3A_94 = arith.addi %select_n3A_91, %add3A_93 : vector<16xi32>
    %sub3A_95 = arith.constant 1 : i32
    %sub3A_96 = vector.broadcast %sub3A_95 : i32 to vector<16xi32>
    %sub3A_97 = arith.subi %add3A_94, %sub3A_96 : vector<16xi32>
    %gather3A_98 = tpu.vector_load_idx %arg8[%sub3A_97] : memref<4096xi32, #tpu.memory_space<vmem>>[vector<16xi32>], vector<16xi32>,
    %le3A_99 = arith.cmpi sle, %gather3A_98, %gather3A : vector<16xi32>
    %select_n3A_100 = arith.select %le3A_99, %add3A_94, %select_n3A_91 : vector<16xi1>, vector<16xi32>
    %add3A_101 = arith.constant 4 : i32
    %add3A_102 = vector.broadcast %add3A_101 : i32 to vector<16xi32>
    %add3A_103 = arith.addi %select_n3A_100, %add3A_102 : vector<16xi32>
    %sub3A_104 = arith.constant 1 : i32
    %sub3A_105 = vector.broadcast %sub3A_104 : i32 to vector<16xi32>
    %sub3A_106 = arith.subi %add3A_103, %sub3A_105 : vector<16xi32>
    %gather3A_107 = tpu.vector_load_idx %arg8[%sub3A_106] : memref<4096xi32, #tpu.memory_space<vmem>>[vector<16xi32>], vector<16xi32>,
    %le3A_108 = arith.cmpi sle, %gather3A_107, %gather3A : vector<16xi32>
    %select_n3A_109 = arith.select %le3A_108, %add3A_103, %select_n3A_100 : vector<16xi1>, vector<16xi32>
    %add3A_110 = arith.constant 2 : i32
    %add3A_111 = vector.broadcast %add3A_110 : i32 to vector<16xi32>
    %add3A_112 = arith.addi %select_n3A_109, %add3A_111 : vector<16xi32>
    %sub3A_113 = arith.constant 1 : i32
    %sub3A_114 = vector.broadcast %sub3A_113 : i32 to vector<16xi32>
    %sub3A_115 = arith.subi %add3A_112, %sub3A_114 : vector<16xi32>
    %gather3A_116 = tpu.vector_load_idx %arg8[%sub3A_115] : memref<4096xi32, #tpu.memory_space<vmem>>[vector<16xi32>], vector<16xi32>,
    %le3A_117 = arith.cmpi sle, %gather3A_116, %gather3A : vector<16xi32>
    %select_n3A_118 = arith.select %le3A_117, %add3A_112, %select_n3A_109 : vector<16xi1>, vector<16xi32>
    %add3A_119 = arith.constant 1 : i32
    %add3A_120 = vector.broadcast %add3A_119 : i32 to vector<16xi32>
    %add3A_121 = arith.addi %select_n3A_118, %add3A_120 : vector<16xi32>
    %sub3A_122 = arith.constant 1 : i32
    %sub3A_123 = vector.broadcast %sub3A_122 : i32 to vector<16xi32>
    %sub3A_124 = arith.subi %add3A_121, %sub3A_123 : vector<16xi32>
    %gather3A_125 = tpu.vector_load_idx %arg8[%sub3A_124] : memref<4096xi32, #tpu.memory_space<vmem>>[vector<16xi32>], vector<16xi32>,
    %le3A_126 = arith.cmpi sle, %gather3A_125, %gather3A : vector<16xi32>
    %select_n3A_127 = arith.select %le3A_126, %add3A_121, %select_n3A_118 : vector<16xi1>, vector<16xi32>
    %add3A_128 = arith.constant 15 : i32
    %add3A_129 = vector.broadcast %add3A_128 : i32 to vector<16xi32>
    %add3A_130 = arith.addi %select_n3A_127, %add3A_129 : vector<16xi32>
    %shift_right_arithmetic3A = arith.constant 4 : i32
    %shift_right_arithmetic3A_131 = vector.broadcast %shift_right_arithmetic3A : i32 to vector<16xi32>
    %shift_right_arithmetic3A_132 = arith.shrsi %add3A_130, %shift_right_arithmetic3A_131 : vector<16xi32>
    %swap3A_133 = arith.constant 0 : index
    %swap3A_134 = tpu.vector_load %arg14[%swap3A_133] {strides = array<i32>} : memref<16xi32, #tpu.memory_space<vmem>>, vector<16xi32>,
    tpu.vector_store %arg14[%swap3A_133], %shift_right_arithmetic3A_132 {strides = array<i32>} : memref<16xi32, #tpu.memory_space<vmem>>, vector<16xi32>,
    %reduce_max3A = arith.constant true
    %reduce_max3A_135 = vector.broadcast %reduce_max3A : i1 to vector<16xi1>
    %reduce_max3A_136 = arith.constant -2147483648 : i32
    %reduce_max3A_137 = vector.broadcast %reduce_max3A_136 : i32 to vector<16xi32>
    %reduce_max3A_138 = arith.xori %select_n3A_127, %reduce_max3A_137 : vector<16xi32>
    %reduce_max3A_139 = tpu.scan <max>, %reduce_max3A_138 masked %reduce_max3A_135 : vector<16xi32>, vector<16xi1> -> vector<16xi32>
    %reduce_max3A_140 = arith.xori %reduce_max3A_139, %reduce_max3A_137 : vector<16xi32>
    %reduce_max3A_141 = vector.extract %reduce_max3A_140[15] : i32 from vector<16xi32>
    %sub3A_142 = arith.subi %reduce_max3A_141, %mul3A_2 : i32
    %add3A_143 = arith.constant 127 : i32
    %add3A_144 = arith.addi %sub3A_142, %add3A_143 : i32
    %shift_right_arithmetic3A_145 = arith.constant 7 : i32
    %shift_right_arithmetic3A_146 = arith.shrsi %add3A_144, %shift_right_arithmetic3A_145 : i32
    %while3A = arith.constant 0 : i32
    %while3A_147 = arith.constant 0 : i32
    %while3A_148 = arith.subi %shift_right_arithmetic3A_146, %while3A_147 : i32
    %while3A_149 = arith.addi %while3A_147, %while3A_148 : i32
    %while3A_150 = arith.constant 1 : i32
    %while3A_151 = arith.divsi %while3A_148, %while3A_150 : i32
    %while3A_152 = arith.muli %while3A_151, %while3A_150 : i32
    %while3A_153 = arith.addi %while3A_147, %while3A_152 : i32
    %while3A_154 = arith.constant 1 : i32
    scf.for %while3A_185 = %while3A_147 to %while3A_153 step %while3A_154  : i32 {
      %mul3A_186 = arith.constant 128 : i32
      %mul3A_187 = arith.muli %while3A_185, %mul3A_186 : i32
      %add3A_188 = arith.addi %mul3A_2, %mul3A_187 : i32
      %min3A_189 = arith.constant 3968 : i32
      %min3A_190 = arith.minsi %add3A_188, %min3A_189 : i32
      %sub3A_191 = arith.subi %min3A_190, %mul3A_2 : i32
      %mul3A_192 = arith.constant 3 : i32
      %mul3A_193 = arith.muli %mul3A_192, %min3A_190 : i32
      %mul3A_194 = arith.constant 3 : i32
      %mul3A_195 = arith.muli %mul3A_194, %sub3A_191 : i32
      %dma_start3A = tpu.memref_slice %arg9[%mul3A_195] : memref<12288xf32, #tpu.memory_space<vmem>> -> memref<384xf32, #tpu.memory_space<vmem>>
      %dma_start3A_196 = tpu.memref_slice %arg2[%mul3A_193] : memref<12288xf32, #tpu.memory_space<hbm>> -> memref<384xf32, #tpu.memory_space<hbm>>
      %dma_start3A_197 = tpu.memref_slice %arg9[%mul3A_195] : memref<12288xf32, #tpu.memory_space<vmem>> -> memref<384xf32, #tpu.memory_space<vmem>>
      %dma_start3A_198 = tpu.memref_slice %arg2[%mul3A_193] : memref<12288xf32, #tpu.memory_space<hbm>> -> memref<384xf32, #tpu.memory_space<hbm>>
      tpu.enqueue_dma source(%dma_start3A_198 : memref<384xf32, #tpu.memory_space<hbm>>) target(%dma_start3A_197 : memref<384xf32, #tpu.memory_space<vmem>>) target_semaphore(%arg15 : memref<!tpu.dma_semaphore, #tpu.memory_space<semaphore_mem>>)
      %dma_start3A_199 = tpu.memref_slice %arg10[%sub3A_191] : memref<4096xf32, #tpu.memory_space<vmem>> -> memref<128xf32, #tpu.memory_space<vmem>>
      %dma_start3A_200 = tpu.memref_slice %arg3[%min3A_190] : memref<4096xf32, #tpu.memory_space<hbm>> -> memref<128xf32, #tpu.memory_space<hbm>>
      %dma_start3A_201 = tpu.memref_slice %arg10[%sub3A_191] : memref<4096xf32, #tpu.memory_space<vmem>> -> memref<128xf32, #tpu.memory_space<vmem>>
      %dma_start3A_202 = tpu.memref_slice %arg3[%min3A_190] : memref<4096xf32, #tpu.memory_space<hbm>> -> memref<128xf32, #tpu.memory_space<hbm>>
      tpu.enqueue_dma source(%dma_start3A_202 : memref<128xf32, #tpu.memory_space<hbm>>) target(%dma_start3A_201 : memref<128xf32, #tpu.memory_space<vmem>>) target_semaphore(%arg15 : memref<!tpu.dma_semaphore, #tpu.memory_space<semaphore_mem>>)
      %mul3A_203 = arith.constant 2 : i32
      %mul3A_204 = arith.muli %mul3A_203, %min3A_190 : i32
      %mul3A_205 = arith.constant 2 : i32
      %mul3A_206 = arith.muli %mul3A_205, %sub3A_191 : i32
      %dma_start3A_207 = tpu.memref_slice %arg11[%mul3A_206] : memref<8192xf32, #tpu.memory_space<vmem>> -> memref<256xf32, #tpu.memory_space<vmem>>
      %dma_start3A_208 = tpu.memref_slice %arg4[%mul3A_204] : memref<8192xf32, #tpu.memory_space<hbm>> -> memref<256xf32, #tpu.memory_space<hbm>>
      %dma_start3A_209 = tpu.memref_slice %arg11[%mul3A_206] : memref<8192xf32, #tpu.memory_space<vmem>> -> memref<256xf32, #tpu.memory_space<vmem>>
      %dma_start3A_210 = tpu.memref_slice %arg4[%mul3A_204] : memref<8192xf32, #tpu.memory_space<hbm>> -> memref<256xf32, #tpu.memory_space<hbm>>
      tpu.enqueue_dma source(%dma_start3A_210 : memref<256xf32, #tpu.memory_space<hbm>>) target(%dma_start3A_209 : memref<256xf32, #tpu.memory_space<vmem>>) target_semaphore(%arg15 : memref<!tpu.dma_semaphore, #tpu.memory_space<semaphore_mem>>)
      %dma_start3A_211 = tpu.memref_slice %arg12[%sub3A_191] : memref<4096xi32, #tpu.memory_space<vmem>> -> memref<128xi32, #tpu.memory_space<vmem>>
      %dma_start3A_212 = tpu.memref_slice %arg6[%min3A_190] : memref<4096xi32, #tpu.memory_space<hbm>> -> memref<128xi32, #tpu.memory_space<hbm>>
      %dma_start3A_213 = tpu.memref_slice %arg12[%sub3A_191] : memref<4096xi32, #tpu.memory_space<vmem>> -> memref<128xi32, #tpu.memory_space<vmem>>
      %dma_start3A_214 = tpu.memref_slice %arg6[%min3A_190] : memref<4096xi32, #tpu.memory_space<hbm>> -> memref<128xi32, #tpu.memory_space<hbm>>
      tpu.enqueue_dma source(%dma_start3A_214 : memref<128xi32, #tpu.memory_space<hbm>>) target(%dma_start3A_213 : memref<128xi32, #tpu.memory_space<vmem>>) target_semaphore(%arg15 : memref<!tpu.dma_semaphore, #tpu.memory_space<semaphore_mem>>)
    }
    %while3A_155 = arith.constant 1 : i32
    scf.for %while3A_185 = %while3A_153 to %while3A_149 step %while3A_155  : i32 {
      %mul3A_186 = arith.constant 128 : i32
      %mul3A_187 = arith.muli %while3A_185, %mul3A_186 : i32
      %add3A_188 = arith.addi %mul3A_2, %mul3A_187 : i32
      %min3A_189 = arith.constant 3968 : i32
      %min3A_190 = arith.minsi %add3A_188, %min3A_189 : i32
      %sub3A_191 = arith.subi %min3A_190, %mul3A_2 : i32
      %mul3A_192 = arith.constant 3 : i32
      %mul3A_193 = arith.muli %mul3A_192, %min3A_190 : i32
      %mul3A_194 = arith.constant 3 : i32
      %mul3A_195 = arith.muli %mul3A_194, %sub3A_191 : i32
      %dma_start3A = tpu.memref_slice %arg9[%mul3A_195] : memref<12288xf32, #tpu.memory_space<vmem>> -> memref<384xf32, #tpu.memory_space<vmem>>
      %dma_start3A_196 = tpu.memref_slice %arg2[%mul3A_193] : memref<12288xf32, #tpu.memory_space<hbm>> -> memref<384xf32, #tpu.memory_space<hbm>>
      %dma_start3A_197 = tpu.memref_slice %arg9[%mul3A_195] : memref<12288xf32, #tpu.memory_space<vmem>> -> memref<384xf32, #tpu.memory_space<vmem>>
      %dma_start3A_198 = tpu.memref_slice %arg2[%mul3A_193] : memref<12288xf32, #tpu.memory_space<hbm>> -> memref<384xf32, #tpu.memory_space<hbm>>
      tpu.enqueue_dma source(%dma_start3A_198 : memref<384xf32, #tpu.memory_space<hbm>>) target(%dma_start3A_197 : memref<384xf32, #tpu.memory_space<vmem>>) target_semaphore(%arg15 : memref<!tpu.dma_semaphore, #tpu.memory_space<semaphore_mem>>)
      %dma_start3A_199 = tpu.memref_slice %arg10[%sub3A_191] : memref<4096xf32, #tpu.memory_space<vmem>> -> memref<128xf32, #tpu.memory_space<vmem>>
      %dma_start3A_200 = tpu.memref_slice %arg3[%min3A_190] : memref<4096xf32, #tpu.memory_space<hbm>> -> memref<128xf32, #tpu.memory_space<hbm>>
      %dma_start3A_201 = tpu.memref_slice %arg10[%sub3A_191] : memref<4096xf32, #tpu.memory_space<vmem>> -> memref<128xf32, #tpu.memory_space<vmem>>
      %dma_start3A_202 = tpu.memref_slice %arg3[%min3A_190] : memref<4096xf32, #tpu.memory_space<hbm>> -> memref<128xf32, #tpu.memory_space<hbm>>
      tpu.enqueue_dma source(%dma_start3A_202 : memref<128xf32, #tpu.memory_space<hbm>>) target(%dma_start3A_201 : memref<128xf32, #tpu.memory_space<vmem>>) target_semaphore(%arg15 : memref<!tpu.dma_semaphore, #tpu.memory_space<semaphore_mem>>)
      %mul3A_203 = arith.constant 2 : i32
      %mul3A_204 = arith.muli %mul3A_203, %min3A_190 : i32
      %mul3A_205 = arith.constant 2 : i32
      %mul3A_206 = arith.muli %mul3A_205, %sub3A_191 : i32
      %dma_start3A_207 = tpu.memref_slice %arg11[%mul3A_206] : memref<8192xf32, #tpu.memory_space<vmem>> -> memref<256xf32, #tpu.memory_space<vmem>>
      %dma_start3A_208 = tpu.memref_slice %arg4[%mul3A_204] : memref<8192xf32, #tpu.memory_space<hbm>> -> memref<256xf32, #tpu.memory_space<hbm>>
      %dma_start3A_209 = tpu.memref_slice %arg11[%mul3A_206] : memref<8192xf32, #tpu.memory_space<vmem>> -> memref<256xf32, #tpu.memory_space<vmem>>
      %dma_start3A_210 = tpu.memref_slice %arg4[%mul3A_204] : memref<8192xf32, #tpu.memory_space<hbm>> -> memref<256xf32, #tpu.memory_space<hbm>>
      tpu.enqueue_dma source(%dma_start3A_210 : memref<256xf32, #tpu.memory_space<hbm>>) target(%dma_start3A_209 : memref<256xf32, #tpu.memory_space<vmem>>) target_semaphore(%arg15 : memref<!tpu.dma_semaphore, #tpu.memory_space<semaphore_mem>>)
      %dma_start3A_211 = tpu.memref_slice %arg12[%sub3A_191] : memref<4096xi32, #tpu.memory_space<vmem>> -> memref<128xi32, #tpu.memory_space<vmem>>
      %dma_start3A_212 = tpu.memref_slice %arg6[%min3A_190] : memref<4096xi32, #tpu.memory_space<hbm>> -> memref<128xi32, #tpu.memory_space<hbm>>
      %dma_start3A_213 = tpu.memref_slice %arg12[%sub3A_191] : memref<4096xi32, #tpu.memory_space<vmem>> -> memref<128xi32, #tpu.memory_space<vmem>>
      %dma_start3A_214 = tpu.memref_slice %arg6[%min3A_190] : memref<4096xi32, #tpu.memory_space<hbm>> -> memref<128xi32, #tpu.memory_space<hbm>>
      tpu.enqueue_dma source(%dma_start3A_214 : memref<128xi32, #tpu.memory_space<hbm>>) target(%dma_start3A_213 : memref<128xi32, #tpu.memory_space<vmem>>) target_semaphore(%arg15 : memref<!tpu.dma_semaphore, #tpu.memory_space<semaphore_mem>>)
    }
    %while3A_156 = arith.constant 0 : i32
    %while3A_157 = arith.constant 0 : i32
    %while3A_158 = arith.subi %shift_right_arithmetic3A_146, %while3A_157 : i32
    %while3A_159 = arith.addi %while3A_157, %while3A_158 : i32
    %while3A_160 = arith.constant 1 : i32
    %while3A_161 = arith.divsi %while3A_158, %while3A_160 : i32
    %while3A_162 = arith.muli %while3A_161, %while3A_160 : i32
    %while3A_163 = arith.addi %while3A_157, %while3A_162 : i32
    %while3A_164 = arith.constant 1 : i32
    scf.for %while3A_185 = %while3A_157 to %while3A_163 step %while3A_164  : i32 {
      %dma_wait3A = arith.constant 0 : i32
      %dma_wait3A_186 = tpu.memref_slice %arg9[%dma_wait3A] : memref<12288xf32, #tpu.memory_space<vmem>> -> memref<384xf32, #tpu.memory_space<vmem>>
      %dma_wait3A_187 = arith.constant 0 : i32
      %dma_wait3A_188 = tpu.memref_slice %arg2[%dma_wait3A_187] : memref<12288xf32, #tpu.memory_space<hbm>> -> memref<384xf32, #tpu.memory_space<hbm>>
      %dma_wait3A_189 = arith.constant 0 : i32
      %dma_wait3A_190 = tpu.memref_slice %arg9[%dma_wait3A_189] : memref<12288xf32, #tpu.memory_space<vmem>> -> memref<384xf32, #tpu.memory_space<vmem>>
      %dma_wait3A_191 = arith.constant 0 : i32
      %dma_wait3A_192 = tpu.memref_slice %arg2[%dma_wait3A_191] : memref<12288xf32, #tpu.memory_space<hbm>> -> memref<384xf32, #tpu.memory_space<hbm>>
      tpu.wait_dma2 semaphore(%arg15 : memref<!tpu.dma_semaphore, #tpu.memory_space<semaphore_mem>>) src(%dma_wait3A_192 : memref<384xf32, #tpu.memory_space<hbm>>) dst(%dma_wait3A_190 : memref<384xf32, #tpu.memory_space<vmem>>)
      %dma_wait3A_193 = arith.constant 0 : i32
      %dma_wait3A_194 = tpu.memref_slice %arg10[%dma_wait3A_193] : memref<4096xf32, #tpu.memory_space<vmem>> -> memref<128xf32, #tpu.memory_space<vmem>>
      %dma_wait3A_195 = arith.constant 0 : i32
      %dma_wait3A_196 = tpu.memref_slice %arg3[%dma_wait3A_195] : memref<4096xf32, #tpu.memory_space<hbm>> -> memref<128xf32, #tpu.memory_space<hbm>>
      %dma_wait3A_197 = arith.constant 0 : i32
      %dma_wait3A_198 = tpu.memref_slice %arg10[%dma_wait3A_197] : memref<4096xf32, #tpu.memory_space<vmem>> -> memref<128xf32, #tpu.memory_space<vmem>>
      %dma_wait3A_199 = arith.constant 0 : i32
      %dma_wait3A_200 = tpu.memref_slice %arg3[%dma_wait3A_199] : memref<4096xf32, #tpu.memory_space<hbm>> -> memref<128xf32, #tpu.memory_space<hbm>>
      tpu.wait_dma2 semaphore(%arg15 : memref<!tpu.dma_semaphore, #tpu.memory_space<semaphore_mem>>) src(%dma_wait3A_200 : memref<128xf32, #tpu.memory_space<hbm>>) dst(%dma_wait3A_198 : memref<128xf32, #tpu.memory_space<vmem>>)
      %dma_wait3A_201 = arith.constant 0 : i32
      %dma_wait3A_202 = tpu.memref_slice %arg11[%dma_wait3A_201] : memref<8192xf32, #tpu.memory_space<vmem>> -> memref<256xf32, #tpu.memory_space<vmem>>
      %dma_wait3A_203 = arith.constant 0 : i32
      %dma_wait3A_204 = tpu.memref_slice %arg4[%dma_wait3A_203] : memref<8192xf32, #tpu.memory_space<hbm>> -> memref<256xf32, #tpu.memory_space<hbm>>
      %dma_wait3A_205 = arith.constant 0 : i32
      %dma_wait3A_206 = tpu.memref_slice %arg11[%dma_wait3A_205] : memref<8192xf32, #tpu.memory_space<vmem>> -> memref<256xf32, #tpu.memory_space<vmem>>
      %dma_wait3A_207 = arith.constant 0 : i32
      %dma_wait3A_208 = tpu.memref_slice %arg4[%dma_wait3A_207] : memref<8192xf32, #tpu.memory_space<hbm>> -> memref<256xf32, #tpu.memory_space<hbm>>
      tpu.wait_dma2 semaphore(%arg15 : memref<!tpu.dma_semaphore, #tpu.memory_space<semaphore_mem>>) src(%dma_wait3A_208 : memref<256xf32, #tpu.memory_space<hbm>>) dst(%dma_wait3A_206 : memref<256xf32, #tpu.memory_space<vmem>>)
      %dma_wait3A_209 = arith.constant 0 : i32
      %dma_wait3A_210 = tpu.memref_slice %arg12[%dma_wait3A_209] : memref<4096xi32, #tpu.memory_space<vmem>> -> memref<128xi32, #tpu.memory_space<vmem>>
      %dma_wait3A_211 = arith.constant 0 : i32
      %dma_wait3A_212 = tpu.memref_slice %arg6[%dma_wait3A_211] : memref<4096xi32, #tpu.memory_space<hbm>> -> memref<128xi32, #tpu.memory_space<hbm>>
      %dma_wait3A_213 = arith.constant 0 : i32
      %dma_wait3A_214 = tpu.memref_slice %arg12[%dma_wait3A_213] : memref<4096xi32, #tpu.memory_space<vmem>> -> memref<128xi32, #tpu.memory_space<vmem>>
      %dma_wait3A_215 = arith.constant 0 : i32
      %dma_wait3A_216 = tpu.memref_slice %arg6[%dma_wait3A_215] : memref<4096xi32, #tpu.memory_space<hbm>> -> memref<128xi32, #tpu.memory_space<hbm>>
      tpu.wait_dma2 semaphore(%arg15 : memref<!tpu.dma_semaphore, #tpu.memory_space<semaphore_mem>>) src(%dma_wait3A_216 : memref<128xi32, #tpu.memory_space<hbm>>) dst(%dma_wait3A_214 : memref<128xi32, #tpu.memory_space<vmem>>)
    }
    %while3A_165 = arith.constant 1 : i32
    scf.for %while3A_185 = %while3A_163 to %while3A_159 step %while3A_165  : i32 {
      %dma_wait3A = arith.constant 0 : i32
      %dma_wait3A_186 = tpu.memref_slice %arg9[%dma_wait3A] : memref<12288xf32, #tpu.memory_space<vmem>> -> memref<384xf32, #tpu.memory_space<vmem>>
      %dma_wait3A_187 = arith.constant 0 : i32
      %dma_wait3A_188 = tpu.memref_slice %arg2[%dma_wait3A_187] : memref<12288xf32, #tpu.memory_space<hbm>> -> memref<384xf32, #tpu.memory_space<hbm>>
      %dma_wait3A_189 = arith.constant 0 : i32
      %dma_wait3A_190 = tpu.memref_slice %arg9[%dma_wait3A_189] : memref<12288xf32, #tpu.memory_space<vmem>> -> memref<384xf32, #tpu.memory_space<vmem>>
      %dma_wait3A_191 = arith.constant 0 : i32
      %dma_wait3A_192 = tpu.memref_slice %arg2[%dma_wait3A_191] : memref<12288xf32, #tpu.memory_space<hbm>> -> memref<384xf32, #tpu.memory_space<hbm>>
      tpu.wait_dma2 semaphore(%arg15 : memref<!tpu.dma_semaphore, #tpu.memory_space<semaphore_mem>>) src(%dma_wait3A_192 : memref<384xf32, #tpu.memory_space<hbm>>) dst(%dma_wait3A_190 : memref<384xf32, #tpu.memory_space<vmem>>)
      %dma_wait3A_193 = arith.constant 0 : i32
      %dma_wait3A_194 = tpu.memref_slice %arg10[%dma_wait3A_193] : memref<4096xf32, #tpu.memory_space<vmem>> -> memref<128xf32, #tpu.memory_space<vmem>>
      %dma_wait3A_195 = arith.constant 0 : i32
      %dma_wait3A_196 = tpu.memref_slice %arg3[%dma_wait3A_195] : memref<4096xf32, #tpu.memory_space<hbm>> -> memref<128xf32, #tpu.memory_space<hbm>>
      %dma_wait3A_197 = arith.constant 0 : i32
      %dma_wait3A_198 = tpu.memref_slice %arg10[%dma_wait3A_197] : memref<4096xf32, #tpu.memory_space<vmem>> -> memref<128xf32, #tpu.memory_space<vmem>>
      %dma_wait3A_199 = arith.constant 0 : i32
      %dma_wait3A_200 = tpu.memref_slice %arg3[%dma_wait3A_199] : memref<4096xf32, #tpu.memory_space<hbm>> -> memref<128xf32, #tpu.memory_space<hbm>>
      tpu.wait_dma2 semaphore(%arg15 : memref<!tpu.dma_semaphore, #tpu.memory_space<semaphore_mem>>) src(%dma_wait3A_200 : memref<128xf32, #tpu.memory_space<hbm>>) dst(%dma_wait3A_198 : memref<128xf32, #tpu.memory_space<vmem>>)
      %dma_wait3A_201 = arith.constant 0 : i32
      %dma_wait3A_202 = tpu.memref_slice %arg11[%dma_wait3A_201] : memref<8192xf32, #tpu.memory_space<vmem>> -> memref<256xf32, #tpu.memory_space<vmem>>
      %dma_wait3A_203 = arith.constant 0 : i32
      %dma_wait3A_204 = tpu.memref_slice %arg4[%dma_wait3A_203] : memref<8192xf32, #tpu.memory_space<hbm>> -> memref<256xf32, #tpu.memory_space<hbm>>
      %dma_wait3A_205 = arith.constant 0 : i32
      %dma_wait3A_206 = tpu.memref_slice %arg11[%dma_wait3A_205] : memref<8192xf32, #tpu.memory_space<vmem>> -> memref<256xf32, #tpu.memory_space<vmem>>
      %dma_wait3A_207 = arith.constant 0 : i32
      %dma_wait3A_208 = tpu.memref_slice %arg4[%dma_wait3A_207] : memref<8192xf32, #tpu.memory_space<hbm>> -> memref<256xf32, #tpu.memory_space<hbm>>
      tpu.wait_dma2 semaphore(%arg15 : memref<!tpu.dma_semaphore, #tpu.memory_space<semaphore_mem>>) src(%dma_wait3A_208 : memref<256xf32, #tpu.memory_space<hbm>>) dst(%dma_wait3A_206 : memref<256xf32, #tpu.memory_space<vmem>>)
      %dma_wait3A_209 = arith.constant 0 : i32
      %dma_wait3A_210 = tpu.memref_slice %arg12[%dma_wait3A_209] : memref<4096xi32, #tpu.memory_space<vmem>> -> memref<128xi32, #tpu.memory_space<vmem>>
      %dma_wait3A_211 = arith.constant 0 : i32
      %dma_wait3A_212 = tpu.memref_slice %arg6[%dma_wait3A_211] : memref<4096xi32, #tpu.memory_space<hbm>> -> memref<128xi32, #tpu.memory_space<hbm>>
      %dma_wait3A_213 = arith.constant 0 : i32
      %dma_wait3A_214 = tpu.memref_slice %arg12[%dma_wait3A_213] : memref<4096xi32, #tpu.memory_space<vmem>> -> memref<128xi32, #tpu.memory_space<vmem>>
      %dma_wait3A_215 = arith.constant 0 : i32
      %dma_wait3A_216 = tpu.memref_slice %arg6[%dma_wait3A_215] : memref<4096xi32, #tpu.memory_space<hbm>> -> memref<128xi32, #tpu.memory_space<hbm>>
      tpu.wait_dma2 semaphore(%arg15 : memref<!tpu.dma_semaphore, #tpu.memory_space<semaphore_mem>>) src(%dma_wait3A_216 : memref<128xi32, #tpu.memory_space<hbm>>) dst(%dma_wait3A_214 : memref<128xi32, #tpu.memory_space<vmem>>)
    }
    %and3A = arith.constant 1 : i32
    %and3A_166 = vector.broadcast %and3A : i32 to vector<16xi32>
    %and3A_167 = arith.andi %iota3A, %and3A_166 : vector<16xi32>
    %eq3A = arith.constant 1 : i32
    %eq3A_168 = vector.broadcast %eq3A : i32 to vector<16xi32>
    %eq3A_169 = arith.cmpi eq, %and3A_167, %eq3A_168 : vector<16xi32>
    %while3A_170 = arith.constant 0 : i32
    %while3A_171 = arith.constant 0 : i32
    %while3A_172 = arith.subi %shift_right_arithmetic3A_146, %while3A_171 : i32
    %while3A_173 = arith.addi %while3A_171, %while3A_172 : i32
    %while3A_174 = arith.constant 1 : i32
    %while3A_175 = arith.divsi %while3A_172, %while3A_174 : i32
    %while3A_176 = arith.muli %while3A_175, %while3A_174 : i32
    %while3A_177 = arith.addi %while3A_171, %while3A_176 : i32
    %while3A_178 = arith.constant 1 : i32
    scf.for %while3A_185 = %while3A_171 to %while3A_177 step %while3A_178  : i32 {
      %mul3A_186 = arith.constant 256 : i32
      %mul3A_187 = arith.muli %mul3A_186, %while3A_185 : i32
      %add3A_188 = arith.constant 0 : i32
      %add3A_189 = arith.addi %mul3A_187, %add3A_188 : i32
      %get3A = arith.index_cast %add3A_189 : i32 to index
      %get3A_190 = tpu.vector_load %arg11[%get3A] {strides = array<i32>} : memref<8192xf32, #tpu.memory_space<vmem>>, vector<16xf32>,
      %bitcast_convert_type3A = tpu.bitcast %get3A_190 : vector<16xf32> -> vector<16xi32>
      %shift_right_arithmetic3A_191 = arith.constant 1 : i32
      %shift_right_arithmetic3A_192 = vector.broadcast %shift_right_arithmetic3A_191 : i32 to vector<16xi32>
      %shift_right_arithmetic3A_193 = arith.shrsi %bitcast_convert_type3A, %shift_right_arithmetic3A_192 : vector<16xi32>
      %sub3A_194 = arith.constant 1597463007 : i32
      %sub3A_195 = vector.broadcast %sub3A_194 : i32 to vector<16xi32>
      %sub3A_196 = arith.subi %sub3A_195, %shift_right_arithmetic3A_193 : vector<16xi32>
      %bitcast_convert_type3A_197 = tpu.bitcast %sub3A_196 : vector<16xi32> -> vector<16xf32>
      %mul3A_198 = arith.constant 5.000000e-01 : f32
      %mul3A_199 = vector.broadcast %mul3A_198 : f32 to vector<16xf32>
      %mul3A_200 = arith.mulf %mul3A_199, %get3A_190 : vector<16xf32>
      %mul3A_201 = arith.mulf %mul3A_200, %bitcast_convert_type3A_197 : vector<16xf32>
      %mul3A_202 = arith.mulf %mul3A_201, %bitcast_convert_type3A_197 : vector<16xf32>
      %sub3A_203 = arith.constant 1.500000e+00 : f32
      %sub3A_204 = vector.broadcast %sub3A_203 : f32 to vector<16xf32>
      %sub3A_205 = arith.subf %sub3A_204, %mul3A_202 : vector<16xf32>
      %mul3A_206 = arith.mulf %bitcast_convert_type3A_197, %sub3A_205 : vector<16xf32>
      %mul3A_207 = arith.mulf %mul3A_200, %mul3A_206 : vector<16xf32>
      %mul3A_208 = arith.mulf %mul3A_207, %mul3A_206 : vector<16xf32>
      %sub3A_209 = arith.constant 1.500000e+00 : f32
      %sub3A_210 = vector.broadcast %sub3A_209 : f32 to vector<16xf32>
      %sub3A_211 = arith.subf %sub3A_210, %mul3A_208 : vector<16xf32>
      %mul3A_212 = arith.mulf %mul3A_206, %sub3A_211 : vector<16xf32>
      %mul3A_213 = arith.mulf %get3A_190, %mul3A_212 : vector<16xf32>
      %add3A_214 = arith.addf %mul3A_213, %mul3A_213 : vector<16xf32>
      %mul3A_215 = arith.constant 5.000000e-01 : f32
      %mul3A_216 = vector.broadcast %mul3A_215 : f32 to vector<16xf32>
      %mul3A_217 = arith.mulf %mul3A_216, %get3A_190 : vector<16xf32>
      %select_n3A_218 = arith.select %eq3A_169, %add3A_214, %mul3A_217 : vector<16xi1>, vector<16xf32>
      %swap3A_219 = arith.index_cast %add3A_189 : i32 to index
      %swap3A_220 = tpu.vector_load %arg11[%swap3A_219] {strides = array<i32>} : memref<8192xf32, #tpu.memory_space<vmem>>, vector<16xf32>,
      tpu.vector_store %arg11[%swap3A_219], %select_n3A_218 {strides = array<i32>} : memref<8192xf32, #tpu.memory_space<vmem>>, vector<16xf32>,
      %mul3A_221 = arith.constant 256 : i32
      %mul3A_222 = arith.muli %mul3A_221, %while3A_185 : i32
      %add3A_223 = arith.constant 16 : i32
      %add3A_224 = arith.addi %mul3A_222, %add3A_223 : i32
      %get3A_225 = arith.index_cast %add3A_224 : i32 to index
      %get3A_226 = tpu.vector_load %arg11[%get3A_225] {strides = array<i32>} : memref<8192xf32, #tpu.memory_space<vmem>>, vector<16xf32>,
      %bitcast_convert_type3A_227 = tpu.bitcast %get3A_226 : vector<16xf32> -> vector<16xi32>
      %shift_right_arithmetic3A_228 = arith.constant 1 : i32
      %shift_right_arithmetic3A_229 = vector.broadcast %shift_right_arithmetic3A_228 : i32 to vector<16xi32>
      %shift_right_arithmetic3A_230 = arith.shrsi %bitcast_convert_type3A_227, %shift_right_arithmetic3A_229 : vector<16xi32>
      %sub3A_231 = arith.constant 1597463007 : i32
      %sub3A_232 = vector.broadcast %sub3A_231 : i32 to vector<16xi32>
      %sub3A_233 = arith.subi %sub3A_232, %shift_right_arithmetic3A_230 : vector<16xi32>
      %bitcast_convert_type3A_234 = tpu.bitcast %sub3A_233 : vector<16xi32> -> vector<16xf32>
      %mul3A_235 = arith.constant 5.000000e-01 : f32
      %mul3A_236 = vector.broadcast %mul3A_235 : f32 to vector<16xf32>
      %mul3A_237 = arith.mulf %mul3A_236, %get3A_226 : vector<16xf32>
      %mul3A_238 = arith.mulf %mul3A_237, %bitcast_convert_type3A_234 : vector<16xf32>
      %mul3A_239 = arith.mulf %mul3A_238, %bitcast_convert_type3A_234 : vector<16xf32>
      %sub3A_240 = arith.constant 1.500000e+00 : f32
      %sub3A_241 = vector.broadcast %sub3A_240 : f32 to vector<16xf32>
      %sub3A_242 = arith.subf %sub3A_241, %mul3A_239 : vector<16xf32>
      %mul3A_243 = arith.mulf %bitcast_convert_type3A_234, %sub3A_242 : vector<16xf32>
      %mul3A_244 = arith.mulf %mul3A_237, %mul3A_243 : vector<16xf32>
      %mul3A_245 = arith.mulf %mul3A_244, %mul3A_243 : vector<16xf32>
      %sub3A_246 = arith.constant 1.500000e+00 : f32
      %sub3A_247 = vector.broadcast %sub3A_246 : f32 to vector<16xf32>
      %sub3A_248 = arith.subf %sub3A_247, %mul3A_245 : vector<16xf32>
      %mul3A_249 = arith.mulf %mul3A_243, %sub3A_248 : vector<16xf32>
      %mul3A_250 = arith.mulf %get3A_226, %mul3A_249 : vector<16xf32>
      %add3A_251 = arith.addf %mul3A_250, %mul3A_250 : vector<16xf32>
      %mul3A_252 = arith.constant 5.000000e-01 : f32
      %mul3A_253 = vector.broadcast %mul3A_252 : f32 to vector<16xf32>
      %mul3A_254 = arith.mulf %mul3A_253, %get3A_226 : vector<16xf32>
      %select_n3A_255 = arith.select %eq3A_169, %add3A_251, %mul3A_254 : vector<16xi1>, vector<16xf32>
      %swap3A_256 = arith.index_cast %add3A_224 : i32 to index
      %swap3A_257 = tpu.vector_load %arg11[%swap3A_256] {strides = array<i32>} : memref<8192xf32, #tpu.memory_space<vmem>>, vector<16xf32>,
      tpu.vector_store %arg11[%swap3A_256], %select_n3A_255 {strides = array<i32>} : memref<8192xf32, #tpu.memory_space<vmem>>, vector<16xf32>,
      %mul3A_258 = arith.constant 256 : i32
      %mul3A_259 = arith.muli %mul3A_258, %while3A_185 : i32
      %add3A_260 = arith.constant 32 : i32
      %add3A_261 = arith.addi %mul3A_259, %add3A_260 : i32
      %get3A_262 = arith.index_cast %add3A_261 : i32 to index
      %get3A_263 = tpu.vector_load %arg11[%get3A_262] {strides = array<i32>} : memref<8192xf32, #tpu.memory_space<vmem>>, vector<16xf32>,
      %bitcast_convert_type3A_264 = tpu.bitcast %get3A_263 : vector<16xf32> -> vector<16xi32>
      %shift_right_arithmetic3A_265 = arith.constant 1 : i32
      %shift_right_arithmetic3A_266 = vector.broadcast %shift_right_arithmetic3A_265 : i32 to vector<16xi32>
      %shift_right_arithmetic3A_267 = arith.shrsi %bitcast_convert_type3A_264, %shift_right_arithmetic3A_266 : vector<16xi32>
      %sub3A_268 = arith.constant 1597463007 : i32
      %sub3A_269 = vector.broadcast %sub3A_268 : i32 to vector<16xi32>
      %sub3A_270 = arith.subi %sub3A_269, %shift_right_arithmetic3A_267 : vector<16xi32>
      %bitcast_convert_type3A_271 = tpu.bitcast %sub3A_270 : vector<16xi32> -> vector<16xf32>
      %mul3A_272 = arith.constant 5.000000e-01 : f32
      %mul3A_273 = vector.broadcast %mul3A_272 : f32 to vector<16xf32>
      %mul3A_274 = arith.mulf %mul3A_273, %get3A_263 : vector<16xf32>
      %mul3A_275 = arith.mulf %mul3A_274, %bitcast_convert_type3A_271 : vector<16xf32>
      %mul3A_276 = arith.mulf %mul3A_275, %bitcast_convert_type3A_271 : vector<16xf32>
      %sub3A_277 = arith.constant 1.500000e+00 : f32
      %sub3A_278 = vector.broadcast %sub3A_277 : f32 to vector<16xf32>
      %sub3A_279 = arith.subf %sub3A_278, %mul3A_276 : vector<16xf32>
      %mul3A_280 = arith.mulf %bitcast_convert_type3A_271, %sub3A_279 : vector<16xf32>
      %mul3A_281 = arith.mulf %mul3A_274, %mul3A_280 : vector<16xf32>
      %mul3A_282 = arith.mulf %mul3A_281, %mul3A_280 : vector<16xf32>
      %sub3A_283 = arith.constant 1.500000e+00 : f32
      %sub3A_284 = vector.broadcast %sub3A_283 : f32 to vector<16xf32>
      %sub3A_285 = arith.subf %sub3A_284, %mul3A_282 : vector<16xf32>
      %mul3A_286 = arith.mulf %mul3A_280, %sub3A_285 : vector<16xf32>
      %mul3A_287 = arith.mulf %get3A_263, %mul3A_286 : vector<16xf32>
      %add3A_288 = arith.addf %mul3A_287, %mul3A_287 : vector<16xf32>
      %mul3A_289 = arith.constant 5.000000e-01 : f32
      %mul3A_290 = vector.broadcast %mul3A_289 : f32 to vector<16xf32>
      %mul3A_291 = arith.mulf %mul3A_290, %get3A_263 : vector<16xf32>
      %select_n3A_292 = arith.select %eq3A_169, %add3A_288, %mul3A_291 : vector<16xi1>, vector<16xf32>
      %swap3A_293 = arith.index_cast %add3A_261 : i32 to index
      %swap3A_294 = tpu.vector_load %arg11[%swap3A_293] {strides = array<i32>} : memref<8192xf32, #tpu.memory_space<vmem>>, vector<16xf32>,
      tpu.vector_store %arg11[%swap3A_293], %select_n3A_292 {strides = array<i32>} : memref<8192xf32, #tpu.memory_space<vmem>>, vector<16xf32>,
      %mul3A_295 = arith.constant 256 : i32
      %mul3A_296 = arith.muli %mul3A_295, %while3A_185 : i32
      %add3A_297 = arith.constant 48 : i32
      %add3A_298 = arith.addi %mul3A_296, %add3A_297 : i32
      %get3A_299 = arith.index_cast %add3A_298 : i32 to index
      %get3A_300 = tpu.vector_load %arg11[%get3A_299] {strides = array<i32>} : memref<8192xf32, #tpu.memory_space<vmem>>, vector<16xf32>,
      %bitcast_convert_type3A_301 = tpu.bitcast %get3A_300 : vector<16xf32> -> vector<16xi32>
      %shift_right_arithmetic3A_302 = arith.constant 1 : i32
      %shift_right_arithmetic3A_303 = vector.broadcast %shift_right_arithmetic3A_302 : i32 to vector<16xi32>
      %shift_right_arithmetic3A_304 = arith.shrsi %bitcast_convert_type3A_301, %shift_right_arithmetic3A_303 : vector<16xi32>
      %sub3A_305 = arith.constant 1597463007 : i32
      %sub3A_306 = vector.broadcast %sub3A_305 : i32 to vector<16xi32>
      %sub3A_307 = arith.subi %sub3A_306, %shift_right_arithmetic3A_304 : vector<16xi32>
      %bitcast_convert_type3A_308 = tpu.bitcast %sub3A_307 : vector<16xi32> -> vector<16xf32>
      %mul3A_309 = arith.constant 5.000000e-01 : f32
      %mul3A_310 = vector.broadcast %mul3A_309 : f32 to vector<16xf32>
      %mul3A_311 = arith.mulf %mul3A_310, %get3A_300 : vector<16xf32>
      %mul3A_312 = arith.mulf %mul3A_311, %bitcast_convert_type3A_308 : vector<16xf32>
      %mul3A_313 = arith.mulf %mul3A_312, %bitcast_convert_type3A_308 : vector<16xf32>
      %sub3A_314 = arith.constant 1.500000e+00 : f32
      %sub3A_315 = vector.broadcast %sub3A_314 : f32 to vector<16xf32>
      %sub3A_316 = arith.subf %sub3A_315, %mul3A_313 : vector<16xf32>
      %mul3A_317 = arith.mulf %bitcast_convert_type3A_308, %sub3A_316 : vector<16xf32>
      %mul3A_318 = arith.mulf %mul3A_311, %mul3A_317 : vector<16xf32>
      %mul3A_319 = arith.mulf %mul3A_318, %mul3A_317 : vector<16xf32>
      %sub3A_320 = arith.constant 1.500000e+00 : f32
      %sub3A_321 = vector.broadcast %sub3A_320 : f32 to vector<16xf32>
      %sub3A_322 = arith.subf %sub3A_321, %mul3A_319 : vector<16xf32>
      %mul3A_323 = arith.mulf %mul3A_317, %sub3A_322 : vector<16xf32>
      %mul3A_324 = arith.mulf %get3A_300, %mul3A_323 : vector<16xf32>
      %add3A_325 = arith.addf %mul3A_324, %mul3A_324 : vector<16xf32>
      %mul3A_326 = arith.constant 5.000000e-01 : f32
      %mul3A_327 = vector.broadcast %mul3A_326 : f32 to vector<16xf32>
      %mul3A_328 = arith.mulf %mul3A_327, %get3A_300 : vector<16xf32>
      %select_n3A_329 = arith.select %eq3A_169, %add3A_325, %mul3A_328 : vector<16xi1>, vector<16xf32>
      %swap3A_330 = arith.index_cast %add3A_298 : i32 to index
      %swap3A_331 = tpu.vector_load %arg11[%swap3A_330] {strides = array<i32>} : memref<8192xf32, #tpu.memory_space<vmem>>, vector<16xf32>,
      tpu.vector_store %arg11[%swap3A_330], %select_n3A_329 {strides = array<i32>} : memref<8192xf32, #tpu.memory_space<vmem>>, vector<16xf32>,
      %mul3A_332 = arith.constant 256 : i32
      %mul3A_333 = arith.muli %mul3A_332, %while3A_185 : i32
      %add3A_334 = arith.constant 64 : i32
      %add3A_335 = arith.addi %mul3A_333, %add3A_334 : i32
      %get3A_336 = arith.index_cast %add3A_335 : i32 to index
      %get3A_337 = tpu.vector_load %arg11[%get3A_336] {strides = array<i32>} : memref<8192xf32, #tpu.memory_space<vmem>>, vector<16xf32>,
      %bitcast_convert_type3A_338 = tpu.bitcast %get3A_337 : vector<16xf32> -> vector<16xi32>
      %shift_right_arithmetic3A_339 = arith.constant 1 : i32
      %shift_right_arithmetic3A_340 = vector.broadcast %shift_right_arithmetic3A_339 : i32 to vector<16xi32>
      %shift_right_arithmetic3A_341 = arith.shrsi %bitcast_convert_type3A_338, %shift_right_arithmetic3A_340 : vector<16xi32>
      %sub3A_342 = arith.constant 1597463007 : i32
      %sub3A_343 = vector.broadcast %sub3A_342 : i32 to vector<16xi32>
      %sub3A_344 = arith.subi %sub3A_343, %shift_right_arithmetic3A_341 : vector<16xi32>
      %bitcast_convert_type3A_345 = tpu.bitcast %sub3A_344 : vector<16xi32> -> vector<16xf32>
      %mul3A_346 = arith.constant 5.000000e-01 : f32
      %mul3A_347 = vector.broadcast %mul3A_346 : f32 to vector<16xf32>
      %mul3A_348 = arith.mulf %mul3A_347, %get3A_337 : vector<16xf32>
      %mul3A_349 = arith.mulf %mul3A_348, %bitcast_convert_type3A_345 : vector<16xf32>
      %mul3A_350 = arith.mulf %mul3A_349, %bitcast_convert_type3A_345 : vector<16xf32>
      %sub3A_351 = arith.constant 1.500000e+00 : f32
      %sub3A_352 = vector.broadcast %sub3A_351 : f32 to vector<16xf32>
      %sub3A_353 = arith.subf %sub3A_352, %mul3A_350 : vector<16xf32>
      %mul3A_354 = arith.mulf %bitcast_convert_type3A_345, %sub3A_353 : vector<16xf32>
      %mul3A_355 = arith.mulf %mul3A_348, %mul3A_354 : vector<16xf32>
      %mul3A_356 = arith.mulf %mul3A_355, %mul3A_354 : vector<16xf32>
      %sub3A_357 = arith.constant 1.500000e+00 : f32
      %sub3A_358 = vector.broadcast %sub3A_357 : f32 to vector<16xf32>
      %sub3A_359 = arith.subf %sub3A_358, %mul3A_356 : vector<16xf32>
      %mul3A_360 = arith.mulf %mul3A_354, %sub3A_359 : vector<16xf32>
      %mul3A_361 = arith.mulf %get3A_337, %mul3A_360 : vector<16xf32>
      %add3A_362 = arith.addf %mul3A_361, %mul3A_361 : vector<16xf32>
      %mul3A_363 = arith.constant 5.000000e-01 : f32
      %mul3A_364 = vector.broadcast %mul3A_363 : f32 to vector<16xf32>
      %mul3A_365 = arith.mulf %mul3A_364, %get3A_337 : vector<16xf32>
      %select_n3A_366 = arith.select %eq3A_169, %add3A_362, %mul3A_365 : vector<16xi1>, vector<16xf32>
      %swap3A_367 = arith.index_cast %add3A_335 : i32 to index
      %swap3A_368 = tpu.vector_load %arg11[%swap3A_367] {strides = array<i32>} : memref<8192xf32, #tpu.memory_space<vmem>>, vector<16xf32>,
      tpu.vector_store %arg11[%swap3A_367], %select_n3A_366 {strides = array<i32>} : memref<8192xf32, #tpu.memory_space<vmem>>, vector<16xf32>,
      %mul3A_369 = arith.constant 256 : i32
      %mul3A_370 = arith.muli %mul3A_369, %while3A_185 : i32
      %add3A_371 = arith.constant 80 : i32
      %add3A_372 = arith.addi %mul3A_370, %add3A_371 : i32
      %get3A_373 = arith.index_cast %add3A_372 : i32 to index
      %get3A_374 = tpu.vector_load %arg11[%get3A_373] {strides = array<i32>} : memref<8192xf32, #tpu.memory_space<vmem>>, vector<16xf32>,
      %bitcast_convert_type3A_375 = tpu.bitcast %get3A_374 : vector<16xf32> -> vector<16xi32>
      %shift_right_arithmetic3A_376 = arith.constant 1 : i32
      %shift_right_arithmetic3A_377 = vector.broadcast %shift_right_arithmetic3A_376 : i32 to vector<16xi32>
      %shift_right_arithmetic3A_378 = arith.shrsi %bitcast_convert_type3A_375, %shift_right_arithmetic3A_377 : vector<16xi32>
      %sub3A_379 = arith.constant 1597463007 : i32
      %sub3A_380 = vector.broadcast %sub3A_379 : i32 to vector<16xi32>
      %sub3A_381 = arith.subi %sub3A_380, %shift_right_arithmetic3A_378 : vector<16xi32>
      %bitcast_convert_type3A_382 = tpu.bitcast %sub3A_381 : vector<16xi32> -> vector<16xf32>
      %mul3A_383 = arith.constant 5.000000e-01 : f32
      %mul3A_384 = vector.broadcast %mul3A_383 : f32 to vector<16xf32>
      %mul3A_385 = arith.mulf %mul3A_384, %get3A_374 : vector<16xf32>
      %mul3A_386 = arith.mulf %mul3A_385, %bitcast_convert_type3A_382 : vector<16xf32>
      %mul3A_387 = arith.mulf %mul3A_386, %bitcast_convert_type3A_382 : vector<16xf32>
      %sub3A_388 = arith.constant 1.500000e+00 : f32
      %sub3A_389 = vector.broadcast %sub3A_388 : f32 to vector<16xf32>
      %sub3A_390 = arith.subf %sub3A_389, %mul3A_387 : vector<16xf32>
      %mul3A_391 = arith.mulf %bitcast_convert_type3A_382, %sub3A_390 : vector<16xf32>
      %mul3A_392 = arith.mulf %mul3A_385, %mul3A_391 : vector<16xf32>
      %mul3A_393 = arith.mulf %mul3A_392, %mul3A_391 : vector<16xf32>
      %sub3A_394 = arith.constant 1.500000e+00 : f32
      %sub3A_395 = vector.broadcast %sub3A_394 : f32 to vector<16xf32>
      %sub3A_396 = arith.subf %sub3A_395, %mul3A_393 : vector<16xf32>
      %mul3A_397 = arith.mulf %mul3A_391, %sub3A_396 : vector<16xf32>
      %mul3A_398 = arith.mulf %get3A_374, %mul3A_397 : vector<16xf32>
      %add3A_399 = arith.addf %mul3A_398, %mul3A_398 : vector<16xf32>
      %mul3A_400 = arith.constant 5.000000e-01 : f32
      %mul3A_401 = vector.broadcast %mul3A_400 : f32 to vector<16xf32>
      %mul3A_402 = arith.mulf %mul3A_401, %get3A_374 : vector<16xf32>
      %select_n3A_403 = arith.select %eq3A_169, %add3A_399, %mul3A_402 : vector<16xi1>, vector<16xf32>
      %swap3A_404 = arith.index_cast %add3A_372 : i32 to index
      %swap3A_405 = tpu.vector_load %arg11[%swap3A_404] {strides = array<i32>} : memref<8192xf32, #tpu.memory_space<vmem>>, vector<16xf32>,
      tpu.vector_store %arg11[%swap3A_404], %select_n3A_403 {strides = array<i32>} : memref<8192xf32, #tpu.memory_space<vmem>>, vector<16xf32>,
      %mul3A_406 = arith.constant 256 : i32
      %mul3A_407 = arith.muli %mul3A_406, %while3A_185 : i32
      %add3A_408 = arith.constant 96 : i32
      %add3A_409 = arith.addi %mul3A_407, %add3A_408 : i32
      %get3A_410 = arith.index_cast %add3A_409 : i32 to index
      %get3A_411 = tpu.vector_load %arg11[%get3A_410] {strides = array<i32>} : memref<8192xf32, #tpu.memory_space<vmem>>, vector<16xf32>,
      %bitcast_convert_type3A_412 = tpu.bitcast %get3A_411 : vector<16xf32> -> vector<16xi32>
      %shift_right_arithmetic3A_413 = arith.constant 1 : i32
      %shift_right_arithmetic3A_414 = vector.broadcast %shift_right_arithmetic3A_413 : i32 to vector<16xi32>
      %shift_right_arithmetic3A_415 = arith.shrsi %bitcast_convert_type3A_412, %shift_right_arithmetic3A_414 : vector<16xi32>
      %sub3A_416 = arith.constant 1597463007 : i32
      %sub3A_417 = vector.broadcast %sub3A_416 : i32 to vector<16xi32>
      %sub3A_418 = arith.subi %sub3A_417, %shift_right_arithmetic3A_415 : vector<16xi32>
      %bitcast_convert_type3A_419 = tpu.bitcast %sub3A_418 : vector<16xi32> -> vector<16xf32>
      %mul3A_420 = arith.constant 5.000000e-01 : f32
      %mul3A_421 = vector.broadcast %mul3A_420 : f32 to vector<16xf32>
      %mul3A_422 = arith.mulf %mul3A_421, %get3A_411 : vector<16xf32>
      %mul3A_423 = arith.mulf %mul3A_422, %bitcast_convert_type3A_419 : vector<16xf32>
      %mul3A_424 = arith.mulf %mul3A_423, %bitcast_convert_type3A_419 : vector<16xf32>
      %sub3A_425 = arith.constant 1.500000e+00 : f32
      %sub3A_426 = vector.broadcast %sub3A_425 : f32 to vector<16xf32>
      %sub3A_427 = arith.subf %sub3A_426, %mul3A_424 : vector<16xf32>
      %mul3A_428 = arith.mulf %bitcast_convert_type3A_419, %sub3A_427 : vector<16xf32>
      %mul3A_429 = arith.mulf %mul3A_422, %mul3A_428 : vector<16xf32>
      %mul3A_430 = arith.mulf %mul3A_429, %mul3A_428 : vector<16xf32>
      %sub3A_431 = arith.constant 1.500000e+00 : f32
      %sub3A_432 = vector.broadcast %sub3A_431 : f32 to vector<16xf32>
      %sub3A_433 = arith.subf %sub3A_432, %mul3A_430 : vector<16xf32>
      %mul3A_434 = arith.mulf %mul3A_428, %sub3A_433 : vector<16xf32>
      %mul3A_435 = arith.mulf %get3A_411, %mul3A_434 : vector<16xf32>
      %add3A_436 = arith.addf %mul3A_435, %mul3A_435 : vector<16xf32>
      %mul3A_437 = arith.constant 5.000000e-01 : f32
      %mul3A_438 = vector.broadcast %mul3A_437 : f32 to vector<16xf32>
      %mul3A_439 = arith.mulf %mul3A_438, %get3A_411 : vector<16xf32>
      %select_n3A_440 = arith.select %eq3A_169, %add3A_436, %mul3A_439 : vector<16xi1>, vector<16xf32>
      %swap3A_441 = arith.index_cast %add3A_409 : i32 to index
      %swap3A_442 = tpu.vector_load %arg11[%swap3A_441] {strides = array<i32>} : memref<8192xf32, #tpu.memory_space<vmem>>, vector<16xf32>,
      tpu.vector_store %arg11[%swap3A_441], %select_n3A_440 {strides = array<i32>} : memref<8192xf32, #tpu.memory_space<vmem>>, vector<16xf32>,
      %mul3A_443 = arith.constant 256 : i32
      %mul3A_444 = arith.muli %mul3A_443, %while3A_185 : i32
      %add3A_445 = arith.constant 112 : i32
      %add3A_446 = arith.addi %mul3A_444, %add3A_445 : i32
      %get3A_447 = arith.index_cast %add3A_446 : i32 to index
      %get3A_448 = tpu.vector_load %arg11[%get3A_447] {strides = array<i32>} : memref<8192xf32, #tpu.memory_space<vmem>>, vector<16xf32>,
      %bitcast_convert_type3A_449 = tpu.bitcast %get3A_448 : vector<16xf32> -> vector<16xi32>
      %shift_right_arithmetic3A_450 = arith.constant 1 : i32
      %shift_right_arithmetic3A_451 = vector.broadcast %shift_right_arithmetic3A_450 : i32 to vector<16xi32>
      %shift_right_arithmetic3A_452 = arith.shrsi %bitcast_convert_type3A_449, %shift_right_arithmetic3A_451 : vector<16xi32>
      %sub3A_453 = arith.constant 1597463007 : i32
      %sub3A_454 = vector.broadcast %sub3A_453 : i32 to vector<16xi32>
      %sub3A_455 = arith.subi %sub3A_454, %shift_right_arithmetic3A_452 : vector<16xi32>
      %bitcast_convert_type3A_456 = tpu.bitcast %sub3A_455 : vector<16xi32> -> vector<16xf32>
      %mul3A_457 = arith.constant 5.000000e-01 : f32
      %mul3A_458 = vector.broadcast %mul3A_457 : f32 to vector<16xf32>
      %mul3A_459 = arith.mulf %mul3A_458, %get3A_448 : vector<16xf32>
      %mul3A_460 = arith.mulf %mul3A_459, %bitcast_convert_type3A_456 : vector<16xf32>
      %mul3A_461 = arith.mulf %mul3A_460, %bitcast_convert_type3A_456 : vector<16xf32>
      %sub3A_462 = arith.constant 1.500000e+00 : f32
      %sub3A_463 = vector.broadcast %sub3A_462 : f32 to vector<16xf32>
      %sub3A_464 = arith.subf %sub3A_463, %mul3A_461 : vector<16xf32>
      %mul3A_465 = arith.mulf %bitcast_convert_type3A_456, %sub3A_464 : vector<16xf32>
      %mul3A_466 = arith.mulf %mul3A_459, %mul3A_465 : vector<16xf32>
      %mul3A_467 = arith.mulf %mul3A_466, %mul3A_465 : vector<16xf32>
      %sub3A_468 = arith.constant 1.500000e+00 : f32
      %sub3A_469 = vector.broadcast %sub3A_468 : f32 to vector<16xf32>
      %sub3A_470 = arith.subf %sub3A_469, %mul3A_467 : vector<16xf32>
      %mul3A_471 = arith.mulf %mul3A_465, %sub3A_470 : vector<16xf32>
      %mul3A_472 = arith.mulf %get3A_448, %mul3A_471 : vector<16xf32>
      %add3A_473 = arith.addf %mul3A_472, %mul3A_472 : vector<16xf32>
      %mul3A_474 = arith.constant 5.000000e-01 : f32
      %mul3A_475 = vector.broadcast %mul3A_474 : f32 to vector<16xf32>
      %mul3A_476 = arith.mulf %mul3A_475, %get3A_448 : vector<16xf32>
      %select_n3A_477 = arith.select %eq3A_169, %add3A_473, %mul3A_476 : vector<16xi1>, vector<16xf32>
      %swap3A_478 = arith.index_cast %add3A_446 : i32 to index
      %swap3A_479 = tpu.vector_load %arg11[%swap3A_478] {strides = array<i32>} : memref<8192xf32, #tpu.memory_space<vmem>>, vector<16xf32>,
      tpu.vector_store %arg11[%swap3A_478], %select_n3A_477 {strides = array<i32>} : memref<8192xf32, #tpu.memory_space<vmem>>, vector<16xf32>,
      %mul3A_480 = arith.constant 256 : i32
      %mul3A_481 = arith.muli %mul3A_480, %while3A_185 : i32
      %add3A_482 = arith.constant 128 : i32
      %add3A_483 = arith.addi %mul3A_481, %add3A_482 : i32
      %get3A_484 = arith.index_cast %add3A_483 : i32 to index
      %get3A_485 = tpu.vector_load %arg11[%get3A_484] {strides = array<i32>} : memref<8192xf32, #tpu.memory_space<vmem>>, vector<16xf32>,
      %bitcast_convert_type3A_486 = tpu.bitcast %get3A_485 : vector<16xf32> -> vector<16xi32>
      %shift_right_arithmetic3A_487 = arith.constant 1 : i32
      %shift_right_arithmetic3A_488 = vector.broadcast %shift_right_arithmetic3A_487 : i32 to vector<16xi32>
      %shift_right_arithmetic3A_489 = arith.shrsi %bitcast_convert_type3A_486, %shift_right_arithmetic3A_488 : vector<16xi32>
      %sub3A_490 = arith.constant 1597463007 : i32
      %sub3A_491 = vector.broadcast %sub3A_490 : i32 to vector<16xi32>
      %sub3A_492 = arith.subi %sub3A_491, %shift_right_arithmetic3A_489 : vector<16xi32>
      %bitcast_convert_type3A_493 = tpu.bitcast %sub3A_492 : vector<16xi32> -> vector<16xf32>
      %mul3A_494 = arith.constant 5.000000e-01 : f32
      %mul3A_495 = vector.broadcast %mul3A_494 : f32 to vector<16xf32>
      %mul3A_496 = arith.mulf %mul3A_495, %get3A_485 : vector<16xf32>
      %mul3A_497 = arith.mulf %mul3A_496, %bitcast_convert_type3A_493 : vector<16xf32>
      %mul3A_498 = arith.mulf %mul3A_497, %bitcast_convert_type3A_493 : vector<16xf32>
      %sub3A_499 = arith.constant 1.500000e+00 : f32
      %sub3A_500 = vector.broadcast %sub3A_499 : f32 to vector<16xf32>
      %sub3A_501 = arith.subf %sub3A_500, %mul3A_498 : vector<16xf32>
      %mul3A_502 = arith.mulf %bitcast_convert_type3A_493, %sub3A_501 : vector<16xf32>
      %mul3A_503 = arith.mulf %mul3A_496, %mul3A_502 : vector<16xf32>
      %mul3A_504 = arith.mulf %mul3A_503, %mul3A_502 : vector<16xf32>
      %sub3A_505 = arith.constant 1.500000e+00 : f32
      %sub3A_506 = vector.broadcast %sub3A_505 : f32 to vector<16xf32>
      %sub3A_507 = arith.subf %sub3A_506, %mul3A_504 : vector<16xf32>
      %mul3A_508 = arith.mulf %mul3A_502, %sub3A_507 : vector<16xf32>
      %mul3A_509 = arith.mulf %get3A_485, %mul3A_508 : vector<16xf32>
      %add3A_510 = arith.addf %mul3A_509, %mul3A_509 : vector<16xf32>
      %mul3A_511 = arith.constant 5.000000e-01 : f32
      %mul3A_512 = vector.broadcast %mul3A_511 : f32 to vector<16xf32>
      %mul3A_513 = arith.mulf %mul3A_512, %get3A_485 : vector<16xf32>
      %select_n3A_514 = arith.select %eq3A_169, %add3A_510, %mul3A_513 : vector<16xi1>, vector<16xf32>
      %swap3A_515 = arith.index_cast %add3A_483 : i32 to index
      %swap3A_516 = tpu.vector_load %arg11[%swap3A_515] {strides = array<i32>} : memref<8192xf32, #tpu.memory_space<vmem>>, vector<16xf32>,
      tpu.vector_store %arg11[%swap3A_515], %select_n3A_514 {strides = array<i32>} : memref<8192xf32, #tpu.memory_space<vmem>>, vector<16xf32>,
      %mul3A_517 = arith.constant 256 : i32
      %mul3A_518 = arith.muli %mul3A_517, %while3A_185 : i32
      %add3A_519 = arith.constant 144 : i32
      %add3A_520 = arith.addi %mul3A_518, %add3A_519 : i32
      %get3A_521 = arith.index_cast %add3A_520 : i32 to index
      %get3A_522 = tpu.vector_load %arg11[%get3A_521] {strides = array<i32>} : memref<8192xf32, #tpu.memory_space<vmem>>, vector<16xf32>,
      %bitcast_convert_type3A_523 = tpu.bitcast %get3A_522 : vector<16xf32> -> vector<16xi32>
      %shift_right_arithmetic3A_524 = arith.constant 1 : i32
      %shift_right_arithmetic3A_525 = vector.broadcast %shift_right_arithmetic3A_524 : i32 to vector<16xi32>
      %shift_right_arithmetic3A_526 = arith.shrsi %bitcast_convert_type3A_523, %shift_right_arithmetic3A_525 : vector<16xi32>
      %sub3A_527 = arith.constant 1597463007 : i32
      %sub3A_528 = vector.broadcast %sub3A_527 : i32 to vector<16xi32>
      %sub3A_529 = arith.subi %sub3A_528, %shift_right_arithmetic3A_526 : vector<16xi32>
      %bitcast_convert_type3A_530 = tpu.bitcast %sub3A_529 : vector<16xi32> -> vector<16xf32>
      %mul3A_531 = arith.constant 5.000000e-01 : f32
      %mul3A_532 = vector.broadcast %mul3A_531 : f32 to vector<16xf32>
      %mul3A_533 = arith.mulf %mul3A_532, %get3A_522 : vector<16xf32>
      %mul3A_534 = arith.mulf %mul3A_533, %bitcast_convert_type3A_530 : vector<16xf32>
      %mul3A_535 = arith.mulf %mul3A_534, %bitcast_convert_type3A_530 : vector<16xf32>
      %sub3A_536 = arith.constant 1.500000e+00 : f32
      %sub3A_537 = vector.broadcast %sub3A_536 : f32 to vector<16xf32>
      %sub3A_538 = arith.subf %sub3A_537, %mul3A_535 : vector<16xf32>
      %mul3A_539 = arith.mulf %bitcast_convert_type3A_530, %sub3A_538 : vector<16xf32>
      %mul3A_540 = arith.mulf %mul3A_533, %mul3A_539 : vector<16xf32>
      %mul3A_541 = arith.mulf %mul3A_540, %mul3A_539 : vector<16xf32>
      %sub3A_542 = arith.constant 1.500000e+00 : f32
      %sub3A_543 = vector.broadcast %sub3A_542 : f32 to vector<16xf32>
      %sub3A_544 = arith.subf %sub3A_543, %mul3A_541 : vector<16xf32>
      %mul3A_545 = arith.mulf %mul3A_539, %sub3A_544 : vector<16xf32>
      %mul3A_546 = arith.mulf %get3A_522, %mul3A_545 : vector<16xf32>
      %add3A_547 = arith.addf %mul3A_546, %mul3A_546 : vector<16xf32>
      %mul3A_548 = arith.constant 5.000000e-01 : f32
      %mul3A_549 = vector.broadcast %mul3A_548 : f32 to vector<16xf32>
      %mul3A_550 = arith.mulf %mul3A_549, %get3A_522 : vector<16xf32>
      %select_n3A_551 = arith.select %eq3A_169, %add3A_547, %mul3A_550 : vector<16xi1>, vector<16xf32>
      %swap3A_552 = arith.index_cast %add3A_520 : i32 to index
      %swap3A_553 = tpu.vector_load %arg11[%swap3A_552] {strides = array<i32>} : memref<8192xf32, #tpu.memory_space<vmem>>, vector<16xf32>,
      tpu.vector_store %arg11[%swap3A_552], %select_n3A_551 {strides = array<i32>} : memref<8192xf32, #tpu.memory_space<vmem>>, vector<16xf32>,
      %mul3A_554 = arith.constant 256 : i32
      %mul3A_555 = arith.muli %mul3A_554, %while3A_185 : i32
      %add3A_556 = arith.constant 160 : i32
      %add3A_557 = arith.addi %mul3A_555, %add3A_556 : i32
      %get3A_558 = arith.index_cast %add3A_557 : i32 to index
      %get3A_559 = tpu.vector_load %arg11[%get3A_558] {strides = array<i32>} : memref<8192xf32, #tpu.memory_space<vmem>>, vector<16xf32>,
      %bitcast_convert_type3A_560 = tpu.bitcast %get3A_559 : vector<16xf32> -> vector<16xi32>
      %shift_right_arithmetic3A_561 = arith.constant 1 : i32
      %shift_right_arithmetic3A_562 = vector.broadcast %shift_right_arithmetic3A_561 : i32 to vector<16xi32>
      %shift_right_arithmetic3A_563 = arith.shrsi %bitcast_convert_type3A_560, %shift_right_arithmetic3A_562 : vector<16xi32>
      %sub3A_564 = arith.constant 1597463007 : i32
      %sub3A_565 = vector.broadcast %sub3A_564 : i32 to vector<16xi32>
      %sub3A_566 = arith.subi %sub3A_565, %shift_right_arithmetic3A_563 : vector<16xi32>
      %bitcast_convert_type3A_567 = tpu.bitcast %sub3A_566 : vector<16xi32> -> vector<16xf32>
      %mul3A_568 = arith.constant 5.000000e-01 : f32
      %mul3A_569 = vector.broadcast %mul3A_568 : f32 to vector<16xf32>
      %mul3A_570 = arith.mulf %mul3A_569, %get3A_559 : vector<16xf32>
      %mul3A_571 = arith.mulf %mul3A_570, %bitcast_convert_type3A_567 : vector<16xf32>
      %mul3A_572 = arith.mulf %mul3A_571, %bitcast_convert_type3A_567 : vector<16xf32>
      %sub3A_573 = arith.constant 1.500000e+00 : f32
      %sub3A_574 = vector.broadcast %sub3A_573 : f32 to vector<16xf32>
      %sub3A_575 = arith.subf %sub3A_574, %mul3A_572 : vector<16xf32>
      %mul3A_576 = arith.mulf %bitcast_convert_type3A_567, %sub3A_575 : vector<16xf32>
      %mul3A_577 = arith.mulf %mul3A_570, %mul3A_576 : vector<16xf32>
      %mul3A_578 = arith.mulf %mul3A_577, %mul3A_576 : vector<16xf32>
      %sub3A_579 = arith.constant 1.500000e+00 : f32
      %sub3A_580 = vector.broadcast %sub3A_579 : f32 to vector<16xf32>
      %sub3A_581 = arith.subf %sub3A_580, %mul3A_578 : vector<16xf32>
      %mul3A_582 = arith.mulf %mul3A_576, %sub3A_581 : vector<16xf32>
      %mul3A_583 = arith.mulf %get3A_559, %mul3A_582 : vector<16xf32>
      %add3A_584 = arith.addf %mul3A_583, %mul3A_583 : vector<16xf32>
      %mul3A_585 = arith.constant 5.000000e-01 : f32
      %mul3A_586 = vector.broadcast %mul3A_585 : f32 to vector<16xf32>
      %mul3A_587 = arith.mulf %mul3A_586, %get3A_559 : vector<16xf32>
      %select_n3A_588 = arith.select %eq3A_169, %add3A_584, %mul3A_587 : vector<16xi1>, vector<16xf32>
      %swap3A_589 = arith.index_cast %add3A_557 : i32 to index
      %swap3A_590 = tpu.vector_load %arg11[%swap3A_589] {strides = array<i32>} : memref<8192xf32, #tpu.memory_space<vmem>>, vector<16xf32>,
      tpu.vector_store %arg11[%swap3A_589], %select_n3A_588 {strides = array<i32>} : memref<8192xf32, #tpu.memory_space<vmem>>, vector<16xf32>,
      %mul3A_591 = arith.constant 256 : i32
      %mul3A_592 = arith.muli %mul3A_591, %while3A_185 : i32
      %add3A_593 = arith.constant 176 : i32
      %add3A_594 = arith.addi %mul3A_592, %add3A_593 : i32
      %get3A_595 = arith.index_cast %add3A_594 : i32 to index
      %get3A_596 = tpu.vector_load %arg11[%get3A_595] {strides = array<i32>} : memref<8192xf32, #tpu.memory_space<vmem>>, vector<16xf32>,
      %bitcast_convert_type3A_597 = tpu.bitcast %get3A_596 : vector<16xf32> -> vector<16xi32>
      %shift_right_arithmetic3A_598 = arith.constant 1 : i32
      %shift_right_arithmetic3A_599 = vector.broadcast %shift_right_arithmetic3A_598 : i32 to vector<16xi32>
      %shift_right_arithmetic3A_600 = arith.shrsi %bitcast_convert_type3A_597, %shift_right_arithmetic3A_599 : vector<16xi32>
      %sub3A_601 = arith.constant 1597463007 : i32
      %sub3A_602 = vector.broadcast %sub3A_601 : i32 to vector<16xi32>
      %sub3A_603 = arith.subi %sub3A_602, %shift_right_arithmetic3A_600 : vector<16xi32>
      %bitcast_convert_type3A_604 = tpu.bitcast %sub3A_603 : vector<16xi32> -> vector<16xf32>
      %mul3A_605 = arith.constant 5.000000e-01 : f32
      %mul3A_606 = vector.broadcast %mul3A_605 : f32 to vector<16xf32>
      %mul3A_607 = arith.mulf %mul3A_606, %get3A_596 : vector<16xf32>
      %mul3A_608 = arith.mulf %mul3A_607, %bitcast_convert_type3A_604 : vector<16xf32>
      %mul3A_609 = arith.mulf %mul3A_608, %bitcast_convert_type3A_604 : vector<16xf32>
      %sub3A_610 = arith.constant 1.500000e+00 : f32
      %sub3A_611 = vector.broadcast %sub3A_610 : f32 to vector<16xf32>
      %sub3A_612 = arith.subf %sub3A_611, %mul3A_609 : vector<16xf32>
      %mul3A_613 = arith.mulf %bitcast_convert_type3A_604, %sub3A_612 : vector<16xf32>
      %mul3A_614 = arith.mulf %mul3A_607, %mul3A_613 : vector<16xf32>
      %mul3A_615 = arith.mulf %mul3A_614, %mul3A_613 : vector<16xf32>
      %sub3A_616 = arith.constant 1.500000e+00 : f32
      %sub3A_617 = vector.broadcast %sub3A_616 : f32 to vector<16xf32>
      %sub3A_618 = arith.subf %sub3A_617, %mul3A_615 : vector<16xf32>
      %mul3A_619 = arith.mulf %mul3A_613, %sub3A_618 : vector<16xf32>
      %mul3A_620 = arith.mulf %get3A_596, %mul3A_619 : vector<16xf32>
      %add3A_621 = arith.addf %mul3A_620, %mul3A_620 : vector<16xf32>
      %mul3A_622 = arith.constant 5.000000e-01 : f32
      %mul3A_623 = vector.broadcast %mul3A_622 : f32 to vector<16xf32>
      %mul3A_624 = arith.mulf %mul3A_623, %get3A_596 : vector<16xf32>
      %select_n3A_625 = arith.select %eq3A_169, %add3A_621, %mul3A_624 : vector<16xi1>, vector<16xf32>
      %swap3A_626 = arith.index_cast %add3A_594 : i32 to index
      %swap3A_627 = tpu.vector_load %arg11[%swap3A_626] {strides = array<i32>} : memref<8192xf32, #tpu.memory_space<vmem>>, vector<16xf32>,
      tpu.vector_store %arg11[%swap3A_626], %select_n3A_625 {strides = array<i32>} : memref<8192xf32, #tpu.memory_space<vmem>>, vector<16xf32>,
      %mul3A_628 = arith.constant 256 : i32
      %mul3A_629 = arith.muli %mul3A_628, %while3A_185 : i32
      %add3A_630 = arith.constant 192 : i32
      %add3A_631 = arith.addi %mul3A_629, %add3A_630 : i32
      %get3A_632 = arith.index_cast %add3A_631 : i32 to index
      %get3A_633 = tpu.vector_load %arg11[%get3A_632] {strides = array<i32>} : memref<8192xf32, #tpu.memory_space<vmem>>, vector<16xf32>,
      %bitcast_convert_type3A_634 = tpu.bitcast %get3A_633 : vector<16xf32> -> vector<16xi32>
      %shift_right_arithmetic3A_635 = arith.constant 1 : i32
      %shift_right_arithmetic3A_636 = vector.broadcast %shift_right_arithmetic3A_635 : i32 to vector<16xi32>
      %shift_right_arithmetic3A_637 = arith.shrsi %bitcast_convert_type3A_634, %shift_right_arithmetic3A_636 : vector<16xi32>
      %sub3A_638 = arith.constant 1597463007 : i32
      %sub3A_639 = vector.broadcast %sub3A_638 : i32 to vector<16xi32>
      %sub3A_640 = arith.subi %sub3A_639, %shift_right_arithmetic3A_637 : vector<16xi32>
      %bitcast_convert_type3A_641 = tpu.bitcast %sub3A_640 : vector<16xi32> -> vector<16xf32>
      %mul3A_642 = arith.constant 5.000000e-01 : f32
      %mul3A_643 = vector.broadcast %mul3A_642 : f32 to vector<16xf32>
      %mul3A_644 = arith.mulf %mul3A_643, %get3A_633 : vector<16xf32>
      %mul3A_645 = arith.mulf %mul3A_644, %bitcast_convert_type3A_641 : vector<16xf32>
      %mul3A_646 = arith.mulf %mul3A_645, %bitcast_convert_type3A_641 : vector<16xf32>
      %sub3A_647 = arith.constant 1.500000e+00 : f32
      %sub3A_648 = vector.broadcast %sub3A_647 : f32 to vector<16xf32>
      %sub3A_649 = arith.subf %sub3A_648, %mul3A_646 : vector<16xf32>
      %mul3A_650 = arith.mulf %bitcast_convert_type3A_641, %sub3A_649 : vector<16xf32>
      %mul3A_651 = arith.mulf %mul3A_644, %mul3A_650 : vector<16xf32>
      %mul3A_652 = arith.mulf %mul3A_651, %mul3A_650 : vector<16xf32>
      %sub3A_653 = arith.constant 1.500000e+00 : f32
      %sub3A_654 = vector.broadcast %sub3A_653 : f32 to vector<16xf32>
      %sub3A_655 = arith.subf %sub3A_654, %mul3A_652 : vector<16xf32>
      %mul3A_656 = arith.mulf %mul3A_650, %sub3A_655 : vector<16xf32>
      %mul3A_657 = arith.mulf %get3A_633, %mul3A_656 : vector<16xf32>
      %add3A_658 = arith.addf %mul3A_657, %mul3A_657 : vector<16xf32>
      %mul3A_659 = arith.constant 5.000000e-01 : f32
      %mul3A_660 = vector.broadcast %mul3A_659 : f32 to vector<16xf32>
      %mul3A_661 = arith.mulf %mul3A_660, %get3A_633 : vector<16xf32>
      %select_n3A_662 = arith.select %eq3A_169, %add3A_658, %mul3A_661 : vector<16xi1>, vector<16xf32>
      %swap3A_663 = arith.index_cast %add3A_631 : i32 to index
      %swap3A_664 = tpu.vector_load %arg11[%swap3A_663] {strides = array<i32>} : memref<8192xf32, #tpu.memory_space<vmem>>, vector<16xf32>,
      tpu.vector_store %arg11[%swap3A_663], %select_n3A_662 {strides = array<i32>} : memref<8192xf32, #tpu.memory_space<vmem>>, vector<16xf32>,
      %mul3A_665 = arith.constant 256 : i32
      %mul3A_666 = arith.muli %mul3A_665, %while3A_185 : i32
      %add3A_667 = arith.constant 208 : i32
      %add3A_668 = arith.addi %mul3A_666, %add3A_667 : i32
      %get3A_669 = arith.index_cast %add3A_668 : i32 to index
      %get3A_670 = tpu.vector_load %arg11[%get3A_669] {strides = array<i32>} : memref<8192xf32, #tpu.memory_space<vmem>>, vector<16xf32>,
      %bitcast_convert_type3A_671 = tpu.bitcast %get3A_670 : vector<16xf32> -> vector<16xi32>
      %shift_right_arithmetic3A_672 = arith.constant 1 : i32
      %shift_right_arithmetic3A_673 = vector.broadcast %shift_right_arithmetic3A_672 : i32 to vector<16xi32>
      %shift_right_arithmetic3A_674 = arith.shrsi %bitcast_convert_type3A_671, %shift_right_arithmetic3A_673 : vector<16xi32>
      %sub3A_675 = arith.constant 1597463007 : i32
      %sub3A_676 = vector.broadcast %sub3A_675 : i32 to vector<16xi32>
      %sub3A_677 = arith.subi %sub3A_676, %shift_right_arithmetic3A_674 : vector<16xi32>
      %bitcast_convert_type3A_678 = tpu.bitcast %sub3A_677 : vector<16xi32> -> vector<16xf32>
      %mul3A_679 = arith.constant 5.000000e-01 : f32
      %mul3A_680 = vector.broadcast %mul3A_679 : f32 to vector<16xf32>
      %mul3A_681 = arith.mulf %mul3A_680, %get3A_670 : vector<16xf32>
      %mul3A_682 = arith.mulf %mul3A_681, %bitcast_convert_type3A_678 : vector<16xf32>
      %mul3A_683 = arith.mulf %mul3A_682, %bitcast_convert_type3A_678 : vector<16xf32>
      %sub3A_684 = arith.constant 1.500000e+00 : f32
      %sub3A_685 = vector.broadcast %sub3A_684 : f32 to vector<16xf32>
      %sub3A_686 = arith.subf %sub3A_685, %mul3A_683 : vector<16xf32>
      %mul3A_687 = arith.mulf %bitcast_convert_type3A_678, %sub3A_686 : vector<16xf32>
      %mul3A_688 = arith.mulf %mul3A_681, %mul3A_687 : vector<16xf32>
      %mul3A_689 = arith.mulf %mul3A_688, %mul3A_687 : vector<16xf32>
      %sub3A_690 = arith.constant 1.500000e+00 : f32
      %sub3A_691 = vector.broadcast %sub3A_690 : f32 to vector<16xf32>
      %sub3A_692 = arith.subf %sub3A_691, %mul3A_689 : vector<16xf32>
      %mul3A_693 = arith.mulf %mul3A_687, %sub3A_692 : vector<16xf32>
      %mul3A_694 = arith.mulf %get3A_670, %mul3A_693 : vector<16xf32>
      %add3A_695 = arith.addf %mul3A_694, %mul3A_694 : vector<16xf32>
      %mul3A_696 = arith.constant 5.000000e-01 : f32
      %mul3A_697 = vector.broadcast %mul3A_696 : f32 to vector<16xf32>
      %mul3A_698 = arith.mulf %mul3A_697, %get3A_670 : vector<16xf32>
      %select_n3A_699 = arith.select %eq3A_169, %add3A_695, %mul3A_698 : vector<16xi1>, vector<16xf32>
      %swap3A_700 = arith.index_cast %add3A_668 : i32 to index
      %swap3A_701 = tpu.vector_load %arg11[%swap3A_700] {strides = array<i32>} : memref<8192xf32, #tpu.memory_space<vmem>>, vector<16xf32>,
      tpu.vector_store %arg11[%swap3A_700], %select_n3A_699 {strides = array<i32>} : memref<8192xf32, #tpu.memory_space<vmem>>, vector<16xf32>,
      %mul3A_702 = arith.constant 256 : i32
      %mul3A_703 = arith.muli %mul3A_702, %while3A_185 : i32
      %add3A_704 = arith.constant 224 : i32
      %add3A_705 = arith.addi %mul3A_703, %add3A_704 : i32
      %get3A_706 = arith.index_cast %add3A_705 : i32 to index
      %get3A_707 = tpu.vector_load %arg11[%get3A_706] {strides = array<i32>} : memref<8192xf32, #tpu.memory_space<vmem>>, vector<16xf32>,
      %bitcast_convert_type3A_708 = tpu.bitcast %get3A_707 : vector<16xf32> -> vector<16xi32>
      %shift_right_arithmetic3A_709 = arith.constant 1 : i32
      %shift_right_arithmetic3A_710 = vector.broadcast %shift_right_arithmetic3A_709 : i32 to vector<16xi32>
      %shift_right_arithmetic3A_711 = arith.shrsi %bitcast_convert_type3A_708, %shift_right_arithmetic3A_710 : vector<16xi32>
      %sub3A_712 = arith.constant 1597463007 : i32
      %sub3A_713 = vector.broadcast %sub3A_712 : i32 to vector<16xi32>
      %sub3A_714 = arith.subi %sub3A_713, %shift_right_arithmetic3A_711 : vector<16xi32>
      %bitcast_convert_type3A_715 = tpu.bitcast %sub3A_714 : vector<16xi32> -> vector<16xf32>
      %mul3A_716 = arith.constant 5.000000e-01 : f32
      %mul3A_717 = vector.broadcast %mul3A_716 : f32 to vector<16xf32>
      %mul3A_718 = arith.mulf %mul3A_717, %get3A_707 : vector<16xf32>
      %mul3A_719 = arith.mulf %mul3A_718, %bitcast_convert_type3A_715 : vector<16xf32>
      %mul3A_720 = arith.mulf %mul3A_719, %bitcast_convert_type3A_715 : vector<16xf32>
      %sub3A_721 = arith.constant 1.500000e+00 : f32
      %sub3A_722 = vector.broadcast %sub3A_721 : f32 to vector<16xf32>
      %sub3A_723 = arith.subf %sub3A_722, %mul3A_720 : vector<16xf32>
      %mul3A_724 = arith.mulf %bitcast_convert_type3A_715, %sub3A_723 : vector<16xf32>
      %mul3A_725 = arith.mulf %mul3A_718, %mul3A_724 : vector<16xf32>
      %mul3A_726 = arith.mulf %mul3A_725, %mul3A_724 : vector<16xf32>
      %sub3A_727 = arith.constant 1.500000e+00 : f32
      %sub3A_728 = vector.broadcast %sub3A_727 : f32 to vector<16xf32>
      %sub3A_729 = arith.subf %sub3A_728, %mul3A_726 : vector<16xf32>
      %mul3A_730 = arith.mulf %mul3A_724, %sub3A_729 : vector<16xf32>
      %mul3A_731 = arith.mulf %get3A_707, %mul3A_730 : vector<16xf32>
      %add3A_732 = arith.addf %mul3A_731, %mul3A_731 : vector<16xf32>
      %mul3A_733 = arith.constant 5.000000e-01 : f32
      %mul3A_734 = vector.broadcast %mul3A_733 : f32 to vector<16xf32>
      %mul3A_735 = arith.mulf %mul3A_734, %get3A_707 : vector<16xf32>
      %select_n3A_736 = arith.select %eq3A_169, %add3A_732, %mul3A_735 : vector<16xi1>, vector<16xf32>
      %swap3A_737 = arith.index_cast %add3A_705 : i32 to index
      %swap3A_738 = tpu.vector_load %arg11[%swap3A_737] {strides = array<i32>} : memref<8192xf32, #tpu.memory_space<vmem>>, vector<16xf32>,
      tpu.vector_store %arg11[%swap3A_737], %select_n3A_736 {strides = array<i32>} : memref<8192xf32, #tpu.memory_space<vmem>>, vector<16xf32>,
      %mul3A_739 = arith.constant 256 : i32
      %mul3A_740 = arith.muli %mul3A_739, %while3A_185 : i32
      %add3A_741 = arith.constant 240 : i32
      %add3A_742 = arith.addi %mul3A_740, %add3A_741 : i32
      %get3A_743 = arith.index_cast %add3A_742 : i32 to index
      %get3A_744 = tpu.vector_load %arg11[%get3A_743] {strides = array<i32>} : memref<8192xf32, #tpu.memory_space<vmem>>, vector<16xf32>,
      %bitcast_convert_type3A_745 = tpu.bitcast %get3A_744 : vector<16xf32> -> vector<16xi32>
      %shift_right_arithmetic3A_746 = arith.constant 1 : i32
      %shift_right_arithmetic3A_747 = vector.broadcast %shift_right_arithmetic3A_746 : i32 to vector<16xi32>
      %shift_right_arithmetic3A_748 = arith.shrsi %bitcast_convert_type3A_745, %shift_right_arithmetic3A_747 : vector<16xi32>
      %sub3A_749 = arith.constant 1597463007 : i32
      %sub3A_750 = vector.broadcast %sub3A_749 : i32 to vector<16xi32>
      %sub3A_751 = arith.subi %sub3A_750, %shift_right_arithmetic3A_748 : vector<16xi32>
      %bitcast_convert_type3A_752 = tpu.bitcast %sub3A_751 : vector<16xi32> -> vector<16xf32>
      %mul3A_753 = arith.constant 5.000000e-01 : f32
      %mul3A_754 = vector.broadcast %mul3A_753 : f32 to vector<16xf32>
      %mul3A_755 = arith.mulf %mul3A_754, %get3A_744 : vector<16xf32>
      %mul3A_756 = arith.mulf %mul3A_755, %bitcast_convert_type3A_752 : vector<16xf32>
      %mul3A_757 = arith.mulf %mul3A_756, %bitcast_convert_type3A_752 : vector<16xf32>
      %sub3A_758 = arith.constant 1.500000e+00 : f32
      %sub3A_759 = vector.broadcast %sub3A_758 : f32 to vector<16xf32>
      %sub3A_760 = arith.subf %sub3A_759, %mul3A_757 : vector<16xf32>
      %mul3A_761 = arith.mulf %bitcast_convert_type3A_752, %sub3A_760 : vector<16xf32>
      %mul3A_762 = arith.mulf %mul3A_755, %mul3A_761 : vector<16xf32>
      %mul3A_763 = arith.mulf %mul3A_762, %mul3A_761 : vector<16xf32>
      %sub3A_764 = arith.constant 1.500000e+00 : f32
      %sub3A_765 = vector.broadcast %sub3A_764 : f32 to vector<16xf32>
      %sub3A_766 = arith.subf %sub3A_765, %mul3A_763 : vector<16xf32>
      %mul3A_767 = arith.mulf %mul3A_761, %sub3A_766 : vector<16xf32>
      %mul3A_768 = arith.mulf %get3A_744, %mul3A_767 : vector<16xf32>
      %add3A_769 = arith.addf %mul3A_768, %mul3A_768 : vector<16xf32>
      %mul3A_770 = arith.constant 5.000000e-01 : f32
      %mul3A_771 = vector.broadcast %mul3A_770 : f32 to vector<16xf32>
      %mul3A_772 = arith.mulf %mul3A_771, %get3A_744 : vector<16xf32>
      %select_n3A_773 = arith.select %eq3A_169, %add3A_769, %mul3A_772 : vector<16xi1>, vector<16xf32>
      %swap3A_774 = arith.index_cast %add3A_742 : i32 to index
      %swap3A_775 = tpu.vector_load %arg11[%swap3A_774] {strides = array<i32>} : memref<8192xf32, #tpu.memory_space<vmem>>, vector<16xf32>,
      tpu.vector_store %arg11[%swap3A_774], %select_n3A_773 {strides = array<i32>} : memref<8192xf32, #tpu.memory_space<vmem>>, vector<16xf32>,
    }
    %while3A_179 = arith.constant 1 : i32
    scf.for %while3A_185 = %while3A_177 to %while3A_173 step %while3A_179  : i32 {
      %mul3A_186 = arith.constant 256 : i32
      %mul3A_187 = arith.muli %mul3A_186, %while3A_185 : i32
      %add3A_188 = arith.constant 0 : i32
      %add3A_189 = arith.addi %mul3A_187, %add3A_188 : i32
      %get3A = arith.index_cast %add3A_189 : i32 to index
      %get3A_190 = tpu.vector_load %arg11[%get3A] {strides = array<i32>} : memref<8192xf32, #tpu.memory_space<vmem>>, vector<16xf32>,
      %bitcast_convert_type3A = tpu.bitcast %get3A_190 : vector<16xf32> -> vector<16xi32>
      %shift_right_arithmetic3A_191 = arith.constant 1 : i32
      %shift_right_arithmetic3A_192 = vector.broadcast %shift_right_arithmetic3A_191 : i32 to vector<16xi32>
      %shift_right_arithmetic3A_193 = arith.shrsi %bitcast_convert_type3A, %shift_right_arithmetic3A_192 : vector<16xi32>
      %sub3A_194 = arith.constant 1597463007 : i32
      %sub3A_195 = vector.broadcast %sub3A_194 : i32 to vector<16xi32>
      %sub3A_196 = arith.subi %sub3A_195, %shift_right_arithmetic3A_193 : vector<16xi32>
      %bitcast_convert_type3A_197 = tpu.bitcast %sub3A_196 : vector<16xi32> -> vector<16xf32>
      %mul3A_198 = arith.constant 5.000000e-01 : f32
      %mul3A_199 = vector.broadcast %mul3A_198 : f32 to vector<16xf32>
      %mul3A_200 = arith.mulf %mul3A_199, %get3A_190 : vector<16xf32>
      %mul3A_201 = arith.mulf %mul3A_200, %bitcast_convert_type3A_197 : vector<16xf32>
      %mul3A_202 = arith.mulf %mul3A_201, %bitcast_convert_type3A_197 : vector<16xf32>
      %sub3A_203 = arith.constant 1.500000e+00 : f32
      %sub3A_204 = vector.broadcast %sub3A_203 : f32 to vector<16xf32>
      %sub3A_205 = arith.subf %sub3A_204, %mul3A_202 : vector<16xf32>
      %mul3A_206 = arith.mulf %bitcast_convert_type3A_197, %sub3A_205 : vector<16xf32>
      %mul3A_207 = arith.mulf %mul3A_200, %mul3A_206 : vector<16xf32>
      %mul3A_208 = arith.mulf %mul3A_207, %mul3A_206 : vector<16xf32>
      %sub3A_209 = arith.constant 1.500000e+00 : f32
      %sub3A_210 = vector.broadcast %sub3A_209 : f32 to vector<16xf32>
      %sub3A_211 = arith.subf %sub3A_210, %mul3A_208 : vector<16xf32>
      %mul3A_212 = arith.mulf %mul3A_206, %sub3A_211 : vector<16xf32>
      %mul3A_213 = arith.mulf %get3A_190, %mul3A_212 : vector<16xf32>
      %add3A_214 = arith.addf %mul3A_213, %mul3A_213 : vector<16xf32>
      %mul3A_215 = arith.constant 5.000000e-01 : f32
      %mul3A_216 = vector.broadcast %mul3A_215 : f32 to vector<16xf32>
      %mul3A_217 = arith.mulf %mul3A_216, %get3A_190 : vector<16xf32>
      %select_n3A_218 = arith.select %eq3A_169, %add3A_214, %mul3A_217 : vector<16xi1>, vector<16xf32>
      %swap3A_219 = arith.index_cast %add3A_189 : i32 to index
      %swap3A_220 = tpu.vector_load %arg11[%swap3A_219] {strides = array<i32>} : memref<8192xf32, #tpu.memory_space<vmem>>, vector<16xf32>,
      tpu.vector_store %arg11[%swap3A_219], %select_n3A_218 {strides = array<i32>} : memref<8192xf32, #tpu.memory_space<vmem>>, vector<16xf32>,
      %mul3A_221 = arith.constant 256 : i32
      %mul3A_222 = arith.muli %mul3A_221, %while3A_185 : i32
      %add3A_223 = arith.constant 16 : i32
      %add3A_224 = arith.addi %mul3A_222, %add3A_223 : i32
      %get3A_225 = arith.index_cast %add3A_224 : i32 to index
      %get3A_226 = tpu.vector_load %arg11[%get3A_225] {strides = array<i32>} : memref<8192xf32, #tpu.memory_space<vmem>>, vector<16xf32>,
      %bitcast_convert_type3A_227 = tpu.bitcast %get3A_226 : vector<16xf32> -> vector<16xi32>
      %shift_right_arithmetic3A_228 = arith.constant 1 : i32
      %shift_right_arithmetic3A_229 = vector.broadcast %shift_right_arithmetic3A_228 : i32 to vector<16xi32>
      %shift_right_arithmetic3A_230 = arith.shrsi %bitcast_convert_type3A_227, %shift_right_arithmetic3A_229 : vector<16xi32>
      %sub3A_231 = arith.constant 1597463007 : i32
      %sub3A_232 = vector.broadcast %sub3A_231 : i32 to vector<16xi32>
      %sub3A_233 = arith.subi %sub3A_232, %shift_right_arithmetic3A_230 : vector<16xi32>
      %bitcast_convert_type3A_234 = tpu.bitcast %sub3A_233 : vector<16xi32> -> vector<16xf32>
      %mul3A_235 = arith.constant 5.000000e-01 : f32
      %mul3A_236 = vector.broadcast %mul3A_235 : f32 to vector<16xf32>
      %mul3A_237 = arith.mulf %mul3A_236, %get3A_226 : vector<16xf32>
      %mul3A_238 = arith.mulf %mul3A_237, %bitcast_convert_type3A_234 : vector<16xf32>
      %mul3A_239 = arith.mulf %mul3A_238, %bitcast_convert_type3A_234 : vector<16xf32>
      %sub3A_240 = arith.constant 1.500000e+00 : f32
      %sub3A_241 = vector.broadcast %sub3A_240 : f32 to vector<16xf32>
      %sub3A_242 = arith.subf %sub3A_241, %mul3A_239 : vector<16xf32>
      %mul3A_243 = arith.mulf %bitcast_convert_type3A_234, %sub3A_242 : vector<16xf32>
      %mul3A_244 = arith.mulf %mul3A_237, %mul3A_243 : vector<16xf32>
      %mul3A_245 = arith.mulf %mul3A_244, %mul3A_243 : vector<16xf32>
      %sub3A_246 = arith.constant 1.500000e+00 : f32
      %sub3A_247 = vector.broadcast %sub3A_246 : f32 to vector<16xf32>
      %sub3A_248 = arith.subf %sub3A_247, %mul3A_245 : vector<16xf32>
      %mul3A_249 = arith.mulf %mul3A_243, %sub3A_248 : vector<16xf32>
      %mul3A_250 = arith.mulf %get3A_226, %mul3A_249 : vector<16xf32>
      %add3A_251 = arith.addf %mul3A_250, %mul3A_250 : vector<16xf32>
      %mul3A_252 = arith.constant 5.000000e-01 : f32
      %mul3A_253 = vector.broadcast %mul3A_252 : f32 to vector<16xf32>
      %mul3A_254 = arith.mulf %mul3A_253, %get3A_226 : vector<16xf32>
      %select_n3A_255 = arith.select %eq3A_169, %add3A_251, %mul3A_254 : vector<16xi1>, vector<16xf32>
      %swap3A_256 = arith.index_cast %add3A_224 : i32 to index
      %swap3A_257 = tpu.vector_load %arg11[%swap3A_256] {strides = array<i32>} : memref<8192xf32, #tpu.memory_space<vmem>>, vector<16xf32>,
      tpu.vector_store %arg11[%swap3A_256], %select_n3A_255 {strides = array<i32>} : memref<8192xf32, #tpu.memory_space<vmem>>, vector<16xf32>,
      %mul3A_258 = arith.constant 256 : i32
      %mul3A_259 = arith.muli %mul3A_258, %while3A_185 : i32
      %add3A_260 = arith.constant 32 : i32
      %add3A_261 = arith.addi %mul3A_259, %add3A_260 : i32
      %get3A_262 = arith.index_cast %add3A_261 : i32 to index
      %get3A_263 = tpu.vector_load %arg11[%get3A_262] {strides = array<i32>} : memref<8192xf32, #tpu.memory_space<vmem>>, vector<16xf32>,
      %bitcast_convert_type3A_264 = tpu.bitcast %get3A_263 : vector<16xf32> -> vector<16xi32>
      %shift_right_arithmetic3A_265 = arith.constant 1 : i32
      %shift_right_arithmetic3A_266 = vector.broadcast %shift_right_arithmetic3A_265 : i32 to vector<16xi32>
      %shift_right_arithmetic3A_267 = arith.shrsi %bitcast_convert_type3A_264, %shift_right_arithmetic3A_266 : vector<16xi32>
      %sub3A_268 = arith.constant 1597463007 : i32
      %sub3A_269 = vector.broadcast %sub3A_268 : i32 to vector<16xi32>
      %sub3A_270 = arith.subi %sub3A_269, %shift_right_arithmetic3A_267 : vector<16xi32>
      %bitcast_convert_type3A_271 = tpu.bitcast %sub3A_270 : vector<16xi32> -> vector<16xf32>
      %mul3A_272 = arith.constant 5.000000e-01 : f32
      %mul3A_273 = vector.broadcast %mul3A_272 : f32 to vector<16xf32>
      %mul3A_274 = arith.mulf %mul3A_273, %get3A_263 : vector<16xf32>
      %mul3A_275 = arith.mulf %mul3A_274, %bitcast_convert_type3A_271 : vector<16xf32>
      %mul3A_276 = arith.mulf %mul3A_275, %bitcast_convert_type3A_271 : vector<16xf32>
      %sub3A_277 = arith.constant 1.500000e+00 : f32
      %sub3A_278 = vector.broadcast %sub3A_277 : f32 to vector<16xf32>
      %sub3A_279 = arith.subf %sub3A_278, %mul3A_276 : vector<16xf32>
      %mul3A_280 = arith.mulf %bitcast_convert_type3A_271, %sub3A_279 : vector<16xf32>
      %mul3A_281 = arith.mulf %mul3A_274, %mul3A_280 : vector<16xf32>
      %mul3A_282 = arith.mulf %mul3A_281, %mul3A_280 : vector<16xf32>
      %sub3A_283 = arith.constant 1.500000e+00 : f32
      %sub3A_284 = vector.broadcast %sub3A_283 : f32 to vector<16xf32>
      %sub3A_285 = arith.subf %sub3A_284, %mul3A_282 : vector<16xf32>
      %mul3A_286 = arith.mulf %mul3A_280, %sub3A_285 : vector<16xf32>
      %mul3A_287 = arith.mulf %get3A_263, %mul3A_286 : vector<16xf32>
      %add3A_288 = arith.addf %mul3A_287, %mul3A_287 : vector<16xf32>
      %mul3A_289 = arith.constant 5.000000e-01 : f32
      %mul3A_290 = vector.broadcast %mul3A_289 : f32 to vector<16xf32>
      %mul3A_291 = arith.mulf %mul3A_290, %get3A_263 : vector<16xf32>
      %select_n3A_292 = arith.select %eq3A_169, %add3A_288, %mul3A_291 : vector<16xi1>, vector<16xf32>
      %swap3A_293 = arith.index_cast %add3A_261 : i32 to index
      %swap3A_294 = tpu.vector_load %arg11[%swap3A_293] {strides = array<i32>} : memref<8192xf32, #tpu.memory_space<vmem>>, vector<16xf32>,
      tpu.vector_store %arg11[%swap3A_293], %select_n3A_292 {strides = array<i32>} : memref<8192xf32, #tpu.memory_space<vmem>>, vector<16xf32>,
      %mul3A_295 = arith.constant 256 : i32
      %mul3A_296 = arith.muli %mul3A_295, %while3A_185 : i32
      %add3A_297 = arith.constant 48 : i32
      %add3A_298 = arith.addi %mul3A_296, %add3A_297 : i32
      %get3A_299 = arith.index_cast %add3A_298 : i32 to index
      %get3A_300 = tpu.vector_load %arg11[%get3A_299] {strides = array<i32>} : memref<8192xf32, #tpu.memory_space<vmem>>, vector<16xf32>,
      %bitcast_convert_type3A_301 = tpu.bitcast %get3A_300 : vector<16xf32> -> vector<16xi32>
      %shift_right_arithmetic3A_302 = arith.constant 1 : i32
      %shift_right_arithmetic3A_303 = vector.broadcast %shift_right_arithmetic3A_302 : i32 to vector<16xi32>
      %shift_right_arithmetic3A_304 = arith.shrsi %bitcast_convert_type3A_301, %shift_right_arithmetic3A_303 : vector<16xi32>
      %sub3A_305 = arith.constant 1597463007 : i32
      %sub3A_306 = vector.broadcast %sub3A_305 : i32 to vector<16xi32>
      %sub3A_307 = arith.subi %sub3A_306, %shift_right_arithmetic3A_304 : vector<16xi32>
      %bitcast_convert_type3A_308 = tpu.bitcast %sub3A_307 : vector<16xi32> -> vector<16xf32>
      %mul3A_309 = arith.constant 5.000000e-01 : f32
      %mul3A_310 = vector.broadcast %mul3A_309 : f32 to vector<16xf32>
      %mul3A_311 = arith.mulf %mul3A_310, %get3A_300 : vector<16xf32>
      %mul3A_312 = arith.mulf %mul3A_311, %bitcast_convert_type3A_308 : vector<16xf32>
      %mul3A_313 = arith.mulf %mul3A_312, %bitcast_convert_type3A_308 : vector<16xf32>
      %sub3A_314 = arith.constant 1.500000e+00 : f32
      %sub3A_315 = vector.broadcast %sub3A_314 : f32 to vector<16xf32>
      %sub3A_316 = arith.subf %sub3A_315, %mul3A_313 : vector<16xf32>
      %mul3A_317 = arith.mulf %bitcast_convert_type3A_308, %sub3A_316 : vector<16xf32>
      %mul3A_318 = arith.mulf %mul3A_311, %mul3A_317 : vector<16xf32>
      %mul3A_319 = arith.mulf %mul3A_318, %mul3A_317 : vector<16xf32>
      %sub3A_320 = arith.constant 1.500000e+00 : f32
      %sub3A_321 = vector.broadcast %sub3A_320 : f32 to vector<16xf32>
      %sub3A_322 = arith.subf %sub3A_321, %mul3A_319 : vector<16xf32>
      %mul3A_323 = arith.mulf %mul3A_317, %sub3A_322 : vector<16xf32>
      %mul3A_324 = arith.mulf %get3A_300, %mul3A_323 : vector<16xf32>
      %add3A_325 = arith.addf %mul3A_324, %mul3A_324 : vector<16xf32>
      %mul3A_326 = arith.constant 5.000000e-01 : f32
      %mul3A_327 = vector.broadcast %mul3A_326 : f32 to vector<16xf32>
      %mul3A_328 = arith.mulf %mul3A_327, %get3A_300 : vector<16xf32>
      %select_n3A_329 = arith.select %eq3A_169, %add3A_325, %mul3A_328 : vector<16xi1>, vector<16xf32>
      %swap3A_330 = arith.index_cast %add3A_298 : i32 to index
      %swap3A_331 = tpu.vector_load %arg11[%swap3A_330] {strides = array<i32>} : memref<8192xf32, #tpu.memory_space<vmem>>, vector<16xf32>,
      tpu.vector_store %arg11[%swap3A_330], %select_n3A_329 {strides = array<i32>} : memref<8192xf32, #tpu.memory_space<vmem>>, vector<16xf32>,
      %mul3A_332 = arith.constant 256 : i32
      %mul3A_333 = arith.muli %mul3A_332, %while3A_185 : i32
      %add3A_334 = arith.constant 64 : i32
      %add3A_335 = arith.addi %mul3A_333, %add3A_334 : i32
      %get3A_336 = arith.index_cast %add3A_335 : i32 to index
      %get3A_337 = tpu.vector_load %arg11[%get3A_336] {strides = array<i32>} : memref<8192xf32, #tpu.memory_space<vmem>>, vector<16xf32>,
      %bitcast_convert_type3A_338 = tpu.bitcast %get3A_337 : vector<16xf32> -> vector<16xi32>
      %shift_right_arithmetic3A_339 = arith.constant 1 : i32
      %shift_right_arithmetic3A_340 = vector.broadcast %shift_right_arithmetic3A_339 : i32 to vector<16xi32>
      %shift_right_arithmetic3A_341 = arith.shrsi %bitcast_convert_type3A_338, %shift_right_arithmetic3A_340 : vector<16xi32>
      %sub3A_342 = arith.constant 1597463007 : i32
      %sub3A_343 = vector.broadcast %sub3A_342 : i32 to vector<16xi32>
      %sub3A_344 = arith.subi %sub3A_343, %shift_right_arithmetic3A_341 : vector<16xi32>
      %bitcast_convert_type3A_345 = tpu.bitcast %sub3A_344 : vector<16xi32> -> vector<16xf32>
      %mul3A_346 = arith.constant 5.000000e-01 : f32
      %mul3A_347 = vector.broadcast %mul3A_346 : f32 to vector<16xf32>
      %mul3A_348 = arith.mulf %mul3A_347, %get3A_337 : vector<16xf32>
      %mul3A_349 = arith.mulf %mul3A_348, %bitcast_convert_type3A_345 : vector<16xf32>
      %mul3A_350 = arith.mulf %mul3A_349, %bitcast_convert_type3A_345 : vector<16xf32>
      %sub3A_351 = arith.constant 1.500000e+00 : f32
      %sub3A_352 = vector.broadcast %sub3A_351 : f32 to vector<16xf32>
      %sub3A_353 = arith.subf %sub3A_352, %mul3A_350 : vector<16xf32>
      %mul3A_354 = arith.mulf %bitcast_convert_type3A_345, %sub3A_353 : vector<16xf32>
      %mul3A_355 = arith.mulf %mul3A_348, %mul3A_354 : vector<16xf32>
      %mul3A_356 = arith.mulf %mul3A_355, %mul3A_354 : vector<16xf32>
      %sub3A_357 = arith.constant 1.500000e+00 : f32
      %sub3A_358 = vector.broadcast %sub3A_357 : f32 to vector<16xf32>
      %sub3A_359 = arith.subf %sub3A_358, %mul3A_356 : vector<16xf32>
      %mul3A_360 = arith.mulf %mul3A_354, %sub3A_359 : vector<16xf32>
      %mul3A_361 = arith.mulf %get3A_337, %mul3A_360 : vector<16xf32>
      %add3A_362 = arith.addf %mul3A_361, %mul3A_361 : vector<16xf32>
      %mul3A_363 = arith.constant 5.000000e-01 : f32
      %mul3A_364 = vector.broadcast %mul3A_363 : f32 to vector<16xf32>
      %mul3A_365 = arith.mulf %mul3A_364, %get3A_337 : vector<16xf32>
      %select_n3A_366 = arith.select %eq3A_169, %add3A_362, %mul3A_365 : vector<16xi1>, vector<16xf32>
      %swap3A_367 = arith.index_cast %add3A_335 : i32 to index
      %swap3A_368 = tpu.vector_load %arg11[%swap3A_367] {strides = array<i32>} : memref<8192xf32, #tpu.memory_space<vmem>>, vector<16xf32>,
      tpu.vector_store %arg11[%swap3A_367], %select_n3A_366 {strides = array<i32>} : memref<8192xf32, #tpu.memory_space<vmem>>, vector<16xf32>,
      %mul3A_369 = arith.constant 256 : i32
      %mul3A_370 = arith.muli %mul3A_369, %while3A_185 : i32
      %add3A_371 = arith.constant 80 : i32
      %add3A_372 = arith.addi %mul3A_370, %add3A_371 : i32
      %get3A_373 = arith.index_cast %add3A_372 : i32 to index
      %get3A_374 = tpu.vector_load %arg11[%get3A_373] {strides = array<i32>} : memref<8192xf32, #tpu.memory_space<vmem>>, vector<16xf32>,
      %bitcast_convert_type3A_375 = tpu.bitcast %get3A_374 : vector<16xf32> -> vector<16xi32>
      %shift_right_arithmetic3A_376 = arith.constant 1 : i32
      %shift_right_arithmetic3A_377 = vector.broadcast %shift_right_arithmetic3A_376 : i32 to vector<16xi32>
      %shift_right_arithmetic3A_378 = arith.shrsi %bitcast_convert_type3A_375, %shift_right_arithmetic3A_377 : vector<16xi32>
      %sub3A_379 = arith.constant 1597463007 : i32
      %sub3A_380 = vector.broadcast %sub3A_379 : i32 to vector<16xi32>
      %sub3A_381 = arith.subi %sub3A_380, %shift_right_arithmetic3A_378 : vector<16xi32>
      %bitcast_convert_type3A_382 = tpu.bitcast %sub3A_381 : vector<16xi32> -> vector<16xf32>
      %mul3A_383 = arith.constant 5.000000e-01 : f32
      %mul3A_384 = vector.broadcast %mul3A_383 : f32 to vector<16xf32>
      %mul3A_385 = arith.mulf %mul3A_384, %get3A_374 : vector<16xf32>
      %mul3A_386 = arith.mulf %mul3A_385, %bitcast_convert_type3A_382 : vector<16xf32>
      %mul3A_387 = arith.mulf %mul3A_386, %bitcast_convert_type3A_382 : vector<16xf32>
      %sub3A_388 = arith.constant 1.500000e+00 : f32
      %sub3A_389 = vector.broadcast %sub3A_388 : f32 to vector<16xf32>
      %sub3A_390 = arith.subf %sub3A_389, %mul3A_387 : vector<16xf32>
      %mul3A_391 = arith.mulf %bitcast_convert_type3A_382, %sub3A_390 : vector<16xf32>
      %mul3A_392 = arith.mulf %mul3A_385, %mul3A_391 : vector<16xf32>
      %mul3A_393 = arith.mulf %mul3A_392, %mul3A_391 : vector<16xf32>
      %sub3A_394 = arith.constant 1.500000e+00 : f32
      %sub3A_395 = vector.broadcast %sub3A_394 : f32 to vector<16xf32>
      %sub3A_396 = arith.subf %sub3A_395, %mul3A_393 : vector<16xf32>
      %mul3A_397 = arith.mulf %mul3A_391, %sub3A_396 : vector<16xf32>
      %mul3A_398 = arith.mulf %get3A_374, %mul3A_397 : vector<16xf32>
      %add3A_399 = arith.addf %mul3A_398, %mul3A_398 : vector<16xf32>
      %mul3A_400 = arith.constant 5.000000e-01 : f32
      %mul3A_401 = vector.broadcast %mul3A_400 : f32 to vector<16xf32>
      %mul3A_402 = arith.mulf %mul3A_401, %get3A_374 : vector<16xf32>
      %select_n3A_403 = arith.select %eq3A_169, %add3A_399, %mul3A_402 : vector<16xi1>, vector<16xf32>
      %swap3A_404 = arith.index_cast %add3A_372 : i32 to index
      %swap3A_405 = tpu.vector_load %arg11[%swap3A_404] {strides = array<i32>} : memref<8192xf32, #tpu.memory_space<vmem>>, vector<16xf32>,
      tpu.vector_store %arg11[%swap3A_404], %select_n3A_403 {strides = array<i32>} : memref<8192xf32, #tpu.memory_space<vmem>>, vector<16xf32>,
      %mul3A_406 = arith.constant 256 : i32
      %mul3A_407 = arith.muli %mul3A_406, %while3A_185 : i32
      %add3A_408 = arith.constant 96 : i32
      %add3A_409 = arith.addi %mul3A_407, %add3A_408 : i32
      %get3A_410 = arith.index_cast %add3A_409 : i32 to index
      %get3A_411 = tpu.vector_load %arg11[%get3A_410] {strides = array<i32>} : memref<8192xf32, #tpu.memory_space<vmem>>, vector<16xf32>,
      %bitcast_convert_type3A_412 = tpu.bitcast %get3A_411 : vector<16xf32> -> vector<16xi32>
      %shift_right_arithmetic3A_413 = arith.constant 1 : i32
      %shift_right_arithmetic3A_414 = vector.broadcast %shift_right_arithmetic3A_413 : i32 to vector<16xi32>
      %shift_right_arithmetic3A_415 = arith.shrsi %bitcast_convert_type3A_412, %shift_right_arithmetic3A_414 : vector<16xi32>
      %sub3A_416 = arith.constant 1597463007 : i32
      %sub3A_417 = vector.broadcast %sub3A_416 : i32 to vector<16xi32>
      %sub3A_418 = arith.subi %sub3A_417, %shift_right_arithmetic3A_415 : vector<16xi32>
      %bitcast_convert_type3A_419 = tpu.bitcast %sub3A_418 : vector<16xi32> -> vector<16xf32>
      %mul3A_420 = arith.constant 5.000000e-01 : f32
      %mul3A_421 = vector.broadcast %mul3A_420 : f32 to vector<16xf32>
      %mul3A_422 = arith.mulf %mul3A_421, %get3A_411 : vector<16xf32>
      %mul3A_423 = arith.mulf %mul3A_422, %bitcast_convert_type3A_419 : vector<16xf32>
      %mul3A_424 = arith.mulf %mul3A_423, %bitcast_convert_type3A_419 : vector<16xf32>
      %sub3A_425 = arith.constant 1.500000e+00 : f32
      %sub3A_426 = vector.broadcast %sub3A_425 : f32 to vector<16xf32>
      %sub3A_427 = arith.subf %sub3A_426, %mul3A_424 : vector<16xf32>
      %mul3A_428 = arith.mulf %bitcast_convert_type3A_419, %sub3A_427 : vector<16xf32>
      %mul3A_429 = arith.mulf %mul3A_422, %mul3A_428 : vector<16xf32>
      %mul3A_430 = arith.mulf %mul3A_429, %mul3A_428 : vector<16xf32>
      %sub3A_431 = arith.constant 1.500000e+00 : f32
      %sub3A_432 = vector.broadcast %sub3A_431 : f32 to vector<16xf32>
      %sub3A_433 = arith.subf %sub3A_432, %mul3A_430 : vector<16xf32>
      %mul3A_434 = arith.mulf %mul3A_428, %sub3A_433 : vector<16xf32>
      %mul3A_435 = arith.mulf %get3A_411, %mul3A_434 : vector<16xf32>
      %add3A_436 = arith.addf %mul3A_435, %mul3A_435 : vector<16xf32>
      %mul3A_437 = arith.constant 5.000000e-01 : f32
      %mul3A_438 = vector.broadcast %mul3A_437 : f32 to vector<16xf32>
      %mul3A_439 = arith.mulf %mul3A_438, %get3A_411 : vector<16xf32>
      %select_n3A_440 = arith.select %eq3A_169, %add3A_436, %mul3A_439 : vector<16xi1>, vector<16xf32>
      %swap3A_441 = arith.index_cast %add3A_409 : i32 to index
      %swap3A_442 = tpu.vector_load %arg11[%swap3A_441] {strides = array<i32>} : memref<8192xf32, #tpu.memory_space<vmem>>, vector<16xf32>,
      tpu.vector_store %arg11[%swap3A_441], %select_n3A_440 {strides = array<i32>} : memref<8192xf32, #tpu.memory_space<vmem>>, vector<16xf32>,
      %mul3A_443 = arith.constant 256 : i32
      %mul3A_444 = arith.muli %mul3A_443, %while3A_185 : i32
      %add3A_445 = arith.constant 112 : i32
      %add3A_446 = arith.addi %mul3A_444, %add3A_445 : i32
      %get3A_447 = arith.index_cast %add3A_446 : i32 to index
      %get3A_448 = tpu.vector_load %arg11[%get3A_447] {strides = array<i32>} : memref<8192xf32, #tpu.memory_space<vmem>>, vector<16xf32>,
      %bitcast_convert_type3A_449 = tpu.bitcast %get3A_448 : vector<16xf32> -> vector<16xi32>
      %shift_right_arithmetic3A_450 = arith.constant 1 : i32
      %shift_right_arithmetic3A_451 = vector.broadcast %shift_right_arithmetic3A_450 : i32 to vector<16xi32>
      %shift_right_arithmetic3A_452 = arith.shrsi %bitcast_convert_type3A_449, %shift_right_arithmetic3A_451 : vector<16xi32>
      %sub3A_453 = arith.constant 1597463007 : i32
      %sub3A_454 = vector.broadcast %sub3A_453 : i32 to vector<16xi32>
      %sub3A_455 = arith.subi %sub3A_454, %shift_right_arithmetic3A_452 : vector<16xi32>
      %bitcast_convert_type3A_456 = tpu.bitcast %sub3A_455 : vector<16xi32> -> vector<16xf32>
      %mul3A_457 = arith.constant 5.000000e-01 : f32
      %mul3A_458 = vector.broadcast %mul3A_457 : f32 to vector<16xf32>
      %mul3A_459 = arith.mulf %mul3A_458, %get3A_448 : vector<16xf32>
      %mul3A_460 = arith.mulf %mul3A_459, %bitcast_convert_type3A_456 : vector<16xf32>
      %mul3A_461 = arith.mulf %mul3A_460, %bitcast_convert_type3A_456 : vector<16xf32>
      %sub3A_462 = arith.constant 1.500000e+00 : f32
      %sub3A_463 = vector.broadcast %sub3A_462 : f32 to vector<16xf32>
      %sub3A_464 = arith.subf %sub3A_463, %mul3A_461 : vector<16xf32>
      %mul3A_465 = arith.mulf %bitcast_convert_type3A_456, %sub3A_464 : vector<16xf32>
      %mul3A_466 = arith.mulf %mul3A_459, %mul3A_465 : vector<16xf32>
      %mul3A_467 = arith.mulf %mul3A_466, %mul3A_465 : vector<16xf32>
      %sub3A_468 = arith.constant 1.500000e+00 : f32
      %sub3A_469 = vector.broadcast %sub3A_468 : f32 to vector<16xf32>
      %sub3A_470 = arith.subf %sub3A_469, %mul3A_467 : vector<16xf32>
      %mul3A_471 = arith.mulf %mul3A_465, %sub3A_470 : vector<16xf32>
      %mul3A_472 = arith.mulf %get3A_448, %mul3A_471 : vector<16xf32>
      %add3A_473 = arith.addf %mul3A_472, %mul3A_472 : vector<16xf32>
      %mul3A_474 = arith.constant 5.000000e-01 : f32
      %mul3A_475 = vector.broadcast %mul3A_474 : f32 to vector<16xf32>
      %mul3A_476 = arith.mulf %mul3A_475, %get3A_448 : vector<16xf32>
      %select_n3A_477 = arith.select %eq3A_169, %add3A_473, %mul3A_476 : vector<16xi1>, vector<16xf32>
      %swap3A_478 = arith.index_cast %add3A_446 : i32 to index
      %swap3A_479 = tpu.vector_load %arg11[%swap3A_478] {strides = array<i32>} : memref<8192xf32, #tpu.memory_space<vmem>>, vector<16xf32>,
      tpu.vector_store %arg11[%swap3A_478], %select_n3A_477 {strides = array<i32>} : memref<8192xf32, #tpu.memory_space<vmem>>, vector<16xf32>,
      %mul3A_480 = arith.constant 256 : i32
      %mul3A_481 = arith.muli %mul3A_480, %while3A_185 : i32
      %add3A_482 = arith.constant 128 : i32
      %add3A_483 = arith.addi %mul3A_481, %add3A_482 : i32
      %get3A_484 = arith.index_cast %add3A_483 : i32 to index
      %get3A_485 = tpu.vector_load %arg11[%get3A_484] {strides = array<i32>} : memref<8192xf32, #tpu.memory_space<vmem>>, vector<16xf32>,
      %bitcast_convert_type3A_486 = tpu.bitcast %get3A_485 : vector<16xf32> -> vector<16xi32>
      %shift_right_arithmetic3A_487 = arith.constant 1 : i32
      %shift_right_arithmetic3A_488 = vector.broadcast %shift_right_arithmetic3A_487 : i32 to vector<16xi32>
      %shift_right_arithmetic3A_489 = arith.shrsi %bitcast_convert_type3A_486, %shift_right_arithmetic3A_488 : vector<16xi32>
      %sub3A_490 = arith.constant 1597463007 : i32
      %sub3A_491 = vector.broadcast %sub3A_490 : i32 to vector<16xi32>
      %sub3A_492 = arith.subi %sub3A_491, %shift_right_arithmetic3A_489 : vector<16xi32>
      %bitcast_convert_type3A_493 = tpu.bitcast %sub3A_492 : vector<16xi32> -> vector<16xf32>
      %mul3A_494 = arith.constant 5.000000e-01 : f32
      %mul3A_495 = vector.broadcast %mul3A_494 : f32 to vector<16xf32>
      %mul3A_496 = arith.mulf %mul3A_495, %get3A_485 : vector<16xf32>
      %mul3A_497 = arith.mulf %mul3A_496, %bitcast_convert_type3A_493 : vector<16xf32>
      %mul3A_498 = arith.mulf %mul3A_497, %bitcast_convert_type3A_493 : vector<16xf32>
      %sub3A_499 = arith.constant 1.500000e+00 : f32
      %sub3A_500 = vector.broadcast %sub3A_499 : f32 to vector<16xf32>
      %sub3A_501 = arith.subf %sub3A_500, %mul3A_498 : vector<16xf32>
      %mul3A_502 = arith.mulf %bitcast_convert_type3A_493, %sub3A_501 : vector<16xf32>
      %mul3A_503 = arith.mulf %mul3A_496, %mul3A_502 : vector<16xf32>
      %mul3A_504 = arith.mulf %mul3A_503, %mul3A_502 : vector<16xf32>
      %sub3A_505 = arith.constant 1.500000e+00 : f32
      %sub3A_506 = vector.broadcast %sub3A_505 : f32 to vector<16xf32>
      %sub3A_507 = arith.subf %sub3A_506, %mul3A_504 : vector<16xf32>
      %mul3A_508 = arith.mulf %mul3A_502, %sub3A_507 : vector<16xf32>
      %mul3A_509 = arith.mulf %get3A_485, %mul3A_508 : vector<16xf32>
      %add3A_510 = arith.addf %mul3A_509, %mul3A_509 : vector<16xf32>
      %mul3A_511 = arith.constant 5.000000e-01 : f32
      %mul3A_512 = vector.broadcast %mul3A_511 : f32 to vector<16xf32>
      %mul3A_513 = arith.mulf %mul3A_512, %get3A_485 : vector<16xf32>
      %select_n3A_514 = arith.select %eq3A_169, %add3A_510, %mul3A_513 : vector<16xi1>, vector<16xf32>
      %swap3A_515 = arith.index_cast %add3A_483 : i32 to index
      %swap3A_516 = tpu.vector_load %arg11[%swap3A_515] {strides = array<i32>} : memref<8192xf32, #tpu.memory_space<vmem>>, vector<16xf32>,
      tpu.vector_store %arg11[%swap3A_515], %select_n3A_514 {strides = array<i32>} : memref<8192xf32, #tpu.memory_space<vmem>>, vector<16xf32>,
      %mul3A_517 = arith.constant 256 : i32
      %mul3A_518 = arith.muli %mul3A_517, %while3A_185 : i32
      %add3A_519 = arith.constant 144 : i32
      %add3A_520 = arith.addi %mul3A_518, %add3A_519 : i32
      %get3A_521 = arith.index_cast %add3A_520 : i32 to index
      %get3A_522 = tpu.vector_load %arg11[%get3A_521] {strides = array<i32>} : memref<8192xf32, #tpu.memory_space<vmem>>, vector<16xf32>,
      %bitcast_convert_type3A_523 = tpu.bitcast %get3A_522 : vector<16xf32> -> vector<16xi32>
      %shift_right_arithmetic3A_524 = arith.constant 1 : i32
      %shift_right_arithmetic3A_525 = vector.broadcast %shift_right_arithmetic3A_524 : i32 to vector<16xi32>
      %shift_right_arithmetic3A_526 = arith.shrsi %bitcast_convert_type3A_523, %shift_right_arithmetic3A_525 : vector<16xi32>
      %sub3A_527 = arith.constant 1597463007 : i32
      %sub3A_528 = vector.broadcast %sub3A_527 : i32 to vector<16xi32>
      %sub3A_529 = arith.subi %sub3A_528, %shift_right_arithmetic3A_526 : vector<16xi32>
      %bitcast_convert_type3A_530 = tpu.bitcast %sub3A_529 : vector<16xi32> -> vector<16xf32>
      %mul3A_531 = arith.constant 5.000000e-01 : f32
      %mul3A_532 = vector.broadcast %mul3A_531 : f32 to vector<16xf32>
      %mul3A_533 = arith.mulf %mul3A_532, %get3A_522 : vector<16xf32>
      %mul3A_534 = arith.mulf %mul3A_533, %bitcast_convert_type3A_530 : vector<16xf32>
      %mul3A_535 = arith.mulf %mul3A_534, %bitcast_convert_type3A_530 : vector<16xf32>
      %sub3A_536 = arith.constant 1.500000e+00 : f32
      %sub3A_537 = vector.broadcast %sub3A_536 : f32 to vector<16xf32>
      %sub3A_538 = arith.subf %sub3A_537, %mul3A_535 : vector<16xf32>
      %mul3A_539 = arith.mulf %bitcast_convert_type3A_530, %sub3A_538 : vector<16xf32>
      %mul3A_540 = arith.mulf %mul3A_533, %mul3A_539 : vector<16xf32>
      %mul3A_541 = arith.mulf %mul3A_540, %mul3A_539 : vector<16xf32>
      %sub3A_542 = arith.constant 1.500000e+00 : f32
      %sub3A_543 = vector.broadcast %sub3A_542 : f32 to vector<16xf32>
      %sub3A_544 = arith.subf %sub3A_543, %mul3A_541 : vector<16xf32>
      %mul3A_545 = arith.mulf %mul3A_539, %sub3A_544 : vector<16xf32>
      %mul3A_546 = arith.mulf %get3A_522, %mul3A_545 : vector<16xf32>
      %add3A_547 = arith.addf %mul3A_546, %mul3A_546 : vector<16xf32>
      %mul3A_548 = arith.constant 5.000000e-01 : f32
      %mul3A_549 = vector.broadcast %mul3A_548 : f32 to vector<16xf32>
      %mul3A_550 = arith.mulf %mul3A_549, %get3A_522 : vector<16xf32>
      %select_n3A_551 = arith.select %eq3A_169, %add3A_547, %mul3A_550 : vector<16xi1>, vector<16xf32>
      %swap3A_552 = arith.index_cast %add3A_520 : i32 to index
      %swap3A_553 = tpu.vector_load %arg11[%swap3A_552] {strides = array<i32>} : memref<8192xf32, #tpu.memory_space<vmem>>, vector<16xf32>,
      tpu.vector_store %arg11[%swap3A_552], %select_n3A_551 {strides = array<i32>} : memref<8192xf32, #tpu.memory_space<vmem>>, vector<16xf32>,
      %mul3A_554 = arith.constant 256 : i32
      %mul3A_555 = arith.muli %mul3A_554, %while3A_185 : i32
      %add3A_556 = arith.constant 160 : i32
      %add3A_557 = arith.addi %mul3A_555, %add3A_556 : i32
      %get3A_558 = arith.index_cast %add3A_557 : i32 to index
      %get3A_559 = tpu.vector_load %arg11[%get3A_558] {strides = array<i32>} : memref<8192xf32, #tpu.memory_space<vmem>>, vector<16xf32>,
      %bitcast_convert_type3A_560 = tpu.bitcast %get3A_559 : vector<16xf32> -> vector<16xi32>
      %shift_right_arithmetic3A_561 = arith.constant 1 : i32
      %shift_right_arithmetic3A_562 = vector.broadcast %shift_right_arithmetic3A_561 : i32 to vector<16xi32>
      %shift_right_arithmetic3A_563 = arith.shrsi %bitcast_convert_type3A_560, %shift_right_arithmetic3A_562 : vector<16xi32>
      %sub3A_564 = arith.constant 1597463007 : i32
      %sub3A_565 = vector.broadcast %sub3A_564 : i32 to vector<16xi32>
      %sub3A_566 = arith.subi %sub3A_565, %shift_right_arithmetic3A_563 : vector<16xi32>
      %bitcast_convert_type3A_567 = tpu.bitcast %sub3A_566 : vector<16xi32> -> vector<16xf32>
      %mul3A_568 = arith.constant 5.000000e-01 : f32
      %mul3A_569 = vector.broadcast %mul3A_568 : f32 to vector<16xf32>
      %mul3A_570 = arith.mulf %mul3A_569, %get3A_559 : vector<16xf32>
      %mul3A_571 = arith.mulf %mul3A_570, %bitcast_convert_type3A_567 : vector<16xf32>
      %mul3A_572 = arith.mulf %mul3A_571, %bitcast_convert_type3A_567 : vector<16xf32>
      %sub3A_573 = arith.constant 1.500000e+00 : f32
      %sub3A_574 = vector.broadcast %sub3A_573 : f32 to vector<16xf32>
      %sub3A_575 = arith.subf %sub3A_574, %mul3A_572 : vector<16xf32>
      %mul3A_576 = arith.mulf %bitcast_convert_type3A_567, %sub3A_575 : vector<16xf32>
      %mul3A_577 = arith.mulf %mul3A_570, %mul3A_576 : vector<16xf32>
      %mul3A_578 = arith.mulf %mul3A_577, %mul3A_576 : vector<16xf32>
      %sub3A_579 = arith.constant 1.500000e+00 : f32
      %sub3A_580 = vector.broadcast %sub3A_579 : f32 to vector<16xf32>
      %sub3A_581 = arith.subf %sub3A_580, %mul3A_578 : vector<16xf32>
      %mul3A_582 = arith.mulf %mul3A_576, %sub3A_581 : vector<16xf32>
      %mul3A_583 = arith.mulf %get3A_559, %mul3A_582 : vector<16xf32>
      %add3A_584 = arith.addf %mul3A_583, %mul3A_583 : vector<16xf32>
      %mul3A_585 = arith.constant 5.000000e-01 : f32
      %mul3A_586 = vector.broadcast %mul3A_585 : f32 to vector<16xf32>
      %mul3A_587 = arith.mulf %mul3A_586, %get3A_559 : vector<16xf32>
      %select_n3A_588 = arith.select %eq3A_169, %add3A_584, %mul3A_587 : vector<16xi1>, vector<16xf32>
      %swap3A_589 = arith.index_cast %add3A_557 : i32 to index
      %swap3A_590 = tpu.vector_load %arg11[%swap3A_589] {strides = array<i32>} : memref<8192xf32, #tpu.memory_space<vmem>>, vector<16xf32>,
      tpu.vector_store %arg11[%swap3A_589], %select_n3A_588 {strides = array<i32>} : memref<8192xf32, #tpu.memory_space<vmem>>, vector<16xf32>,
      %mul3A_591 = arith.constant 256 : i32
      %mul3A_592 = arith.muli %mul3A_591, %while3A_185 : i32
      %add3A_593 = arith.constant 176 : i32
      %add3A_594 = arith.addi %mul3A_592, %add3A_593 : i32
      %get3A_595 = arith.index_cast %add3A_594 : i32 to index
      %get3A_596 = tpu.vector_load %arg11[%get3A_595] {strides = array<i32>} : memref<8192xf32, #tpu.memory_space<vmem>>, vector<16xf32>,
      %bitcast_convert_type3A_597 = tpu.bitcast %get3A_596 : vector<16xf32> -> vector<16xi32>
      %shift_right_arithmetic3A_598 = arith.constant 1 : i32
      %shift_right_arithmetic3A_599 = vector.broadcast %shift_right_arithmetic3A_598 : i32 to vector<16xi32>
      %shift_right_arithmetic3A_600 = arith.shrsi %bitcast_convert_type3A_597, %shift_right_arithmetic3A_599 : vector<16xi32>
      %sub3A_601 = arith.constant 1597463007 : i32
      %sub3A_602 = vector.broadcast %sub3A_601 : i32 to vector<16xi32>
      %sub3A_603 = arith.subi %sub3A_602, %shift_right_arithmetic3A_600 : vector<16xi32>
      %bitcast_convert_type3A_604 = tpu.bitcast %sub3A_603 : vector<16xi32> -> vector<16xf32>
      %mul3A_605 = arith.constant 5.000000e-01 : f32
      %mul3A_606 = vector.broadcast %mul3A_605 : f32 to vector<16xf32>
      %mul3A_607 = arith.mulf %mul3A_606, %get3A_596 : vector<16xf32>
      %mul3A_608 = arith.mulf %mul3A_607, %bitcast_convert_type3A_604 : vector<16xf32>
      %mul3A_609 = arith.mulf %mul3A_608, %bitcast_convert_type3A_604 : vector<16xf32>
      %sub3A_610 = arith.constant 1.500000e+00 : f32
      %sub3A_611 = vector.broadcast %sub3A_610 : f32 to vector<16xf32>
      %sub3A_612 = arith.subf %sub3A_611, %mul3A_609 : vector<16xf32>
      %mul3A_613 = arith.mulf %bitcast_convert_type3A_604, %sub3A_612 : vector<16xf32>
      %mul3A_614 = arith.mulf %mul3A_607, %mul3A_613 : vector<16xf32>
      %mul3A_615 = arith.mulf %mul3A_614, %mul3A_613 : vector<16xf32>
      %sub3A_616 = arith.constant 1.500000e+00 : f32
      %sub3A_617 = vector.broadcast %sub3A_616 : f32 to vector<16xf32>
      %sub3A_618 = arith.subf %sub3A_617, %mul3A_615 : vector<16xf32>
      %mul3A_619 = arith.mulf %mul3A_613, %sub3A_618 : vector<16xf32>
      %mul3A_620 = arith.mulf %get3A_596, %mul3A_619 : vector<16xf32>
      %add3A_621 = arith.addf %mul3A_620, %mul3A_620 : vector<16xf32>
      %mul3A_622 = arith.constant 5.000000e-01 : f32
      %mul3A_623 = vector.broadcast %mul3A_622 : f32 to vector<16xf32>
      %mul3A_624 = arith.mulf %mul3A_623, %get3A_596 : vector<16xf32>
      %select_n3A_625 = arith.select %eq3A_169, %add3A_621, %mul3A_624 : vector<16xi1>, vector<16xf32>
      %swap3A_626 = arith.index_cast %add3A_594 : i32 to index
      %swap3A_627 = tpu.vector_load %arg11[%swap3A_626] {strides = array<i32>} : memref<8192xf32, #tpu.memory_space<vmem>>, vector<16xf32>,
      tpu.vector_store %arg11[%swap3A_626], %select_n3A_625 {strides = array<i32>} : memref<8192xf32, #tpu.memory_space<vmem>>, vector<16xf32>,
      %mul3A_628 = arith.constant 256 : i32
      %mul3A_629 = arith.muli %mul3A_628, %while3A_185 : i32
      %add3A_630 = arith.constant 192 : i32
      %add3A_631 = arith.addi %mul3A_629, %add3A_630 : i32
      %get3A_632 = arith.index_cast %add3A_631 : i32 to index
      %get3A_633 = tpu.vector_load %arg11[%get3A_632] {strides = array<i32>} : memref<8192xf32, #tpu.memory_space<vmem>>, vector<16xf32>,
      %bitcast_convert_type3A_634 = tpu.bitcast %get3A_633 : vector<16xf32> -> vector<16xi32>
      %shift_right_arithmetic3A_635 = arith.constant 1 : i32
      %shift_right_arithmetic3A_636 = vector.broadcast %shift_right_arithmetic3A_635 : i32 to vector<16xi32>
      %shift_right_arithmetic3A_637 = arith.shrsi %bitcast_convert_type3A_634, %shift_right_arithmetic3A_636 : vector<16xi32>
      %sub3A_638 = arith.constant 1597463007 : i32
      %sub3A_639 = vector.broadcast %sub3A_638 : i32 to vector<16xi32>
      %sub3A_640 = arith.subi %sub3A_639, %shift_right_arithmetic3A_637 : vector<16xi32>
      %bitcast_convert_type3A_641 = tpu.bitcast %sub3A_640 : vector<16xi32> -> vector<16xf32>
      %mul3A_642 = arith.constant 5.000000e-01 : f32
      %mul3A_643 = vector.broadcast %mul3A_642 : f32 to vector<16xf32>
      %mul3A_644 = arith.mulf %mul3A_643, %get3A_633 : vector<16xf32>
      %mul3A_645 = arith.mulf %mul3A_644, %bitcast_convert_type3A_641 : vector<16xf32>
      %mul3A_646 = arith.mulf %mul3A_645, %bitcast_convert_type3A_641 : vector<16xf32>
      %sub3A_647 = arith.constant 1.500000e+00 : f32
      %sub3A_648 = vector.broadcast %sub3A_647 : f32 to vector<16xf32>
      %sub3A_649 = arith.subf %sub3A_648, %mul3A_646 : vector<16xf32>
      %mul3A_650 = arith.mulf %bitcast_convert_type3A_641, %sub3A_649 : vector<16xf32>
      %mul3A_651 = arith.mulf %mul3A_644, %mul3A_650 : vector<16xf32>
      %mul3A_652 = arith.mulf %mul3A_651, %mul3A_650 : vector<16xf32>
      %sub3A_653 = arith.constant 1.500000e+00 : f32
      %sub3A_654 = vector.broadcast %sub3A_653 : f32 to vector<16xf32>
      %sub3A_655 = arith.subf %sub3A_654, %mul3A_652 : vector<16xf32>
      %mul3A_656 = arith.mulf %mul3A_650, %sub3A_655 : vector<16xf32>
      %mul3A_657 = arith.mulf %get3A_633, %mul3A_656 : vector<16xf32>
      %add3A_658 = arith.addf %mul3A_657, %mul3A_657 : vector<16xf32>
      %mul3A_659 = arith.constant 5.000000e-01 : f32
      %mul3A_660 = vector.broadcast %mul3A_659 : f32 to vector<16xf32>
      %mul3A_661 = arith.mulf %mul3A_660, %get3A_633 : vector<16xf32>
      %select_n3A_662 = arith.select %eq3A_169, %add3A_658, %mul3A_661 : vector<16xi1>, vector<16xf32>
      %swap3A_663 = arith.index_cast %add3A_631 : i32 to index
      %swap3A_664 = tpu.vector_load %arg11[%swap3A_663] {strides = array<i32>} : memref<8192xf32, #tpu.memory_space<vmem>>, vector<16xf32>,
      tpu.vector_store %arg11[%swap3A_663], %select_n3A_662 {strides = array<i32>} : memref<8192xf32, #tpu.memory_space<vmem>>, vector<16xf32>,
      %mul3A_665 = arith.constant 256 : i32
      %mul3A_666 = arith.muli %mul3A_665, %while3A_185 : i32
      %add3A_667 = arith.constant 208 : i32
      %add3A_668 = arith.addi %mul3A_666, %add3A_667 : i32
      %get3A_669 = arith.index_cast %add3A_668 : i32 to index
      %get3A_670 = tpu.vector_load %arg11[%get3A_669] {strides = array<i32>} : memref<8192xf32, #tpu.memory_space<vmem>>, vector<16xf32>,
      %bitcast_convert_type3A_671 = tpu.bitcast %get3A_670 : vector<16xf32> -> vector<16xi32>
      %shift_right_arithmetic3A_672 = arith.constant 1 : i32
      %shift_right_arithmetic3A_673 = vector.broadcast %shift_right_arithmetic3A_672 : i32 to vector<16xi32>
      %shift_right_arithmetic3A_674 = arith.shrsi %bitcast_convert_type3A_671, %shift_right_arithmetic3A_673 : vector<16xi32>
      %sub3A_675 = arith.constant 1597463007 : i32
      %sub3A_676 = vector.broadcast %sub3A_675 : i32 to vector<16xi32>
      %sub3A_677 = arith.subi %sub3A_676, %shift_right_arithmetic3A_674 : vector<16xi32>
      %bitcast_convert_type3A_678 = tpu.bitcast %sub3A_677 : vector<16xi32> -> vector<16xf32>
      %mul3A_679 = arith.constant 5.000000e-01 : f32
      %mul3A_680 = vector.broadcast %mul3A_679 : f32 to vector<16xf32>
      %mul3A_681 = arith.mulf %mul3A_680, %get3A_670 : vector<16xf32>
      %mul3A_682 = arith.mulf %mul3A_681, %bitcast_convert_type3A_678 : vector<16xf32>
      %mul3A_683 = arith.mulf %mul3A_682, %bitcast_convert_type3A_678 : vector<16xf32>
      %sub3A_684 = arith.constant 1.500000e+00 : f32
      %sub3A_685 = vector.broadcast %sub3A_684 : f32 to vector<16xf32>
      %sub3A_686 = arith.subf %sub3A_685, %mul3A_683 : vector<16xf32>
      %mul3A_687 = arith.mulf %bitcast_convert_type3A_678, %sub3A_686 : vector<16xf32>
      %mul3A_688 = arith.mulf %mul3A_681, %mul3A_687 : vector<16xf32>
      %mul3A_689 = arith.mulf %mul3A_688, %mul3A_687 : vector<16xf32>
      %sub3A_690 = arith.constant 1.500000e+00 : f32
      %sub3A_691 = vector.broadcast %sub3A_690 : f32 to vector<16xf32>
      %sub3A_692 = arith.subf %sub3A_691, %mul3A_689 : vector<16xf32>
      %mul3A_693 = arith.mulf %mul3A_687, %sub3A_692 : vector<16xf32>
      %mul3A_694 = arith.mulf %get3A_670, %mul3A_693 : vector<16xf32>
      %add3A_695 = arith.addf %mul3A_694, %mul3A_694 : vector<16xf32>
      %mul3A_696 = arith.constant 5.000000e-01 : f32
      %mul3A_697 = vector.broadcast %mul3A_696 : f32 to vector<16xf32>
      %mul3A_698 = arith.mulf %mul3A_697, %get3A_670 : vector<16xf32>
      %select_n3A_699 = arith.select %eq3A_169, %add3A_695, %mul3A_698 : vector<16xi1>, vector<16xf32>
      %swap3A_700 = arith.index_cast %add3A_668 : i32 to index
      %swap3A_701 = tpu.vector_load %arg11[%swap3A_700] {strides = array<i32>} : memref<8192xf32, #tpu.memory_space<vmem>>, vector<16xf32>,
      tpu.vector_store %arg11[%swap3A_700], %select_n3A_699 {strides = array<i32>} : memref<8192xf32, #tpu.memory_space<vmem>>, vector<16xf32>,
      %mul3A_702 = arith.constant 256 : i32
      %mul3A_703 = arith.muli %mul3A_702, %while3A_185 : i32
      %add3A_704 = arith.constant 224 : i32
      %add3A_705 = arith.addi %mul3A_703, %add3A_704 : i32
      %get3A_706 = arith.index_cast %add3A_705 : i32 to index
      %get3A_707 = tpu.vector_load %arg11[%get3A_706] {strides = array<i32>} : memref<8192xf32, #tpu.memory_space<vmem>>, vector<16xf32>,
      %bitcast_convert_type3A_708 = tpu.bitcast %get3A_707 : vector<16xf32> -> vector<16xi32>
      %shift_right_arithmetic3A_709 = arith.constant 1 : i32
      %shift_right_arithmetic3A_710 = vector.broadcast %shift_right_arithmetic3A_709 : i32 to vector<16xi32>
      %shift_right_arithmetic3A_711 = arith.shrsi %bitcast_convert_type3A_708, %shift_right_arithmetic3A_710 : vector<16xi32>
      %sub3A_712 = arith.constant 1597463007 : i32
      %sub3A_713 = vector.broadcast %sub3A_712 : i32 to vector<16xi32>
      %sub3A_714 = arith.subi %sub3A_713, %shift_right_arithmetic3A_711 : vector<16xi32>
      %bitcast_convert_type3A_715 = tpu.bitcast %sub3A_714 : vector<16xi32> -> vector<16xf32>
      %mul3A_716 = arith.constant 5.000000e-01 : f32
      %mul3A_717 = vector.broadcast %mul3A_716 : f32 to vector<16xf32>
      %mul3A_718 = arith.mulf %mul3A_717, %get3A_707 : vector<16xf32>
      %mul3A_719 = arith.mulf %mul3A_718, %bitcast_convert_type3A_715 : vector<16xf32>
      %mul3A_720 = arith.mulf %mul3A_719, %bitcast_convert_type3A_715 : vector<16xf32>
      %sub3A_721 = arith.constant 1.500000e+00 : f32
      %sub3A_722 = vector.broadcast %sub3A_721 : f32 to vector<16xf32>
      %sub3A_723 = arith.subf %sub3A_722, %mul3A_720 : vector<16xf32>
      %mul3A_724 = arith.mulf %bitcast_convert_type3A_715, %sub3A_723 : vector<16xf32>
      %mul3A_725 = arith.mulf %mul3A_718, %mul3A_724 : vector<16xf32>
      %mul3A_726 = arith.mulf %mul3A_725, %mul3A_724 : vector<16xf32>
      %sub3A_727 = arith.constant 1.500000e+00 : f32
      %sub3A_728 = vector.broadcast %sub3A_727 : f32 to vector<16xf32>
      %sub3A_729 = arith.subf %sub3A_728, %mul3A_726 : vector<16xf32>
      %mul3A_730 = arith.mulf %mul3A_724, %sub3A_729 : vector<16xf32>
      %mul3A_731 = arith.mulf %get3A_707, %mul3A_730 : vector<16xf32>
      %add3A_732 = arith.addf %mul3A_731, %mul3A_731 : vector<16xf32>
      %mul3A_733 = arith.constant 5.000000e-01 : f32
      %mul3A_734 = vector.broadcast %mul3A_733 : f32 to vector<16xf32>
      %mul3A_735 = arith.mulf %mul3A_734, %get3A_707 : vector<16xf32>
      %select_n3A_736 = arith.select %eq3A_169, %add3A_732, %mul3A_735 : vector<16xi1>, vector<16xf32>
      %swap3A_737 = arith.index_cast %add3A_705 : i32 to index
      %swap3A_738 = tpu.vector_load %arg11[%swap3A_737] {strides = array<i32>} : memref<8192xf32, #tpu.memory_space<vmem>>, vector<16xf32>,
      tpu.vector_store %arg11[%swap3A_737], %select_n3A_736 {strides = array<i32>} : memref<8192xf32, #tpu.memory_space<vmem>>, vector<16xf32>,
      %mul3A_739 = arith.constant 256 : i32
      %mul3A_740 = arith.muli %mul3A_739, %while3A_185 : i32
      %add3A_741 = arith.constant 240 : i32
      %add3A_742 = arith.addi %mul3A_740, %add3A_741 : i32
      %get3A_743 = arith.index_cast %add3A_742 : i32 to index
      %get3A_744 = tpu.vector_load %arg11[%get3A_743] {strides = array<i32>} : memref<8192xf32, #tpu.memory_space<vmem>>, vector<16xf32>,
      %bitcast_convert_type3A_745 = tpu.bitcast %get3A_744 : vector<16xf32> -> vector<16xi32>
      %shift_right_arithmetic3A_746 = arith.constant 1 : i32
      %shift_right_arithmetic3A_747 = vector.broadcast %shift_right_arithmetic3A_746 : i32 to vector<16xi32>
      %shift_right_arithmetic3A_748 = arith.shrsi %bitcast_convert_type3A_745, %shift_right_arithmetic3A_747 : vector<16xi32>
      %sub3A_749 = arith.constant 1597463007 : i32
      %sub3A_750 = vector.broadcast %sub3A_749 : i32 to vector<16xi32>
      %sub3A_751 = arith.subi %sub3A_750, %shift_right_arithmetic3A_748 : vector<16xi32>
      %bitcast_convert_type3A_752 = tpu.bitcast %sub3A_751 : vector<16xi32> -> vector<16xf32>
      %mul3A_753 = arith.constant 5.000000e-01 : f32
      %mul3A_754 = vector.broadcast %mul3A_753 : f32 to vector<16xf32>
      %mul3A_755 = arith.mulf %mul3A_754, %get3A_744 : vector<16xf32>
      %mul3A_756 = arith.mulf %mul3A_755, %bitcast_convert_type3A_752 : vector<16xf32>
      %mul3A_757 = arith.mulf %mul3A_756, %bitcast_convert_type3A_752 : vector<16xf32>
      %sub3A_758 = arith.constant 1.500000e+00 : f32
      %sub3A_759 = vector.broadcast %sub3A_758 : f32 to vector<16xf32>
      %sub3A_760 = arith.subf %sub3A_759, %mul3A_757 : vector<16xf32>
      %mul3A_761 = arith.mulf %bitcast_convert_type3A_752, %sub3A_760 : vector<16xf32>
      %mul3A_762 = arith.mulf %mul3A_755, %mul3A_761 : vector<16xf32>
      %mul3A_763 = arith.mulf %mul3A_762, %mul3A_761 : vector<16xf32>
      %sub3A_764 = arith.constant 1.500000e+00 : f32
      %sub3A_765 = vector.broadcast %sub3A_764 : f32 to vector<16xf32>
      %sub3A_766 = arith.subf %sub3A_765, %mul3A_763 : vector<16xf32>
      %mul3A_767 = arith.mulf %mul3A_761, %sub3A_766 : vector<16xf32>
      %mul3A_768 = arith.mulf %get3A_744, %mul3A_767 : vector<16xf32>
      %add3A_769 = arith.addf %mul3A_768, %mul3A_768 : vector<16xf32>
      %mul3A_770 = arith.constant 5.000000e-01 : f32
      %mul3A_771 = vector.broadcast %mul3A_770 : f32 to vector<16xf32>
      %mul3A_772 = arith.mulf %mul3A_771, %get3A_744 : vector<16xf32>
      %select_n3A_773 = arith.select %eq3A_169, %add3A_769, %mul3A_772 : vector<16xi1>, vector<16xf32>
      %swap3A_774 = arith.index_cast %add3A_742 : i32 to index
      %swap3A_775 = tpu.vector_load %arg11[%swap3A_774] {strides = array<i32>} : memref<8192xf32, #tpu.memory_space<vmem>>, vector<16xf32>,
      tpu.vector_store %arg11[%swap3A_774], %select_n3A_773 {strides = array<i32>} : memref<8192xf32, #tpu.memory_space<vmem>>, vector<16xf32>,
    }
    %scan3A = arith.constant 0 : i32
    %scan3A_180 = arith.constant 0 : i32
    %scan3A_181 = arith.constant 8 : i32
    %scan3A_182 = arith.addi %scan3A_180, %scan3A_181 : i32
    %scan3A_183 = arith.constant 1 : i32
    scf.for %scan3A_185 = %scan3A_180 to %scan3A_182 step %scan3A_183  : i32 {
      %mul3A_186 = arith.constant 16 : i32
      %mul3A_187 = arith.muli %scan3A_185, %mul3A_186 : i32
      %add3A_188 = arith.addi %mul3A_187, %mul3A_187 : i32
      %add3A_189 = arith.addi %add3A_188, %mul3A_187 : i32
      %add3A_190 = arith.addi %iota3A, %iota3A : vector<16xi32>
      %add3A_191 = arith.addi %add3A_190, %iota3A : vector<16xi32>
      %add3A_192 = vector.broadcast %add3A_189 : i32 to vector<16xi32>
      %add3A_193 = arith.addi %add3A_192, %add3A_191 : vector<16xi32>
      %add3A_194 = arith.addi %mul3A_187, %mul3A_187 : i32
      %add3A_195 = arith.addi %iota3A, %iota3A : vector<16xi32>
      %add3A_196 = vector.broadcast %add3A_194 : i32 to vector<16xi32>
      %add3A_197 = arith.addi %add3A_196, %add3A_195 : vector<16xi32>
      %gather3A_198 = tpu.vector_load_idx %arg9[%add3A_193] : memref<12288xf32, #tpu.memory_space<vmem>>[vector<16xi32>], vector<16xf32>,
      %add3A_199 = arith.constant 1 : i32
      %add3A_200 = vector.broadcast %add3A_199 : i32 to vector<16xi32>
      %add3A_201 = arith.addi %add3A_193, %add3A_200 : vector<16xi32>
      %gather3A_202 = tpu.vector_load_idx %arg9[%add3A_201] : memref<12288xf32, #tpu.memory_space<vmem>>[vector<16xi32>], vector<16xf32>,
      %add3A_203 = arith.constant 2 : i32
      %add3A_204 = vector.broadcast %add3A_203 : i32 to vector<16xi32>
      %add3A_205 = arith.addi %add3A_193, %add3A_204 : vector<16xi32>
      %gather3A_206 = tpu.vector_load_idx %arg9[%add3A_205] : memref<12288xf32, #tpu.memory_space<vmem>>[vector<16xi32>], vector<16xf32>,
      %get3A = arith.index_cast %mul3A_187 : i32 to index
      %get3A_207 = tpu.vector_load %arg10[%get3A] {strides = array<i32>} : memref<4096xf32, #tpu.memory_space<vmem>>, vector<16xf32>,
      %gather3A_208 = tpu.vector_load_idx %arg11[%add3A_197] : memref<8192xf32, #tpu.memory_space<vmem>>[vector<16xi32>], vector<16xf32>,
      %add3A_209 = arith.constant 1 : i32
      %add3A_210 = vector.broadcast %add3A_209 : i32 to vector<16xi32>
      %add3A_211 = arith.addi %add3A_197, %add3A_210 : vector<16xi32>
      %gather3A_212 = tpu.vector_load_idx %arg11[%add3A_211] : memref<8192xf32, #tpu.memory_space<vmem>>[vector<16xi32>], vector<16xf32>,
      %add3A_213 = arith.addi %mul3A_2, %mul3A_187 : i32
      %get3A_214 = arith.index_cast %add3A_213 : i32 to index
      %get3A_215 = tpu.vector_load %arg8[%get3A_214] {strides = array<i32>} : memref<4096xi32, #tpu.memory_space<vmem>>, vector<16xi32>,
      %get3A_216 = arith.index_cast %mul3A_187 : i32 to index
      %get3A_217 = tpu.vector_load %arg12[%get3A_216] {strides = array<i32>} : memref<4096xi32, #tpu.memory_space<vmem>>, vector<16xi32>,
      %broadcast_in_dim3A_218 = vector.broadcast %scan3A_185 : i32 to vector<16xi32>
      %gather3A_219 = tpu.vector_load_idx %arg14[%broadcast_in_dim3A_218] : memref<16xi32, #tpu.memory_space<vmem>>[vector<16xi32>], vector<16xi32>,
      %reduce_max3A_220 = arith.constant true
      %reduce_max3A_221 = vector.broadcast %reduce_max3A_220 : i1 to vector<16xi1>
      %reduce_max3A_222 = arith.constant -2147483648 : i32
      %reduce_max3A_223 = vector.broadcast %reduce_max3A_222 : i32 to vector<16xi32>
      %reduce_max3A_224 = arith.xori %gather3A_219, %reduce_max3A_223 : vector<16xi32>
      %reduce_max3A_225 = tpu.scan <max>, %reduce_max3A_224 masked %reduce_max3A_221 : vector<16xi32>, vector<16xi1> -> vector<16xi32>
      %reduce_max3A_226 = arith.xori %reduce_max3A_225, %reduce_max3A_223 : vector<16xi32>
      %reduce_max3A_227 = vector.extract %reduce_max3A_226[15] : i32 from vector<16xi32>
      %mul3A_228 = arith.constant 8 : i32
      %mul3A_229 = arith.muli %add3A, %mul3A_228 : i32
      %add3A_230 = arith.addi %mul3A_229, %scan3A_185 : i32
      %while3A_231 = arith.subi %reduce_max3A_227, %add3A_230 : i32
      %while3A_232 = arith.addi %add3A_230, %while3A_231 : i32
      %while3A_233 = arith.constant 1 : i32
      %while3A_234 = arith.divsi %while3A_231, %while3A_233 : i32
      %while3A_235 = arith.muli %while3A_234, %while3A_233 : i32
      %while3A_236 = arith.addi %add3A_230, %while3A_235 : i32
      %while3A_237 = arith.constant 1 : i32
      %while3A_238 = scf.for %while3A_289 = %add3A_230 to %while3A_236 step %while3A_237 iter_args(%while3A_290 = %broadcast_in_dim3A_3) -> (vector<16xf32>)  : i32 {
        %mul3A_291 = arith.constant 16 : i32
        %mul3A_292 = arith.muli %while3A_289, %mul3A_291 : i32
        %sub3A_293 = arith.subi %mul3A_292, %mul3A_2 : i32
        %mul3A_294 = arith.constant 3 : i32
        %mul3A_295 = arith.muli %mul3A_294, %sub3A_293 : i32
        %add3A_296 = arith.constant 0 : i32
        %add3A_297 = arith.addi %mul3A_295, %add3A_296 : i32
        %broadcast_in_dim3A_298 = vector.broadcast %add3A_297 : i32 to vector<16xi32>
        %mul3A_299 = arith.constant 2 : i32
        %mul3A_300 = arith.muli %mul3A_299, %sub3A_293 : i32
        %add3A_301 = arith.constant 0 : i32
        %add3A_302 = arith.addi %mul3A_300, %add3A_301 : i32
        %broadcast_in_dim3A_303 = vector.broadcast %add3A_302 : i32 to vector<16xi32>
        %add3A_304 = arith.constant 0 : i32
        %add3A_305 = arith.addi %sub3A_293, %add3A_304 : i32
        %broadcast_in_dim3A_306 = vector.broadcast %add3A_305 : i32 to vector<16xi32>
        %add3A_307 = arith.constant 0 : i32
        %add3A_308 = arith.addi %mul3A_292, %add3A_307 : i32
        %broadcast_in_dim3A_309 = vector.broadcast %add3A_308 : i32 to vector<16xi32>
        %gather3A_310 = tpu.vector_load_idx %arg9[%broadcast_in_dim3A_298] : memref<12288xf32, #tpu.memory_space<vmem>>[vector<16xi32>], vector<16xf32>,
        %add3A_311 = arith.constant 1 : i32
        %add3A_312 = vector.broadcast %add3A_311 : i32 to vector<16xi32>
        %add3A_313 = arith.addi %broadcast_in_dim3A_298, %add3A_312 : vector<16xi32>
        %gather3A_314 = tpu.vector_load_idx %arg9[%add3A_313] : memref<12288xf32, #tpu.memory_space<vmem>>[vector<16xi32>], vector<16xf32>,
        %add3A_315 = arith.constant 2 : i32
        %add3A_316 = vector.broadcast %add3A_315 : i32 to vector<16xi32>
        %add3A_317 = arith.addi %broadcast_in_dim3A_298, %add3A_316 : vector<16xi32>
        %gather3A_318 = tpu.vector_load_idx %arg9[%add3A_317] : memref<12288xf32, #tpu.memory_space<vmem>>[vector<16xi32>], vector<16xf32>,
        %gather3A_319 = tpu.vector_load_idx %arg10[%broadcast_in_dim3A_306] : memref<4096xf32, #tpu.memory_space<vmem>>[vector<16xi32>], vector<16xf32>,
        %gather3A_320 = tpu.vector_load_idx %arg11[%broadcast_in_dim3A_303] : memref<8192xf32, #tpu.memory_space<vmem>>[vector<16xi32>], vector<16xf32>,
        %add3A_321 = arith.constant 1 : i32
        %add3A_322 = vector.broadcast %add3A_321 : i32 to vector<16xi32>
        %add3A_323 = arith.addi %broadcast_in_dim3A_303, %add3A_322 : vector<16xi32>
        %gather3A_324 = tpu.vector_load_idx %arg11[%add3A_323] : memref<8192xf32, #tpu.memory_space<vmem>>[vector<16xi32>], vector<16xf32>,
        %gather3A_325 = tpu.vector_load_idx %arg8[%broadcast_in_dim3A_309] : memref<4096xi32, #tpu.memory_space<vmem>>[vector<16xi32>], vector<16xi32>,
        %gather3A_326 = tpu.vector_load_idx %arg12[%broadcast_in_dim3A_306] : memref<4096xi32, #tpu.memory_space<vmem>>[vector<16xi32>], vector<16xi32>,
        %sub3A_327 = arith.subf %gather3A_198, %gather3A_310 : vector<16xf32>
        %sub3A_328 = arith.subf %gather3A_202, %gather3A_314 : vector<16xf32>
        %sub3A_329 = arith.subf %gather3A_206, %gather3A_318 : vector<16xf32>
        %mul3A_330 = arith.mulf %sub3A_327, %sub3A_327 : vector<16xf32>
        %mul3A_331 = arith.mulf %sub3A_328, %sub3A_328 : vector<16xf32>
        %add3A_332 = arith.addf %mul3A_330, %mul3A_331 : vector<16xf32>
        %mul3A_333 = arith.mulf %sub3A_329, %sub3A_329 : vector<16xf32>
        %add3A_334 = arith.addf %add3A_332, %mul3A_333 : vector<16xf32>
        %bitcast_convert_type3A = tpu.bitcast %add3A_334 : vector<16xf32> -> vector<16xi32>
        %shift_right_arithmetic3A_335 = arith.constant 1 : i32
        %shift_right_arithmetic3A_336 = vector.broadcast %shift_right_arithmetic3A_335 : i32 to vector<16xi32>
        %shift_right_arithmetic3A_337 = arith.shrsi %bitcast_convert_type3A, %shift_right_arithmetic3A_336 : vector<16xi32>
        %sub3A_338 = arith.constant 1597463007 : i32
        %sub3A_339 = vector.broadcast %sub3A_338 : i32 to vector<16xi32>
        %sub3A_340 = arith.subi %sub3A_339, %shift_right_arithmetic3A_337 : vector<16xi32>
        %bitcast_convert_type3A_341 = tpu.bitcast %sub3A_340 : vector<16xi32> -> vector<16xf32>
        %mul3A_342 = arith.constant 5.000000e-01 : f32
        %mul3A_343 = vector.broadcast %mul3A_342 : f32 to vector<16xf32>
        %mul3A_344 = arith.mulf %mul3A_343, %add3A_334 : vector<16xf32>
        %mul3A_345 = arith.mulf %mul3A_344, %bitcast_convert_type3A_341 : vector<16xf32>
        %mul3A_346 = arith.mulf %mul3A_345, %bitcast_convert_type3A_341 : vector<16xf32>
        %sub3A_347 = arith.constant 1.500000e+00 : f32
        %sub3A_348 = vector.broadcast %sub3A_347 : f32 to vector<16xf32>
        %sub3A_349 = arith.subf %sub3A_348, %mul3A_346 : vector<16xf32>
        %mul3A_350 = arith.mulf %bitcast_convert_type3A_341, %sub3A_349 : vector<16xf32>
        %mul3A_351 = arith.mulf %mul3A_344, %mul3A_350 : vector<16xf32>
        %mul3A_352 = arith.mulf %mul3A_351, %mul3A_350 : vector<16xf32>
        %sub3A_353 = arith.constant 1.500000e+00 : f32
        %sub3A_354 = vector.broadcast %sub3A_353 : f32 to vector<16xf32>
        %sub3A_355 = arith.subf %sub3A_354, %mul3A_352 : vector<16xf32>
        %mul3A_356 = arith.mulf %mul3A_350, %sub3A_355 : vector<16xf32>
        %mul3A_357 = arith.mulf %get3A_207, %gather3A_319 : vector<16xf32>
        %mul3A_358 = arith.mulf %mul3A_357, %mul3A_356 : vector<16xf32>
        %add3A_359 = arith.addf %gather3A_208, %gather3A_320 : vector<16xf32>
        %mul3A_360 = arith.mulf %add3A_359, %mul3A_356 : vector<16xf32>
        %mul3A_361 = arith.mulf %mul3A_360, %mul3A_360 : vector<16xf32>
        %mul3A_362 = arith.mulf %mul3A_361, %mul3A_361 : vector<16xf32>
        %mul3A_363 = arith.mulf %mul3A_362, %mul3A_361 : vector<16xf32>
        %mul3A_364 = arith.mulf %gather3A_212, %gather3A_324 : vector<16xf32>
        %mul3A_365 = arith.mulf %mul3A_364, %mul3A_363 : vector<16xf32>
        %sub3A_366 = arith.constant 1.000000e+00 : f32
        %sub3A_367 = vector.broadcast %sub3A_366 : f32 to vector<16xf32>
        %sub3A_368 = arith.subf %mul3A_363, %sub3A_367 : vector<16xf32>
        %mul3A_369 = arith.mulf %mul3A_365, %sub3A_368 : vector<16xf32>
        %eq3A_370 = arith.cmpi eq, %get3A_215, %gather3A_325 : vector<16xi32>
        %ne3A = arith.cmpi ne, %get3A_217, %gather3A_326 : vector<16xi32>
        %and3A_371 = arith.andi %eq3A_370, %ne3A : vector<16xi1>
        %add3A_372 = arith.addf %mul3A_358, %mul3A_369 : vector<16xf32>
        %jit3A = arith.constant 0.000000e+00 : f32
        %broadcast_in_dim3A_373 = vector.broadcast %jit3A : f32 to vector<16xf32>
        %select_n3A_374 = arith.select %and3A_371, %add3A_372, %broadcast_in_dim3A_373 : vector<16xi1>, vector<16xf32>
        %add3A_375 = arith.addf %broadcast_in_dim3A_3, %select_n3A_374 : vector<16xf32>
        %mul3A_376 = arith.constant 3 : i32
        %mul3A_377 = arith.muli %mul3A_376, %sub3A_293 : i32
        %add3A_378 = arith.constant 3 : i32
        %add3A_379 = arith.addi %mul3A_377, %add3A_378 : i32
        %broadcast_in_dim3A_380 = vector.broadcast %add3A_379 : i32 to vector<16xi32>
        %mul3A_381 = arith.constant 2 : i32
        %mul3A_382 = arith.muli %mul3A_381, %sub3A_293 : i32
        %add3A_383 = arith.constant 2 : i32
        %add3A_384 = arith.addi %mul3A_382, %add3A_383 : i32
        %broadcast_in_dim3A_385 = vector.broadcast %add3A_384 : i32 to vector<16xi32>
        %add3A_386 = arith.constant 1 : i32
        %add3A_387 = arith.addi %sub3A_293, %add3A_386 : i32
        %broadcast_in_dim3A_388 = vector.broadcast %add3A_387 : i32 to vector<16xi32>
        %add3A_389 = arith.constant 1 : i32
        %add3A_390 = arith.addi %mul3A_292, %add3A_389 : i32
        %broadcast_in_dim3A_391 = vector.broadcast %add3A_390 : i32 to vector<16xi32>
        %gather3A_392 = tpu.vector_load_idx %arg9[%broadcast_in_dim3A_380] : memref<12288xf32, #tpu.memory_space<vmem>>[vector<16xi32>], vector<16xf32>,
        %add3A_393 = arith.constant 1 : i32
        %add3A_394 = vector.broadcast %add3A_393 : i32 to vector<16xi32>
        %add3A_395 = arith.addi %broadcast_in_dim3A_380, %add3A_394 : vector<16xi32>
        %gather3A_396 = tpu.vector_load_idx %arg9[%add3A_395] : memref<12288xf32, #tpu.memory_space<vmem>>[vector<16xi32>], vector<16xf32>,
        %add3A_397 = arith.constant 2 : i32
        %add3A_398 = vector.broadcast %add3A_397 : i32 to vector<16xi32>
        %add3A_399 = arith.addi %broadcast_in_dim3A_380, %add3A_398 : vector<16xi32>
        %gather3A_400 = tpu.vector_load_idx %arg9[%add3A_399] : memref<12288xf32, #tpu.memory_space<vmem>>[vector<16xi32>], vector<16xf32>,
        %gather3A_401 = tpu.vector_load_idx %arg10[%broadcast_in_dim3A_388] : memref<4096xf32, #tpu.memory_space<vmem>>[vector<16xi32>], vector<16xf32>,
        %gather3A_402 = tpu.vector_load_idx %arg11[%broadcast_in_dim3A_385] : memref<8192xf32, #tpu.memory_space<vmem>>[vector<16xi32>], vector<16xf32>,
        %add3A_403 = arith.constant 1 : i32
        %add3A_404 = vector.broadcast %add3A_403 : i32 to vector<16xi32>
        %add3A_405 = arith.addi %broadcast_in_dim3A_385, %add3A_404 : vector<16xi32>
        %gather3A_406 = tpu.vector_load_idx %arg11[%add3A_405] : memref<8192xf32, #tpu.memory_space<vmem>>[vector<16xi32>], vector<16xf32>,
        %gather3A_407 = tpu.vector_load_idx %arg8[%broadcast_in_dim3A_391] : memref<4096xi32, #tpu.memory_space<vmem>>[vector<16xi32>], vector<16xi32>,
        %gather3A_408 = tpu.vector_load_idx %arg12[%broadcast_in_dim3A_388] : memref<4096xi32, #tpu.memory_space<vmem>>[vector<16xi32>], vector<16xi32>,
        %sub3A_409 = arith.subf %gather3A_198, %gather3A_392 : vector<16xf32>
        %sub3A_410 = arith.subf %gather3A_202, %gather3A_396 : vector<16xf32>
        %sub3A_411 = arith.subf %gather3A_206, %gather3A_400 : vector<16xf32>
        %mul3A_412 = arith.mulf %sub3A_409, %sub3A_409 : vector<16xf32>
        %mul3A_413 = arith.mulf %sub3A_410, %sub3A_410 : vector<16xf32>
        %add3A_414 = arith.addf %mul3A_412, %mul3A_413 : vector<16xf32>
        %mul3A_415 = arith.mulf %sub3A_411, %sub3A_411 : vector<16xf32>
        %add3A_416 = arith.addf %add3A_414, %mul3A_415 : vector<16xf32>
        %bitcast_convert_type3A_417 = tpu.bitcast %add3A_416 : vector<16xf32> -> vector<16xi32>
        %shift_right_arithmetic3A_418 = arith.constant 1 : i32
        %shift_right_arithmetic3A_419 = vector.broadcast %shift_right_arithmetic3A_418 : i32 to vector<16xi32>
        %shift_right_arithmetic3A_420 = arith.shrsi %bitcast_convert_type3A_417, %shift_right_arithmetic3A_419 : vector<16xi32>
        %sub3A_421 = arith.constant 1597463007 : i32
        %sub3A_422 = vector.broadcast %sub3A_421 : i32 to vector<16xi32>
        %sub3A_423 = arith.subi %sub3A_422, %shift_right_arithmetic3A_420 : vector<16xi32>
        %bitcast_convert_type3A_424 = tpu.bitcast %sub3A_423 : vector<16xi32> -> vector<16xf32>
        %mul3A_425 = arith.constant 5.000000e-01 : f32
        %mul3A_426 = vector.broadcast %mul3A_425 : f32 to vector<16xf32>
        %mul3A_427 = arith.mulf %mul3A_426, %add3A_416 : vector<16xf32>
        %mul3A_428 = arith.mulf %mul3A_427, %bitcast_convert_type3A_424 : vector<16xf32>
        %mul3A_429 = arith.mulf %mul3A_428, %bitcast_convert_type3A_424 : vector<16xf32>
        %sub3A_430 = arith.constant 1.500000e+00 : f32
        %sub3A_431 = vector.broadcast %sub3A_430 : f32 to vector<16xf32>
        %sub3A_432 = arith.subf %sub3A_431, %mul3A_429 : vector<16xf32>
        %mul3A_433 = arith.mulf %bitcast_convert_type3A_424, %sub3A_432 : vector<16xf32>
        %mul3A_434 = arith.mulf %mul3A_427, %mul3A_433 : vector<16xf32>
        %mul3A_435 = arith.mulf %mul3A_434, %mul3A_433 : vector<16xf32>
        %sub3A_436 = arith.constant 1.500000e+00 : f32
        %sub3A_437 = vector.broadcast %sub3A_436 : f32 to vector<16xf32>
        %sub3A_438 = arith.subf %sub3A_437, %mul3A_435 : vector<16xf32>
        %mul3A_439 = arith.mulf %mul3A_433, %sub3A_438 : vector<16xf32>
        %mul3A_440 = arith.mulf %get3A_207, %gather3A_401 : vector<16xf32>
        %mul3A_441 = arith.mulf %mul3A_440, %mul3A_439 : vector<16xf32>
        %add3A_442 = arith.addf %gather3A_208, %gather3A_402 : vector<16xf32>
        %mul3A_443 = arith.mulf %add3A_442, %mul3A_439 : vector<16xf32>
        %mul3A_444 = arith.mulf %mul3A_443, %mul3A_443 : vector<16xf32>
        %mul3A_445 = arith.mulf %mul3A_444, %mul3A_444 : vector<16xf32>
        %mul3A_446 = arith.mulf %mul3A_445, %mul3A_444 : vector<16xf32>
        %mul3A_447 = arith.mulf %gather3A_212, %gather3A_406 : vector<16xf32>
        %mul3A_448 = arith.mulf %mul3A_447, %mul3A_446 : vector<16xf32>
        %sub3A_449 = arith.constant 1.000000e+00 : f32
        %sub3A_450 = vector.broadcast %sub3A_449 : f32 to vector<16xf32>
        %sub3A_451 = arith.subf %mul3A_446, %sub3A_450 : vector<16xf32>
        %mul3A_452 = arith.mulf %mul3A_448, %sub3A_451 : vector<16xf32>
        %eq3A_453 = arith.cmpi eq, %get3A_215, %gather3A_407 : vector<16xi32>
        %ne3A_454 = arith.cmpi ne, %get3A_217, %gather3A_408 : vector<16xi32>
        %and3A_455 = arith.andi %eq3A_453, %ne3A_454 : vector<16xi1>
        %add3A_456 = arith.addf %mul3A_441, %mul3A_452 : vector<16xf32>
        %jit3A_457 = arith.constant 0.000000e+00 : f32
        %broadcast_in_dim3A_458 = vector.broadcast %jit3A_457 : f32 to vector<16xf32>
        %select_n3A_459 = arith.select %and3A_455, %add3A_456, %broadcast_in_dim3A_458 : vector<16xi1>, vector<16xf32>
        %add3A_460 = arith.addf %add3A_375, %select_n3A_459 : vector<16xf32>
        %mul3A_461 = arith.constant 3 : i32
        %mul3A_462 = arith.muli %mul3A_461, %sub3A_293 : i32
        %add3A_463 = arith.constant 6 : i32
        %add3A_464 = arith.addi %mul3A_462, %add3A_463 : i32
        %broadcast_in_dim3A_465 = vector.broadcast %add3A_464 : i32 to vector<16xi32>
        %mul3A_466 = arith.constant 2 : i32
        %mul3A_467 = arith.muli %mul3A_466, %sub3A_293 : i32
        %add3A_468 = arith.constant 4 : i32
        %add3A_469 = arith.addi %mul3A_467, %add3A_468 : i32
        %broadcast_in_dim3A_470 = vector.broadcast %add3A_469 : i32 to vector<16xi32>
        %add3A_471 = arith.constant 2 : i32
        %add3A_472 = arith.addi %sub3A_293, %add3A_471 : i32
        %broadcast_in_dim3A_473 = vector.broadcast %add3A_472 : i32 to vector<16xi32>
        %add3A_474 = arith.constant 2 : i32
        %add3A_475 = arith.addi %mul3A_292, %add3A_474 : i32
        %broadcast_in_dim3A_476 = vector.broadcast %add3A_475 : i32 to vector<16xi32>
        %gather3A_477 = tpu.vector_load_idx %arg9[%broadcast_in_dim3A_465] : memref<12288xf32, #tpu.memory_space<vmem>>[vector<16xi32>], vector<16xf32>,
        %add3A_478 = arith.constant 1 : i32
        %add3A_479 = vector.broadcast %add3A_478 : i32 to vector<16xi32>
        %add3A_480 = arith.addi %broadcast_in_dim3A_465, %add3A_479 : vector<16xi32>
        %gather3A_481 = tpu.vector_load_idx %arg9[%add3A_480] : memref<12288xf32, #tpu.memory_space<vmem>>[vector<16xi32>], vector<16xf32>,
        %add3A_482 = arith.constant 2 : i32
        %add3A_483 = vector.broadcast %add3A_482 : i32 to vector<16xi32>
        %add3A_484 = arith.addi %broadcast_in_dim3A_465, %add3A_483 : vector<16xi32>
        %gather3A_485 = tpu.vector_load_idx %arg9[%add3A_484] : memref<12288xf32, #tpu.memory_space<vmem>>[vector<16xi32>], vector<16xf32>,
        %gather3A_486 = tpu.vector_load_idx %arg10[%broadcast_in_dim3A_473] : memref<4096xf32, #tpu.memory_space<vmem>>[vector<16xi32>], vector<16xf32>,
        %gather3A_487 = tpu.vector_load_idx %arg11[%broadcast_in_dim3A_470] : memref<8192xf32, #tpu.memory_space<vmem>>[vector<16xi32>], vector<16xf32>,
        %add3A_488 = arith.constant 1 : i32
        %add3A_489 = vector.broadcast %add3A_488 : i32 to vector<16xi32>
        %add3A_490 = arith.addi %broadcast_in_dim3A_470, %add3A_489 : vector<16xi32>
        %gather3A_491 = tpu.vector_load_idx %arg11[%add3A_490] : memref<8192xf32, #tpu.memory_space<vmem>>[vector<16xi32>], vector<16xf32>,
        %gather3A_492 = tpu.vector_load_idx %arg8[%broadcast_in_dim3A_476] : memref<4096xi32, #tpu.memory_space<vmem>>[vector<16xi32>], vector<16xi32>,
        %gather3A_493 = tpu.vector_load_idx %arg12[%broadcast_in_dim3A_473] : memref<4096xi32, #tpu.memory_space<vmem>>[vector<16xi32>], vector<16xi32>,
        %sub3A_494 = arith.subf %gather3A_198, %gather3A_477 : vector<16xf32>
        %sub3A_495 = arith.subf %gather3A_202, %gather3A_481 : vector<16xf32>
        %sub3A_496 = arith.subf %gather3A_206, %gather3A_485 : vector<16xf32>
        %mul3A_497 = arith.mulf %sub3A_494, %sub3A_494 : vector<16xf32>
        %mul3A_498 = arith.mulf %sub3A_495, %sub3A_495 : vector<16xf32>
        %add3A_499 = arith.addf %mul3A_497, %mul3A_498 : vector<16xf32>
        %mul3A_500 = arith.mulf %sub3A_496, %sub3A_496 : vector<16xf32>
        %add3A_501 = arith.addf %add3A_499, %mul3A_500 : vector<16xf32>
        %bitcast_convert_type3A_502 = tpu.bitcast %add3A_501 : vector<16xf32> -> vector<16xi32>
        %shift_right_arithmetic3A_503 = arith.constant 1 : i32
        %shift_right_arithmetic3A_504 = vector.broadcast %shift_right_arithmetic3A_503 : i32 to vector<16xi32>
        %shift_right_arithmetic3A_505 = arith.shrsi %bitcast_convert_type3A_502, %shift_right_arithmetic3A_504 : vector<16xi32>
        %sub3A_506 = arith.constant 1597463007 : i32
        %sub3A_507 = vector.broadcast %sub3A_506 : i32 to vector<16xi32>
        %sub3A_508 = arith.subi %sub3A_507, %shift_right_arithmetic3A_505 : vector<16xi32>
        %bitcast_convert_type3A_509 = tpu.bitcast %sub3A_508 : vector<16xi32> -> vector<16xf32>
        %mul3A_510 = arith.constant 5.000000e-01 : f32
        %mul3A_511 = vector.broadcast %mul3A_510 : f32 to vector<16xf32>
        %mul3A_512 = arith.mulf %mul3A_511, %add3A_501 : vector<16xf32>
        %mul3A_513 = arith.mulf %mul3A_512, %bitcast_convert_type3A_509 : vector<16xf32>
        %mul3A_514 = arith.mulf %mul3A_513, %bitcast_convert_type3A_509 : vector<16xf32>
        %sub3A_515 = arith.constant 1.500000e+00 : f32
        %sub3A_516 = vector.broadcast %sub3A_515 : f32 to vector<16xf32>
        %sub3A_517 = arith.subf %sub3A_516, %mul3A_514 : vector<16xf32>
        %mul3A_518 = arith.mulf %bitcast_convert_type3A_509, %sub3A_517 : vector<16xf32>
        %mul3A_519 = arith.mulf %mul3A_512, %mul3A_518 : vector<16xf32>
        %mul3A_520 = arith.mulf %mul3A_519, %mul3A_518 : vector<16xf32>
        %sub3A_521 = arith.constant 1.500000e+00 : f32
        %sub3A_522 = vector.broadcast %sub3A_521 : f32 to vector<16xf32>
        %sub3A_523 = arith.subf %sub3A_522, %mul3A_520 : vector<16xf32>
        %mul3A_524 = arith.mulf %mul3A_518, %sub3A_523 : vector<16xf32>
        %mul3A_525 = arith.mulf %get3A_207, %gather3A_486 : vector<16xf32>
        %mul3A_526 = arith.mulf %mul3A_525, %mul3A_524 : vector<16xf32>
        %add3A_527 = arith.addf %gather3A_208, %gather3A_487 : vector<16xf32>
        %mul3A_528 = arith.mulf %add3A_527, %mul3A_524 : vector<16xf32>
        %mul3A_529 = arith.mulf %mul3A_528, %mul3A_528 : vector<16xf32>
        %mul3A_530 = arith.mulf %mul3A_529, %mul3A_529 : vector<16xf32>
        %mul3A_531 = arith.mulf %mul3A_530, %mul3A_529 : vector<16xf32>
        %mul3A_532 = arith.mulf %gather3A_212, %gather3A_491 : vector<16xf32>
        %mul3A_533 = arith.mulf %mul3A_532, %mul3A_531 : vector<16xf32>
        %sub3A_534 = arith.constant 1.000000e+00 : f32
        %sub3A_535 = vector.broadcast %sub3A_534 : f32 to vector<16xf32>
        %sub3A_536 = arith.subf %mul3A_531, %sub3A_535 : vector<16xf32>
        %mul3A_537 = arith.mulf %mul3A_533, %sub3A_536 : vector<16xf32>
        %eq3A_538 = arith.cmpi eq, %get3A_215, %gather3A_492 : vector<16xi32>
        %ne3A_539 = arith.cmpi ne, %get3A_217, %gather3A_493 : vector<16xi32>
        %and3A_540 = arith.andi %eq3A_538, %ne3A_539 : vector<16xi1>
        %add3A_541 = arith.addf %mul3A_526, %mul3A_537 : vector<16xf32>
        %jit3A_542 = arith.constant 0.000000e+00 : f32
        %broadcast_in_dim3A_543 = vector.broadcast %jit3A_542 : f32 to vector<16xf32>
        %select_n3A_544 = arith.select %and3A_540, %add3A_541, %broadcast_in_dim3A_543 : vector<16xi1>, vector<16xf32>
        %add3A_545 = arith.addf %add3A_460, %select_n3A_544 : vector<16xf32>
        %mul3A_546 = arith.constant 3 : i32
        %mul3A_547 = arith.muli %mul3A_546, %sub3A_293 : i32
        %add3A_548 = arith.constant 9 : i32
        %add3A_549 = arith.addi %mul3A_547, %add3A_548 : i32
        %broadcast_in_dim3A_550 = vector.broadcast %add3A_549 : i32 to vector<16xi32>
        %mul3A_551 = arith.constant 2 : i32
        %mul3A_552 = arith.muli %mul3A_551, %sub3A_293 : i32
        %add3A_553 = arith.constant 6 : i32
        %add3A_554 = arith.addi %mul3A_552, %add3A_553 : i32
        %broadcast_in_dim3A_555 = vector.broadcast %add3A_554 : i32 to vector<16xi32>
        %add3A_556 = arith.constant 3 : i32
        %add3A_557 = arith.addi %sub3A_293, %add3A_556 : i32
        %broadcast_in_dim3A_558 = vector.broadcast %add3A_557 : i32 to vector<16xi32>
        %add3A_559 = arith.constant 3 : i32
        %add3A_560 = arith.addi %mul3A_292, %add3A_559 : i32
        %broadcast_in_dim3A_561 = vector.broadcast %add3A_560 : i32 to vector<16xi32>
        %gather3A_562 = tpu.vector_load_idx %arg9[%broadcast_in_dim3A_550] : memref<12288xf32, #tpu.memory_space<vmem>>[vector<16xi32>], vector<16xf32>,
        %add3A_563 = arith.constant 1 : i32
        %add3A_564 = vector.broadcast %add3A_563 : i32 to vector<16xi32>
        %add3A_565 = arith.addi %broadcast_in_dim3A_550, %add3A_564 : vector<16xi32>
        %gather3A_566 = tpu.vector_load_idx %arg9[%add3A_565] : memref<12288xf32, #tpu.memory_space<vmem>>[vector<16xi32>], vector<16xf32>,
        %add3A_567 = arith.constant 2 : i32
        %add3A_568 = vector.broadcast %add3A_567 : i32 to vector<16xi32>
        %add3A_569 = arith.addi %broadcast_in_dim3A_550, %add3A_568 : vector<16xi32>
        %gather3A_570 = tpu.vector_load_idx %arg9[%add3A_569] : memref<12288xf32, #tpu.memory_space<vmem>>[vector<16xi32>], vector<16xf32>,
        %gather3A_571 = tpu.vector_load_idx %arg10[%broadcast_in_dim3A_558] : memref<4096xf32, #tpu.memory_space<vmem>>[vector<16xi32>], vector<16xf32>,
        %gather3A_572 = tpu.vector_load_idx %arg11[%broadcast_in_dim3A_555] : memref<8192xf32, #tpu.memory_space<vmem>>[vector<16xi32>], vector<16xf32>,
        %add3A_573 = arith.constant 1 : i32
        %add3A_574 = vector.broadcast %add3A_573 : i32 to vector<16xi32>
        %add3A_575 = arith.addi %broadcast_in_dim3A_555, %add3A_574 : vector<16xi32>
        %gather3A_576 = tpu.vector_load_idx %arg11[%add3A_575] : memref<8192xf32, #tpu.memory_space<vmem>>[vector<16xi32>], vector<16xf32>,
        %gather3A_577 = tpu.vector_load_idx %arg8[%broadcast_in_dim3A_561] : memref<4096xi32, #tpu.memory_space<vmem>>[vector<16xi32>], vector<16xi32>,
        %gather3A_578 = tpu.vector_load_idx %arg12[%broadcast_in_dim3A_558] : memref<4096xi32, #tpu.memory_space<vmem>>[vector<16xi32>], vector<16xi32>,
        %sub3A_579 = arith.subf %gather3A_198, %gather3A_562 : vector<16xf32>
        %sub3A_580 = arith.subf %gather3A_202, %gather3A_566 : vector<16xf32>
        %sub3A_581 = arith.subf %gather3A_206, %gather3A_570 : vector<16xf32>
        %mul3A_582 = arith.mulf %sub3A_579, %sub3A_579 : vector<16xf32>
        %mul3A_583 = arith.mulf %sub3A_580, %sub3A_580 : vector<16xf32>
        %add3A_584 = arith.addf %mul3A_582, %mul3A_583 : vector<16xf32>
        %mul3A_585 = arith.mulf %sub3A_581, %sub3A_581 : vector<16xf32>
        %add3A_586 = arith.addf %add3A_584, %mul3A_585 : vector<16xf32>
        %bitcast_convert_type3A_587 = tpu.bitcast %add3A_586 : vector<16xf32> -> vector<16xi32>
        %shift_right_arithmetic3A_588 = arith.constant 1 : i32
        %shift_right_arithmetic3A_589 = vector.broadcast %shift_right_arithmetic3A_588 : i32 to vector<16xi32>
        %shift_right_arithmetic3A_590 = arith.shrsi %bitcast_convert_type3A_587, %shift_right_arithmetic3A_589 : vector<16xi32>
        %sub3A_591 = arith.constant 1597463007 : i32
        %sub3A_592 = vector.broadcast %sub3A_591 : i32 to vector<16xi32>
        %sub3A_593 = arith.subi %sub3A_592, %shift_right_arithmetic3A_590 : vector<16xi32>
        %bitcast_convert_type3A_594 = tpu.bitcast %sub3A_593 : vector<16xi32> -> vector<16xf32>
        %mul3A_595 = arith.constant 5.000000e-01 : f32
        %mul3A_596 = vector.broadcast %mul3A_595 : f32 to vector<16xf32>
        %mul3A_597 = arith.mulf %mul3A_596, %add3A_586 : vector<16xf32>
        %mul3A_598 = arith.mulf %mul3A_597, %bitcast_convert_type3A_594 : vector<16xf32>
        %mul3A_599 = arith.mulf %mul3A_598, %bitcast_convert_type3A_594 : vector<16xf32>
        %sub3A_600 = arith.constant 1.500000e+00 : f32
        %sub3A_601 = vector.broadcast %sub3A_600 : f32 to vector<16xf32>
        %sub3A_602 = arith.subf %sub3A_601, %mul3A_599 : vector<16xf32>
        %mul3A_603 = arith.mulf %bitcast_convert_type3A_594, %sub3A_602 : vector<16xf32>
        %mul3A_604 = arith.mulf %mul3A_597, %mul3A_603 : vector<16xf32>
        %mul3A_605 = arith.mulf %mul3A_604, %mul3A_603 : vector<16xf32>
        %sub3A_606 = arith.constant 1.500000e+00 : f32
        %sub3A_607 = vector.broadcast %sub3A_606 : f32 to vector<16xf32>
        %sub3A_608 = arith.subf %sub3A_607, %mul3A_605 : vector<16xf32>
        %mul3A_609 = arith.mulf %mul3A_603, %sub3A_608 : vector<16xf32>
        %mul3A_610 = arith.mulf %get3A_207, %gather3A_571 : vector<16xf32>
        %mul3A_611 = arith.mulf %mul3A_610, %mul3A_609 : vector<16xf32>
        %add3A_612 = arith.addf %gather3A_208, %gather3A_572 : vector<16xf32>
        %mul3A_613 = arith.mulf %add3A_612, %mul3A_609 : vector<16xf32>
        %mul3A_614 = arith.mulf %mul3A_613, %mul3A_613 : vector<16xf32>
        %mul3A_615 = arith.mulf %mul3A_614, %mul3A_614 : vector<16xf32>
        %mul3A_616 = arith.mulf %mul3A_615, %mul3A_614 : vector<16xf32>
        %mul3A_617 = arith.mulf %gather3A_212, %gather3A_576 : vector<16xf32>
        %mul3A_618 = arith.mulf %mul3A_617, %mul3A_616 : vector<16xf32>
        %sub3A_619 = arith.constant 1.000000e+00 : f32
        %sub3A_620 = vector.broadcast %sub3A_619 : f32 to vector<16xf32>
        %sub3A_621 = arith.subf %mul3A_616, %sub3A_620 : vector<16xf32>
        %mul3A_622 = arith.mulf %mul3A_618, %sub3A_621 : vector<16xf32>
        %eq3A_623 = arith.cmpi eq, %get3A_215, %gather3A_577 : vector<16xi32>
        %ne3A_624 = arith.cmpi ne, %get3A_217, %gather3A_578 : vector<16xi32>
        %and3A_625 = arith.andi %eq3A_623, %ne3A_624 : vector<16xi1>
        %add3A_626 = arith.addf %mul3A_611, %mul3A_622 : vector<16xf32>
        %jit3A_627 = arith.constant 0.000000e+00 : f32
        %broadcast_in_dim3A_628 = vector.broadcast %jit3A_627 : f32 to vector<16xf32>
        %select_n3A_629 = arith.select %and3A_625, %add3A_626, %broadcast_in_dim3A_628 : vector<16xi1>, vector<16xf32>
        %add3A_630 = arith.addf %add3A_545, %select_n3A_629 : vector<16xf32>
        %mul3A_631 = arith.constant 3 : i32
        %mul3A_632 = arith.muli %mul3A_631, %sub3A_293 : i32
        %add3A_633 = arith.constant 12 : i32
        %add3A_634 = arith.addi %mul3A_632, %add3A_633 : i32
        %broadcast_in_dim3A_635 = vector.broadcast %add3A_634 : i32 to vector<16xi32>
        %mul3A_636 = arith.constant 2 : i32
        %mul3A_637 = arith.muli %mul3A_636, %sub3A_293 : i32
        %add3A_638 = arith.constant 8 : i32
        %add3A_639 = arith.addi %mul3A_637, %add3A_638 : i32
        %broadcast_in_dim3A_640 = vector.broadcast %add3A_639 : i32 to vector<16xi32>
        %add3A_641 = arith.constant 4 : i32
        %add3A_642 = arith.addi %sub3A_293, %add3A_641 : i32
        %broadcast_in_dim3A_643 = vector.broadcast %add3A_642 : i32 to vector<16xi32>
        %add3A_644 = arith.constant 4 : i32
        %add3A_645 = arith.addi %mul3A_292, %add3A_644 : i32
        %broadcast_in_dim3A_646 = vector.broadcast %add3A_645 : i32 to vector<16xi32>
        %gather3A_647 = tpu.vector_load_idx %arg9[%broadcast_in_dim3A_635] : memref<12288xf32, #tpu.memory_space<vmem>>[vector<16xi32>], vector<16xf32>,
        %add3A_648 = arith.constant 1 : i32
        %add3A_649 = vector.broadcast %add3A_648 : i32 to vector<16xi32>
        %add3A_650 = arith.addi %broadcast_in_dim3A_635, %add3A_649 : vector<16xi32>
        %gather3A_651 = tpu.vector_load_idx %arg9[%add3A_650] : memref<12288xf32, #tpu.memory_space<vmem>>[vector<16xi32>], vector<16xf32>,
        %add3A_652 = arith.constant 2 : i32
        %add3A_653 = vector.broadcast %add3A_652 : i32 to vector<16xi32>
        %add3A_654 = arith.addi %broadcast_in_dim3A_635, %add3A_653 : vector<16xi32>
        %gather3A_655 = tpu.vector_load_idx %arg9[%add3A_654] : memref<12288xf32, #tpu.memory_space<vmem>>[vector<16xi32>], vector<16xf32>,
        %gather3A_656 = tpu.vector_load_idx %arg10[%broadcast_in_dim3A_643] : memref<4096xf32, #tpu.memory_space<vmem>>[vector<16xi32>], vector<16xf32>,
        %gather3A_657 = tpu.vector_load_idx %arg11[%broadcast_in_dim3A_640] : memref<8192xf32, #tpu.memory_space<vmem>>[vector<16xi32>], vector<16xf32>,
        %add3A_658 = arith.constant 1 : i32
        %add3A_659 = vector.broadcast %add3A_658 : i32 to vector<16xi32>
        %add3A_660 = arith.addi %broadcast_in_dim3A_640, %add3A_659 : vector<16xi32>
        %gather3A_661 = tpu.vector_load_idx %arg11[%add3A_660] : memref<8192xf32, #tpu.memory_space<vmem>>[vector<16xi32>], vector<16xf32>,
        %gather3A_662 = tpu.vector_load_idx %arg8[%broadcast_in_dim3A_646] : memref<4096xi32, #tpu.memory_space<vmem>>[vector<16xi32>], vector<16xi32>,
        %gather3A_663 = tpu.vector_load_idx %arg12[%broadcast_in_dim3A_643] : memref<4096xi32, #tpu.memory_space<vmem>>[vector<16xi32>], vector<16xi32>,
        %sub3A_664 = arith.subf %gather3A_198, %gather3A_647 : vector<16xf32>
        %sub3A_665 = arith.subf %gather3A_202, %gather3A_651 : vector<16xf32>
        %sub3A_666 = arith.subf %gather3A_206, %gather3A_655 : vector<16xf32>
        %mul3A_667 = arith.mulf %sub3A_664, %sub3A_664 : vector<16xf32>
        %mul3A_668 = arith.mulf %sub3A_665, %sub3A_665 : vector<16xf32>
        %add3A_669 = arith.addf %mul3A_667, %mul3A_668 : vector<16xf32>
        %mul3A_670 = arith.mulf %sub3A_666, %sub3A_666 : vector<16xf32>
        %add3A_671 = arith.addf %add3A_669, %mul3A_670 : vector<16xf32>
        %bitcast_convert_type3A_672 = tpu.bitcast %add3A_671 : vector<16xf32> -> vector<16xi32>
        %shift_right_arithmetic3A_673 = arith.constant 1 : i32
        %shift_right_arithmetic3A_674 = vector.broadcast %shift_right_arithmetic3A_673 : i32 to vector<16xi32>
        %shift_right_arithmetic3A_675 = arith.shrsi %bitcast_convert_type3A_672, %shift_right_arithmetic3A_674 : vector<16xi32>
        %sub3A_676 = arith.constant 1597463007 : i32
        %sub3A_677 = vector.broadcast %sub3A_676 : i32 to vector<16xi32>
        %sub3A_678 = arith.subi %sub3A_677, %shift_right_arithmetic3A_675 : vector<16xi32>
        %bitcast_convert_type3A_679 = tpu.bitcast %sub3A_678 : vector<16xi32> -> vector<16xf32>
        %mul3A_680 = arith.constant 5.000000e-01 : f32
        %mul3A_681 = vector.broadcast %mul3A_680 : f32 to vector<16xf32>
        %mul3A_682 = arith.mulf %mul3A_681, %add3A_671 : vector<16xf32>
        %mul3A_683 = arith.mulf %mul3A_682, %bitcast_convert_type3A_679 : vector<16xf32>
        %mul3A_684 = arith.mulf %mul3A_683, %bitcast_convert_type3A_679 : vector<16xf32>
        %sub3A_685 = arith.constant 1.500000e+00 : f32
        %sub3A_686 = vector.broadcast %sub3A_685 : f32 to vector<16xf32>
        %sub3A_687 = arith.subf %sub3A_686, %mul3A_684 : vector<16xf32>
        %mul3A_688 = arith.mulf %bitcast_convert_type3A_679, %sub3A_687 : vector<16xf32>
        %mul3A_689 = arith.mulf %mul3A_682, %mul3A_688 : vector<16xf32>
        %mul3A_690 = arith.mulf %mul3A_689, %mul3A_688 : vector<16xf32>
        %sub3A_691 = arith.constant 1.500000e+00 : f32
        %sub3A_692 = vector.broadcast %sub3A_691 : f32 to vector<16xf32>
        %sub3A_693 = arith.subf %sub3A_692, %mul3A_690 : vector<16xf32>
        %mul3A_694 = arith.mulf %mul3A_688, %sub3A_693 : vector<16xf32>
        %mul3A_695 = arith.mulf %get3A_207, %gather3A_656 : vector<16xf32>
        %mul3A_696 = arith.mulf %mul3A_695, %mul3A_694 : vector<16xf32>
        %add3A_697 = arith.addf %gather3A_208, %gather3A_657 : vector<16xf32>
        %mul3A_698 = arith.mulf %add3A_697, %mul3A_694 : vector<16xf32>
        %mul3A_699 = arith.mulf %mul3A_698, %mul3A_698 : vector<16xf32>
        %mul3A_700 = arith.mulf %mul3A_699, %mul3A_699 : vector<16xf32>
        %mul3A_701 = arith.mulf %mul3A_700, %mul3A_699 : vector<16xf32>
        %mul3A_702 = arith.mulf %gather3A_212, %gather3A_661 : vector<16xf32>
        %mul3A_703 = arith.mulf %mul3A_702, %mul3A_701 : vector<16xf32>
        %sub3A_704 = arith.constant 1.000000e+00 : f32
        %sub3A_705 = vector.broadcast %sub3A_704 : f32 to vector<16xf32>
        %sub3A_706 = arith.subf %mul3A_701, %sub3A_705 : vector<16xf32>
        %mul3A_707 = arith.mulf %mul3A_703, %sub3A_706 : vector<16xf32>
        %eq3A_708 = arith.cmpi eq, %get3A_215, %gather3A_662 : vector<16xi32>
        %ne3A_709 = arith.cmpi ne, %get3A_217, %gather3A_663 : vector<16xi32>
        %and3A_710 = arith.andi %eq3A_708, %ne3A_709 : vector<16xi1>
        %add3A_711 = arith.addf %mul3A_696, %mul3A_707 : vector<16xf32>
        %jit3A_712 = arith.constant 0.000000e+00 : f32
        %broadcast_in_dim3A_713 = vector.broadcast %jit3A_712 : f32 to vector<16xf32>
        %select_n3A_714 = arith.select %and3A_710, %add3A_711, %broadcast_in_dim3A_713 : vector<16xi1>, vector<16xf32>
        %add3A_715 = arith.addf %add3A_630, %select_n3A_714 : vector<16xf32>
        %mul3A_716 = arith.constant 3 : i32
        %mul3A_717 = arith.muli %mul3A_716, %sub3A_293 : i32
        %add3A_718 = arith.constant 15 : i32
        %add3A_719 = arith.addi %mul3A_717, %add3A_718 : i32
        %broadcast_in_dim3A_720 = vector.broadcast %add3A_719 : i32 to vector<16xi32>
        %mul3A_721 = arith.constant 2 : i32
        %mul3A_722 = arith.muli %mul3A_721, %sub3A_293 : i32
        %add3A_723 = arith.constant 10 : i32
        %add3A_724 = arith.addi %mul3A_722, %add3A_723 : i32
        %broadcast_in_dim3A_725 = vector.broadcast %add3A_724 : i32 to vector<16xi32>
        %add3A_726 = arith.constant 5 : i32
        %add3A_727 = arith.addi %sub3A_293, %add3A_726 : i32
        %broadcast_in_dim3A_728 = vector.broadcast %add3A_727 : i32 to vector<16xi32>
        %add3A_729 = arith.constant 5 : i32
        %add3A_730 = arith.addi %mul3A_292, %add3A_729 : i32
        %broadcast_in_dim3A_731 = vector.broadcast %add3A_730 : i32 to vector<16xi32>
        %gather3A_732 = tpu.vector_load_idx %arg9[%broadcast_in_dim3A_720] : memref<12288xf32, #tpu.memory_space<vmem>>[vector<16xi32>], vector<16xf32>,
        %add3A_733 = arith.constant 1 : i32
        %add3A_734 = vector.broadcast %add3A_733 : i32 to vector<16xi32>
        %add3A_735 = arith.addi %broadcast_in_dim3A_720, %add3A_734 : vector<16xi32>
        %gather3A_736 = tpu.vector_load_idx %arg9[%add3A_735] : memref<12288xf32, #tpu.memory_space<vmem>>[vector<16xi32>], vector<16xf32>,
        %add3A_737 = arith.constant 2 : i32
        %add3A_738 = vector.broadcast %add3A_737 : i32 to vector<16xi32>
        %add3A_739 = arith.addi %broadcast_in_dim3A_720, %add3A_738 : vector<16xi32>
        %gather3A_740 = tpu.vector_load_idx %arg9[%add3A_739] : memref<12288xf32, #tpu.memory_space<vmem>>[vector<16xi32>], vector<16xf32>,
        %gather3A_741 = tpu.vector_load_idx %arg10[%broadcast_in_dim3A_728] : memref<4096xf32, #tpu.memory_space<vmem>>[vector<16xi32>], vector<16xf32>,
        %gather3A_742 = tpu.vector_load_idx %arg11[%broadcast_in_dim3A_725] : memref<8192xf32, #tpu.memory_space<vmem>>[vector<16xi32>], vector<16xf32>,
        %add3A_743 = arith.constant 1 : i32
        %add3A_744 = vector.broadcast %add3A_743 : i32 to vector<16xi32>
        %add3A_745 = arith.addi %broadcast_in_dim3A_725, %add3A_744 : vector<16xi32>
        %gather3A_746 = tpu.vector_load_idx %arg11[%add3A_745] : memref<8192xf32, #tpu.memory_space<vmem>>[vector<16xi32>], vector<16xf32>,
        %gather3A_747 = tpu.vector_load_idx %arg8[%broadcast_in_dim3A_731] : memref<4096xi32, #tpu.memory_space<vmem>>[vector<16xi32>], vector<16xi32>,
        %gather3A_748 = tpu.vector_load_idx %arg12[%broadcast_in_dim3A_728] : memref<4096xi32, #tpu.memory_space<vmem>>[vector<16xi32>], vector<16xi32>,
        %sub3A_749 = arith.subf %gather3A_198, %gather3A_732 : vector<16xf32>
        %sub3A_750 = arith.subf %gather3A_202, %gather3A_736 : vector<16xf32>
        %sub3A_751 = arith.subf %gather3A_206, %gather3A_740 : vector<16xf32>
        %mul3A_752 = arith.mulf %sub3A_749, %sub3A_749 : vector<16xf32>
        %mul3A_753 = arith.mulf %sub3A_750, %sub3A_750 : vector<16xf32>
        %add3A_754 = arith.addf %mul3A_752, %mul3A_753 : vector<16xf32>
        %mul3A_755 = arith.mulf %sub3A_751, %sub3A_751 : vector<16xf32>
        %add3A_756 = arith.addf %add3A_754, %mul3A_755 : vector<16xf32>
        %bitcast_convert_type3A_757 = tpu.bitcast %add3A_756 : vector<16xf32> -> vector<16xi32>
        %shift_right_arithmetic3A_758 = arith.constant 1 : i32
        %shift_right_arithmetic3A_759 = vector.broadcast %shift_right_arithmetic3A_758 : i32 to vector<16xi32>
        %shift_right_arithmetic3A_760 = arith.shrsi %bitcast_convert_type3A_757, %shift_right_arithmetic3A_759 : vector<16xi32>
        %sub3A_761 = arith.constant 1597463007 : i32
        %sub3A_762 = vector.broadcast %sub3A_761 : i32 to vector<16xi32>
        %sub3A_763 = arith.subi %sub3A_762, %shift_right_arithmetic3A_760 : vector<16xi32>
        %bitcast_convert_type3A_764 = tpu.bitcast %sub3A_763 : vector<16xi32> -> vector<16xf32>
        %mul3A_765 = arith.constant 5.000000e-01 : f32
        %mul3A_766 = vector.broadcast %mul3A_765 : f32 to vector<16xf32>
        %mul3A_767 = arith.mulf %mul3A_766, %add3A_756 : vector<16xf32>
        %mul3A_768 = arith.mulf %mul3A_767, %bitcast_convert_type3A_764 : vector<16xf32>
        %mul3A_769 = arith.mulf %mul3A_768, %bitcast_convert_type3A_764 : vector<16xf32>
        %sub3A_770 = arith.constant 1.500000e+00 : f32
        %sub3A_771 = vector.broadcast %sub3A_770 : f32 to vector<16xf32>
        %sub3A_772 = arith.subf %sub3A_771, %mul3A_769 : vector<16xf32>
        %mul3A_773 = arith.mulf %bitcast_convert_type3A_764, %sub3A_772 : vector<16xf32>
        %mul3A_774 = arith.mulf %mul3A_767, %mul3A_773 : vector<16xf32>
        %mul3A_775 = arith.mulf %mul3A_774, %mul3A_773 : vector<16xf32>
        %sub3A_776 = arith.constant 1.500000e+00 : f32
        %sub3A_777 = vector.broadcast %sub3A_776 : f32 to vector<16xf32>
        %sub3A_778 = arith.subf %sub3A_777, %mul3A_775 : vector<16xf32>
        %mul3A_779 = arith.mulf %mul3A_773, %sub3A_778 : vector<16xf32>
        %mul3A_780 = arith.mulf %get3A_207, %gather3A_741 : vector<16xf32>
        %mul3A_781 = arith.mulf %mul3A_780, %mul3A_779 : vector<16xf32>
        %add3A_782 = arith.addf %gather3A_208, %gather3A_742 : vector<16xf32>
        %mul3A_783 = arith.mulf %add3A_782, %mul3A_779 : vector<16xf32>
        %mul3A_784 = arith.mulf %mul3A_783, %mul3A_783 : vector<16xf32>
        %mul3A_785 = arith.mulf %mul3A_784, %mul3A_784 : vector<16xf32>
        %mul3A_786 = arith.mulf %mul3A_785, %mul3A_784 : vector<16xf32>
        %mul3A_787 = arith.mulf %gather3A_212, %gather3A_746 : vector<16xf32>
        %mul3A_788 = arith.mulf %mul3A_787, %mul3A_786 : vector<16xf32>
        %sub3A_789 = arith.constant 1.000000e+00 : f32
        %sub3A_790 = vector.broadcast %sub3A_789 : f32 to vector<16xf32>
        %sub3A_791 = arith.subf %mul3A_786, %sub3A_790 : vector<16xf32>
        %mul3A_792 = arith.mulf %mul3A_788, %sub3A_791 : vector<16xf32>
        %eq3A_793 = arith.cmpi eq, %get3A_215, %gather3A_747 : vector<16xi32>
        %ne3A_794 = arith.cmpi ne, %get3A_217, %gather3A_748 : vector<16xi32>
        %and3A_795 = arith.andi %eq3A_793, %ne3A_794 : vector<16xi1>
        %add3A_796 = arith.addf %mul3A_781, %mul3A_792 : vector<16xf32>
        %jit3A_797 = arith.constant 0.000000e+00 : f32
        %broadcast_in_dim3A_798 = vector.broadcast %jit3A_797 : f32 to vector<16xf32>
        %select_n3A_799 = arith.select %and3A_795, %add3A_796, %broadcast_in_dim3A_798 : vector<16xi1>, vector<16xf32>
        %add3A_800 = arith.addf %add3A_715, %select_n3A_799 : vector<16xf32>
        %mul3A_801 = arith.constant 3 : i32
        %mul3A_802 = arith.muli %mul3A_801, %sub3A_293 : i32
        %add3A_803 = arith.constant 18 : i32
        %add3A_804 = arith.addi %mul3A_802, %add3A_803 : i32
        %broadcast_in_dim3A_805 = vector.broadcast %add3A_804 : i32 to vector<16xi32>
        %mul3A_806 = arith.constant 2 : i32
        %mul3A_807 = arith.muli %mul3A_806, %sub3A_293 : i32
        %add3A_808 = arith.constant 12 : i32
        %add3A_809 = arith.addi %mul3A_807, %add3A_808 : i32
        %broadcast_in_dim3A_810 = vector.broadcast %add3A_809 : i32 to vector<16xi32>
        %add3A_811 = arith.constant 6 : i32
        %add3A_812 = arith.addi %sub3A_293, %add3A_811 : i32
        %broadcast_in_dim3A_813 = vector.broadcast %add3A_812 : i32 to vector<16xi32>
        %add3A_814 = arith.constant 6 : i32
        %add3A_815 = arith.addi %mul3A_292, %add3A_814 : i32
        %broadcast_in_dim3A_816 = vector.broadcast %add3A_815 : i32 to vector<16xi32>
        %gather3A_817 = tpu.vector_load_idx %arg9[%broadcast_in_dim3A_805] : memref<12288xf32, #tpu.memory_space<vmem>>[vector<16xi32>], vector<16xf32>,
        %add3A_818 = arith.constant 1 : i32
        %add3A_819 = vector.broadcast %add3A_818 : i32 to vector<16xi32>
        %add3A_820 = arith.addi %broadcast_in_dim3A_805, %add3A_819 : vector<16xi32>
        %gather3A_821 = tpu.vector_load_idx %arg9[%add3A_820] : memref<12288xf32, #tpu.memory_space<vmem>>[vector<16xi32>], vector<16xf32>,
        %add3A_822 = arith.constant 2 : i32
        %add3A_823 = vector.broadcast %add3A_822 : i32 to vector<16xi32>
        %add3A_824 = arith.addi %broadcast_in_dim3A_805, %add3A_823 : vector<16xi32>
        %gather3A_825 = tpu.vector_load_idx %arg9[%add3A_824] : memref<12288xf32, #tpu.memory_space<vmem>>[vector<16xi32>], vector<16xf32>,
        %gather3A_826 = tpu.vector_load_idx %arg10[%broadcast_in_dim3A_813] : memref<4096xf32, #tpu.memory_space<vmem>>[vector<16xi32>], vector<16xf32>,
        %gather3A_827 = tpu.vector_load_idx %arg11[%broadcast_in_dim3A_810] : memref<8192xf32, #tpu.memory_space<vmem>>[vector<16xi32>], vector<16xf32>,
        %add3A_828 = arith.constant 1 : i32
        %add3A_829 = vector.broadcast %add3A_828 : i32 to vector<16xi32>
        %add3A_830 = arith.addi %broadcast_in_dim3A_810, %add3A_829 : vector<16xi32>
        %gather3A_831 = tpu.vector_load_idx %arg11[%add3A_830] : memref<8192xf32, #tpu.memory_space<vmem>>[vector<16xi32>], vector<16xf32>,
        %gather3A_832 = tpu.vector_load_idx %arg8[%broadcast_in_dim3A_816] : memref<4096xi32, #tpu.memory_space<vmem>>[vector<16xi32>], vector<16xi32>,
        %gather3A_833 = tpu.vector_load_idx %arg12[%broadcast_in_dim3A_813] : memref<4096xi32, #tpu.memory_space<vmem>>[vector<16xi32>], vector<16xi32>,
        %sub3A_834 = arith.subf %gather3A_198, %gather3A_817 : vector<16xf32>
        %sub3A_835 = arith.subf %gather3A_202, %gather3A_821 : vector<16xf32>
        %sub3A_836 = arith.subf %gather3A_206, %gather3A_825 : vector<16xf32>
        %mul3A_837 = arith.mulf %sub3A_834, %sub3A_834 : vector<16xf32>
        %mul3A_838 = arith.mulf %sub3A_835, %sub3A_835 : vector<16xf32>
        %add3A_839 = arith.addf %mul3A_837, %mul3A_838 : vector<16xf32>
        %mul3A_840 = arith.mulf %sub3A_836, %sub3A_836 : vector<16xf32>
        %add3A_841 = arith.addf %add3A_839, %mul3A_840 : vector<16xf32>
        %bitcast_convert_type3A_842 = tpu.bitcast %add3A_841 : vector<16xf32> -> vector<16xi32>
        %shift_right_arithmetic3A_843 = arith.constant 1 : i32
        %shift_right_arithmetic3A_844 = vector.broadcast %shift_right_arithmetic3A_843 : i32 to vector<16xi32>
        %shift_right_arithmetic3A_845 = arith.shrsi %bitcast_convert_type3A_842, %shift_right_arithmetic3A_844 : vector<16xi32>
        %sub3A_846 = arith.constant 1597463007 : i32
        %sub3A_847 = vector.broadcast %sub3A_846 : i32 to vector<16xi32>
        %sub3A_848 = arith.subi %sub3A_847, %shift_right_arithmetic3A_845 : vector<16xi32>
        %bitcast_convert_type3A_849 = tpu.bitcast %sub3A_848 : vector<16xi32> -> vector<16xf32>
        %mul3A_850 = arith.constant 5.000000e-01 : f32
        %mul3A_851 = vector.broadcast %mul3A_850 : f32 to vector<16xf32>
        %mul3A_852 = arith.mulf %mul3A_851, %add3A_841 : vector<16xf32>
        %mul3A_853 = arith.mulf %mul3A_852, %bitcast_convert_type3A_849 : vector<16xf32>
        %mul3A_854 = arith.mulf %mul3A_853, %bitcast_convert_type3A_849 : vector<16xf32>
        %sub3A_855 = arith.constant 1.500000e+00 : f32
        %sub3A_856 = vector.broadcast %sub3A_855 : f32 to vector<16xf32>
        %sub3A_857 = arith.subf %sub3A_856, %mul3A_854 : vector<16xf32>
        %mul3A_858 = arith.mulf %bitcast_convert_type3A_849, %sub3A_857 : vector<16xf32>
        %mul3A_859 = arith.mulf %mul3A_852, %mul3A_858 : vector<16xf32>
        %mul3A_860 = arith.mulf %mul3A_859, %mul3A_858 : vector<16xf32>
        %sub3A_861 = arith.constant 1.500000e+00 : f32
        %sub3A_862 = vector.broadcast %sub3A_861 : f32 to vector<16xf32>
        %sub3A_863 = arith.subf %sub3A_862, %mul3A_860 : vector<16xf32>
        %mul3A_864 = arith.mulf %mul3A_858, %sub3A_863 : vector<16xf32>
        %mul3A_865 = arith.mulf %get3A_207, %gather3A_826 : vector<16xf32>
        %mul3A_866 = arith.mulf %mul3A_865, %mul3A_864 : vector<16xf32>
        %add3A_867 = arith.addf %gather3A_208, %gather3A_827 : vector<16xf32>
        %mul3A_868 = arith.mulf %add3A_867, %mul3A_864 : vector<16xf32>
        %mul3A_869 = arith.mulf %mul3A_868, %mul3A_868 : vector<16xf32>
        %mul3A_870 = arith.mulf %mul3A_869, %mul3A_869 : vector<16xf32>
        %mul3A_871 = arith.mulf %mul3A_870, %mul3A_869 : vector<16xf32>
        %mul3A_872 = arith.mulf %gather3A_212, %gather3A_831 : vector<16xf32>
        %mul3A_873 = arith.mulf %mul3A_872, %mul3A_871 : vector<16xf32>
        %sub3A_874 = arith.constant 1.000000e+00 : f32
        %sub3A_875 = vector.broadcast %sub3A_874 : f32 to vector<16xf32>
        %sub3A_876 = arith.subf %mul3A_871, %sub3A_875 : vector<16xf32>
        %mul3A_877 = arith.mulf %mul3A_873, %sub3A_876 : vector<16xf32>
        %eq3A_878 = arith.cmpi eq, %get3A_215, %gather3A_832 : vector<16xi32>
        %ne3A_879 = arith.cmpi ne, %get3A_217, %gather3A_833 : vector<16xi32>
        %and3A_880 = arith.andi %eq3A_878, %ne3A_879 : vector<16xi1>
        %add3A_881 = arith.addf %mul3A_866, %mul3A_877 : vector<16xf32>
        %jit3A_882 = arith.constant 0.000000e+00 : f32
        %broadcast_in_dim3A_883 = vector.broadcast %jit3A_882 : f32 to vector<16xf32>
        %select_n3A_884 = arith.select %and3A_880, %add3A_881, %broadcast_in_dim3A_883 : vector<16xi1>, vector<16xf32>
        %add3A_885 = arith.addf %add3A_800, %select_n3A_884 : vector<16xf32>
        %mul3A_886 = arith.constant 3 : i32
        %mul3A_887 = arith.muli %mul3A_886, %sub3A_293 : i32
        %add3A_888 = arith.constant 21 : i32
        %add3A_889 = arith.addi %mul3A_887, %add3A_888 : i32
        %broadcast_in_dim3A_890 = vector.broadcast %add3A_889 : i32 to vector<16xi32>
        %mul3A_891 = arith.constant 2 : i32
        %mul3A_892 = arith.muli %mul3A_891, %sub3A_293 : i32
        %add3A_893 = arith.constant 14 : i32
        %add3A_894 = arith.addi %mul3A_892, %add3A_893 : i32
        %broadcast_in_dim3A_895 = vector.broadcast %add3A_894 : i32 to vector<16xi32>
        %add3A_896 = arith.constant 7 : i32
        %add3A_897 = arith.addi %sub3A_293, %add3A_896 : i32
        %broadcast_in_dim3A_898 = vector.broadcast %add3A_897 : i32 to vector<16xi32>
        %add3A_899 = arith.constant 7 : i32
        %add3A_900 = arith.addi %mul3A_292, %add3A_899 : i32
        %broadcast_in_dim3A_901 = vector.broadcast %add3A_900 : i32 to vector<16xi32>
        %gather3A_902 = tpu.vector_load_idx %arg9[%broadcast_in_dim3A_890] : memref<12288xf32, #tpu.memory_space<vmem>>[vector<16xi32>], vector<16xf32>,
        %add3A_903 = arith.constant 1 : i32
        %add3A_904 = vector.broadcast %add3A_903 : i32 to vector<16xi32>
        %add3A_905 = arith.addi %broadcast_in_dim3A_890, %add3A_904 : vector<16xi32>
        %gather3A_906 = tpu.vector_load_idx %arg9[%add3A_905] : memref<12288xf32, #tpu.memory_space<vmem>>[vector<16xi32>], vector<16xf32>,
        %add3A_907 = arith.constant 2 : i32
        %add3A_908 = vector.broadcast %add3A_907 : i32 to vector<16xi32>
        %add3A_909 = arith.addi %broadcast_in_dim3A_890, %add3A_908 : vector<16xi32>
        %gather3A_910 = tpu.vector_load_idx %arg9[%add3A_909] : memref<12288xf32, #tpu.memory_space<vmem>>[vector<16xi32>], vector<16xf32>,
        %gather3A_911 = tpu.vector_load_idx %arg10[%broadcast_in_dim3A_898] : memref<4096xf32, #tpu.memory_space<vmem>>[vector<16xi32>], vector<16xf32>,
        %gather3A_912 = tpu.vector_load_idx %arg11[%broadcast_in_dim3A_895] : memref<8192xf32, #tpu.memory_space<vmem>>[vector<16xi32>], vector<16xf32>,
        %add3A_913 = arith.constant 1 : i32
        %add3A_914 = vector.broadcast %add3A_913 : i32 to vector<16xi32>
        %add3A_915 = arith.addi %broadcast_in_dim3A_895, %add3A_914 : vector<16xi32>
        %gather3A_916 = tpu.vector_load_idx %arg11[%add3A_915] : memref<8192xf32, #tpu.memory_space<vmem>>[vector<16xi32>], vector<16xf32>,
        %gather3A_917 = tpu.vector_load_idx %arg8[%broadcast_in_dim3A_901] : memref<4096xi32, #tpu.memory_space<vmem>>[vector<16xi32>], vector<16xi32>,
        %gather3A_918 = tpu.vector_load_idx %arg12[%broadcast_in_dim3A_898] : memref<4096xi32, #tpu.memory_space<vmem>>[vector<16xi32>], vector<16xi32>,
        %sub3A_919 = arith.subf %gather3A_198, %gather3A_902 : vector<16xf32>
        %sub3A_920 = arith.subf %gather3A_202, %gather3A_906 : vector<16xf32>
        %sub3A_921 = arith.subf %gather3A_206, %gather3A_910 : vector<16xf32>
        %mul3A_922 = arith.mulf %sub3A_919, %sub3A_919 : vector<16xf32>
        %mul3A_923 = arith.mulf %sub3A_920, %sub3A_920 : vector<16xf32>
        %add3A_924 = arith.addf %mul3A_922, %mul3A_923 : vector<16xf32>
        %mul3A_925 = arith.mulf %sub3A_921, %sub3A_921 : vector<16xf32>
        %add3A_926 = arith.addf %add3A_924, %mul3A_925 : vector<16xf32>
        %bitcast_convert_type3A_927 = tpu.bitcast %add3A_926 : vector<16xf32> -> vector<16xi32>
        %shift_right_arithmetic3A_928 = arith.constant 1 : i32
        %shift_right_arithmetic3A_929 = vector.broadcast %shift_right_arithmetic3A_928 : i32 to vector<16xi32>
        %shift_right_arithmetic3A_930 = arith.shrsi %bitcast_convert_type3A_927, %shift_right_arithmetic3A_929 : vector<16xi32>
        %sub3A_931 = arith.constant 1597463007 : i32
        %sub3A_932 = vector.broadcast %sub3A_931 : i32 to vector<16xi32>
        %sub3A_933 = arith.subi %sub3A_932, %shift_right_arithmetic3A_930 : vector<16xi32>
        %bitcast_convert_type3A_934 = tpu.bitcast %sub3A_933 : vector<16xi32> -> vector<16xf32>
        %mul3A_935 = arith.constant 5.000000e-01 : f32
        %mul3A_936 = vector.broadcast %mul3A_935 : f32 to vector<16xf32>
        %mul3A_937 = arith.mulf %mul3A_936, %add3A_926 : vector<16xf32>
        %mul3A_938 = arith.mulf %mul3A_937, %bitcast_convert_type3A_934 : vector<16xf32>
        %mul3A_939 = arith.mulf %mul3A_938, %bitcast_convert_type3A_934 : vector<16xf32>
        %sub3A_940 = arith.constant 1.500000e+00 : f32
        %sub3A_941 = vector.broadcast %sub3A_940 : f32 to vector<16xf32>
        %sub3A_942 = arith.subf %sub3A_941, %mul3A_939 : vector<16xf32>
        %mul3A_943 = arith.mulf %bitcast_convert_type3A_934, %sub3A_942 : vector<16xf32>
        %mul3A_944 = arith.mulf %mul3A_937, %mul3A_943 : vector<16xf32>
        %mul3A_945 = arith.mulf %mul3A_944, %mul3A_943 : vector<16xf32>
        %sub3A_946 = arith.constant 1.500000e+00 : f32
        %sub3A_947 = vector.broadcast %sub3A_946 : f32 to vector<16xf32>
        %sub3A_948 = arith.subf %sub3A_947, %mul3A_945 : vector<16xf32>
        %mul3A_949 = arith.mulf %mul3A_943, %sub3A_948 : vector<16xf32>
        %mul3A_950 = arith.mulf %get3A_207, %gather3A_911 : vector<16xf32>
        %mul3A_951 = arith.mulf %mul3A_950, %mul3A_949 : vector<16xf32>
        %add3A_952 = arith.addf %gather3A_208, %gather3A_912 : vector<16xf32>
        %mul3A_953 = arith.mulf %add3A_952, %mul3A_949 : vector<16xf32>
        %mul3A_954 = arith.mulf %mul3A_953, %mul3A_953 : vector<16xf32>
        %mul3A_955 = arith.mulf %mul3A_954, %mul3A_954 : vector<16xf32>
        %mul3A_956 = arith.mulf %mul3A_955, %mul3A_954 : vector<16xf32>
        %mul3A_957 = arith.mulf %gather3A_212, %gather3A_916 : vector<16xf32>
        %mul3A_958 = arith.mulf %mul3A_957, %mul3A_956 : vector<16xf32>
        %sub3A_959 = arith.constant 1.000000e+00 : f32
        %sub3A_960 = vector.broadcast %sub3A_959 : f32 to vector<16xf32>
        %sub3A_961 = arith.subf %mul3A_956, %sub3A_960 : vector<16xf32>
        %mul3A_962 = arith.mulf %mul3A_958, %sub3A_961 : vector<16xf32>
        %eq3A_963 = arith.cmpi eq, %get3A_215, %gather3A_917 : vector<16xi32>
        %ne3A_964 = arith.cmpi ne, %get3A_217, %gather3A_918 : vector<16xi32>
        %and3A_965 = arith.andi %eq3A_963, %ne3A_964 : vector<16xi1>
        %add3A_966 = arith.addf %mul3A_951, %mul3A_962 : vector<16xf32>
        %jit3A_967 = arith.constant 0.000000e+00 : f32
        %broadcast_in_dim3A_968 = vector.broadcast %jit3A_967 : f32 to vector<16xf32>
        %select_n3A_969 = arith.select %and3A_965, %add3A_966, %broadcast_in_dim3A_968 : vector<16xi1>, vector<16xf32>
        %add3A_970 = arith.addf %add3A_885, %select_n3A_969 : vector<16xf32>
        %mul3A_971 = arith.constant 3 : i32
        %mul3A_972 = arith.muli %mul3A_971, %sub3A_293 : i32
        %add3A_973 = arith.constant 24 : i32
        %add3A_974 = arith.addi %mul3A_972, %add3A_973 : i32
        %broadcast_in_dim3A_975 = vector.broadcast %add3A_974 : i32 to vector<16xi32>
        %mul3A_976 = arith.constant 2 : i32
        %mul3A_977 = arith.muli %mul3A_976, %sub3A_293 : i32
        %add3A_978 = arith.constant 16 : i32
        %add3A_979 = arith.addi %mul3A_977, %add3A_978 : i32
        %broadcast_in_dim3A_980 = vector.broadcast %add3A_979 : i32 to vector<16xi32>
        %add3A_981 = arith.constant 8 : i32
        %add3A_982 = arith.addi %sub3A_293, %add3A_981 : i32
        %broadcast_in_dim3A_983 = vector.broadcast %add3A_982 : i32 to vector<16xi32>
        %add3A_984 = arith.constant 8 : i32
        %add3A_985 = arith.addi %mul3A_292, %add3A_984 : i32
        %broadcast_in_dim3A_986 = vector.broadcast %add3A_985 : i32 to vector<16xi32>
        %gather3A_987 = tpu.vector_load_idx %arg9[%broadcast_in_dim3A_975] : memref<12288xf32, #tpu.memory_space<vmem>>[vector<16xi32>], vector<16xf32>,
        %add3A_988 = arith.constant 1 : i32
        %add3A_989 = vector.broadcast %add3A_988 : i32 to vector<16xi32>
        %add3A_990 = arith.addi %broadcast_in_dim3A_975, %add3A_989 : vector<16xi32>
        %gather3A_991 = tpu.vector_load_idx %arg9[%add3A_990] : memref<12288xf32, #tpu.memory_space<vmem>>[vector<16xi32>], vector<16xf32>,
        %add3A_992 = arith.constant 2 : i32
        %add3A_993 = vector.broadcast %add3A_992 : i32 to vector<16xi32>
        %add3A_994 = arith.addi %broadcast_in_dim3A_975, %add3A_993 : vector<16xi32>
        %gather3A_995 = tpu.vector_load_idx %arg9[%add3A_994] : memref<12288xf32, #tpu.memory_space<vmem>>[vector<16xi32>], vector<16xf32>,
        %gather3A_996 = tpu.vector_load_idx %arg10[%broadcast_in_dim3A_983] : memref<4096xf32, #tpu.memory_space<vmem>>[vector<16xi32>], vector<16xf32>,
        %gather3A_997 = tpu.vector_load_idx %arg11[%broadcast_in_dim3A_980] : memref<8192xf32, #tpu.memory_space<vmem>>[vector<16xi32>], vector<16xf32>,
        %add3A_998 = arith.constant 1 : i32
        %add3A_999 = vector.broadcast %add3A_998 : i32 to vector<16xi32>
        %add3A_1000 = arith.addi %broadcast_in_dim3A_980, %add3A_999 : vector<16xi32>
        %gather3A_1001 = tpu.vector_load_idx %arg11[%add3A_1000] : memref<8192xf32, #tpu.memory_space<vmem>>[vector<16xi32>], vector<16xf32>,
        %gather3A_1002 = tpu.vector_load_idx %arg8[%broadcast_in_dim3A_986] : memref<4096xi32, #tpu.memory_space<vmem>>[vector<16xi32>], vector<16xi32>,
        %gather3A_1003 = tpu.vector_load_idx %arg12[%broadcast_in_dim3A_983] : memref<4096xi32, #tpu.memory_space<vmem>>[vector<16xi32>], vector<16xi32>,
        %sub3A_1004 = arith.subf %gather3A_198, %gather3A_987 : vector<16xf32>
        %sub3A_1005 = arith.subf %gather3A_202, %gather3A_991 : vector<16xf32>
        %sub3A_1006 = arith.subf %gather3A_206, %gather3A_995 : vector<16xf32>
        %mul3A_1007 = arith.mulf %sub3A_1004, %sub3A_1004 : vector<16xf32>
        %mul3A_1008 = arith.mulf %sub3A_1005, %sub3A_1005 : vector<16xf32>
        %add3A_1009 = arith.addf %mul3A_1007, %mul3A_1008 : vector<16xf32>
        %mul3A_1010 = arith.mulf %sub3A_1006, %sub3A_1006 : vector<16xf32>
        %add3A_1011 = arith.addf %add3A_1009, %mul3A_1010 : vector<16xf32>
        %bitcast_convert_type3A_1012 = tpu.bitcast %add3A_1011 : vector<16xf32> -> vector<16xi32>
        %shift_right_arithmetic3A_1013 = arith.constant 1 : i32
        %shift_right_arithmetic3A_1014 = vector.broadcast %shift_right_arithmetic3A_1013 : i32 to vector<16xi32>
        %shift_right_arithmetic3A_1015 = arith.shrsi %bitcast_convert_type3A_1012, %shift_right_arithmetic3A_1014 : vector<16xi32>
        %sub3A_1016 = arith.constant 1597463007 : i32
        %sub3A_1017 = vector.broadcast %sub3A_1016 : i32 to vector<16xi32>
        %sub3A_1018 = arith.subi %sub3A_1017, %shift_right_arithmetic3A_1015 : vector<16xi32>
        %bitcast_convert_type3A_1019 = tpu.bitcast %sub3A_1018 : vector<16xi32> -> vector<16xf32>
        %mul3A_1020 = arith.constant 5.000000e-01 : f32
        %mul3A_1021 = vector.broadcast %mul3A_1020 : f32 to vector<16xf32>
        %mul3A_1022 = arith.mulf %mul3A_1021, %add3A_1011 : vector<16xf32>
        %mul3A_1023 = arith.mulf %mul3A_1022, %bitcast_convert_type3A_1019 : vector<16xf32>
        %mul3A_1024 = arith.mulf %mul3A_1023, %bitcast_convert_type3A_1019 : vector<16xf32>
        %sub3A_1025 = arith.constant 1.500000e+00 : f32
        %sub3A_1026 = vector.broadcast %sub3A_1025 : f32 to vector<16xf32>
        %sub3A_1027 = arith.subf %sub3A_1026, %mul3A_1024 : vector<16xf32>
        %mul3A_1028 = arith.mulf %bitcast_convert_type3A_1019, %sub3A_1027 : vector<16xf32>
        %mul3A_1029 = arith.mulf %mul3A_1022, %mul3A_1028 : vector<16xf32>
        %mul3A_1030 = arith.mulf %mul3A_1029, %mul3A_1028 : vector<16xf32>
        %sub3A_1031 = arith.constant 1.500000e+00 : f32
        %sub3A_1032 = vector.broadcast %sub3A_1031 : f32 to vector<16xf32>
        %sub3A_1033 = arith.subf %sub3A_1032, %mul3A_1030 : vector<16xf32>
        %mul3A_1034 = arith.mulf %mul3A_1028, %sub3A_1033 : vector<16xf32>
        %mul3A_1035 = arith.mulf %get3A_207, %gather3A_996 : vector<16xf32>
        %mul3A_1036 = arith.mulf %mul3A_1035, %mul3A_1034 : vector<16xf32>
        %add3A_1037 = arith.addf %gather3A_208, %gather3A_997 : vector<16xf32>
        %mul3A_1038 = arith.mulf %add3A_1037, %mul3A_1034 : vector<16xf32>
        %mul3A_1039 = arith.mulf %mul3A_1038, %mul3A_1038 : vector<16xf32>
        %mul3A_1040 = arith.mulf %mul3A_1039, %mul3A_1039 : vector<16xf32>
        %mul3A_1041 = arith.mulf %mul3A_1040, %mul3A_1039 : vector<16xf32>
        %mul3A_1042 = arith.mulf %gather3A_212, %gather3A_1001 : vector<16xf32>
        %mul3A_1043 = arith.mulf %mul3A_1042, %mul3A_1041 : vector<16xf32>
        %sub3A_1044 = arith.constant 1.000000e+00 : f32
        %sub3A_1045 = vector.broadcast %sub3A_1044 : f32 to vector<16xf32>
        %sub3A_1046 = arith.subf %mul3A_1041, %sub3A_1045 : vector<16xf32>
        %mul3A_1047 = arith.mulf %mul3A_1043, %sub3A_1046 : vector<16xf32>
        %eq3A_1048 = arith.cmpi eq, %get3A_215, %gather3A_1002 : vector<16xi32>
        %ne3A_1049 = arith.cmpi ne, %get3A_217, %gather3A_1003 : vector<16xi32>
        %and3A_1050 = arith.andi %eq3A_1048, %ne3A_1049 : vector<16xi1>
        %add3A_1051 = arith.addf %mul3A_1036, %mul3A_1047 : vector<16xf32>
        %jit3A_1052 = arith.constant 0.000000e+00 : f32
        %broadcast_in_dim3A_1053 = vector.broadcast %jit3A_1052 : f32 to vector<16xf32>
        %select_n3A_1054 = arith.select %and3A_1050, %add3A_1051, %broadcast_in_dim3A_1053 : vector<16xi1>, vector<16xf32>
        %add3A_1055 = arith.addf %add3A_970, %select_n3A_1054 : vector<16xf32>
        %mul3A_1056 = arith.constant 3 : i32
        %mul3A_1057 = arith.muli %mul3A_1056, %sub3A_293 : i32
        %add3A_1058 = arith.constant 27 : i32
        %add3A_1059 = arith.addi %mul3A_1057, %add3A_1058 : i32
        %broadcast_in_dim3A_1060 = vector.broadcast %add3A_1059 : i32 to vector<16xi32>
        %mul3A_1061 = arith.constant 2 : i32
        %mul3A_1062 = arith.muli %mul3A_1061, %sub3A_293 : i32
        %add3A_1063 = arith.constant 18 : i32
        %add3A_1064 = arith.addi %mul3A_1062, %add3A_1063 : i32
        %broadcast_in_dim3A_1065 = vector.broadcast %add3A_1064 : i32 to vector<16xi32>
        %add3A_1066 = arith.constant 9 : i32
        %add3A_1067 = arith.addi %sub3A_293, %add3A_1066 : i32
        %broadcast_in_dim3A_1068 = vector.broadcast %add3A_1067 : i32 to vector<16xi32>
        %add3A_1069 = arith.constant 9 : i32
        %add3A_1070 = arith.addi %mul3A_292, %add3A_1069 : i32
        %broadcast_in_dim3A_1071 = vector.broadcast %add3A_1070 : i32 to vector<16xi32>
        %gather3A_1072 = tpu.vector_load_idx %arg9[%broadcast_in_dim3A_1060] : memref<12288xf32, #tpu.memory_space<vmem>>[vector<16xi32>], vector<16xf32>,
        %add3A_1073 = arith.constant 1 : i32
        %add3A_1074 = vector.broadcast %add3A_1073 : i32 to vector<16xi32>
        %add3A_1075 = arith.addi %broadcast_in_dim3A_1060, %add3A_1074 : vector<16xi32>
        %gather3A_1076 = tpu.vector_load_idx %arg9[%add3A_1075] : memref<12288xf32, #tpu.memory_space<vmem>>[vector<16xi32>], vector<16xf32>,
        %add3A_1077 = arith.constant 2 : i32
        %add3A_1078 = vector.broadcast %add3A_1077 : i32 to vector<16xi32>
        %add3A_1079 = arith.addi %broadcast_in_dim3A_1060, %add3A_1078 : vector<16xi32>
        %gather3A_1080 = tpu.vector_load_idx %arg9[%add3A_1079] : memref<12288xf32, #tpu.memory_space<vmem>>[vector<16xi32>], vector<16xf32>,
        %gather3A_1081 = tpu.vector_load_idx %arg10[%broadcast_in_dim3A_1068] : memref<4096xf32, #tpu.memory_space<vmem>>[vector<16xi32>], vector<16xf32>,
        %gather3A_1082 = tpu.vector_load_idx %arg11[%broadcast_in_dim3A_1065] : memref<8192xf32, #tpu.memory_space<vmem>>[vector<16xi32>], vector<16xf32>,
        %add3A_1083 = arith.constant 1 : i32
        %add3A_1084 = vector.broadcast %add3A_1083 : i32 to vector<16xi32>
        %add3A_1085 = arith.addi %broadcast_in_dim3A_1065, %add3A_1084 : vector<16xi32>
        %gather3A_1086 = tpu.vector_load_idx %arg11[%add3A_1085] : memref<8192xf32, #tpu.memory_space<vmem>>[vector<16xi32>], vector<16xf32>,
        %gather3A_1087 = tpu.vector_load_idx %arg8[%broadcast_in_dim3A_1071] : memref<4096xi32, #tpu.memory_space<vmem>>[vector<16xi32>], vector<16xi32>,
        %gather3A_1088 = tpu.vector_load_idx %arg12[%broadcast_in_dim3A_1068] : memref<4096xi32, #tpu.memory_space<vmem>>[vector<16xi32>], vector<16xi32>,
        %sub3A_1089 = arith.subf %gather3A_198, %gather3A_1072 : vector<16xf32>
        %sub3A_1090 = arith.subf %gather3A_202, %gather3A_1076 : vector<16xf32>
        %sub3A_1091 = arith.subf %gather3A_206, %gather3A_1080 : vector<16xf32>
        %mul3A_1092 = arith.mulf %sub3A_1089, %sub3A_1089 : vector<16xf32>
        %mul3A_1093 = arith.mulf %sub3A_1090, %sub3A_1090 : vector<16xf32>
        %add3A_1094 = arith.addf %mul3A_1092, %mul3A_1093 : vector<16xf32>
        %mul3A_1095 = arith.mulf %sub3A_1091, %sub3A_1091 : vector<16xf32>
        %add3A_1096 = arith.addf %add3A_1094, %mul3A_1095 : vector<16xf32>
        %bitcast_convert_type3A_1097 = tpu.bitcast %add3A_1096 : vector<16xf32> -> vector<16xi32>
        %shift_right_arithmetic3A_1098 = arith.constant 1 : i32
        %shift_right_arithmetic3A_1099 = vector.broadcast %shift_right_arithmetic3A_1098 : i32 to vector<16xi32>
        %shift_right_arithmetic3A_1100 = arith.shrsi %bitcast_convert_type3A_1097, %shift_right_arithmetic3A_1099 : vector<16xi32>
        %sub3A_1101 = arith.constant 1597463007 : i32
        %sub3A_1102 = vector.broadcast %sub3A_1101 : i32 to vector<16xi32>
        %sub3A_1103 = arith.subi %sub3A_1102, %shift_right_arithmetic3A_1100 : vector<16xi32>
        %bitcast_convert_type3A_1104 = tpu.bitcast %sub3A_1103 : vector<16xi32> -> vector<16xf32>
        %mul3A_1105 = arith.constant 5.000000e-01 : f32
        %mul3A_1106 = vector.broadcast %mul3A_1105 : f32 to vector<16xf32>
        %mul3A_1107 = arith.mulf %mul3A_1106, %add3A_1096 : vector<16xf32>
        %mul3A_1108 = arith.mulf %mul3A_1107, %bitcast_convert_type3A_1104 : vector<16xf32>
        %mul3A_1109 = arith.mulf %mul3A_1108, %bitcast_convert_type3A_1104 : vector<16xf32>
        %sub3A_1110 = arith.constant 1.500000e+00 : f32
        %sub3A_1111 = vector.broadcast %sub3A_1110 : f32 to vector<16xf32>
        %sub3A_1112 = arith.subf %sub3A_1111, %mul3A_1109 : vector<16xf32>
        %mul3A_1113 = arith.mulf %bitcast_convert_type3A_1104, %sub3A_1112 : vector<16xf32>
        %mul3A_1114 = arith.mulf %mul3A_1107, %mul3A_1113 : vector<16xf32>
        %mul3A_1115 = arith.mulf %mul3A_1114, %mul3A_1113 : vector<16xf32>
        %sub3A_1116 = arith.constant 1.500000e+00 : f32
        %sub3A_1117 = vector.broadcast %sub3A_1116 : f32 to vector<16xf32>
        %sub3A_1118 = arith.subf %sub3A_1117, %mul3A_1115 : vector<16xf32>
        %mul3A_1119 = arith.mulf %mul3A_1113, %sub3A_1118 : vector<16xf32>
        %mul3A_1120 = arith.mulf %get3A_207, %gather3A_1081 : vector<16xf32>
        %mul3A_1121 = arith.mulf %mul3A_1120, %mul3A_1119 : vector<16xf32>
        %add3A_1122 = arith.addf %gather3A_208, %gather3A_1082 : vector<16xf32>
        %mul3A_1123 = arith.mulf %add3A_1122, %mul3A_1119 : vector<16xf32>
        %mul3A_1124 = arith.mulf %mul3A_1123, %mul3A_1123 : vector<16xf32>
        %mul3A_1125 = arith.mulf %mul3A_1124, %mul3A_1124 : vector<16xf32>
        %mul3A_1126 = arith.mulf %mul3A_1125, %mul3A_1124 : vector<16xf32>
        %mul3A_1127 = arith.mulf %gather3A_212, %gather3A_1086 : vector<16xf32>
        %mul3A_1128 = arith.mulf %mul3A_1127, %mul3A_1126 : vector<16xf32>
        %sub3A_1129 = arith.constant 1.000000e+00 : f32
        %sub3A_1130 = vector.broadcast %sub3A_1129 : f32 to vector<16xf32>
        %sub3A_1131 = arith.subf %mul3A_1126, %sub3A_1130 : vector<16xf32>
        %mul3A_1132 = arith.mulf %mul3A_1128, %sub3A_1131 : vector<16xf32>
        %eq3A_1133 = arith.cmpi eq, %get3A_215, %gather3A_1087 : vector<16xi32>
        %ne3A_1134 = arith.cmpi ne, %get3A_217, %gather3A_1088 : vector<16xi32>
        %and3A_1135 = arith.andi %eq3A_1133, %ne3A_1134 : vector<16xi1>
        %add3A_1136 = arith.addf %mul3A_1121, %mul3A_1132 : vector<16xf32>
        %jit3A_1137 = arith.constant 0.000000e+00 : f32
        %broadcast_in_dim3A_1138 = vector.broadcast %jit3A_1137 : f32 to vector<16xf32>
        %select_n3A_1139 = arith.select %and3A_1135, %add3A_1136, %broadcast_in_dim3A_1138 : vector<16xi1>, vector<16xf32>
        %add3A_1140 = arith.addf %add3A_1055, %select_n3A_1139 : vector<16xf32>
        %mul3A_1141 = arith.constant 3 : i32
        %mul3A_1142 = arith.muli %mul3A_1141, %sub3A_293 : i32
        %add3A_1143 = arith.constant 30 : i32
        %add3A_1144 = arith.addi %mul3A_1142, %add3A_1143 : i32
        %broadcast_in_dim3A_1145 = vector.broadcast %add3A_1144 : i32 to vector<16xi32>
        %mul3A_1146 = arith.constant 2 : i32
        %mul3A_1147 = arith.muli %mul3A_1146, %sub3A_293 : i32
        %add3A_1148 = arith.constant 20 : i32
        %add3A_1149 = arith.addi %mul3A_1147, %add3A_1148 : i32
        %broadcast_in_dim3A_1150 = vector.broadcast %add3A_1149 : i32 to vector<16xi32>
        %add3A_1151 = arith.constant 10 : i32
        %add3A_1152 = arith.addi %sub3A_293, %add3A_1151 : i32
        %broadcast_in_dim3A_1153 = vector.broadcast %add3A_1152 : i32 to vector<16xi32>
        %add3A_1154 = arith.constant 10 : i32
        %add3A_1155 = arith.addi %mul3A_292, %add3A_1154 : i32
        %broadcast_in_dim3A_1156 = vector.broadcast %add3A_1155 : i32 to vector<16xi32>
        %gather3A_1157 = tpu.vector_load_idx %arg9[%broadcast_in_dim3A_1145] : memref<12288xf32, #tpu.memory_space<vmem>>[vector<16xi32>], vector<16xf32>,
        %add3A_1158 = arith.constant 1 : i32
        %add3A_1159 = vector.broadcast %add3A_1158 : i32 to vector<16xi32>
        %add3A_1160 = arith.addi %broadcast_in_dim3A_1145, %add3A_1159 : vector<16xi32>
        %gather3A_1161 = tpu.vector_load_idx %arg9[%add3A_1160] : memref<12288xf32, #tpu.memory_space<vmem>>[vector<16xi32>], vector<16xf32>,
        %add3A_1162 = arith.constant 2 : i32
        %add3A_1163 = vector.broadcast %add3A_1162 : i32 to vector<16xi32>
        %add3A_1164 = arith.addi %broadcast_in_dim3A_1145, %add3A_1163 : vector<16xi32>
        %gather3A_1165 = tpu.vector_load_idx %arg9[%add3A_1164] : memref<12288xf32, #tpu.memory_space<vmem>>[vector<16xi32>], vector<16xf32>,
        %gather3A_1166 = tpu.vector_load_idx %arg10[%broadcast_in_dim3A_1153] : memref<4096xf32, #tpu.memory_space<vmem>>[vector<16xi32>], vector<16xf32>,
        %gather3A_1167 = tpu.vector_load_idx %arg11[%broadcast_in_dim3A_1150] : memref<8192xf32, #tpu.memory_space<vmem>>[vector<16xi32>], vector<16xf32>,
        %add3A_1168 = arith.constant 1 : i32
        %add3A_1169 = vector.broadcast %add3A_1168 : i32 to vector<16xi32>
        %add3A_1170 = arith.addi %broadcast_in_dim3A_1150, %add3A_1169 : vector<16xi32>
        %gather3A_1171 = tpu.vector_load_idx %arg11[%add3A_1170] : memref<8192xf32, #tpu.memory_space<vmem>>[vector<16xi32>], vector<16xf32>,
        %gather3A_1172 = tpu.vector_load_idx %arg8[%broadcast_in_dim3A_1156] : memref<4096xi32, #tpu.memory_space<vmem>>[vector<16xi32>], vector<16xi32>,
        %gather3A_1173 = tpu.vector_load_idx %arg12[%broadcast_in_dim3A_1153] : memref<4096xi32, #tpu.memory_space<vmem>>[vector<16xi32>], vector<16xi32>,
        %sub3A_1174 = arith.subf %gather3A_198, %gather3A_1157 : vector<16xf32>
        %sub3A_1175 = arith.subf %gather3A_202, %gather3A_1161 : vector<16xf32>
        %sub3A_1176 = arith.subf %gather3A_206, %gather3A_1165 : vector<16xf32>
        %mul3A_1177 = arith.mulf %sub3A_1174, %sub3A_1174 : vector<16xf32>
        %mul3A_1178 = arith.mulf %sub3A_1175, %sub3A_1175 : vector<16xf32>
        %add3A_1179 = arith.addf %mul3A_1177, %mul3A_1178 : vector<16xf32>
        %mul3A_1180 = arith.mulf %sub3A_1176, %sub3A_1176 : vector<16xf32>
        %add3A_1181 = arith.addf %add3A_1179, %mul3A_1180 : vector<16xf32>
        %bitcast_convert_type3A_1182 = tpu.bitcast %add3A_1181 : vector<16xf32> -> vector<16xi32>
        %shift_right_arithmetic3A_1183 = arith.constant 1 : i32
        %shift_right_arithmetic3A_1184 = vector.broadcast %shift_right_arithmetic3A_1183 : i32 to vector<16xi32>
        %shift_right_arithmetic3A_1185 = arith.shrsi %bitcast_convert_type3A_1182, %shift_right_arithmetic3A_1184 : vector<16xi32>
        %sub3A_1186 = arith.constant 1597463007 : i32
        %sub3A_1187 = vector.broadcast %sub3A_1186 : i32 to vector<16xi32>
        %sub3A_1188 = arith.subi %sub3A_1187, %shift_right_arithmetic3A_1185 : vector<16xi32>
        %bitcast_convert_type3A_1189 = tpu.bitcast %sub3A_1188 : vector<16xi32> -> vector<16xf32>
        %mul3A_1190 = arith.constant 5.000000e-01 : f32
        %mul3A_1191 = vector.broadcast %mul3A_1190 : f32 to vector<16xf32>
        %mul3A_1192 = arith.mulf %mul3A_1191, %add3A_1181 : vector<16xf32>
        %mul3A_1193 = arith.mulf %mul3A_1192, %bitcast_convert_type3A_1189 : vector<16xf32>
        %mul3A_1194 = arith.mulf %mul3A_1193, %bitcast_convert_type3A_1189 : vector<16xf32>
        %sub3A_1195 = arith.constant 1.500000e+00 : f32
        %sub3A_1196 = vector.broadcast %sub3A_1195 : f32 to vector<16xf32>
        %sub3A_1197 = arith.subf %sub3A_1196, %mul3A_1194 : vector<16xf32>
        %mul3A_1198 = arith.mulf %bitcast_convert_type3A_1189, %sub3A_1197 : vector<16xf32>
        %mul3A_1199 = arith.mulf %mul3A_1192, %mul3A_1198 : vector<16xf32>
        %mul3A_1200 = arith.mulf %mul3A_1199, %mul3A_1198 : vector<16xf32>
        %sub3A_1201 = arith.constant 1.500000e+00 : f32
        %sub3A_1202 = vector.broadcast %sub3A_1201 : f32 to vector<16xf32>
        %sub3A_1203 = arith.subf %sub3A_1202, %mul3A_1200 : vector<16xf32>
        %mul3A_1204 = arith.mulf %mul3A_1198, %sub3A_1203 : vector<16xf32>
        %mul3A_1205 = arith.mulf %get3A_207, %gather3A_1166 : vector<16xf32>
        %mul3A_1206 = arith.mulf %mul3A_1205, %mul3A_1204 : vector<16xf32>
        %add3A_1207 = arith.addf %gather3A_208, %gather3A_1167 : vector<16xf32>
        %mul3A_1208 = arith.mulf %add3A_1207, %mul3A_1204 : vector<16xf32>
        %mul3A_1209 = arith.mulf %mul3A_1208, %mul3A_1208 : vector<16xf32>
        %mul3A_1210 = arith.mulf %mul3A_1209, %mul3A_1209 : vector<16xf32>
        %mul3A_1211 = arith.mulf %mul3A_1210, %mul3A_1209 : vector<16xf32>
        %mul3A_1212 = arith.mulf %gather3A_212, %gather3A_1171 : vector<16xf32>
        %mul3A_1213 = arith.mulf %mul3A_1212, %mul3A_1211 : vector<16xf32>
        %sub3A_1214 = arith.constant 1.000000e+00 : f32
        %sub3A_1215 = vector.broadcast %sub3A_1214 : f32 to vector<16xf32>
        %sub3A_1216 = arith.subf %mul3A_1211, %sub3A_1215 : vector<16xf32>
        %mul3A_1217 = arith.mulf %mul3A_1213, %sub3A_1216 : vector<16xf32>
        %eq3A_1218 = arith.cmpi eq, %get3A_215, %gather3A_1172 : vector<16xi32>
        %ne3A_1219 = arith.cmpi ne, %get3A_217, %gather3A_1173 : vector<16xi32>
        %and3A_1220 = arith.andi %eq3A_1218, %ne3A_1219 : vector<16xi1>
        %add3A_1221 = arith.addf %mul3A_1206, %mul3A_1217 : vector<16xf32>
        %jit3A_1222 = arith.constant 0.000000e+00 : f32
        %broadcast_in_dim3A_1223 = vector.broadcast %jit3A_1222 : f32 to vector<16xf32>
        %select_n3A_1224 = arith.select %and3A_1220, %add3A_1221, %broadcast_in_dim3A_1223 : vector<16xi1>, vector<16xf32>
        %add3A_1225 = arith.addf %add3A_1140, %select_n3A_1224 : vector<16xf32>
        %mul3A_1226 = arith.constant 3 : i32
        %mul3A_1227 = arith.muli %mul3A_1226, %sub3A_293 : i32
        %add3A_1228 = arith.constant 33 : i32
        %add3A_1229 = arith.addi %mul3A_1227, %add3A_1228 : i32
        %broadcast_in_dim3A_1230 = vector.broadcast %add3A_1229 : i32 to vector<16xi32>
        %mul3A_1231 = arith.constant 2 : i32
        %mul3A_1232 = arith.muli %mul3A_1231, %sub3A_293 : i32
        %add3A_1233 = arith.constant 22 : i32
        %add3A_1234 = arith.addi %mul3A_1232, %add3A_1233 : i32
        %broadcast_in_dim3A_1235 = vector.broadcast %add3A_1234 : i32 to vector<16xi32>
        %add3A_1236 = arith.constant 11 : i32
        %add3A_1237 = arith.addi %sub3A_293, %add3A_1236 : i32
        %broadcast_in_dim3A_1238 = vector.broadcast %add3A_1237 : i32 to vector<16xi32>
        %add3A_1239 = arith.constant 11 : i32
        %add3A_1240 = arith.addi %mul3A_292, %add3A_1239 : i32
        %broadcast_in_dim3A_1241 = vector.broadcast %add3A_1240 : i32 to vector<16xi32>
        %gather3A_1242 = tpu.vector_load_idx %arg9[%broadcast_in_dim3A_1230] : memref<12288xf32, #tpu.memory_space<vmem>>[vector<16xi32>], vector<16xf32>,
        %add3A_1243 = arith.constant 1 : i32
        %add3A_1244 = vector.broadcast %add3A_1243 : i32 to vector<16xi32>
        %add3A_1245 = arith.addi %broadcast_in_dim3A_1230, %add3A_1244 : vector<16xi32>
        %gather3A_1246 = tpu.vector_load_idx %arg9[%add3A_1245] : memref<12288xf32, #tpu.memory_space<vmem>>[vector<16xi32>], vector<16xf32>,
        %add3A_1247 = arith.constant 2 : i32
        %add3A_1248 = vector.broadcast %add3A_1247 : i32 to vector<16xi32>
        %add3A_1249 = arith.addi %broadcast_in_dim3A_1230, %add3A_1248 : vector<16xi32>
        %gather3A_1250 = tpu.vector_load_idx %arg9[%add3A_1249] : memref<12288xf32, #tpu.memory_space<vmem>>[vector<16xi32>], vector<16xf32>,
        %gather3A_1251 = tpu.vector_load_idx %arg10[%broadcast_in_dim3A_1238] : memref<4096xf32, #tpu.memory_space<vmem>>[vector<16xi32>], vector<16xf32>,
        %gather3A_1252 = tpu.vector_load_idx %arg11[%broadcast_in_dim3A_1235] : memref<8192xf32, #tpu.memory_space<vmem>>[vector<16xi32>], vector<16xf32>,
        %add3A_1253 = arith.constant 1 : i32
        %add3A_1254 = vector.broadcast %add3A_1253 : i32 to vector<16xi32>
        %add3A_1255 = arith.addi %broadcast_in_dim3A_1235, %add3A_1254 : vector<16xi32>
        %gather3A_1256 = tpu.vector_load_idx %arg11[%add3A_1255] : memref<8192xf32, #tpu.memory_space<vmem>>[vector<16xi32>], vector<16xf32>,
        %gather3A_1257 = tpu.vector_load_idx %arg8[%broadcast_in_dim3A_1241] : memref<4096xi32, #tpu.memory_space<vmem>>[vector<16xi32>], vector<16xi32>,
        %gather3A_1258 = tpu.vector_load_idx %arg12[%broadcast_in_dim3A_1238] : memref<4096xi32, #tpu.memory_space<vmem>>[vector<16xi32>], vector<16xi32>,
        %sub3A_1259 = arith.subf %gather3A_198, %gather3A_1242 : vector<16xf32>
        %sub3A_1260 = arith.subf %gather3A_202, %gather3A_1246 : vector<16xf32>
        %sub3A_1261 = arith.subf %gather3A_206, %gather3A_1250 : vector<16xf32>
        %mul3A_1262 = arith.mulf %sub3A_1259, %sub3A_1259 : vector<16xf32>
        %mul3A_1263 = arith.mulf %sub3A_1260, %sub3A_1260 : vector<16xf32>
        %add3A_1264 = arith.addf %mul3A_1262, %mul3A_1263 : vector<16xf32>
        %mul3A_1265 = arith.mulf %sub3A_1261, %sub3A_1261 : vector<16xf32>
        %add3A_1266 = arith.addf %add3A_1264, %mul3A_1265 : vector<16xf32>
        %bitcast_convert_type3A_1267 = tpu.bitcast %add3A_1266 : vector<16xf32> -> vector<16xi32>
        %shift_right_arithmetic3A_1268 = arith.constant 1 : i32
        %shift_right_arithmetic3A_1269 = vector.broadcast %shift_right_arithmetic3A_1268 : i32 to vector<16xi32>
        %shift_right_arithmetic3A_1270 = arith.shrsi %bitcast_convert_type3A_1267, %shift_right_arithmetic3A_1269 : vector<16xi32>
        %sub3A_1271 = arith.constant 1597463007 : i32
        %sub3A_1272 = vector.broadcast %sub3A_1271 : i32 to vector<16xi32>
        %sub3A_1273 = arith.subi %sub3A_1272, %shift_right_arithmetic3A_1270 : vector<16xi32>
        %bitcast_convert_type3A_1274 = tpu.bitcast %sub3A_1273 : vector<16xi32> -> vector<16xf32>
        %mul3A_1275 = arith.constant 5.000000e-01 : f32
        %mul3A_1276 = vector.broadcast %mul3A_1275 : f32 to vector<16xf32>
        %mul3A_1277 = arith.mulf %mul3A_1276, %add3A_1266 : vector<16xf32>
        %mul3A_1278 = arith.mulf %mul3A_1277, %bitcast_convert_type3A_1274 : vector<16xf32>
        %mul3A_1279 = arith.mulf %mul3A_1278, %bitcast_convert_type3A_1274 : vector<16xf32>
        %sub3A_1280 = arith.constant 1.500000e+00 : f32
        %sub3A_1281 = vector.broadcast %sub3A_1280 : f32 to vector<16xf32>
        %sub3A_1282 = arith.subf %sub3A_1281, %mul3A_1279 : vector<16xf32>
        %mul3A_1283 = arith.mulf %bitcast_convert_type3A_1274, %sub3A_1282 : vector<16xf32>
        %mul3A_1284 = arith.mulf %mul3A_1277, %mul3A_1283 : vector<16xf32>
        %mul3A_1285 = arith.mulf %mul3A_1284, %mul3A_1283 : vector<16xf32>
        %sub3A_1286 = arith.constant 1.500000e+00 : f32
        %sub3A_1287 = vector.broadcast %sub3A_1286 : f32 to vector<16xf32>
        %sub3A_1288 = arith.subf %sub3A_1287, %mul3A_1285 : vector<16xf32>
        %mul3A_1289 = arith.mulf %mul3A_1283, %sub3A_1288 : vector<16xf32>
        %mul3A_1290 = arith.mulf %get3A_207, %gather3A_1251 : vector<16xf32>
        %mul3A_1291 = arith.mulf %mul3A_1290, %mul3A_1289 : vector<16xf32>
        %add3A_1292 = arith.addf %gather3A_208, %gather3A_1252 : vector<16xf32>
        %mul3A_1293 = arith.mulf %add3A_1292, %mul3A_1289 : vector<16xf32>
        %mul3A_1294 = arith.mulf %mul3A_1293, %mul3A_1293 : vector<16xf32>
        %mul3A_1295 = arith.mulf %mul3A_1294, %mul3A_1294 : vector<16xf32>
        %mul3A_1296 = arith.mulf %mul3A_1295, %mul3A_1294 : vector<16xf32>
        %mul3A_1297 = arith.mulf %gather3A_212, %gather3A_1256 : vector<16xf32>
        %mul3A_1298 = arith.mulf %mul3A_1297, %mul3A_1296 : vector<16xf32>
        %sub3A_1299 = arith.constant 1.000000e+00 : f32
        %sub3A_1300 = vector.broadcast %sub3A_1299 : f32 to vector<16xf32>
        %sub3A_1301 = arith.subf %mul3A_1296, %sub3A_1300 : vector<16xf32>
        %mul3A_1302 = arith.mulf %mul3A_1298, %sub3A_1301 : vector<16xf32>
        %eq3A_1303 = arith.cmpi eq, %get3A_215, %gather3A_1257 : vector<16xi32>
        %ne3A_1304 = arith.cmpi ne, %get3A_217, %gather3A_1258 : vector<16xi32>
        %and3A_1305 = arith.andi %eq3A_1303, %ne3A_1304 : vector<16xi1>
        %add3A_1306 = arith.addf %mul3A_1291, %mul3A_1302 : vector<16xf32>
        %jit3A_1307 = arith.constant 0.000000e+00 : f32
        %broadcast_in_dim3A_1308 = vector.broadcast %jit3A_1307 : f32 to vector<16xf32>
        %select_n3A_1309 = arith.select %and3A_1305, %add3A_1306, %broadcast_in_dim3A_1308 : vector<16xi1>, vector<16xf32>
        %add3A_1310 = arith.addf %add3A_1225, %select_n3A_1309 : vector<16xf32>
        %mul3A_1311 = arith.constant 3 : i32
        %mul3A_1312 = arith.muli %mul3A_1311, %sub3A_293 : i32
        %add3A_1313 = arith.constant 36 : i32
        %add3A_1314 = arith.addi %mul3A_1312, %add3A_1313 : i32
        %broadcast_in_dim3A_1315 = vector.broadcast %add3A_1314 : i32 to vector<16xi32>
        %mul3A_1316 = arith.constant 2 : i32
        %mul3A_1317 = arith.muli %mul3A_1316, %sub3A_293 : i32
        %add3A_1318 = arith.constant 24 : i32
        %add3A_1319 = arith.addi %mul3A_1317, %add3A_1318 : i32
        %broadcast_in_dim3A_1320 = vector.broadcast %add3A_1319 : i32 to vector<16xi32>
        %add3A_1321 = arith.constant 12 : i32
        %add3A_1322 = arith.addi %sub3A_293, %add3A_1321 : i32
        %broadcast_in_dim3A_1323 = vector.broadcast %add3A_1322 : i32 to vector<16xi32>
        %add3A_1324 = arith.constant 12 : i32
        %add3A_1325 = arith.addi %mul3A_292, %add3A_1324 : i32
        %broadcast_in_dim3A_1326 = vector.broadcast %add3A_1325 : i32 to vector<16xi32>
        %gather3A_1327 = tpu.vector_load_idx %arg9[%broadcast_in_dim3A_1315] : memref<12288xf32, #tpu.memory_space<vmem>>[vector<16xi32>], vector<16xf32>,
        %add3A_1328 = arith.constant 1 : i32
        %add3A_1329 = vector.broadcast %add3A_1328 : i32 to vector<16xi32>
        %add3A_1330 = arith.addi %broadcast_in_dim3A_1315, %add3A_1329 : vector<16xi32>
        %gather3A_1331 = tpu.vector_load_idx %arg9[%add3A_1330] : memref<12288xf32, #tpu.memory_space<vmem>>[vector<16xi32>], vector<16xf32>,
        %add3A_1332 = arith.constant 2 : i32
        %add3A_1333 = vector.broadcast %add3A_1332 : i32 to vector<16xi32>
        %add3A_1334 = arith.addi %broadcast_in_dim3A_1315, %add3A_1333 : vector<16xi32>
        %gather3A_1335 = tpu.vector_load_idx %arg9[%add3A_1334] : memref<12288xf32, #tpu.memory_space<vmem>>[vector<16xi32>], vector<16xf32>,
        %gather3A_1336 = tpu.vector_load_idx %arg10[%broadcast_in_dim3A_1323] : memref<4096xf32, #tpu.memory_space<vmem>>[vector<16xi32>], vector<16xf32>,
        %gather3A_1337 = tpu.vector_load_idx %arg11[%broadcast_in_dim3A_1320] : memref<8192xf32, #tpu.memory_space<vmem>>[vector<16xi32>], vector<16xf32>,
        %add3A_1338 = arith.constant 1 : i32
        %add3A_1339 = vector.broadcast %add3A_1338 : i32 to vector<16xi32>
        %add3A_1340 = arith.addi %broadcast_in_dim3A_1320, %add3A_1339 : vector<16xi32>
        %gather3A_1341 = tpu.vector_load_idx %arg11[%add3A_1340] : memref<8192xf32, #tpu.memory_space<vmem>>[vector<16xi32>], vector<16xf32>,
        %gather3A_1342 = tpu.vector_load_idx %arg8[%broadcast_in_dim3A_1326] : memref<4096xi32, #tpu.memory_space<vmem>>[vector<16xi32>], vector<16xi32>,
        %gather3A_1343 = tpu.vector_load_idx %arg12[%broadcast_in_dim3A_1323] : memref<4096xi32, #tpu.memory_space<vmem>>[vector<16xi32>], vector<16xi32>,
        %sub3A_1344 = arith.subf %gather3A_198, %gather3A_1327 : vector<16xf32>
        %sub3A_1345 = arith.subf %gather3A_202, %gather3A_1331 : vector<16xf32>
        %sub3A_1346 = arith.subf %gather3A_206, %gather3A_1335 : vector<16xf32>
        %mul3A_1347 = arith.mulf %sub3A_1344, %sub3A_1344 : vector<16xf32>
        %mul3A_1348 = arith.mulf %sub3A_1345, %sub3A_1345 : vector<16xf32>
        %add3A_1349 = arith.addf %mul3A_1347, %mul3A_1348 : vector<16xf32>
        %mul3A_1350 = arith.mulf %sub3A_1346, %sub3A_1346 : vector<16xf32>
        %add3A_1351 = arith.addf %add3A_1349, %mul3A_1350 : vector<16xf32>
        %bitcast_convert_type3A_1352 = tpu.bitcast %add3A_1351 : vector<16xf32> -> vector<16xi32>
        %shift_right_arithmetic3A_1353 = arith.constant 1 : i32
        %shift_right_arithmetic3A_1354 = vector.broadcast %shift_right_arithmetic3A_1353 : i32 to vector<16xi32>
        %shift_right_arithmetic3A_1355 = arith.shrsi %bitcast_convert_type3A_1352, %shift_right_arithmetic3A_1354 : vector<16xi32>
        %sub3A_1356 = arith.constant 1597463007 : i32
        %sub3A_1357 = vector.broadcast %sub3A_1356 : i32 to vector<16xi32>
        %sub3A_1358 = arith.subi %sub3A_1357, %shift_right_arithmetic3A_1355 : vector<16xi32>
        %bitcast_convert_type3A_1359 = tpu.bitcast %sub3A_1358 : vector<16xi32> -> vector<16xf32>
        %mul3A_1360 = arith.constant 5.000000e-01 : f32
        %mul3A_1361 = vector.broadcast %mul3A_1360 : f32 to vector<16xf32>
        %mul3A_1362 = arith.mulf %mul3A_1361, %add3A_1351 : vector<16xf32>
        %mul3A_1363 = arith.mulf %mul3A_1362, %bitcast_convert_type3A_1359 : vector<16xf32>
        %mul3A_1364 = arith.mulf %mul3A_1363, %bitcast_convert_type3A_1359 : vector<16xf32>
        %sub3A_1365 = arith.constant 1.500000e+00 : f32
        %sub3A_1366 = vector.broadcast %sub3A_1365 : f32 to vector<16xf32>
        %sub3A_1367 = arith.subf %sub3A_1366, %mul3A_1364 : vector<16xf32>
        %mul3A_1368 = arith.mulf %bitcast_convert_type3A_1359, %sub3A_1367 : vector<16xf32>
        %mul3A_1369 = arith.mulf %mul3A_1362, %mul3A_1368 : vector<16xf32>
        %mul3A_1370 = arith.mulf %mul3A_1369, %mul3A_1368 : vector<16xf32>
        %sub3A_1371 = arith.constant 1.500000e+00 : f32
        %sub3A_1372 = vector.broadcast %sub3A_1371 : f32 to vector<16xf32>
        %sub3A_1373 = arith.subf %sub3A_1372, %mul3A_1370 : vector<16xf32>
        %mul3A_1374 = arith.mulf %mul3A_1368, %sub3A_1373 : vector<16xf32>
        %mul3A_1375 = arith.mulf %get3A_207, %gather3A_1336 : vector<16xf32>
        %mul3A_1376 = arith.mulf %mul3A_1375, %mul3A_1374 : vector<16xf32>
        %add3A_1377 = arith.addf %gather3A_208, %gather3A_1337 : vector<16xf32>
        %mul3A_1378 = arith.mulf %add3A_1377, %mul3A_1374 : vector<16xf32>
        %mul3A_1379 = arith.mulf %mul3A_1378, %mul3A_1378 : vector<16xf32>
        %mul3A_1380 = arith.mulf %mul3A_1379, %mul3A_1379 : vector<16xf32>
        %mul3A_1381 = arith.mulf %mul3A_1380, %mul3A_1379 : vector<16xf32>
        %mul3A_1382 = arith.mulf %gather3A_212, %gather3A_1341 : vector<16xf32>
        %mul3A_1383 = arith.mulf %mul3A_1382, %mul3A_1381 : vector<16xf32>
        %sub3A_1384 = arith.constant 1.000000e+00 : f32
        %sub3A_1385 = vector.broadcast %sub3A_1384 : f32 to vector<16xf32>
        %sub3A_1386 = arith.subf %mul3A_1381, %sub3A_1385 : vector<16xf32>
        %mul3A_1387 = arith.mulf %mul3A_1383, %sub3A_1386 : vector<16xf32>
        %eq3A_1388 = arith.cmpi eq, %get3A_215, %gather3A_1342 : vector<16xi32>
        %ne3A_1389 = arith.cmpi ne, %get3A_217, %gather3A_1343 : vector<16xi32>
        %and3A_1390 = arith.andi %eq3A_1388, %ne3A_1389 : vector<16xi1>
        %add3A_1391 = arith.addf %mul3A_1376, %mul3A_1387 : vector<16xf32>
        %jit3A_1392 = arith.constant 0.000000e+00 : f32
        %broadcast_in_dim3A_1393 = vector.broadcast %jit3A_1392 : f32 to vector<16xf32>
        %select_n3A_1394 = arith.select %and3A_1390, %add3A_1391, %broadcast_in_dim3A_1393 : vector<16xi1>, vector<16xf32>
        %add3A_1395 = arith.addf %add3A_1310, %select_n3A_1394 : vector<16xf32>
        %mul3A_1396 = arith.constant 3 : i32
        %mul3A_1397 = arith.muli %mul3A_1396, %sub3A_293 : i32
        %add3A_1398 = arith.constant 39 : i32
        %add3A_1399 = arith.addi %mul3A_1397, %add3A_1398 : i32
        %broadcast_in_dim3A_1400 = vector.broadcast %add3A_1399 : i32 to vector<16xi32>
        %mul3A_1401 = arith.constant 2 : i32
        %mul3A_1402 = arith.muli %mul3A_1401, %sub3A_293 : i32
        %add3A_1403 = arith.constant 26 : i32
        %add3A_1404 = arith.addi %mul3A_1402, %add3A_1403 : i32
        %broadcast_in_dim3A_1405 = vector.broadcast %add3A_1404 : i32 to vector<16xi32>
        %add3A_1406 = arith.constant 13 : i32
        %add3A_1407 = arith.addi %sub3A_293, %add3A_1406 : i32
        %broadcast_in_dim3A_1408 = vector.broadcast %add3A_1407 : i32 to vector<16xi32>
        %add3A_1409 = arith.constant 13 : i32
        %add3A_1410 = arith.addi %mul3A_292, %add3A_1409 : i32
        %broadcast_in_dim3A_1411 = vector.broadcast %add3A_1410 : i32 to vector<16xi32>
        %gather3A_1412 = tpu.vector_load_idx %arg9[%broadcast_in_dim3A_1400] : memref<12288xf32, #tpu.memory_space<vmem>>[vector<16xi32>], vector<16xf32>,
        %add3A_1413 = arith.constant 1 : i32
        %add3A_1414 = vector.broadcast %add3A_1413 : i32 to vector<16xi32>
        %add3A_1415 = arith.addi %broadcast_in_dim3A_1400, %add3A_1414 : vector<16xi32>
        %gather3A_1416 = tpu.vector_load_idx %arg9[%add3A_1415] : memref<12288xf32, #tpu.memory_space<vmem>>[vector<16xi32>], vector<16xf32>,
        %add3A_1417 = arith.constant 2 : i32
        %add3A_1418 = vector.broadcast %add3A_1417 : i32 to vector<16xi32>
        %add3A_1419 = arith.addi %broadcast_in_dim3A_1400, %add3A_1418 : vector<16xi32>
        %gather3A_1420 = tpu.vector_load_idx %arg9[%add3A_1419] : memref<12288xf32, #tpu.memory_space<vmem>>[vector<16xi32>], vector<16xf32>,
        %gather3A_1421 = tpu.vector_load_idx %arg10[%broadcast_in_dim3A_1408] : memref<4096xf32, #tpu.memory_space<vmem>>[vector<16xi32>], vector<16xf32>,
        %gather3A_1422 = tpu.vector_load_idx %arg11[%broadcast_in_dim3A_1405] : memref<8192xf32, #tpu.memory_space<vmem>>[vector<16xi32>], vector<16xf32>,
        %add3A_1423 = arith.constant 1 : i32
        %add3A_1424 = vector.broadcast %add3A_1423 : i32 to vector<16xi32>
        %add3A_1425 = arith.addi %broadcast_in_dim3A_1405, %add3A_1424 : vector<16xi32>
        %gather3A_1426 = tpu.vector_load_idx %arg11[%add3A_1425] : memref<8192xf32, #tpu.memory_space<vmem>>[vector<16xi32>], vector<16xf32>,
        %gather3A_1427 = tpu.vector_load_idx %arg8[%broadcast_in_dim3A_1411] : memref<4096xi32, #tpu.memory_space<vmem>>[vector<16xi32>], vector<16xi32>,
        %gather3A_1428 = tpu.vector_load_idx %arg12[%broadcast_in_dim3A_1408] : memref<4096xi32, #tpu.memory_space<vmem>>[vector<16xi32>], vector<16xi32>,
        %sub3A_1429 = arith.subf %gather3A_198, %gather3A_1412 : vector<16xf32>
        %sub3A_1430 = arith.subf %gather3A_202, %gather3A_1416 : vector<16xf32>
        %sub3A_1431 = arith.subf %gather3A_206, %gather3A_1420 : vector<16xf32>
        %mul3A_1432 = arith.mulf %sub3A_1429, %sub3A_1429 : vector<16xf32>
        %mul3A_1433 = arith.mulf %sub3A_1430, %sub3A_1430 : vector<16xf32>
        %add3A_1434 = arith.addf %mul3A_1432, %mul3A_1433 : vector<16xf32>
        %mul3A_1435 = arith.mulf %sub3A_1431, %sub3A_1431 : vector<16xf32>
        %add3A_1436 = arith.addf %add3A_1434, %mul3A_1435 : vector<16xf32>
        %bitcast_convert_type3A_1437 = tpu.bitcast %add3A_1436 : vector<16xf32> -> vector<16xi32>
        %shift_right_arithmetic3A_1438 = arith.constant 1 : i32
        %shift_right_arithmetic3A_1439 = vector.broadcast %shift_right_arithmetic3A_1438 : i32 to vector<16xi32>
        %shift_right_arithmetic3A_1440 = arith.shrsi %bitcast_convert_type3A_1437, %shift_right_arithmetic3A_1439 : vector<16xi32>
        %sub3A_1441 = arith.constant 1597463007 : i32
        %sub3A_1442 = vector.broadcast %sub3A_1441 : i32 to vector<16xi32>
        %sub3A_1443 = arith.subi %sub3A_1442, %shift_right_arithmetic3A_1440 : vector<16xi32>
        %bitcast_convert_type3A_1444 = tpu.bitcast %sub3A_1443 : vector<16xi32> -> vector<16xf32>
        %mul3A_1445 = arith.constant 5.000000e-01 : f32
        %mul3A_1446 = vector.broadcast %mul3A_1445 : f32 to vector<16xf32>
        %mul3A_1447 = arith.mulf %mul3A_1446, %add3A_1436 : vector<16xf32>
        %mul3A_1448 = arith.mulf %mul3A_1447, %bitcast_convert_type3A_1444 : vector<16xf32>
        %mul3A_1449 = arith.mulf %mul3A_1448, %bitcast_convert_type3A_1444 : vector<16xf32>
        %sub3A_1450 = arith.constant 1.500000e+00 : f32
        %sub3A_1451 = vector.broadcast %sub3A_1450 : f32 to vector<16xf32>
        %sub3A_1452 = arith.subf %sub3A_1451, %mul3A_1449 : vector<16xf32>
        %mul3A_1453 = arith.mulf %bitcast_convert_type3A_1444, %sub3A_1452 : vector<16xf32>
        %mul3A_1454 = arith.mulf %mul3A_1447, %mul3A_1453 : vector<16xf32>
        %mul3A_1455 = arith.mulf %mul3A_1454, %mul3A_1453 : vector<16xf32>
        %sub3A_1456 = arith.constant 1.500000e+00 : f32
        %sub3A_1457 = vector.broadcast %sub3A_1456 : f32 to vector<16xf32>
        %sub3A_1458 = arith.subf %sub3A_1457, %mul3A_1455 : vector<16xf32>
        %mul3A_1459 = arith.mulf %mul3A_1453, %sub3A_1458 : vector<16xf32>
        %mul3A_1460 = arith.mulf %get3A_207, %gather3A_1421 : vector<16xf32>
        %mul3A_1461 = arith.mulf %mul3A_1460, %mul3A_1459 : vector<16xf32>
        %add3A_1462 = arith.addf %gather3A_208, %gather3A_1422 : vector<16xf32>
        %mul3A_1463 = arith.mulf %add3A_1462, %mul3A_1459 : vector<16xf32>
        %mul3A_1464 = arith.mulf %mul3A_1463, %mul3A_1463 : vector<16xf32>
        %mul3A_1465 = arith.mulf %mul3A_1464, %mul3A_1464 : vector<16xf32>
        %mul3A_1466 = arith.mulf %mul3A_1465, %mul3A_1464 : vector<16xf32>
        %mul3A_1467 = arith.mulf %gather3A_212, %gather3A_1426 : vector<16xf32>
        %mul3A_1468 = arith.mulf %mul3A_1467, %mul3A_1466 : vector<16xf32>
        %sub3A_1469 = arith.constant 1.000000e+00 : f32
        %sub3A_1470 = vector.broadcast %sub3A_1469 : f32 to vector<16xf32>
        %sub3A_1471 = arith.subf %mul3A_1466, %sub3A_1470 : vector<16xf32>
        %mul3A_1472 = arith.mulf %mul3A_1468, %sub3A_1471 : vector<16xf32>
        %eq3A_1473 = arith.cmpi eq, %get3A_215, %gather3A_1427 : vector<16xi32>
        %ne3A_1474 = arith.cmpi ne, %get3A_217, %gather3A_1428 : vector<16xi32>
        %and3A_1475 = arith.andi %eq3A_1473, %ne3A_1474 : vector<16xi1>
        %add3A_1476 = arith.addf %mul3A_1461, %mul3A_1472 : vector<16xf32>
        %jit3A_1477 = arith.constant 0.000000e+00 : f32
        %broadcast_in_dim3A_1478 = vector.broadcast %jit3A_1477 : f32 to vector<16xf32>
        %select_n3A_1479 = arith.select %and3A_1475, %add3A_1476, %broadcast_in_dim3A_1478 : vector<16xi1>, vector<16xf32>
        %add3A_1480 = arith.addf %add3A_1395, %select_n3A_1479 : vector<16xf32>
        %mul3A_1481 = arith.constant 3 : i32
        %mul3A_1482 = arith.muli %mul3A_1481, %sub3A_293 : i32
        %add3A_1483 = arith.constant 42 : i32
        %add3A_1484 = arith.addi %mul3A_1482, %add3A_1483 : i32
        %broadcast_in_dim3A_1485 = vector.broadcast %add3A_1484 : i32 to vector<16xi32>
        %mul3A_1486 = arith.constant 2 : i32
        %mul3A_1487 = arith.muli %mul3A_1486, %sub3A_293 : i32
        %add3A_1488 = arith.constant 28 : i32
        %add3A_1489 = arith.addi %mul3A_1487, %add3A_1488 : i32
        %broadcast_in_dim3A_1490 = vector.broadcast %add3A_1489 : i32 to vector<16xi32>
        %add3A_1491 = arith.constant 14 : i32
        %add3A_1492 = arith.addi %sub3A_293, %add3A_1491 : i32
        %broadcast_in_dim3A_1493 = vector.broadcast %add3A_1492 : i32 to vector<16xi32>
        %add3A_1494 = arith.constant 14 : i32
        %add3A_1495 = arith.addi %mul3A_292, %add3A_1494 : i32
        %broadcast_in_dim3A_1496 = vector.broadcast %add3A_1495 : i32 to vector<16xi32>
        %gather3A_1497 = tpu.vector_load_idx %arg9[%broadcast_in_dim3A_1485] : memref<12288xf32, #tpu.memory_space<vmem>>[vector<16xi32>], vector<16xf32>,
        %add3A_1498 = arith.constant 1 : i32
        %add3A_1499 = vector.broadcast %add3A_1498 : i32 to vector<16xi32>
        %add3A_1500 = arith.addi %broadcast_in_dim3A_1485, %add3A_1499 : vector<16xi32>
        %gather3A_1501 = tpu.vector_load_idx %arg9[%add3A_1500] : memref<12288xf32, #tpu.memory_space<vmem>>[vector<16xi32>], vector<16xf32>,
        %add3A_1502 = arith.constant 2 : i32
        %add3A_1503 = vector.broadcast %add3A_1502 : i32 to vector<16xi32>
        %add3A_1504 = arith.addi %broadcast_in_dim3A_1485, %add3A_1503 : vector<16xi32>
        %gather3A_1505 = tpu.vector_load_idx %arg9[%add3A_1504] : memref<12288xf32, #tpu.memory_space<vmem>>[vector<16xi32>], vector<16xf32>,
        %gather3A_1506 = tpu.vector_load_idx %arg10[%broadcast_in_dim3A_1493] : memref<4096xf32, #tpu.memory_space<vmem>>[vector<16xi32>], vector<16xf32>,
        %gather3A_1507 = tpu.vector_load_idx %arg11[%broadcast_in_dim3A_1490] : memref<8192xf32, #tpu.memory_space<vmem>>[vector<16xi32>], vector<16xf32>,
        %add3A_1508 = arith.constant 1 : i32
        %add3A_1509 = vector.broadcast %add3A_1508 : i32 to vector<16xi32>
        %add3A_1510 = arith.addi %broadcast_in_dim3A_1490, %add3A_1509 : vector<16xi32>
        %gather3A_1511 = tpu.vector_load_idx %arg11[%add3A_1510] : memref<8192xf32, #tpu.memory_space<vmem>>[vector<16xi32>], vector<16xf32>,
        %gather3A_1512 = tpu.vector_load_idx %arg8[%broadcast_in_dim3A_1496] : memref<4096xi32, #tpu.memory_space<vmem>>[vector<16xi32>], vector<16xi32>,
        %gather3A_1513 = tpu.vector_load_idx %arg12[%broadcast_in_dim3A_1493] : memref<4096xi32, #tpu.memory_space<vmem>>[vector<16xi32>], vector<16xi32>,
        %sub3A_1514 = arith.subf %gather3A_198, %gather3A_1497 : vector<16xf32>
        %sub3A_1515 = arith.subf %gather3A_202, %gather3A_1501 : vector<16xf32>
        %sub3A_1516 = arith.subf %gather3A_206, %gather3A_1505 : vector<16xf32>
        %mul3A_1517 = arith.mulf %sub3A_1514, %sub3A_1514 : vector<16xf32>
        %mul3A_1518 = arith.mulf %sub3A_1515, %sub3A_1515 : vector<16xf32>
        %add3A_1519 = arith.addf %mul3A_1517, %mul3A_1518 : vector<16xf32>
        %mul3A_1520 = arith.mulf %sub3A_1516, %sub3A_1516 : vector<16xf32>
        %add3A_1521 = arith.addf %add3A_1519, %mul3A_1520 : vector<16xf32>
        %bitcast_convert_type3A_1522 = tpu.bitcast %add3A_1521 : vector<16xf32> -> vector<16xi32>
        %shift_right_arithmetic3A_1523 = arith.constant 1 : i32
        %shift_right_arithmetic3A_1524 = vector.broadcast %shift_right_arithmetic3A_1523 : i32 to vector<16xi32>
        %shift_right_arithmetic3A_1525 = arith.shrsi %bitcast_convert_type3A_1522, %shift_right_arithmetic3A_1524 : vector<16xi32>
        %sub3A_1526 = arith.constant 1597463007 : i32
        %sub3A_1527 = vector.broadcast %sub3A_1526 : i32 to vector<16xi32>
        %sub3A_1528 = arith.subi %sub3A_1527, %shift_right_arithmetic3A_1525 : vector<16xi32>
        %bitcast_convert_type3A_1529 = tpu.bitcast %sub3A_1528 : vector<16xi32> -> vector<16xf32>
        %mul3A_1530 = arith.constant 5.000000e-01 : f32
        %mul3A_1531 = vector.broadcast %mul3A_1530 : f32 to vector<16xf32>
        %mul3A_1532 = arith.mulf %mul3A_1531, %add3A_1521 : vector<16xf32>
        %mul3A_1533 = arith.mulf %mul3A_1532, %bitcast_convert_type3A_1529 : vector<16xf32>
        %mul3A_1534 = arith.mulf %mul3A_1533, %bitcast_convert_type3A_1529 : vector<16xf32>
        %sub3A_1535 = arith.constant 1.500000e+00 : f32
        %sub3A_1536 = vector.broadcast %sub3A_1535 : f32 to vector<16xf32>
        %sub3A_1537 = arith.subf %sub3A_1536, %mul3A_1534 : vector<16xf32>
        %mul3A_1538 = arith.mulf %bitcast_convert_type3A_1529, %sub3A_1537 : vector<16xf32>
        %mul3A_1539 = arith.mulf %mul3A_1532, %mul3A_1538 : vector<16xf32>
        %mul3A_1540 = arith.mulf %mul3A_1539, %mul3A_1538 : vector<16xf32>
        %sub3A_1541 = arith.constant 1.500000e+00 : f32
        %sub3A_1542 = vector.broadcast %sub3A_1541 : f32 to vector<16xf32>
        %sub3A_1543 = arith.subf %sub3A_1542, %mul3A_1540 : vector<16xf32>
        %mul3A_1544 = arith.mulf %mul3A_1538, %sub3A_1543 : vector<16xf32>
        %mul3A_1545 = arith.mulf %get3A_207, %gather3A_1506 : vector<16xf32>
        %mul3A_1546 = arith.mulf %mul3A_1545, %mul3A_1544 : vector<16xf32>
        %add3A_1547 = arith.addf %gather3A_208, %gather3A_1507 : vector<16xf32>
        %mul3A_1548 = arith.mulf %add3A_1547, %mul3A_1544 : vector<16xf32>
        %mul3A_1549 = arith.mulf %mul3A_1548, %mul3A_1548 : vector<16xf32>
        %mul3A_1550 = arith.mulf %mul3A_1549, %mul3A_1549 : vector<16xf32>
        %mul3A_1551 = arith.mulf %mul3A_1550, %mul3A_1549 : vector<16xf32>
        %mul3A_1552 = arith.mulf %gather3A_212, %gather3A_1511 : vector<16xf32>
        %mul3A_1553 = arith.mulf %mul3A_1552, %mul3A_1551 : vector<16xf32>
        %sub3A_1554 = arith.constant 1.000000e+00 : f32
        %sub3A_1555 = vector.broadcast %sub3A_1554 : f32 to vector<16xf32>
        %sub3A_1556 = arith.subf %mul3A_1551, %sub3A_1555 : vector<16xf32>
        %mul3A_1557 = arith.mulf %mul3A_1553, %sub3A_1556 : vector<16xf32>
        %eq3A_1558 = arith.cmpi eq, %get3A_215, %gather3A_1512 : vector<16xi32>
        %ne3A_1559 = arith.cmpi ne, %get3A_217, %gather3A_1513 : vector<16xi32>
        %and3A_1560 = arith.andi %eq3A_1558, %ne3A_1559 : vector<16xi1>
        %add3A_1561 = arith.addf %mul3A_1546, %mul3A_1557 : vector<16xf32>
        %jit3A_1562 = arith.constant 0.000000e+00 : f32
        %broadcast_in_dim3A_1563 = vector.broadcast %jit3A_1562 : f32 to vector<16xf32>
        %select_n3A_1564 = arith.select %and3A_1560, %add3A_1561, %broadcast_in_dim3A_1563 : vector<16xi1>, vector<16xf32>
        %add3A_1565 = arith.addf %add3A_1480, %select_n3A_1564 : vector<16xf32>
        %mul3A_1566 = arith.constant 3 : i32
        %mul3A_1567 = arith.muli %mul3A_1566, %sub3A_293 : i32
        %add3A_1568 = arith.constant 45 : i32
        %add3A_1569 = arith.addi %mul3A_1567, %add3A_1568 : i32
        %broadcast_in_dim3A_1570 = vector.broadcast %add3A_1569 : i32 to vector<16xi32>
        %mul3A_1571 = arith.constant 2 : i32
        %mul3A_1572 = arith.muli %mul3A_1571, %sub3A_293 : i32
        %add3A_1573 = arith.constant 30 : i32
        %add3A_1574 = arith.addi %mul3A_1572, %add3A_1573 : i32
        %broadcast_in_dim3A_1575 = vector.broadcast %add3A_1574 : i32 to vector<16xi32>
        %add3A_1576 = arith.constant 15 : i32
        %add3A_1577 = arith.addi %sub3A_293, %add3A_1576 : i32
        %broadcast_in_dim3A_1578 = vector.broadcast %add3A_1577 : i32 to vector<16xi32>
        %add3A_1579 = arith.constant 15 : i32
        %add3A_1580 = arith.addi %mul3A_292, %add3A_1579 : i32
        %broadcast_in_dim3A_1581 = vector.broadcast %add3A_1580 : i32 to vector<16xi32>
        %gather3A_1582 = tpu.vector_load_idx %arg9[%broadcast_in_dim3A_1570] : memref<12288xf32, #tpu.memory_space<vmem>>[vector<16xi32>], vector<16xf32>,
        %add3A_1583 = arith.constant 1 : i32
        %add3A_1584 = vector.broadcast %add3A_1583 : i32 to vector<16xi32>
        %add3A_1585 = arith.addi %broadcast_in_dim3A_1570, %add3A_1584 : vector<16xi32>
        %gather3A_1586 = tpu.vector_load_idx %arg9[%add3A_1585] : memref<12288xf32, #tpu.memory_space<vmem>>[vector<16xi32>], vector<16xf32>,
        %add3A_1587 = arith.constant 2 : i32
        %add3A_1588 = vector.broadcast %add3A_1587 : i32 to vector<16xi32>
        %add3A_1589 = arith.addi %broadcast_in_dim3A_1570, %add3A_1588 : vector<16xi32>
        %gather3A_1590 = tpu.vector_load_idx %arg9[%add3A_1589] : memref<12288xf32, #tpu.memory_space<vmem>>[vector<16xi32>], vector<16xf32>,
        %gather3A_1591 = tpu.vector_load_idx %arg10[%broadcast_in_dim3A_1578] : memref<4096xf32, #tpu.memory_space<vmem>>[vector<16xi32>], vector<16xf32>,
        %gather3A_1592 = tpu.vector_load_idx %arg11[%broadcast_in_dim3A_1575] : memref<8192xf32, #tpu.memory_space<vmem>>[vector<16xi32>], vector<16xf32>,
        %add3A_1593 = arith.constant 1 : i32
        %add3A_1594 = vector.broadcast %add3A_1593 : i32 to vector<16xi32>
        %add3A_1595 = arith.addi %broadcast_in_dim3A_1575, %add3A_1594 : vector<16xi32>
        %gather3A_1596 = tpu.vector_load_idx %arg11[%add3A_1595] : memref<8192xf32, #tpu.memory_space<vmem>>[vector<16xi32>], vector<16xf32>,
        %gather3A_1597 = tpu.vector_load_idx %arg8[%broadcast_in_dim3A_1581] : memref<4096xi32, #tpu.memory_space<vmem>>[vector<16xi32>], vector<16xi32>,
        %gather3A_1598 = tpu.vector_load_idx %arg12[%broadcast_in_dim3A_1578] : memref<4096xi32, #tpu.memory_space<vmem>>[vector<16xi32>], vector<16xi32>,
        %sub3A_1599 = arith.subf %gather3A_198, %gather3A_1582 : vector<16xf32>
        %sub3A_1600 = arith.subf %gather3A_202, %gather3A_1586 : vector<16xf32>
        %sub3A_1601 = arith.subf %gather3A_206, %gather3A_1590 : vector<16xf32>
        %mul3A_1602 = arith.mulf %sub3A_1599, %sub3A_1599 : vector<16xf32>
        %mul3A_1603 = arith.mulf %sub3A_1600, %sub3A_1600 : vector<16xf32>
        %add3A_1604 = arith.addf %mul3A_1602, %mul3A_1603 : vector<16xf32>
        %mul3A_1605 = arith.mulf %sub3A_1601, %sub3A_1601 : vector<16xf32>
        %add3A_1606 = arith.addf %add3A_1604, %mul3A_1605 : vector<16xf32>
        %bitcast_convert_type3A_1607 = tpu.bitcast %add3A_1606 : vector<16xf32> -> vector<16xi32>
        %shift_right_arithmetic3A_1608 = arith.constant 1 : i32
        %shift_right_arithmetic3A_1609 = vector.broadcast %shift_right_arithmetic3A_1608 : i32 to vector<16xi32>
        %shift_right_arithmetic3A_1610 = arith.shrsi %bitcast_convert_type3A_1607, %shift_right_arithmetic3A_1609 : vector<16xi32>
        %sub3A_1611 = arith.constant 1597463007 : i32
        %sub3A_1612 = vector.broadcast %sub3A_1611 : i32 to vector<16xi32>
        %sub3A_1613 = arith.subi %sub3A_1612, %shift_right_arithmetic3A_1610 : vector<16xi32>
        %bitcast_convert_type3A_1614 = tpu.bitcast %sub3A_1613 : vector<16xi32> -> vector<16xf32>
        %mul3A_1615 = arith.constant 5.000000e-01 : f32
        %mul3A_1616 = vector.broadcast %mul3A_1615 : f32 to vector<16xf32>
        %mul3A_1617 = arith.mulf %mul3A_1616, %add3A_1606 : vector<16xf32>
        %mul3A_1618 = arith.mulf %mul3A_1617, %bitcast_convert_type3A_1614 : vector<16xf32>
        %mul3A_1619 = arith.mulf %mul3A_1618, %bitcast_convert_type3A_1614 : vector<16xf32>
        %sub3A_1620 = arith.constant 1.500000e+00 : f32
        %sub3A_1621 = vector.broadcast %sub3A_1620 : f32 to vector<16xf32>
        %sub3A_1622 = arith.subf %sub3A_1621, %mul3A_1619 : vector<16xf32>
        %mul3A_1623 = arith.mulf %bitcast_convert_type3A_1614, %sub3A_1622 : vector<16xf32>
        %mul3A_1624 = arith.mulf %mul3A_1617, %mul3A_1623 : vector<16xf32>
        %mul3A_1625 = arith.mulf %mul3A_1624, %mul3A_1623 : vector<16xf32>
        %sub3A_1626 = arith.constant 1.500000e+00 : f32
        %sub3A_1627 = vector.broadcast %sub3A_1626 : f32 to vector<16xf32>
        %sub3A_1628 = arith.subf %sub3A_1627, %mul3A_1625 : vector<16xf32>
        %mul3A_1629 = arith.mulf %mul3A_1623, %sub3A_1628 : vector<16xf32>
        %mul3A_1630 = arith.mulf %get3A_207, %gather3A_1591 : vector<16xf32>
        %mul3A_1631 = arith.mulf %mul3A_1630, %mul3A_1629 : vector<16xf32>
        %add3A_1632 = arith.addf %gather3A_208, %gather3A_1592 : vector<16xf32>
        %mul3A_1633 = arith.mulf %add3A_1632, %mul3A_1629 : vector<16xf32>
        %mul3A_1634 = arith.mulf %mul3A_1633, %mul3A_1633 : vector<16xf32>
        %mul3A_1635 = arith.mulf %mul3A_1634, %mul3A_1634 : vector<16xf32>
        %mul3A_1636 = arith.mulf %mul3A_1635, %mul3A_1634 : vector<16xf32>
        %mul3A_1637 = arith.mulf %gather3A_212, %gather3A_1596 : vector<16xf32>
        %mul3A_1638 = arith.mulf %mul3A_1637, %mul3A_1636 : vector<16xf32>
        %sub3A_1639 = arith.constant 1.000000e+00 : f32
        %sub3A_1640 = vector.broadcast %sub3A_1639 : f32 to vector<16xf32>
        %sub3A_1641 = arith.subf %mul3A_1636, %sub3A_1640 : vector<16xf32>
        %mul3A_1642 = arith.mulf %mul3A_1638, %sub3A_1641 : vector<16xf32>
        %eq3A_1643 = arith.cmpi eq, %get3A_215, %gather3A_1597 : vector<16xi32>
        %ne3A_1644 = arith.cmpi ne, %get3A_217, %gather3A_1598 : vector<16xi32>
        %and3A_1645 = arith.andi %eq3A_1643, %ne3A_1644 : vector<16xi1>
        %add3A_1646 = arith.addf %mul3A_1631, %mul3A_1642 : vector<16xf32>
        %jit3A_1647 = arith.constant 0.000000e+00 : f32
        %broadcast_in_dim3A_1648 = vector.broadcast %jit3A_1647 : f32 to vector<16xf32>
        %select_n3A_1649 = arith.select %and3A_1645, %add3A_1646, %broadcast_in_dim3A_1648 : vector<16xi1>, vector<16xf32>
        %add3A_1650 = arith.addf %add3A_1565, %select_n3A_1649 : vector<16xf32>
        %eq3A_1651 = arith.cmpi eq, %while3A_289, %add3A_230 : i32
        %add3A_1652 = arith.addf %add3A_1650, %add3A_1650 : vector<16xf32>
        %select_n3A_1653 = arith.select %eq3A_1651, %add3A_1650, %add3A_1652 : vector<16xf32>
        %add3A_1654 = arith.addf %while3A_290, %select_n3A_1653 : vector<16xf32>
        scf.yield %add3A_1654 : vector<16xf32>
      }
      %while3A_239 = arith.constant 1 : i32
      %while3A_240 = scf.for %while3A_289 = %while3A_236 to %while3A_232 step %while3A_239 iter_args(%while3A_290 = %while3A_238) -> (vector<16xf32>)  : i32 {
        %mul3A_291 = arith.constant 16 : i32
        %mul3A_292 = arith.muli %while3A_289, %mul3A_291 : i32
        %sub3A_293 = arith.subi %mul3A_292, %mul3A_2 : i32
        %mul3A_294 = arith.constant 3 : i32
        %mul3A_295 = arith.muli %mul3A_294, %sub3A_293 : i32
        %add3A_296 = arith.constant 0 : i32
        %add3A_297 = arith.addi %mul3A_295, %add3A_296 : i32
        %broadcast_in_dim3A_298 = vector.broadcast %add3A_297 : i32 to vector<16xi32>
        %mul3A_299 = arith.constant 2 : i32
        %mul3A_300 = arith.muli %mul3A_299, %sub3A_293 : i32
        %add3A_301 = arith.constant 0 : i32
        %add3A_302 = arith.addi %mul3A_300, %add3A_301 : i32
        %broadcast_in_dim3A_303 = vector.broadcast %add3A_302 : i32 to vector<16xi32>
        %add3A_304 = arith.constant 0 : i32
        %add3A_305 = arith.addi %sub3A_293, %add3A_304 : i32
        %broadcast_in_dim3A_306 = vector.broadcast %add3A_305 : i32 to vector<16xi32>
        %add3A_307 = arith.constant 0 : i32
        %add3A_308 = arith.addi %mul3A_292, %add3A_307 : i32
        %broadcast_in_dim3A_309 = vector.broadcast %add3A_308 : i32 to vector<16xi32>
        %gather3A_310 = tpu.vector_load_idx %arg9[%broadcast_in_dim3A_298] : memref<12288xf32, #tpu.memory_space<vmem>>[vector<16xi32>], vector<16xf32>,
        %add3A_311 = arith.constant 1 : i32
        %add3A_312 = vector.broadcast %add3A_311 : i32 to vector<16xi32>
        %add3A_313 = arith.addi %broadcast_in_dim3A_298, %add3A_312 : vector<16xi32>
        %gather3A_314 = tpu.vector_load_idx %arg9[%add3A_313] : memref<12288xf32, #tpu.memory_space<vmem>>[vector<16xi32>], vector<16xf32>,
        %add3A_315 = arith.constant 2 : i32
        %add3A_316 = vector.broadcast %add3A_315 : i32 to vector<16xi32>
        %add3A_317 = arith.addi %broadcast_in_dim3A_298, %add3A_316 : vector<16xi32>
        %gather3A_318 = tpu.vector_load_idx %arg9[%add3A_317] : memref<12288xf32, #tpu.memory_space<vmem>>[vector<16xi32>], vector<16xf32>,
        %gather3A_319 = tpu.vector_load_idx %arg10[%broadcast_in_dim3A_306] : memref<4096xf32, #tpu.memory_space<vmem>>[vector<16xi32>], vector<16xf32>,
        %gather3A_320 = tpu.vector_load_idx %arg11[%broadcast_in_dim3A_303] : memref<8192xf32, #tpu.memory_space<vmem>>[vector<16xi32>], vector<16xf32>,
        %add3A_321 = arith.constant 1 : i32
        %add3A_322 = vector.broadcast %add3A_321 : i32 to vector<16xi32>
        %add3A_323 = arith.addi %broadcast_in_dim3A_303, %add3A_322 : vector<16xi32>
        %gather3A_324 = tpu.vector_load_idx %arg11[%add3A_323] : memref<8192xf32, #tpu.memory_space<vmem>>[vector<16xi32>], vector<16xf32>,
        %gather3A_325 = tpu.vector_load_idx %arg8[%broadcast_in_dim3A_309] : memref<4096xi32, #tpu.memory_space<vmem>>[vector<16xi32>], vector<16xi32>,
        %gather3A_326 = tpu.vector_load_idx %arg12[%broadcast_in_dim3A_306] : memref<4096xi32, #tpu.memory_space<vmem>>[vector<16xi32>], vector<16xi32>,
        %sub3A_327 = arith.subf %gather3A_198, %gather3A_310 : vector<16xf32>
        %sub3A_328 = arith.subf %gather3A_202, %gather3A_314 : vector<16xf32>
        %sub3A_329 = arith.subf %gather3A_206, %gather3A_318 : vector<16xf32>
        %mul3A_330 = arith.mulf %sub3A_327, %sub3A_327 : vector<16xf32>
        %mul3A_331 = arith.mulf %sub3A_328, %sub3A_328 : vector<16xf32>
        %add3A_332 = arith.addf %mul3A_330, %mul3A_331 : vector<16xf32>
        %mul3A_333 = arith.mulf %sub3A_329, %sub3A_329 : vector<16xf32>
        %add3A_334 = arith.addf %add3A_332, %mul3A_333 : vector<16xf32>
        %bitcast_convert_type3A = tpu.bitcast %add3A_334 : vector<16xf32> -> vector<16xi32>
        %shift_right_arithmetic3A_335 = arith.constant 1 : i32
        %shift_right_arithmetic3A_336 = vector.broadcast %shift_right_arithmetic3A_335 : i32 to vector<16xi32>
        %shift_right_arithmetic3A_337 = arith.shrsi %bitcast_convert_type3A, %shift_right_arithmetic3A_336 : vector<16xi32>
        %sub3A_338 = arith.constant 1597463007 : i32
        %sub3A_339 = vector.broadcast %sub3A_338 : i32 to vector<16xi32>
        %sub3A_340 = arith.subi %sub3A_339, %shift_right_arithmetic3A_337 : vector<16xi32>
        %bitcast_convert_type3A_341 = tpu.bitcast %sub3A_340 : vector<16xi32> -> vector<16xf32>
        %mul3A_342 = arith.constant 5.000000e-01 : f32
        %mul3A_343 = vector.broadcast %mul3A_342 : f32 to vector<16xf32>
        %mul3A_344 = arith.mulf %mul3A_343, %add3A_334 : vector<16xf32>
        %mul3A_345 = arith.mulf %mul3A_344, %bitcast_convert_type3A_341 : vector<16xf32>
        %mul3A_346 = arith.mulf %mul3A_345, %bitcast_convert_type3A_341 : vector<16xf32>
        %sub3A_347 = arith.constant 1.500000e+00 : f32
        %sub3A_348 = vector.broadcast %sub3A_347 : f32 to vector<16xf32>
        %sub3A_349 = arith.subf %sub3A_348, %mul3A_346 : vector<16xf32>
        %mul3A_350 = arith.mulf %bitcast_convert_type3A_341, %sub3A_349 : vector<16xf32>
        %mul3A_351 = arith.mulf %mul3A_344, %mul3A_350 : vector<16xf32>
        %mul3A_352 = arith.mulf %mul3A_351, %mul3A_350 : vector<16xf32>
        %sub3A_353 = arith.constant 1.500000e+00 : f32
        %sub3A_354 = vector.broadcast %sub3A_353 : f32 to vector<16xf32>
        %sub3A_355 = arith.subf %sub3A_354, %mul3A_352 : vector<16xf32>
        %mul3A_356 = arith.mulf %mul3A_350, %sub3A_355 : vector<16xf32>
        %mul3A_357 = arith.mulf %get3A_207, %gather3A_319 : vector<16xf32>
        %mul3A_358 = arith.mulf %mul3A_357, %mul3A_356 : vector<16xf32>
        %add3A_359 = arith.addf %gather3A_208, %gather3A_320 : vector<16xf32>
        %mul3A_360 = arith.mulf %add3A_359, %mul3A_356 : vector<16xf32>
        %mul3A_361 = arith.mulf %mul3A_360, %mul3A_360 : vector<16xf32>
        %mul3A_362 = arith.mulf %mul3A_361, %mul3A_361 : vector<16xf32>
        %mul3A_363 = arith.mulf %mul3A_362, %mul3A_361 : vector<16xf32>
        %mul3A_364 = arith.mulf %gather3A_212, %gather3A_324 : vector<16xf32>
        %mul3A_365 = arith.mulf %mul3A_364, %mul3A_363 : vector<16xf32>
        %sub3A_366 = arith.constant 1.000000e+00 : f32
        %sub3A_367 = vector.broadcast %sub3A_366 : f32 to vector<16xf32>
        %sub3A_368 = arith.subf %mul3A_363, %sub3A_367 : vector<16xf32>
        %mul3A_369 = arith.mulf %mul3A_365, %sub3A_368 : vector<16xf32>
        %eq3A_370 = arith.cmpi eq, %get3A_215, %gather3A_325 : vector<16xi32>
        %ne3A = arith.cmpi ne, %get3A_217, %gather3A_326 : vector<16xi32>
        %and3A_371 = arith.andi %eq3A_370, %ne3A : vector<16xi1>
        %add3A_372 = arith.addf %mul3A_358, %mul3A_369 : vector<16xf32>
        %jit3A = arith.constant 0.000000e+00 : f32
        %broadcast_in_dim3A_373 = vector.broadcast %jit3A : f32 to vector<16xf32>
        %select_n3A_374 = arith.select %and3A_371, %add3A_372, %broadcast_in_dim3A_373 : vector<16xi1>, vector<16xf32>
        %add3A_375 = arith.addf %broadcast_in_dim3A_3, %select_n3A_374 : vector<16xf32>
        %mul3A_376 = arith.constant 3 : i32
        %mul3A_377 = arith.muli %mul3A_376, %sub3A_293 : i32
        %add3A_378 = arith.constant 3 : i32
        %add3A_379 = arith.addi %mul3A_377, %add3A_378 : i32
        %broadcast_in_dim3A_380 = vector.broadcast %add3A_379 : i32 to vector<16xi32>
        %mul3A_381 = arith.constant 2 : i32
        %mul3A_382 = arith.muli %mul3A_381, %sub3A_293 : i32
        %add3A_383 = arith.constant 2 : i32
        %add3A_384 = arith.addi %mul3A_382, %add3A_383 : i32
        %broadcast_in_dim3A_385 = vector.broadcast %add3A_384 : i32 to vector<16xi32>
        %add3A_386 = arith.constant 1 : i32
        %add3A_387 = arith.addi %sub3A_293, %add3A_386 : i32
        %broadcast_in_dim3A_388 = vector.broadcast %add3A_387 : i32 to vector<16xi32>
        %add3A_389 = arith.constant 1 : i32
        %add3A_390 = arith.addi %mul3A_292, %add3A_389 : i32
        %broadcast_in_dim3A_391 = vector.broadcast %add3A_390 : i32 to vector<16xi32>
        %gather3A_392 = tpu.vector_load_idx %arg9[%broadcast_in_dim3A_380] : memref<12288xf32, #tpu.memory_space<vmem>>[vector<16xi32>], vector<16xf32>,
        %add3A_393 = arith.constant 1 : i32
        %add3A_394 = vector.broadcast %add3A_393 : i32 to vector<16xi32>
        %add3A_395 = arith.addi %broadcast_in_dim3A_380, %add3A_394 : vector<16xi32>
        %gather3A_396 = tpu.vector_load_idx %arg9[%add3A_395] : memref<12288xf32, #tpu.memory_space<vmem>>[vector<16xi32>], vector<16xf32>,
        %add3A_397 = arith.constant 2 : i32
        %add3A_398 = vector.broadcast %add3A_397 : i32 to vector<16xi32>
        %add3A_399 = arith.addi %broadcast_in_dim3A_380, %add3A_398 : vector<16xi32>
        %gather3A_400 = tpu.vector_load_idx %arg9[%add3A_399] : memref<12288xf32, #tpu.memory_space<vmem>>[vector<16xi32>], vector<16xf32>,
        %gather3A_401 = tpu.vector_load_idx %arg10[%broadcast_in_dim3A_388] : memref<4096xf32, #tpu.memory_space<vmem>>[vector<16xi32>], vector<16xf32>,
        %gather3A_402 = tpu.vector_load_idx %arg11[%broadcast_in_dim3A_385] : memref<8192xf32, #tpu.memory_space<vmem>>[vector<16xi32>], vector<16xf32>,
        %add3A_403 = arith.constant 1 : i32
        %add3A_404 = vector.broadcast %add3A_403 : i32 to vector<16xi32>
        %add3A_405 = arith.addi %broadcast_in_dim3A_385, %add3A_404 : vector<16xi32>
        %gather3A_406 = tpu.vector_load_idx %arg11[%add3A_405] : memref<8192xf32, #tpu.memory_space<vmem>>[vector<16xi32>], vector<16xf32>,
        %gather3A_407 = tpu.vector_load_idx %arg8[%broadcast_in_dim3A_391] : memref<4096xi32, #tpu.memory_space<vmem>>[vector<16xi32>], vector<16xi32>,
        %gather3A_408 = tpu.vector_load_idx %arg12[%broadcast_in_dim3A_388] : memref<4096xi32, #tpu.memory_space<vmem>>[vector<16xi32>], vector<16xi32>,
        %sub3A_409 = arith.subf %gather3A_198, %gather3A_392 : vector<16xf32>
        %sub3A_410 = arith.subf %gather3A_202, %gather3A_396 : vector<16xf32>
        %sub3A_411 = arith.subf %gather3A_206, %gather3A_400 : vector<16xf32>
        %mul3A_412 = arith.mulf %sub3A_409, %sub3A_409 : vector<16xf32>
        %mul3A_413 = arith.mulf %sub3A_410, %sub3A_410 : vector<16xf32>
        %add3A_414 = arith.addf %mul3A_412, %mul3A_413 : vector<16xf32>
        %mul3A_415 = arith.mulf %sub3A_411, %sub3A_411 : vector<16xf32>
        %add3A_416 = arith.addf %add3A_414, %mul3A_415 : vector<16xf32>
        %bitcast_convert_type3A_417 = tpu.bitcast %add3A_416 : vector<16xf32> -> vector<16xi32>
        %shift_right_arithmetic3A_418 = arith.constant 1 : i32
        %shift_right_arithmetic3A_419 = vector.broadcast %shift_right_arithmetic3A_418 : i32 to vector<16xi32>
        %shift_right_arithmetic3A_420 = arith.shrsi %bitcast_convert_type3A_417, %shift_right_arithmetic3A_419 : vector<16xi32>
        %sub3A_421 = arith.constant 1597463007 : i32
        %sub3A_422 = vector.broadcast %sub3A_421 : i32 to vector<16xi32>
        %sub3A_423 = arith.subi %sub3A_422, %shift_right_arithmetic3A_420 : vector<16xi32>
        %bitcast_convert_type3A_424 = tpu.bitcast %sub3A_423 : vector<16xi32> -> vector<16xf32>
        %mul3A_425 = arith.constant 5.000000e-01 : f32
        %mul3A_426 = vector.broadcast %mul3A_425 : f32 to vector<16xf32>
        %mul3A_427 = arith.mulf %mul3A_426, %add3A_416 : vector<16xf32>
        %mul3A_428 = arith.mulf %mul3A_427, %bitcast_convert_type3A_424 : vector<16xf32>
        %mul3A_429 = arith.mulf %mul3A_428, %bitcast_convert_type3A_424 : vector<16xf32>
        %sub3A_430 = arith.constant 1.500000e+00 : f32
        %sub3A_431 = vector.broadcast %sub3A_430 : f32 to vector<16xf32>
        %sub3A_432 = arith.subf %sub3A_431, %mul3A_429 : vector<16xf32>
        %mul3A_433 = arith.mulf %bitcast_convert_type3A_424, %sub3A_432 : vector<16xf32>
        %mul3A_434 = arith.mulf %mul3A_427, %mul3A_433 : vector<16xf32>
        %mul3A_435 = arith.mulf %mul3A_434, %mul3A_433 : vector<16xf32>
        %sub3A_436 = arith.constant 1.500000e+00 : f32
        %sub3A_437 = vector.broadcast %sub3A_436 : f32 to vector<16xf32>
        %sub3A_438 = arith.subf %sub3A_437, %mul3A_435 : vector<16xf32>
        %mul3A_439 = arith.mulf %mul3A_433, %sub3A_438 : vector<16xf32>
        %mul3A_440 = arith.mulf %get3A_207, %gather3A_401 : vector<16xf32>
        %mul3A_441 = arith.mulf %mul3A_440, %mul3A_439 : vector<16xf32>
        %add3A_442 = arith.addf %gather3A_208, %gather3A_402 : vector<16xf32>
        %mul3A_443 = arith.mulf %add3A_442, %mul3A_439 : vector<16xf32>
        %mul3A_444 = arith.mulf %mul3A_443, %mul3A_443 : vector<16xf32>
        %mul3A_445 = arith.mulf %mul3A_444, %mul3A_444 : vector<16xf32>
        %mul3A_446 = arith.mulf %mul3A_445, %mul3A_444 : vector<16xf32>
        %mul3A_447 = arith.mulf %gather3A_212, %gather3A_406 : vector<16xf32>
        %mul3A_448 = arith.mulf %mul3A_447, %mul3A_446 : vector<16xf32>
        %sub3A_449 = arith.constant 1.000000e+00 : f32
        %sub3A_450 = vector.broadcast %sub3A_449 : f32 to vector<16xf32>
        %sub3A_451 = arith.subf %mul3A_446, %sub3A_450 : vector<16xf32>
        %mul3A_452 = arith.mulf %mul3A_448, %sub3A_451 : vector<16xf32>
        %eq3A_453 = arith.cmpi eq, %get3A_215, %gather3A_407 : vector<16xi32>
        %ne3A_454 = arith.cmpi ne, %get3A_217, %gather3A_408 : vector<16xi32>
        %and3A_455 = arith.andi %eq3A_453, %ne3A_454 : vector<16xi1>
        %add3A_456 = arith.addf %mul3A_441, %mul3A_452 : vector<16xf32>
        %jit3A_457 = arith.constant 0.000000e+00 : f32
        %broadcast_in_dim3A_458 = vector.broadcast %jit3A_457 : f32 to vector<16xf32>
        %select_n3A_459 = arith.select %and3A_455, %add3A_456, %broadcast_in_dim3A_458 : vector<16xi1>, vector<16xf32>
        %add3A_460 = arith.addf %add3A_375, %select_n3A_459 : vector<16xf32>
        %mul3A_461 = arith.constant 3 : i32
        %mul3A_462 = arith.muli %mul3A_461, %sub3A_293 : i32
        %add3A_463 = arith.constant 6 : i32
        %add3A_464 = arith.addi %mul3A_462, %add3A_463 : i32
        %broadcast_in_dim3A_465 = vector.broadcast %add3A_464 : i32 to vector<16xi32>
        %mul3A_466 = arith.constant 2 : i32
        %mul3A_467 = arith.muli %mul3A_466, %sub3A_293 : i32
        %add3A_468 = arith.constant 4 : i32
        %add3A_469 = arith.addi %mul3A_467, %add3A_468 : i32
        %broadcast_in_dim3A_470 = vector.broadcast %add3A_469 : i32 to vector<16xi32>
        %add3A_471 = arith.constant 2 : i32
        %add3A_472 = arith.addi %sub3A_293, %add3A_471 : i32
        %broadcast_in_dim3A_473 = vector.broadcast %add3A_472 : i32 to vector<16xi32>
        %add3A_474 = arith.constant 2 : i32
        %add3A_475 = arith.addi %mul3A_292, %add3A_474 : i32
        %broadcast_in_dim3A_476 = vector.broadcast %add3A_475 : i32 to vector<16xi32>
        %gather3A_477 = tpu.vector_load_idx %arg9[%broadcast_in_dim3A_465] : memref<12288xf32, #tpu.memory_space<vmem>>[vector<16xi32>], vector<16xf32>,
        %add3A_478 = arith.constant 1 : i32
        %add3A_479 = vector.broadcast %add3A_478 : i32 to vector<16xi32>
        %add3A_480 = arith.addi %broadcast_in_dim3A_465, %add3A_479 : vector<16xi32>
        %gather3A_481 = tpu.vector_load_idx %arg9[%add3A_480] : memref<12288xf32, #tpu.memory_space<vmem>>[vector<16xi32>], vector<16xf32>,
        %add3A_482 = arith.constant 2 : i32
        %add3A_483 = vector.broadcast %add3A_482 : i32 to vector<16xi32>
        %add3A_484 = arith.addi %broadcast_in_dim3A_465, %add3A_483 : vector<16xi32>
        %gather3A_485 = tpu.vector_load_idx %arg9[%add3A_484] : memref<12288xf32, #tpu.memory_space<vmem>>[vector<16xi32>], vector<16xf32>,
        %gather3A_486 = tpu.vector_load_idx %arg10[%broadcast_in_dim3A_473] : memref<4096xf32, #tpu.memory_space<vmem>>[vector<16xi32>], vector<16xf32>,
        %gather3A_487 = tpu.vector_load_idx %arg11[%broadcast_in_dim3A_470] : memref<8192xf32, #tpu.memory_space<vmem>>[vector<16xi32>], vector<16xf32>,
        %add3A_488 = arith.constant 1 : i32
        %add3A_489 = vector.broadcast %add3A_488 : i32 to vector<16xi32>
        %add3A_490 = arith.addi %broadcast_in_dim3A_470, %add3A_489 : vector<16xi32>
        %gather3A_491 = tpu.vector_load_idx %arg11[%add3A_490] : memref<8192xf32, #tpu.memory_space<vmem>>[vector<16xi32>], vector<16xf32>,
        %gather3A_492 = tpu.vector_load_idx %arg8[%broadcast_in_dim3A_476] : memref<4096xi32, #tpu.memory_space<vmem>>[vector<16xi32>], vector<16xi32>,
        %gather3A_493 = tpu.vector_load_idx %arg12[%broadcast_in_dim3A_473] : memref<4096xi32, #tpu.memory_space<vmem>>[vector<16xi32>], vector<16xi32>,
        %sub3A_494 = arith.subf %gather3A_198, %gather3A_477 : vector<16xf32>
        %sub3A_495 = arith.subf %gather3A_202, %gather3A_481 : vector<16xf32>
        %sub3A_496 = arith.subf %gather3A_206, %gather3A_485 : vector<16xf32>
        %mul3A_497 = arith.mulf %sub3A_494, %sub3A_494 : vector<16xf32>
        %mul3A_498 = arith.mulf %sub3A_495, %sub3A_495 : vector<16xf32>
        %add3A_499 = arith.addf %mul3A_497, %mul3A_498 : vector<16xf32>
        %mul3A_500 = arith.mulf %sub3A_496, %sub3A_496 : vector<16xf32>
        %add3A_501 = arith.addf %add3A_499, %mul3A_500 : vector<16xf32>
        %bitcast_convert_type3A_502 = tpu.bitcast %add3A_501 : vector<16xf32> -> vector<16xi32>
        %shift_right_arithmetic3A_503 = arith.constant 1 : i32
        %shift_right_arithmetic3A_504 = vector.broadcast %shift_right_arithmetic3A_503 : i32 to vector<16xi32>
        %shift_right_arithmetic3A_505 = arith.shrsi %bitcast_convert_type3A_502, %shift_right_arithmetic3A_504 : vector<16xi32>
        %sub3A_506 = arith.constant 1597463007 : i32
        %sub3A_507 = vector.broadcast %sub3A_506 : i32 to vector<16xi32>
        %sub3A_508 = arith.subi %sub3A_507, %shift_right_arithmetic3A_505 : vector<16xi32>
        %bitcast_convert_type3A_509 = tpu.bitcast %sub3A_508 : vector<16xi32> -> vector<16xf32>
        %mul3A_510 = arith.constant 5.000000e-01 : f32
        %mul3A_511 = vector.broadcast %mul3A_510 : f32 to vector<16xf32>
        %mul3A_512 = arith.mulf %mul3A_511, %add3A_501 : vector<16xf32>
        %mul3A_513 = arith.mulf %mul3A_512, %bitcast_convert_type3A_509 : vector<16xf32>
        %mul3A_514 = arith.mulf %mul3A_513, %bitcast_convert_type3A_509 : vector<16xf32>
        %sub3A_515 = arith.constant 1.500000e+00 : f32
        %sub3A_516 = vector.broadcast %sub3A_515 : f32 to vector<16xf32>
        %sub3A_517 = arith.subf %sub3A_516, %mul3A_514 : vector<16xf32>
        %mul3A_518 = arith.mulf %bitcast_convert_type3A_509, %sub3A_517 : vector<16xf32>
        %mul3A_519 = arith.mulf %mul3A_512, %mul3A_518 : vector<16xf32>
        %mul3A_520 = arith.mulf %mul3A_519, %mul3A_518 : vector<16xf32>
        %sub3A_521 = arith.constant 1.500000e+00 : f32
        %sub3A_522 = vector.broadcast %sub3A_521 : f32 to vector<16xf32>
        %sub3A_523 = arith.subf %sub3A_522, %mul3A_520 : vector<16xf32>
        %mul3A_524 = arith.mulf %mul3A_518, %sub3A_523 : vector<16xf32>
        %mul3A_525 = arith.mulf %get3A_207, %gather3A_486 : vector<16xf32>
        %mul3A_526 = arith.mulf %mul3A_525, %mul3A_524 : vector<16xf32>
        %add3A_527 = arith.addf %gather3A_208, %gather3A_487 : vector<16xf32>
        %mul3A_528 = arith.mulf %add3A_527, %mul3A_524 : vector<16xf32>
        %mul3A_529 = arith.mulf %mul3A_528, %mul3A_528 : vector<16xf32>
        %mul3A_530 = arith.mulf %mul3A_529, %mul3A_529 : vector<16xf32>
        %mul3A_531 = arith.mulf %mul3A_530, %mul3A_529 : vector<16xf32>
        %mul3A_532 = arith.mulf %gather3A_212, %gather3A_491 : vector<16xf32>
        %mul3A_533 = arith.mulf %mul3A_532, %mul3A_531 : vector<16xf32>
        %sub3A_534 = arith.constant 1.000000e+00 : f32
        %sub3A_535 = vector.broadcast %sub3A_534 : f32 to vector<16xf32>
        %sub3A_536 = arith.subf %mul3A_531, %sub3A_535 : vector<16xf32>
        %mul3A_537 = arith.mulf %mul3A_533, %sub3A_536 : vector<16xf32>
        %eq3A_538 = arith.cmpi eq, %get3A_215, %gather3A_492 : vector<16xi32>
        %ne3A_539 = arith.cmpi ne, %get3A_217, %gather3A_493 : vector<16xi32>
        %and3A_540 = arith.andi %eq3A_538, %ne3A_539 : vector<16xi1>
        %add3A_541 = arith.addf %mul3A_526, %mul3A_537 : vector<16xf32>
        %jit3A_542 = arith.constant 0.000000e+00 : f32
        %broadcast_in_dim3A_543 = vector.broadcast %jit3A_542 : f32 to vector<16xf32>
        %select_n3A_544 = arith.select %and3A_540, %add3A_541, %broadcast_in_dim3A_543 : vector<16xi1>, vector<16xf32>
        %add3A_545 = arith.addf %add3A_460, %select_n3A_544 : vector<16xf32>
        %mul3A_546 = arith.constant 3 : i32
        %mul3A_547 = arith.muli %mul3A_546, %sub3A_293 : i32
        %add3A_548 = arith.constant 9 : i32
        %add3A_549 = arith.addi %mul3A_547, %add3A_548 : i32
        %broadcast_in_dim3A_550 = vector.broadcast %add3A_549 : i32 to vector<16xi32>
        %mul3A_551 = arith.constant 2 : i32
        %mul3A_552 = arith.muli %mul3A_551, %sub3A_293 : i32
        %add3A_553 = arith.constant 6 : i32
        %add3A_554 = arith.addi %mul3A_552, %add3A_553 : i32
        %broadcast_in_dim3A_555 = vector.broadcast %add3A_554 : i32 to vector<16xi32>
        %add3A_556 = arith.constant 3 : i32
        %add3A_557 = arith.addi %sub3A_293, %add3A_556 : i32
        %broadcast_in_dim3A_558 = vector.broadcast %add3A_557 : i32 to vector<16xi32>
        %add3A_559 = arith.constant 3 : i32
        %add3A_560 = arith.addi %mul3A_292, %add3A_559 : i32
        %broadcast_in_dim3A_561 = vector.broadcast %add3A_560 : i32 to vector<16xi32>
        %gather3A_562 = tpu.vector_load_idx %arg9[%broadcast_in_dim3A_550] : memref<12288xf32, #tpu.memory_space<vmem>>[vector<16xi32>], vector<16xf32>,
        %add3A_563 = arith.constant 1 : i32
        %add3A_564 = vector.broadcast %add3A_563 : i32 to vector<16xi32>
        %add3A_565 = arith.addi %broadcast_in_dim3A_550, %add3A_564 : vector<16xi32>
        %gather3A_566 = tpu.vector_load_idx %arg9[%add3A_565] : memref<12288xf32, #tpu.memory_space<vmem>>[vector<16xi32>], vector<16xf32>,
        %add3A_567 = arith.constant 2 : i32
        %add3A_568 = vector.broadcast %add3A_567 : i32 to vector<16xi32>
        %add3A_569 = arith.addi %broadcast_in_dim3A_550, %add3A_568 : vector<16xi32>
        %gather3A_570 = tpu.vector_load_idx %arg9[%add3A_569] : memref<12288xf32, #tpu.memory_space<vmem>>[vector<16xi32>], vector<16xf32>,
        %gather3A_571 = tpu.vector_load_idx %arg10[%broadcast_in_dim3A_558] : memref<4096xf32, #tpu.memory_space<vmem>>[vector<16xi32>], vector<16xf32>,
        %gather3A_572 = tpu.vector_load_idx %arg11[%broadcast_in_dim3A_555] : memref<8192xf32, #tpu.memory_space<vmem>>[vector<16xi32>], vector<16xf32>,
        %add3A_573 = arith.constant 1 : i32
        %add3A_574 = vector.broadcast %add3A_573 : i32 to vector<16xi32>
        %add3A_575 = arith.addi %broadcast_in_dim3A_555, %add3A_574 : vector<16xi32>
        %gather3A_576 = tpu.vector_load_idx %arg11[%add3A_575] : memref<8192xf32, #tpu.memory_space<vmem>>[vector<16xi32>], vector<16xf32>,
        %gather3A_577 = tpu.vector_load_idx %arg8[%broadcast_in_dim3A_561] : memref<4096xi32, #tpu.memory_space<vmem>>[vector<16xi32>], vector<16xi32>,
        %gather3A_578 = tpu.vector_load_idx %arg12[%broadcast_in_dim3A_558] : memref<4096xi32, #tpu.memory_space<vmem>>[vector<16xi32>], vector<16xi32>,
        %sub3A_579 = arith.subf %gather3A_198, %gather3A_562 : vector<16xf32>
        %sub3A_580 = arith.subf %gather3A_202, %gather3A_566 : vector<16xf32>
        %sub3A_581 = arith.subf %gather3A_206, %gather3A_570 : vector<16xf32>
        %mul3A_582 = arith.mulf %sub3A_579, %sub3A_579 : vector<16xf32>
        %mul3A_583 = arith.mulf %sub3A_580, %sub3A_580 : vector<16xf32>
        %add3A_584 = arith.addf %mul3A_582, %mul3A_583 : vector<16xf32>
        %mul3A_585 = arith.mulf %sub3A_581, %sub3A_581 : vector<16xf32>
        %add3A_586 = arith.addf %add3A_584, %mul3A_585 : vector<16xf32>
        %bitcast_convert_type3A_587 = tpu.bitcast %add3A_586 : vector<16xf32> -> vector<16xi32>
        %shift_right_arithmetic3A_588 = arith.constant 1 : i32
        %shift_right_arithmetic3A_589 = vector.broadcast %shift_right_arithmetic3A_588 : i32 to vector<16xi32>
        %shift_right_arithmetic3A_590 = arith.shrsi %bitcast_convert_type3A_587, %shift_right_arithmetic3A_589 : vector<16xi32>
        %sub3A_591 = arith.constant 1597463007 : i32
        %sub3A_592 = vector.broadcast %sub3A_591 : i32 to vector<16xi32>
        %sub3A_593 = arith.subi %sub3A_592, %shift_right_arithmetic3A_590 : vector<16xi32>
        %bitcast_convert_type3A_594 = tpu.bitcast %sub3A_593 : vector<16xi32> -> vector<16xf32>
        %mul3A_595 = arith.constant 5.000000e-01 : f32
        %mul3A_596 = vector.broadcast %mul3A_595 : f32 to vector<16xf32>
        %mul3A_597 = arith.mulf %mul3A_596, %add3A_586 : vector<16xf32>
        %mul3A_598 = arith.mulf %mul3A_597, %bitcast_convert_type3A_594 : vector<16xf32>
        %mul3A_599 = arith.mulf %mul3A_598, %bitcast_convert_type3A_594 : vector<16xf32>
        %sub3A_600 = arith.constant 1.500000e+00 : f32
        %sub3A_601 = vector.broadcast %sub3A_600 : f32 to vector<16xf32>
        %sub3A_602 = arith.subf %sub3A_601, %mul3A_599 : vector<16xf32>
        %mul3A_603 = arith.mulf %bitcast_convert_type3A_594, %sub3A_602 : vector<16xf32>
        %mul3A_604 = arith.mulf %mul3A_597, %mul3A_603 : vector<16xf32>
        %mul3A_605 = arith.mulf %mul3A_604, %mul3A_603 : vector<16xf32>
        %sub3A_606 = arith.constant 1.500000e+00 : f32
        %sub3A_607 = vector.broadcast %sub3A_606 : f32 to vector<16xf32>
        %sub3A_608 = arith.subf %sub3A_607, %mul3A_605 : vector<16xf32>
        %mul3A_609 = arith.mulf %mul3A_603, %sub3A_608 : vector<16xf32>
        %mul3A_610 = arith.mulf %get3A_207, %gather3A_571 : vector<16xf32>
        %mul3A_611 = arith.mulf %mul3A_610, %mul3A_609 : vector<16xf32>
        %add3A_612 = arith.addf %gather3A_208, %gather3A_572 : vector<16xf32>
        %mul3A_613 = arith.mulf %add3A_612, %mul3A_609 : vector<16xf32>
        %mul3A_614 = arith.mulf %mul3A_613, %mul3A_613 : vector<16xf32>
        %mul3A_615 = arith.mulf %mul3A_614, %mul3A_614 : vector<16xf32>
        %mul3A_616 = arith.mulf %mul3A_615, %mul3A_614 : vector<16xf32>
        %mul3A_617 = arith.mulf %gather3A_212, %gather3A_576 : vector<16xf32>
        %mul3A_618 = arith.mulf %mul3A_617, %mul3A_616 : vector<16xf32>
        %sub3A_619 = arith.constant 1.000000e+00 : f32
        %sub3A_620 = vector.broadcast %sub3A_619 : f32 to vector<16xf32>
        %sub3A_621 = arith.subf %mul3A_616, %sub3A_620 : vector<16xf32>
        %mul3A_622 = arith.mulf %mul3A_618, %sub3A_621 : vector<16xf32>
        %eq3A_623 = arith.cmpi eq, %get3A_215, %gather3A_577 : vector<16xi32>
        %ne3A_624 = arith.cmpi ne, %get3A_217, %gather3A_578 : vector<16xi32>
        %and3A_625 = arith.andi %eq3A_623, %ne3A_624 : vector<16xi1>
        %add3A_626 = arith.addf %mul3A_611, %mul3A_622 : vector<16xf32>
        %jit3A_627 = arith.constant 0.000000e+00 : f32
        %broadcast_in_dim3A_628 = vector.broadcast %jit3A_627 : f32 to vector<16xf32>
        %select_n3A_629 = arith.select %and3A_625, %add3A_626, %broadcast_in_dim3A_628 : vector<16xi1>, vector<16xf32>
        %add3A_630 = arith.addf %add3A_545, %select_n3A_629 : vector<16xf32>
        %mul3A_631 = arith.constant 3 : i32
        %mul3A_632 = arith.muli %mul3A_631, %sub3A_293 : i32
        %add3A_633 = arith.constant 12 : i32
        %add3A_634 = arith.addi %mul3A_632, %add3A_633 : i32
        %broadcast_in_dim3A_635 = vector.broadcast %add3A_634 : i32 to vector<16xi32>
        %mul3A_636 = arith.constant 2 : i32
        %mul3A_637 = arith.muli %mul3A_636, %sub3A_293 : i32
        %add3A_638 = arith.constant 8 : i32
        %add3A_639 = arith.addi %mul3A_637, %add3A_638 : i32
        %broadcast_in_dim3A_640 = vector.broadcast %add3A_639 : i32 to vector<16xi32>
        %add3A_641 = arith.constant 4 : i32
        %add3A_642 = arith.addi %sub3A_293, %add3A_641 : i32
        %broadcast_in_dim3A_643 = vector.broadcast %add3A_642 : i32 to vector<16xi32>
        %add3A_644 = arith.constant 4 : i32
        %add3A_645 = arith.addi %mul3A_292, %add3A_644 : i32
        %broadcast_in_dim3A_646 = vector.broadcast %add3A_645 : i32 to vector<16xi32>
        %gather3A_647 = tpu.vector_load_idx %arg9[%broadcast_in_dim3A_635] : memref<12288xf32, #tpu.memory_space<vmem>>[vector<16xi32>], vector<16xf32>,
        %add3A_648 = arith.constant 1 : i32
        %add3A_649 = vector.broadcast %add3A_648 : i32 to vector<16xi32>
        %add3A_650 = arith.addi %broadcast_in_dim3A_635, %add3A_649 : vector<16xi32>
        %gather3A_651 = tpu.vector_load_idx %arg9[%add3A_650] : memref<12288xf32, #tpu.memory_space<vmem>>[vector<16xi32>], vector<16xf32>,
        %add3A_652 = arith.constant 2 : i32
        %add3A_653 = vector.broadcast %add3A_652 : i32 to vector<16xi32>
        %add3A_654 = arith.addi %broadcast_in_dim3A_635, %add3A_653 : vector<16xi32>
        %gather3A_655 = tpu.vector_load_idx %arg9[%add3A_654] : memref<12288xf32, #tpu.memory_space<vmem>>[vector<16xi32>], vector<16xf32>,
        %gather3A_656 = tpu.vector_load_idx %arg10[%broadcast_in_dim3A_643] : memref<4096xf32, #tpu.memory_space<vmem>>[vector<16xi32>], vector<16xf32>,
        %gather3A_657 = tpu.vector_load_idx %arg11[%broadcast_in_dim3A_640] : memref<8192xf32, #tpu.memory_space<vmem>>[vector<16xi32>], vector<16xf32>,
        %add3A_658 = arith.constant 1 : i32
        %add3A_659 = vector.broadcast %add3A_658 : i32 to vector<16xi32>
        %add3A_660 = arith.addi %broadcast_in_dim3A_640, %add3A_659 : vector<16xi32>
        %gather3A_661 = tpu.vector_load_idx %arg11[%add3A_660] : memref<8192xf32, #tpu.memory_space<vmem>>[vector<16xi32>], vector<16xf32>,
        %gather3A_662 = tpu.vector_load_idx %arg8[%broadcast_in_dim3A_646] : memref<4096xi32, #tpu.memory_space<vmem>>[vector<16xi32>], vector<16xi32>,
        %gather3A_663 = tpu.vector_load_idx %arg12[%broadcast_in_dim3A_643] : memref<4096xi32, #tpu.memory_space<vmem>>[vector<16xi32>], vector<16xi32>,
        %sub3A_664 = arith.subf %gather3A_198, %gather3A_647 : vector<16xf32>
        %sub3A_665 = arith.subf %gather3A_202, %gather3A_651 : vector<16xf32>
        %sub3A_666 = arith.subf %gather3A_206, %gather3A_655 : vector<16xf32>
        %mul3A_667 = arith.mulf %sub3A_664, %sub3A_664 : vector<16xf32>
        %mul3A_668 = arith.mulf %sub3A_665, %sub3A_665 : vector<16xf32>
        %add3A_669 = arith.addf %mul3A_667, %mul3A_668 : vector<16xf32>
        %mul3A_670 = arith.mulf %sub3A_666, %sub3A_666 : vector<16xf32>
        %add3A_671 = arith.addf %add3A_669, %mul3A_670 : vector<16xf32>
        %bitcast_convert_type3A_672 = tpu.bitcast %add3A_671 : vector<16xf32> -> vector<16xi32>
        %shift_right_arithmetic3A_673 = arith.constant 1 : i32
        %shift_right_arithmetic3A_674 = vector.broadcast %shift_right_arithmetic3A_673 : i32 to vector<16xi32>
        %shift_right_arithmetic3A_675 = arith.shrsi %bitcast_convert_type3A_672, %shift_right_arithmetic3A_674 : vector<16xi32>
        %sub3A_676 = arith.constant 1597463007 : i32
        %sub3A_677 = vector.broadcast %sub3A_676 : i32 to vector<16xi32>
        %sub3A_678 = arith.subi %sub3A_677, %shift_right_arithmetic3A_675 : vector<16xi32>
        %bitcast_convert_type3A_679 = tpu.bitcast %sub3A_678 : vector<16xi32> -> vector<16xf32>
        %mul3A_680 = arith.constant 5.000000e-01 : f32
        %mul3A_681 = vector.broadcast %mul3A_680 : f32 to vector<16xf32>
        %mul3A_682 = arith.mulf %mul3A_681, %add3A_671 : vector<16xf32>
        %mul3A_683 = arith.mulf %mul3A_682, %bitcast_convert_type3A_679 : vector<16xf32>
        %mul3A_684 = arith.mulf %mul3A_683, %bitcast_convert_type3A_679 : vector<16xf32>
        %sub3A_685 = arith.constant 1.500000e+00 : f32
        %sub3A_686 = vector.broadcast %sub3A_685 : f32 to vector<16xf32>
        %sub3A_687 = arith.subf %sub3A_686, %mul3A_684 : vector<16xf32>
        %mul3A_688 = arith.mulf %bitcast_convert_type3A_679, %sub3A_687 : vector<16xf32>
        %mul3A_689 = arith.mulf %mul3A_682, %mul3A_688 : vector<16xf32>
        %mul3A_690 = arith.mulf %mul3A_689, %mul3A_688 : vector<16xf32>
        %sub3A_691 = arith.constant 1.500000e+00 : f32
        %sub3A_692 = vector.broadcast %sub3A_691 : f32 to vector<16xf32>
        %sub3A_693 = arith.subf %sub3A_692, %mul3A_690 : vector<16xf32>
        %mul3A_694 = arith.mulf %mul3A_688, %sub3A_693 : vector<16xf32>
        %mul3A_695 = arith.mulf %get3A_207, %gather3A_656 : vector<16xf32>
        %mul3A_696 = arith.mulf %mul3A_695, %mul3A_694 : vector<16xf32>
        %add3A_697 = arith.addf %gather3A_208, %gather3A_657 : vector<16xf32>
        %mul3A_698 = arith.mulf %add3A_697, %mul3A_694 : vector<16xf32>
        %mul3A_699 = arith.mulf %mul3A_698, %mul3A_698 : vector<16xf32>
        %mul3A_700 = arith.mulf %mul3A_699, %mul3A_699 : vector<16xf32>
        %mul3A_701 = arith.mulf %mul3A_700, %mul3A_699 : vector<16xf32>
        %mul3A_702 = arith.mulf %gather3A_212, %gather3A_661 : vector<16xf32>
        %mul3A_703 = arith.mulf %mul3A_702, %mul3A_701 : vector<16xf32>
        %sub3A_704 = arith.constant 1.000000e+00 : f32
        %sub3A_705 = vector.broadcast %sub3A_704 : f32 to vector<16xf32>
        %sub3A_706 = arith.subf %mul3A_701, %sub3A_705 : vector<16xf32>
        %mul3A_707 = arith.mulf %mul3A_703, %sub3A_706 : vector<16xf32>
        %eq3A_708 = arith.cmpi eq, %get3A_215, %gather3A_662 : vector<16xi32>
        %ne3A_709 = arith.cmpi ne, %get3A_217, %gather3A_663 : vector<16xi32>
        %and3A_710 = arith.andi %eq3A_708, %ne3A_709 : vector<16xi1>
        %add3A_711 = arith.addf %mul3A_696, %mul3A_707 : vector<16xf32>
        %jit3A_712 = arith.constant 0.000000e+00 : f32
        %broadcast_in_dim3A_713 = vector.broadcast %jit3A_712 : f32 to vector<16xf32>
        %select_n3A_714 = arith.select %and3A_710, %add3A_711, %broadcast_in_dim3A_713 : vector<16xi1>, vector<16xf32>
        %add3A_715 = arith.addf %add3A_630, %select_n3A_714 : vector<16xf32>
        %mul3A_716 = arith.constant 3 : i32
        %mul3A_717 = arith.muli %mul3A_716, %sub3A_293 : i32
        %add3A_718 = arith.constant 15 : i32
        %add3A_719 = arith.addi %mul3A_717, %add3A_718 : i32
        %broadcast_in_dim3A_720 = vector.broadcast %add3A_719 : i32 to vector<16xi32>
        %mul3A_721 = arith.constant 2 : i32
        %mul3A_722 = arith.muli %mul3A_721, %sub3A_293 : i32
        %add3A_723 = arith.constant 10 : i32
        %add3A_724 = arith.addi %mul3A_722, %add3A_723 : i32
        %broadcast_in_dim3A_725 = vector.broadcast %add3A_724 : i32 to vector<16xi32>
        %add3A_726 = arith.constant 5 : i32
        %add3A_727 = arith.addi %sub3A_293, %add3A_726 : i32
        %broadcast_in_dim3A_728 = vector.broadcast %add3A_727 : i32 to vector<16xi32>
        %add3A_729 = arith.constant 5 : i32
        %add3A_730 = arith.addi %mul3A_292, %add3A_729 : i32
        %broadcast_in_dim3A_731 = vector.broadcast %add3A_730 : i32 to vector<16xi32>
        %gather3A_732 = tpu.vector_load_idx %arg9[%broadcast_in_dim3A_720] : memref<12288xf32, #tpu.memory_space<vmem>>[vector<16xi32>], vector<16xf32>,
        %add3A_733 = arith.constant 1 : i32
        %add3A_734 = vector.broadcast %add3A_733 : i32 to vector<16xi32>
        %add3A_735 = arith.addi %broadcast_in_dim3A_720, %add3A_734 : vector<16xi32>
        %gather3A_736 = tpu.vector_load_idx %arg9[%add3A_735] : memref<12288xf32, #tpu.memory_space<vmem>>[vector<16xi32>], vector<16xf32>,
        %add3A_737 = arith.constant 2 : i32
        %add3A_738 = vector.broadcast %add3A_737 : i32 to vector<16xi32>
        %add3A_739 = arith.addi %broadcast_in_dim3A_720, %add3A_738 : vector<16xi32>
        %gather3A_740 = tpu.vector_load_idx %arg9[%add3A_739] : memref<12288xf32, #tpu.memory_space<vmem>>[vector<16xi32>], vector<16xf32>,
        %gather3A_741 = tpu.vector_load_idx %arg10[%broadcast_in_dim3A_728] : memref<4096xf32, #tpu.memory_space<vmem>>[vector<16xi32>], vector<16xf32>,
        %gather3A_742 = tpu.vector_load_idx %arg11[%broadcast_in_dim3A_725] : memref<8192xf32, #tpu.memory_space<vmem>>[vector<16xi32>], vector<16xf32>,
        %add3A_743 = arith.constant 1 : i32
        %add3A_744 = vector.broadcast %add3A_743 : i32 to vector<16xi32>
        %add3A_745 = arith.addi %broadcast_in_dim3A_725, %add3A_744 : vector<16xi32>
        %gather3A_746 = tpu.vector_load_idx %arg11[%add3A_745] : memref<8192xf32, #tpu.memory_space<vmem>>[vector<16xi32>], vector<16xf32>,
        %gather3A_747 = tpu.vector_load_idx %arg8[%broadcast_in_dim3A_731] : memref<4096xi32, #tpu.memory_space<vmem>>[vector<16xi32>], vector<16xi32>,
        %gather3A_748 = tpu.vector_load_idx %arg12[%broadcast_in_dim3A_728] : memref<4096xi32, #tpu.memory_space<vmem>>[vector<16xi32>], vector<16xi32>,
        %sub3A_749 = arith.subf %gather3A_198, %gather3A_732 : vector<16xf32>
        %sub3A_750 = arith.subf %gather3A_202, %gather3A_736 : vector<16xf32>
        %sub3A_751 = arith.subf %gather3A_206, %gather3A_740 : vector<16xf32>
        %mul3A_752 = arith.mulf %sub3A_749, %sub3A_749 : vector<16xf32>
        %mul3A_753 = arith.mulf %sub3A_750, %sub3A_750 : vector<16xf32>
        %add3A_754 = arith.addf %mul3A_752, %mul3A_753 : vector<16xf32>
        %mul3A_755 = arith.mulf %sub3A_751, %sub3A_751 : vector<16xf32>
        %add3A_756 = arith.addf %add3A_754, %mul3A_755 : vector<16xf32>
        %bitcast_convert_type3A_757 = tpu.bitcast %add3A_756 : vector<16xf32> -> vector<16xi32>
        %shift_right_arithmetic3A_758 = arith.constant 1 : i32
        %shift_right_arithmetic3A_759 = vector.broadcast %shift_right_arithmetic3A_758 : i32 to vector<16xi32>
        %shift_right_arithmetic3A_760 = arith.shrsi %bitcast_convert_type3A_757, %shift_right_arithmetic3A_759 : vector<16xi32>
        %sub3A_761 = arith.constant 1597463007 : i32
        %sub3A_762 = vector.broadcast %sub3A_761 : i32 to vector<16xi32>
        %sub3A_763 = arith.subi %sub3A_762, %shift_right_arithmetic3A_760 : vector<16xi32>
        %bitcast_convert_type3A_764 = tpu.bitcast %sub3A_763 : vector<16xi32> -> vector<16xf32>
        %mul3A_765 = arith.constant 5.000000e-01 : f32
        %mul3A_766 = vector.broadcast %mul3A_765 : f32 to vector<16xf32>
        %mul3A_767 = arith.mulf %mul3A_766, %add3A_756 : vector<16xf32>
        %mul3A_768 = arith.mulf %mul3A_767, %bitcast_convert_type3A_764 : vector<16xf32>
        %mul3A_769 = arith.mulf %mul3A_768, %bitcast_convert_type3A_764 : vector<16xf32>
        %sub3A_770 = arith.constant 1.500000e+00 : f32
        %sub3A_771 = vector.broadcast %sub3A_770 : f32 to vector<16xf32>
        %sub3A_772 = arith.subf %sub3A_771, %mul3A_769 : vector<16xf32>
        %mul3A_773 = arith.mulf %bitcast_convert_type3A_764, %sub3A_772 : vector<16xf32>
        %mul3A_774 = arith.mulf %mul3A_767, %mul3A_773 : vector<16xf32>
        %mul3A_775 = arith.mulf %mul3A_774, %mul3A_773 : vector<16xf32>
        %sub3A_776 = arith.constant 1.500000e+00 : f32
        %sub3A_777 = vector.broadcast %sub3A_776 : f32 to vector<16xf32>
        %sub3A_778 = arith.subf %sub3A_777, %mul3A_775 : vector<16xf32>
        %mul3A_779 = arith.mulf %mul3A_773, %sub3A_778 : vector<16xf32>
        %mul3A_780 = arith.mulf %get3A_207, %gather3A_741 : vector<16xf32>
        %mul3A_781 = arith.mulf %mul3A_780, %mul3A_779 : vector<16xf32>
        %add3A_782 = arith.addf %gather3A_208, %gather3A_742 : vector<16xf32>
        %mul3A_783 = arith.mulf %add3A_782, %mul3A_779 : vector<16xf32>
        %mul3A_784 = arith.mulf %mul3A_783, %mul3A_783 : vector<16xf32>
        %mul3A_785 = arith.mulf %mul3A_784, %mul3A_784 : vector<16xf32>
        %mul3A_786 = arith.mulf %mul3A_785, %mul3A_784 : vector<16xf32>
        %mul3A_787 = arith.mulf %gather3A_212, %gather3A_746 : vector<16xf32>
        %mul3A_788 = arith.mulf %mul3A_787, %mul3A_786 : vector<16xf32>
        %sub3A_789 = arith.constant 1.000000e+00 : f32
        %sub3A_790 = vector.broadcast %sub3A_789 : f32 to vector<16xf32>
        %sub3A_791 = arith.subf %mul3A_786, %sub3A_790 : vector<16xf32>
        %mul3A_792 = arith.mulf %mul3A_788, %sub3A_791 : vector<16xf32>
        %eq3A_793 = arith.cmpi eq, %get3A_215, %gather3A_747 : vector<16xi32>
        %ne3A_794 = arith.cmpi ne, %get3A_217, %gather3A_748 : vector<16xi32>
        %and3A_795 = arith.andi %eq3A_793, %ne3A_794 : vector<16xi1>
        %add3A_796 = arith.addf %mul3A_781, %mul3A_792 : vector<16xf32>
        %jit3A_797 = arith.constant 0.000000e+00 : f32
        %broadcast_in_dim3A_798 = vector.broadcast %jit3A_797 : f32 to vector<16xf32>
        %select_n3A_799 = arith.select %and3A_795, %add3A_796, %broadcast_in_dim3A_798 : vector<16xi1>, vector<16xf32>
        %add3A_800 = arith.addf %add3A_715, %select_n3A_799 : vector<16xf32>
        %mul3A_801 = arith.constant 3 : i32
        %mul3A_802 = arith.muli %mul3A_801, %sub3A_293 : i32
        %add3A_803 = arith.constant 18 : i32
        %add3A_804 = arith.addi %mul3A_802, %add3A_803 : i32
        %broadcast_in_dim3A_805 = vector.broadcast %add3A_804 : i32 to vector<16xi32>
        %mul3A_806 = arith.constant 2 : i32
        %mul3A_807 = arith.muli %mul3A_806, %sub3A_293 : i32
        %add3A_808 = arith.constant 12 : i32
        %add3A_809 = arith.addi %mul3A_807, %add3A_808 : i32
        %broadcast_in_dim3A_810 = vector.broadcast %add3A_809 : i32 to vector<16xi32>
        %add3A_811 = arith.constant 6 : i32
        %add3A_812 = arith.addi %sub3A_293, %add3A_811 : i32
        %broadcast_in_dim3A_813 = vector.broadcast %add3A_812 : i32 to vector<16xi32>
        %add3A_814 = arith.constant 6 : i32
        %add3A_815 = arith.addi %mul3A_292, %add3A_814 : i32
        %broadcast_in_dim3A_816 = vector.broadcast %add3A_815 : i32 to vector<16xi32>
        %gather3A_817 = tpu.vector_load_idx %arg9[%broadcast_in_dim3A_805] : memref<12288xf32, #tpu.memory_space<vmem>>[vector<16xi32>], vector<16xf32>,
        %add3A_818 = arith.constant 1 : i32
        %add3A_819 = vector.broadcast %add3A_818 : i32 to vector<16xi32>
        %add3A_820 = arith.addi %broadcast_in_dim3A_805, %add3A_819 : vector<16xi32>
        %gather3A_821 = tpu.vector_load_idx %arg9[%add3A_820] : memref<12288xf32, #tpu.memory_space<vmem>>[vector<16xi32>], vector<16xf32>,
        %add3A_822 = arith.constant 2 : i32
        %add3A_823 = vector.broadcast %add3A_822 : i32 to vector<16xi32>
        %add3A_824 = arith.addi %broadcast_in_dim3A_805, %add3A_823 : vector<16xi32>
        %gather3A_825 = tpu.vector_load_idx %arg9[%add3A_824] : memref<12288xf32, #tpu.memory_space<vmem>>[vector<16xi32>], vector<16xf32>,
        %gather3A_826 = tpu.vector_load_idx %arg10[%broadcast_in_dim3A_813] : memref<4096xf32, #tpu.memory_space<vmem>>[vector<16xi32>], vector<16xf32>,
        %gather3A_827 = tpu.vector_load_idx %arg11[%broadcast_in_dim3A_810] : memref<8192xf32, #tpu.memory_space<vmem>>[vector<16xi32>], vector<16xf32>,
        %add3A_828 = arith.constant 1 : i32
        %add3A_829 = vector.broadcast %add3A_828 : i32 to vector<16xi32>
        %add3A_830 = arith.addi %broadcast_in_dim3A_810, %add3A_829 : vector<16xi32>
        %gather3A_831 = tpu.vector_load_idx %arg11[%add3A_830] : memref<8192xf32, #tpu.memory_space<vmem>>[vector<16xi32>], vector<16xf32>,
        %gather3A_832 = tpu.vector_load_idx %arg8[%broadcast_in_dim3A_816] : memref<4096xi32, #tpu.memory_space<vmem>>[vector<16xi32>], vector<16xi32>,
        %gather3A_833 = tpu.vector_load_idx %arg12[%broadcast_in_dim3A_813] : memref<4096xi32, #tpu.memory_space<vmem>>[vector<16xi32>], vector<16xi32>,
        %sub3A_834 = arith.subf %gather3A_198, %gather3A_817 : vector<16xf32>
        %sub3A_835 = arith.subf %gather3A_202, %gather3A_821 : vector<16xf32>
        %sub3A_836 = arith.subf %gather3A_206, %gather3A_825 : vector<16xf32>
        %mul3A_837 = arith.mulf %sub3A_834, %sub3A_834 : vector<16xf32>
        %mul3A_838 = arith.mulf %sub3A_835, %sub3A_835 : vector<16xf32>
        %add3A_839 = arith.addf %mul3A_837, %mul3A_838 : vector<16xf32>
        %mul3A_840 = arith.mulf %sub3A_836, %sub3A_836 : vector<16xf32>
        %add3A_841 = arith.addf %add3A_839, %mul3A_840 : vector<16xf32>
        %bitcast_convert_type3A_842 = tpu.bitcast %add3A_841 : vector<16xf32> -> vector<16xi32>
        %shift_right_arithmetic3A_843 = arith.constant 1 : i32
        %shift_right_arithmetic3A_844 = vector.broadcast %shift_right_arithmetic3A_843 : i32 to vector<16xi32>
        %shift_right_arithmetic3A_845 = arith.shrsi %bitcast_convert_type3A_842, %shift_right_arithmetic3A_844 : vector<16xi32>
        %sub3A_846 = arith.constant 1597463007 : i32
        %sub3A_847 = vector.broadcast %sub3A_846 : i32 to vector<16xi32>
        %sub3A_848 = arith.subi %sub3A_847, %shift_right_arithmetic3A_845 : vector<16xi32>
        %bitcast_convert_type3A_849 = tpu.bitcast %sub3A_848 : vector<16xi32> -> vector<16xf32>
        %mul3A_850 = arith.constant 5.000000e-01 : f32
        %mul3A_851 = vector.broadcast %mul3A_850 : f32 to vector<16xf32>
        %mul3A_852 = arith.mulf %mul3A_851, %add3A_841 : vector<16xf32>
        %mul3A_853 = arith.mulf %mul3A_852, %bitcast_convert_type3A_849 : vector<16xf32>
        %mul3A_854 = arith.mulf %mul3A_853, %bitcast_convert_type3A_849 : vector<16xf32>
        %sub3A_855 = arith.constant 1.500000e+00 : f32
        %sub3A_856 = vector.broadcast %sub3A_855 : f32 to vector<16xf32>
        %sub3A_857 = arith.subf %sub3A_856, %mul3A_854 : vector<16xf32>
        %mul3A_858 = arith.mulf %bitcast_convert_type3A_849, %sub3A_857 : vector<16xf32>
        %mul3A_859 = arith.mulf %mul3A_852, %mul3A_858 : vector<16xf32>
        %mul3A_860 = arith.mulf %mul3A_859, %mul3A_858 : vector<16xf32>
        %sub3A_861 = arith.constant 1.500000e+00 : f32
        %sub3A_862 = vector.broadcast %sub3A_861 : f32 to vector<16xf32>
        %sub3A_863 = arith.subf %sub3A_862, %mul3A_860 : vector<16xf32>
        %mul3A_864 = arith.mulf %mul3A_858, %sub3A_863 : vector<16xf32>
        %mul3A_865 = arith.mulf %get3A_207, %gather3A_826 : vector<16xf32>
        %mul3A_866 = arith.mulf %mul3A_865, %mul3A_864 : vector<16xf32>
        %add3A_867 = arith.addf %gather3A_208, %gather3A_827 : vector<16xf32>
        %mul3A_868 = arith.mulf %add3A_867, %mul3A_864 : vector<16xf32>
        %mul3A_869 = arith.mulf %mul3A_868, %mul3A_868 : vector<16xf32>
        %mul3A_870 = arith.mulf %mul3A_869, %mul3A_869 : vector<16xf32>
        %mul3A_871 = arith.mulf %mul3A_870, %mul3A_869 : vector<16xf32>
        %mul3A_872 = arith.mulf %gather3A_212, %gather3A_831 : vector<16xf32>
        %mul3A_873 = arith.mulf %mul3A_872, %mul3A_871 : vector<16xf32>
        %sub3A_874 = arith.constant 1.000000e+00 : f32
        %sub3A_875 = vector.broadcast %sub3A_874 : f32 to vector<16xf32>
        %sub3A_876 = arith.subf %mul3A_871, %sub3A_875 : vector<16xf32>
        %mul3A_877 = arith.mulf %mul3A_873, %sub3A_876 : vector<16xf32>
        %eq3A_878 = arith.cmpi eq, %get3A_215, %gather3A_832 : vector<16xi32>
        %ne3A_879 = arith.cmpi ne, %get3A_217, %gather3A_833 : vector<16xi32>
        %and3A_880 = arith.andi %eq3A_878, %ne3A_879 : vector<16xi1>
        %add3A_881 = arith.addf %mul3A_866, %mul3A_877 : vector<16xf32>
        %jit3A_882 = arith.constant 0.000000e+00 : f32
        %broadcast_in_dim3A_883 = vector.broadcast %jit3A_882 : f32 to vector<16xf32>
        %select_n3A_884 = arith.select %and3A_880, %add3A_881, %broadcast_in_dim3A_883 : vector<16xi1>, vector<16xf32>
        %add3A_885 = arith.addf %add3A_800, %select_n3A_884 : vector<16xf32>
        %mul3A_886 = arith.constant 3 : i32
        %mul3A_887 = arith.muli %mul3A_886, %sub3A_293 : i32
        %add3A_888 = arith.constant 21 : i32
        %add3A_889 = arith.addi %mul3A_887, %add3A_888 : i32
        %broadcast_in_dim3A_890 = vector.broadcast %add3A_889 : i32 to vector<16xi32>
        %mul3A_891 = arith.constant 2 : i32
        %mul3A_892 = arith.muli %mul3A_891, %sub3A_293 : i32
        %add3A_893 = arith.constant 14 : i32
        %add3A_894 = arith.addi %mul3A_892, %add3A_893 : i32
        %broadcast_in_dim3A_895 = vector.broadcast %add3A_894 : i32 to vector<16xi32>
        %add3A_896 = arith.constant 7 : i32
        %add3A_897 = arith.addi %sub3A_293, %add3A_896 : i32
        %broadcast_in_dim3A_898 = vector.broadcast %add3A_897 : i32 to vector<16xi32>
        %add3A_899 = arith.constant 7 : i32
        %add3A_900 = arith.addi %mul3A_292, %add3A_899 : i32
        %broadcast_in_dim3A_901 = vector.broadcast %add3A_900 : i32 to vector<16xi32>
        %gather3A_902 = tpu.vector_load_idx %arg9[%broadcast_in_dim3A_890] : memref<12288xf32, #tpu.memory_space<vmem>>[vector<16xi32>], vector<16xf32>,
        %add3A_903 = arith.constant 1 : i32
        %add3A_904 = vector.broadcast %add3A_903 : i32 to vector<16xi32>
        %add3A_905 = arith.addi %broadcast_in_dim3A_890, %add3A_904 : vector<16xi32>
        %gather3A_906 = tpu.vector_load_idx %arg9[%add3A_905] : memref<12288xf32, #tpu.memory_space<vmem>>[vector<16xi32>], vector<16xf32>,
        %add3A_907 = arith.constant 2 : i32
        %add3A_908 = vector.broadcast %add3A_907 : i32 to vector<16xi32>
        %add3A_909 = arith.addi %broadcast_in_dim3A_890, %add3A_908 : vector<16xi32>
        %gather3A_910 = tpu.vector_load_idx %arg9[%add3A_909] : memref<12288xf32, #tpu.memory_space<vmem>>[vector<16xi32>], vector<16xf32>,
        %gather3A_911 = tpu.vector_load_idx %arg10[%broadcast_in_dim3A_898] : memref<4096xf32, #tpu.memory_space<vmem>>[vector<16xi32>], vector<16xf32>,
        %gather3A_912 = tpu.vector_load_idx %arg11[%broadcast_in_dim3A_895] : memref<8192xf32, #tpu.memory_space<vmem>>[vector<16xi32>], vector<16xf32>,
        %add3A_913 = arith.constant 1 : i32
        %add3A_914 = vector.broadcast %add3A_913 : i32 to vector<16xi32>
        %add3A_915 = arith.addi %broadcast_in_dim3A_895, %add3A_914 : vector<16xi32>
        %gather3A_916 = tpu.vector_load_idx %arg11[%add3A_915] : memref<8192xf32, #tpu.memory_space<vmem>>[vector<16xi32>], vector<16xf32>,
        %gather3A_917 = tpu.vector_load_idx %arg8[%broadcast_in_dim3A_901] : memref<4096xi32, #tpu.memory_space<vmem>>[vector<16xi32>], vector<16xi32>,
        %gather3A_918 = tpu.vector_load_idx %arg12[%broadcast_in_dim3A_898] : memref<4096xi32, #tpu.memory_space<vmem>>[vector<16xi32>], vector<16xi32>,
        %sub3A_919 = arith.subf %gather3A_198, %gather3A_902 : vector<16xf32>
        %sub3A_920 = arith.subf %gather3A_202, %gather3A_906 : vector<16xf32>
        %sub3A_921 = arith.subf %gather3A_206, %gather3A_910 : vector<16xf32>
        %mul3A_922 = arith.mulf %sub3A_919, %sub3A_919 : vector<16xf32>
        %mul3A_923 = arith.mulf %sub3A_920, %sub3A_920 : vector<16xf32>
        %add3A_924 = arith.addf %mul3A_922, %mul3A_923 : vector<16xf32>
        %mul3A_925 = arith.mulf %sub3A_921, %sub3A_921 : vector<16xf32>
        %add3A_926 = arith.addf %add3A_924, %mul3A_925 : vector<16xf32>
        %bitcast_convert_type3A_927 = tpu.bitcast %add3A_926 : vector<16xf32> -> vector<16xi32>
        %shift_right_arithmetic3A_928 = arith.constant 1 : i32
        %shift_right_arithmetic3A_929 = vector.broadcast %shift_right_arithmetic3A_928 : i32 to vector<16xi32>
        %shift_right_arithmetic3A_930 = arith.shrsi %bitcast_convert_type3A_927, %shift_right_arithmetic3A_929 : vector<16xi32>
        %sub3A_931 = arith.constant 1597463007 : i32
        %sub3A_932 = vector.broadcast %sub3A_931 : i32 to vector<16xi32>
        %sub3A_933 = arith.subi %sub3A_932, %shift_right_arithmetic3A_930 : vector<16xi32>
        %bitcast_convert_type3A_934 = tpu.bitcast %sub3A_933 : vector<16xi32> -> vector<16xf32>
        %mul3A_935 = arith.constant 5.000000e-01 : f32
        %mul3A_936 = vector.broadcast %mul3A_935 : f32 to vector<16xf32>
        %mul3A_937 = arith.mulf %mul3A_936, %add3A_926 : vector<16xf32>
        %mul3A_938 = arith.mulf %mul3A_937, %bitcast_convert_type3A_934 : vector<16xf32>
        %mul3A_939 = arith.mulf %mul3A_938, %bitcast_convert_type3A_934 : vector<16xf32>
        %sub3A_940 = arith.constant 1.500000e+00 : f32
        %sub3A_941 = vector.broadcast %sub3A_940 : f32 to vector<16xf32>
        %sub3A_942 = arith.subf %sub3A_941, %mul3A_939 : vector<16xf32>
        %mul3A_943 = arith.mulf %bitcast_convert_type3A_934, %sub3A_942 : vector<16xf32>
        %mul3A_944 = arith.mulf %mul3A_937, %mul3A_943 : vector<16xf32>
        %mul3A_945 = arith.mulf %mul3A_944, %mul3A_943 : vector<16xf32>
        %sub3A_946 = arith.constant 1.500000e+00 : f32
        %sub3A_947 = vector.broadcast %sub3A_946 : f32 to vector<16xf32>
        %sub3A_948 = arith.subf %sub3A_947, %mul3A_945 : vector<16xf32>
        %mul3A_949 = arith.mulf %mul3A_943, %sub3A_948 : vector<16xf32>
        %mul3A_950 = arith.mulf %get3A_207, %gather3A_911 : vector<16xf32>
        %mul3A_951 = arith.mulf %mul3A_950, %mul3A_949 : vector<16xf32>
        %add3A_952 = arith.addf %gather3A_208, %gather3A_912 : vector<16xf32>
        %mul3A_953 = arith.mulf %add3A_952, %mul3A_949 : vector<16xf32>
        %mul3A_954 = arith.mulf %mul3A_953, %mul3A_953 : vector<16xf32>
        %mul3A_955 = arith.mulf %mul3A_954, %mul3A_954 : vector<16xf32>
        %mul3A_956 = arith.mulf %mul3A_955, %mul3A_954 : vector<16xf32>
        %mul3A_957 = arith.mulf %gather3A_212, %gather3A_916 : vector<16xf32>
        %mul3A_958 = arith.mulf %mul3A_957, %mul3A_956 : vector<16xf32>
        %sub3A_959 = arith.constant 1.000000e+00 : f32
        %sub3A_960 = vector.broadcast %sub3A_959 : f32 to vector<16xf32>
        %sub3A_961 = arith.subf %mul3A_956, %sub3A_960 : vector<16xf32>
        %mul3A_962 = arith.mulf %mul3A_958, %sub3A_961 : vector<16xf32>
        %eq3A_963 = arith.cmpi eq, %get3A_215, %gather3A_917 : vector<16xi32>
        %ne3A_964 = arith.cmpi ne, %get3A_217, %gather3A_918 : vector<16xi32>
        %and3A_965 = arith.andi %eq3A_963, %ne3A_964 : vector<16xi1>
        %add3A_966 = arith.addf %mul3A_951, %mul3A_962 : vector<16xf32>
        %jit3A_967 = arith.constant 0.000000e+00 : f32
        %broadcast_in_dim3A_968 = vector.broadcast %jit3A_967 : f32 to vector<16xf32>
        %select_n3A_969 = arith.select %and3A_965, %add3A_966, %broadcast_in_dim3A_968 : vector<16xi1>, vector<16xf32>
        %add3A_970 = arith.addf %add3A_885, %select_n3A_969 : vector<16xf32>
        %mul3A_971 = arith.constant 3 : i32
        %mul3A_972 = arith.muli %mul3A_971, %sub3A_293 : i32
        %add3A_973 = arith.constant 24 : i32
        %add3A_974 = arith.addi %mul3A_972, %add3A_973 : i32
        %broadcast_in_dim3A_975 = vector.broadcast %add3A_974 : i32 to vector<16xi32>
        %mul3A_976 = arith.constant 2 : i32
        %mul3A_977 = arith.muli %mul3A_976, %sub3A_293 : i32
        %add3A_978 = arith.constant 16 : i32
        %add3A_979 = arith.addi %mul3A_977, %add3A_978 : i32
        %broadcast_in_dim3A_980 = vector.broadcast %add3A_979 : i32 to vector<16xi32>
        %add3A_981 = arith.constant 8 : i32
        %add3A_982 = arith.addi %sub3A_293, %add3A_981 : i32
        %broadcast_in_dim3A_983 = vector.broadcast %add3A_982 : i32 to vector<16xi32>
        %add3A_984 = arith.constant 8 : i32
        %add3A_985 = arith.addi %mul3A_292, %add3A_984 : i32
        %broadcast_in_dim3A_986 = vector.broadcast %add3A_985 : i32 to vector<16xi32>
        %gather3A_987 = tpu.vector_load_idx %arg9[%broadcast_in_dim3A_975] : memref<12288xf32, #tpu.memory_space<vmem>>[vector<16xi32>], vector<16xf32>,
        %add3A_988 = arith.constant 1 : i32
        %add3A_989 = vector.broadcast %add3A_988 : i32 to vector<16xi32>
        %add3A_990 = arith.addi %broadcast_in_dim3A_975, %add3A_989 : vector<16xi32>
        %gather3A_991 = tpu.vector_load_idx %arg9[%add3A_990] : memref<12288xf32, #tpu.memory_space<vmem>>[vector<16xi32>], vector<16xf32>,
        %add3A_992 = arith.constant 2 : i32
        %add3A_993 = vector.broadcast %add3A_992 : i32 to vector<16xi32>
        %add3A_994 = arith.addi %broadcast_in_dim3A_975, %add3A_993 : vector<16xi32>
        %gather3A_995 = tpu.vector_load_idx %arg9[%add3A_994] : memref<12288xf32, #tpu.memory_space<vmem>>[vector<16xi32>], vector<16xf32>,
        %gather3A_996 = tpu.vector_load_idx %arg10[%broadcast_in_dim3A_983] : memref<4096xf32, #tpu.memory_space<vmem>>[vector<16xi32>], vector<16xf32>,
        %gather3A_997 = tpu.vector_load_idx %arg11[%broadcast_in_dim3A_980] : memref<8192xf32, #tpu.memory_space<vmem>>[vector<16xi32>], vector<16xf32>,
        %add3A_998 = arith.constant 1 : i32
        %add3A_999 = vector.broadcast %add3A_998 : i32 to vector<16xi32>
        %add3A_1000 = arith.addi %broadcast_in_dim3A_980, %add3A_999 : vector<16xi32>
        %gather3A_1001 = tpu.vector_load_idx %arg11[%add3A_1000] : memref<8192xf32, #tpu.memory_space<vmem>>[vector<16xi32>], vector<16xf32>,
        %gather3A_1002 = tpu.vector_load_idx %arg8[%broadcast_in_dim3A_986] : memref<4096xi32, #tpu.memory_space<vmem>>[vector<16xi32>], vector<16xi32>,
        %gather3A_1003 = tpu.vector_load_idx %arg12[%broadcast_in_dim3A_983] : memref<4096xi32, #tpu.memory_space<vmem>>[vector<16xi32>], vector<16xi32>,
        %sub3A_1004 = arith.subf %gather3A_198, %gather3A_987 : vector<16xf32>
        %sub3A_1005 = arith.subf %gather3A_202, %gather3A_991 : vector<16xf32>
        %sub3A_1006 = arith.subf %gather3A_206, %gather3A_995 : vector<16xf32>
        %mul3A_1007 = arith.mulf %sub3A_1004, %sub3A_1004 : vector<16xf32>
        %mul3A_1008 = arith.mulf %sub3A_1005, %sub3A_1005 : vector<16xf32>
        %add3A_1009 = arith.addf %mul3A_1007, %mul3A_1008 : vector<16xf32>
        %mul3A_1010 = arith.mulf %sub3A_1006, %sub3A_1006 : vector<16xf32>
        %add3A_1011 = arith.addf %add3A_1009, %mul3A_1010 : vector<16xf32>
        %bitcast_convert_type3A_1012 = tpu.bitcast %add3A_1011 : vector<16xf32> -> vector<16xi32>
        %shift_right_arithmetic3A_1013 = arith.constant 1 : i32
        %shift_right_arithmetic3A_1014 = vector.broadcast %shift_right_arithmetic3A_1013 : i32 to vector<16xi32>
        %shift_right_arithmetic3A_1015 = arith.shrsi %bitcast_convert_type3A_1012, %shift_right_arithmetic3A_1014 : vector<16xi32>
        %sub3A_1016 = arith.constant 1597463007 : i32
        %sub3A_1017 = vector.broadcast %sub3A_1016 : i32 to vector<16xi32>
        %sub3A_1018 = arith.subi %sub3A_1017, %shift_right_arithmetic3A_1015 : vector<16xi32>
        %bitcast_convert_type3A_1019 = tpu.bitcast %sub3A_1018 : vector<16xi32> -> vector<16xf32>
        %mul3A_1020 = arith.constant 5.000000e-01 : f32
        %mul3A_1021 = vector.broadcast %mul3A_1020 : f32 to vector<16xf32>
        %mul3A_1022 = arith.mulf %mul3A_1021, %add3A_1011 : vector<16xf32>
        %mul3A_1023 = arith.mulf %mul3A_1022, %bitcast_convert_type3A_1019 : vector<16xf32>
        %mul3A_1024 = arith.mulf %mul3A_1023, %bitcast_convert_type3A_1019 : vector<16xf32>
        %sub3A_1025 = arith.constant 1.500000e+00 : f32
        %sub3A_1026 = vector.broadcast %sub3A_1025 : f32 to vector<16xf32>
        %sub3A_1027 = arith.subf %sub3A_1026, %mul3A_1024 : vector<16xf32>
        %mul3A_1028 = arith.mulf %bitcast_convert_type3A_1019, %sub3A_1027 : vector<16xf32>
        %mul3A_1029 = arith.mulf %mul3A_1022, %mul3A_1028 : vector<16xf32>
        %mul3A_1030 = arith.mulf %mul3A_1029, %mul3A_1028 : vector<16xf32>
        %sub3A_1031 = arith.constant 1.500000e+00 : f32
        %sub3A_1032 = vector.broadcast %sub3A_1031 : f32 to vector<16xf32>
        %sub3A_1033 = arith.subf %sub3A_1032, %mul3A_1030 : vector<16xf32>
        %mul3A_1034 = arith.mulf %mul3A_1028, %sub3A_1033 : vector<16xf32>
        %mul3A_1035 = arith.mulf %get3A_207, %gather3A_996 : vector<16xf32>
        %mul3A_1036 = arith.mulf %mul3A_1035, %mul3A_1034 : vector<16xf32>
        %add3A_1037 = arith.addf %gather3A_208, %gather3A_997 : vector<16xf32>
        %mul3A_1038 = arith.mulf %add3A_1037, %mul3A_1034 : vector<16xf32>
        %mul3A_1039 = arith.mulf %mul3A_1038, %mul3A_1038 : vector<16xf32>
        %mul3A_1040 = arith.mulf %mul3A_1039, %mul3A_1039 : vector<16xf32>
        %mul3A_1041 = arith.mulf %mul3A_1040, %mul3A_1039 : vector<16xf32>
        %mul3A_1042 = arith.mulf %gather3A_212, %gather3A_1001 : vector<16xf32>
        %mul3A_1043 = arith.mulf %mul3A_1042, %mul3A_1041 : vector<16xf32>
        %sub3A_1044 = arith.constant 1.000000e+00 : f32
        %sub3A_1045 = vector.broadcast %sub3A_1044 : f32 to vector<16xf32>
        %sub3A_1046 = arith.subf %mul3A_1041, %sub3A_1045 : vector<16xf32>
        %mul3A_1047 = arith.mulf %mul3A_1043, %sub3A_1046 : vector<16xf32>
        %eq3A_1048 = arith.cmpi eq, %get3A_215, %gather3A_1002 : vector<16xi32>
        %ne3A_1049 = arith.cmpi ne, %get3A_217, %gather3A_1003 : vector<16xi32>
        %and3A_1050 = arith.andi %eq3A_1048, %ne3A_1049 : vector<16xi1>
        %add3A_1051 = arith.addf %mul3A_1036, %mul3A_1047 : vector<16xf32>
        %jit3A_1052 = arith.constant 0.000000e+00 : f32
        %broadcast_in_dim3A_1053 = vector.broadcast %jit3A_1052 : f32 to vector<16xf32>
        %select_n3A_1054 = arith.select %and3A_1050, %add3A_1051, %broadcast_in_dim3A_1053 : vector<16xi1>, vector<16xf32>
        %add3A_1055 = arith.addf %add3A_970, %select_n3A_1054 : vector<16xf32>
        %mul3A_1056 = arith.constant 3 : i32
        %mul3A_1057 = arith.muli %mul3A_1056, %sub3A_293 : i32
        %add3A_1058 = arith.constant 27 : i32
        %add3A_1059 = arith.addi %mul3A_1057, %add3A_1058 : i32
        %broadcast_in_dim3A_1060 = vector.broadcast %add3A_1059 : i32 to vector<16xi32>
        %mul3A_1061 = arith.constant 2 : i32
        %mul3A_1062 = arith.muli %mul3A_1061, %sub3A_293 : i32
        %add3A_1063 = arith.constant 18 : i32
        %add3A_1064 = arith.addi %mul3A_1062, %add3A_1063 : i32
        %broadcast_in_dim3A_1065 = vector.broadcast %add3A_1064 : i32 to vector<16xi32>
        %add3A_1066 = arith.constant 9 : i32
        %add3A_1067 = arith.addi %sub3A_293, %add3A_1066 : i32
        %broadcast_in_dim3A_1068 = vector.broadcast %add3A_1067 : i32 to vector<16xi32>
        %add3A_1069 = arith.constant 9 : i32
        %add3A_1070 = arith.addi %mul3A_292, %add3A_1069 : i32
        %broadcast_in_dim3A_1071 = vector.broadcast %add3A_1070 : i32 to vector<16xi32>
        %gather3A_1072 = tpu.vector_load_idx %arg9[%broadcast_in_dim3A_1060] : memref<12288xf32, #tpu.memory_space<vmem>>[vector<16xi32>], vector<16xf32>,
        %add3A_1073 = arith.constant 1 : i32
        %add3A_1074 = vector.broadcast %add3A_1073 : i32 to vector<16xi32>
        %add3A_1075 = arith.addi %broadcast_in_dim3A_1060, %add3A_1074 : vector<16xi32>
        %gather3A_1076 = tpu.vector_load_idx %arg9[%add3A_1075] : memref<12288xf32, #tpu.memory_space<vmem>>[vector<16xi32>], vector<16xf32>,
        %add3A_1077 = arith.constant 2 : i32
        %add3A_1078 = vector.broadcast %add3A_1077 : i32 to vector<16xi32>
        %add3A_1079 = arith.addi %broadcast_in_dim3A_1060, %add3A_1078 : vector<16xi32>
        %gather3A_1080 = tpu.vector_load_idx %arg9[%add3A_1079] : memref<12288xf32, #tpu.memory_space<vmem>>[vector<16xi32>], vector<16xf32>,
        %gather3A_1081 = tpu.vector_load_idx %arg10[%broadcast_in_dim3A_1068] : memref<4096xf32, #tpu.memory_space<vmem>>[vector<16xi32>], vector<16xf32>,
        %gather3A_1082 = tpu.vector_load_idx %arg11[%broadcast_in_dim3A_1065] : memref<8192xf32, #tpu.memory_space<vmem>>[vector<16xi32>], vector<16xf32>,
        %add3A_1083 = arith.constant 1 : i32
        %add3A_1084 = vector.broadcast %add3A_1083 : i32 to vector<16xi32>
        %add3A_1085 = arith.addi %broadcast_in_dim3A_1065, %add3A_1084 : vector<16xi32>
        %gather3A_1086 = tpu.vector_load_idx %arg11[%add3A_1085] : memref<8192xf32, #tpu.memory_space<vmem>>[vector<16xi32>], vector<16xf32>,
        %gather3A_1087 = tpu.vector_load_idx %arg8[%broadcast_in_dim3A_1071] : memref<4096xi32, #tpu.memory_space<vmem>>[vector<16xi32>], vector<16xi32>,
        %gather3A_1088 = tpu.vector_load_idx %arg12[%broadcast_in_dim3A_1068] : memref<4096xi32, #tpu.memory_space<vmem>>[vector<16xi32>], vector<16xi32>,
        %sub3A_1089 = arith.subf %gather3A_198, %gather3A_1072 : vector<16xf32>
        %sub3A_1090 = arith.subf %gather3A_202, %gather3A_1076 : vector<16xf32>
        %sub3A_1091 = arith.subf %gather3A_206, %gather3A_1080 : vector<16xf32>
        %mul3A_1092 = arith.mulf %sub3A_1089, %sub3A_1089 : vector<16xf32>
        %mul3A_1093 = arith.mulf %sub3A_1090, %sub3A_1090 : vector<16xf32>
        %add3A_1094 = arith.addf %mul3A_1092, %mul3A_1093 : vector<16xf32>
        %mul3A_1095 = arith.mulf %sub3A_1091, %sub3A_1091 : vector<16xf32>
        %add3A_1096 = arith.addf %add3A_1094, %mul3A_1095 : vector<16xf32>
        %bitcast_convert_type3A_1097 = tpu.bitcast %add3A_1096 : vector<16xf32> -> vector<16xi32>
        %shift_right_arithmetic3A_1098 = arith.constant 1 : i32
        %shift_right_arithmetic3A_1099 = vector.broadcast %shift_right_arithmetic3A_1098 : i32 to vector<16xi32>
        %shift_right_arithmetic3A_1100 = arith.shrsi %bitcast_convert_type3A_1097, %shift_right_arithmetic3A_1099 : vector<16xi32>
        %sub3A_1101 = arith.constant 1597463007 : i32
        %sub3A_1102 = vector.broadcast %sub3A_1101 : i32 to vector<16xi32>
        %sub3A_1103 = arith.subi %sub3A_1102, %shift_right_arithmetic3A_1100 : vector<16xi32>
        %bitcast_convert_type3A_1104 = tpu.bitcast %sub3A_1103 : vector<16xi32> -> vector<16xf32>
        %mul3A_1105 = arith.constant 5.000000e-01 : f32
        %mul3A_1106 = vector.broadcast %mul3A_1105 : f32 to vector<16xf32>
        %mul3A_1107 = arith.mulf %mul3A_1106, %add3A_1096 : vector<16xf32>
        %mul3A_1108 = arith.mulf %mul3A_1107, %bitcast_convert_type3A_1104 : vector<16xf32>
        %mul3A_1109 = arith.mulf %mul3A_1108, %bitcast_convert_type3A_1104 : vector<16xf32>
        %sub3A_1110 = arith.constant 1.500000e+00 : f32
        %sub3A_1111 = vector.broadcast %sub3A_1110 : f32 to vector<16xf32>
        %sub3A_1112 = arith.subf %sub3A_1111, %mul3A_1109 : vector<16xf32>
        %mul3A_1113 = arith.mulf %bitcast_convert_type3A_1104, %sub3A_1112 : vector<16xf32>
        %mul3A_1114 = arith.mulf %mul3A_1107, %mul3A_1113 : vector<16xf32>
        %mul3A_1115 = arith.mulf %mul3A_1114, %mul3A_1113 : vector<16xf32>
        %sub3A_1116 = arith.constant 1.500000e+00 : f32
        %sub3A_1117 = vector.broadcast %sub3A_1116 : f32 to vector<16xf32>
        %sub3A_1118 = arith.subf %sub3A_1117, %mul3A_1115 : vector<16xf32>
        %mul3A_1119 = arith.mulf %mul3A_1113, %sub3A_1118 : vector<16xf32>
        %mul3A_1120 = arith.mulf %get3A_207, %gather3A_1081 : vector<16xf32>
        %mul3A_1121 = arith.mulf %mul3A_1120, %mul3A_1119 : vector<16xf32>
        %add3A_1122 = arith.addf %gather3A_208, %gather3A_1082 : vector<16xf32>
        %mul3A_1123 = arith.mulf %add3A_1122, %mul3A_1119 : vector<16xf32>
        %mul3A_1124 = arith.mulf %mul3A_1123, %mul3A_1123 : vector<16xf32>
        %mul3A_1125 = arith.mulf %mul3A_1124, %mul3A_1124 : vector<16xf32>
        %mul3A_1126 = arith.mulf %mul3A_1125, %mul3A_1124 : vector<16xf32>
        %mul3A_1127 = arith.mulf %gather3A_212, %gather3A_1086 : vector<16xf32>
        %mul3A_1128 = arith.mulf %mul3A_1127, %mul3A_1126 : vector<16xf32>
        %sub3A_1129 = arith.constant 1.000000e+00 : f32
        %sub3A_1130 = vector.broadcast %sub3A_1129 : f32 to vector<16xf32>
        %sub3A_1131 = arith.subf %mul3A_1126, %sub3A_1130 : vector<16xf32>
        %mul3A_1132 = arith.mulf %mul3A_1128, %sub3A_1131 : vector<16xf32>
        %eq3A_1133 = arith.cmpi eq, %get3A_215, %gather3A_1087 : vector<16xi32>
        %ne3A_1134 = arith.cmpi ne, %get3A_217, %gather3A_1088 : vector<16xi32>
        %and3A_1135 = arith.andi %eq3A_1133, %ne3A_1134 : vector<16xi1>
        %add3A_1136 = arith.addf %mul3A_1121, %mul3A_1132 : vector<16xf32>
        %jit3A_1137 = arith.constant 0.000000e+00 : f32
        %broadcast_in_dim3A_1138 = vector.broadcast %jit3A_1137 : f32 to vector<16xf32>
        %select_n3A_1139 = arith.select %and3A_1135, %add3A_1136, %broadcast_in_dim3A_1138 : vector<16xi1>, vector<16xf32>
        %add3A_1140 = arith.addf %add3A_1055, %select_n3A_1139 : vector<16xf32>
        %mul3A_1141 = arith.constant 3 : i32
        %mul3A_1142 = arith.muli %mul3A_1141, %sub3A_293 : i32
        %add3A_1143 = arith.constant 30 : i32
        %add3A_1144 = arith.addi %mul3A_1142, %add3A_1143 : i32
        %broadcast_in_dim3A_1145 = vector.broadcast %add3A_1144 : i32 to vector<16xi32>
        %mul3A_1146 = arith.constant 2 : i32
        %mul3A_1147 = arith.muli %mul3A_1146, %sub3A_293 : i32
        %add3A_1148 = arith.constant 20 : i32
        %add3A_1149 = arith.addi %mul3A_1147, %add3A_1148 : i32
        %broadcast_in_dim3A_1150 = vector.broadcast %add3A_1149 : i32 to vector<16xi32>
        %add3A_1151 = arith.constant 10 : i32
        %add3A_1152 = arith.addi %sub3A_293, %add3A_1151 : i32
        %broadcast_in_dim3A_1153 = vector.broadcast %add3A_1152 : i32 to vector<16xi32>
        %add3A_1154 = arith.constant 10 : i32
        %add3A_1155 = arith.addi %mul3A_292, %add3A_1154 : i32
        %broadcast_in_dim3A_1156 = vector.broadcast %add3A_1155 : i32 to vector<16xi32>
        %gather3A_1157 = tpu.vector_load_idx %arg9[%broadcast_in_dim3A_1145] : memref<12288xf32, #tpu.memory_space<vmem>>[vector<16xi32>], vector<16xf32>,
        %add3A_1158 = arith.constant 1 : i32
        %add3A_1159 = vector.broadcast %add3A_1158 : i32 to vector<16xi32>
        %add3A_1160 = arith.addi %broadcast_in_dim3A_1145, %add3A_1159 : vector<16xi32>
        %gather3A_1161 = tpu.vector_load_idx %arg9[%add3A_1160] : memref<12288xf32, #tpu.memory_space<vmem>>[vector<16xi32>], vector<16xf32>,
        %add3A_1162 = arith.constant 2 : i32
        %add3A_1163 = vector.broadcast %add3A_1162 : i32 to vector<16xi32>
        %add3A_1164 = arith.addi %broadcast_in_dim3A_1145, %add3A_1163 : vector<16xi32>
        %gather3A_1165 = tpu.vector_load_idx %arg9[%add3A_1164] : memref<12288xf32, #tpu.memory_space<vmem>>[vector<16xi32>], vector<16xf32>,
        %gather3A_1166 = tpu.vector_load_idx %arg10[%broadcast_in_dim3A_1153] : memref<4096xf32, #tpu.memory_space<vmem>>[vector<16xi32>], vector<16xf32>,
        %gather3A_1167 = tpu.vector_load_idx %arg11[%broadcast_in_dim3A_1150] : memref<8192xf32, #tpu.memory_space<vmem>>[vector<16xi32>], vector<16xf32>,
        %add3A_1168 = arith.constant 1 : i32
        %add3A_1169 = vector.broadcast %add3A_1168 : i32 to vector<16xi32>
        %add3A_1170 = arith.addi %broadcast_in_dim3A_1150, %add3A_1169 : vector<16xi32>
        %gather3A_1171 = tpu.vector_load_idx %arg11[%add3A_1170] : memref<8192xf32, #tpu.memory_space<vmem>>[vector<16xi32>], vector<16xf32>,
        %gather3A_1172 = tpu.vector_load_idx %arg8[%broadcast_in_dim3A_1156] : memref<4096xi32, #tpu.memory_space<vmem>>[vector<16xi32>], vector<16xi32>,
        %gather3A_1173 = tpu.vector_load_idx %arg12[%broadcast_in_dim3A_1153] : memref<4096xi32, #tpu.memory_space<vmem>>[vector<16xi32>], vector<16xi32>,
        %sub3A_1174 = arith.subf %gather3A_198, %gather3A_1157 : vector<16xf32>
        %sub3A_1175 = arith.subf %gather3A_202, %gather3A_1161 : vector<16xf32>
        %sub3A_1176 = arith.subf %gather3A_206, %gather3A_1165 : vector<16xf32>
        %mul3A_1177 = arith.mulf %sub3A_1174, %sub3A_1174 : vector<16xf32>
        %mul3A_1178 = arith.mulf %sub3A_1175, %sub3A_1175 : vector<16xf32>
        %add3A_1179 = arith.addf %mul3A_1177, %mul3A_1178 : vector<16xf32>
        %mul3A_1180 = arith.mulf %sub3A_1176, %sub3A_1176 : vector<16xf32>
        %add3A_1181 = arith.addf %add3A_1179, %mul3A_1180 : vector<16xf32>
        %bitcast_convert_type3A_1182 = tpu.bitcast %add3A_1181 : vector<16xf32> -> vector<16xi32>
        %shift_right_arithmetic3A_1183 = arith.constant 1 : i32
        %shift_right_arithmetic3A_1184 = vector.broadcast %shift_right_arithmetic3A_1183 : i32 to vector<16xi32>
        %shift_right_arithmetic3A_1185 = arith.shrsi %bitcast_convert_type3A_1182, %shift_right_arithmetic3A_1184 : vector<16xi32>
        %sub3A_1186 = arith.constant 1597463007 : i32
        %sub3A_1187 = vector.broadcast %sub3A_1186 : i32 to vector<16xi32>
        %sub3A_1188 = arith.subi %sub3A_1187, %shift_right_arithmetic3A_1185 : vector<16xi32>
        %bitcast_convert_type3A_1189 = tpu.bitcast %sub3A_1188 : vector<16xi32> -> vector<16xf32>
        %mul3A_1190 = arith.constant 5.000000e-01 : f32
        %mul3A_1191 = vector.broadcast %mul3A_1190 : f32 to vector<16xf32>
        %mul3A_1192 = arith.mulf %mul3A_1191, %add3A_1181 : vector<16xf32>
        %mul3A_1193 = arith.mulf %mul3A_1192, %bitcast_convert_type3A_1189 : vector<16xf32>
        %mul3A_1194 = arith.mulf %mul3A_1193, %bitcast_convert_type3A_1189 : vector<16xf32>
        %sub3A_1195 = arith.constant 1.500000e+00 : f32
        %sub3A_1196 = vector.broadcast %sub3A_1195 : f32 to vector<16xf32>
        %sub3A_1197 = arith.subf %sub3A_1196, %mul3A_1194 : vector<16xf32>
        %mul3A_1198 = arith.mulf %bitcast_convert_type3A_1189, %sub3A_1197 : vector<16xf32>
        %mul3A_1199 = arith.mulf %mul3A_1192, %mul3A_1198 : vector<16xf32>
        %mul3A_1200 = arith.mulf %mul3A_1199, %mul3A_1198 : vector<16xf32>
        %sub3A_1201 = arith.constant 1.500000e+00 : f32
        %sub3A_1202 = vector.broadcast %sub3A_1201 : f32 to vector<16xf32>
        %sub3A_1203 = arith.subf %sub3A_1202, %mul3A_1200 : vector<16xf32>
        %mul3A_1204 = arith.mulf %mul3A_1198, %sub3A_1203 : vector<16xf32>
        %mul3A_1205 = arith.mulf %get3A_207, %gather3A_1166 : vector<16xf32>
        %mul3A_1206 = arith.mulf %mul3A_1205, %mul3A_1204 : vector<16xf32>
        %add3A_1207 = arith.addf %gather3A_208, %gather3A_1167 : vector<16xf32>
        %mul3A_1208 = arith.mulf %add3A_1207, %mul3A_1204 : vector<16xf32>
        %mul3A_1209 = arith.mulf %mul3A_1208, %mul3A_1208 : vector<16xf32>
        %mul3A_1210 = arith.mulf %mul3A_1209, %mul3A_1209 : vector<16xf32>
        %mul3A_1211 = arith.mulf %mul3A_1210, %mul3A_1209 : vector<16xf32>
        %mul3A_1212 = arith.mulf %gather3A_212, %gather3A_1171 : vector<16xf32>
        %mul3A_1213 = arith.mulf %mul3A_1212, %mul3A_1211 : vector<16xf32>
        %sub3A_1214 = arith.constant 1.000000e+00 : f32
        %sub3A_1215 = vector.broadcast %sub3A_1214 : f32 to vector<16xf32>
        %sub3A_1216 = arith.subf %mul3A_1211, %sub3A_1215 : vector<16xf32>
        %mul3A_1217 = arith.mulf %mul3A_1213, %sub3A_1216 : vector<16xf32>
        %eq3A_1218 = arith.cmpi eq, %get3A_215, %gather3A_1172 : vector<16xi32>
        %ne3A_1219 = arith.cmpi ne, %get3A_217, %gather3A_1173 : vector<16xi32>
        %and3A_1220 = arith.andi %eq3A_1218, %ne3A_1219 : vector<16xi1>
        %add3A_1221 = arith.addf %mul3A_1206, %mul3A_1217 : vector<16xf32>
        %jit3A_1222 = arith.constant 0.000000e+00 : f32
        %broadcast_in_dim3A_1223 = vector.broadcast %jit3A_1222 : f32 to vector<16xf32>
        %select_n3A_1224 = arith.select %and3A_1220, %add3A_1221, %broadcast_in_dim3A_1223 : vector<16xi1>, vector<16xf32>
        %add3A_1225 = arith.addf %add3A_1140, %select_n3A_1224 : vector<16xf32>
        %mul3A_1226 = arith.constant 3 : i32
        %mul3A_1227 = arith.muli %mul3A_1226, %sub3A_293 : i32
        %add3A_1228 = arith.constant 33 : i32
        %add3A_1229 = arith.addi %mul3A_1227, %add3A_1228 : i32
        %broadcast_in_dim3A_1230 = vector.broadcast %add3A_1229 : i32 to vector<16xi32>
        %mul3A_1231 = arith.constant 2 : i32
        %mul3A_1232 = arith.muli %mul3A_1231, %sub3A_293 : i32
        %add3A_1233 = arith.constant 22 : i32
        %add3A_1234 = arith.addi %mul3A_1232, %add3A_1233 : i32
        %broadcast_in_dim3A_1235 = vector.broadcast %add3A_1234 : i32 to vector<16xi32>
        %add3A_1236 = arith.constant 11 : i32
        %add3A_1237 = arith.addi %sub3A_293, %add3A_1236 : i32
        %broadcast_in_dim3A_1238 = vector.broadcast %add3A_1237 : i32 to vector<16xi32>
        %add3A_1239 = arith.constant 11 : i32
        %add3A_1240 = arith.addi %mul3A_292, %add3A_1239 : i32
        %broadcast_in_dim3A_1241 = vector.broadcast %add3A_1240 : i32 to vector<16xi32>
        %gather3A_1242 = tpu.vector_load_idx %arg9[%broadcast_in_dim3A_1230] : memref<12288xf32, #tpu.memory_space<vmem>>[vector<16xi32>], vector<16xf32>,
        %add3A_1243 = arith.constant 1 : i32
        %add3A_1244 = vector.broadcast %add3A_1243 : i32 to vector<16xi32>
        %add3A_1245 = arith.addi %broadcast_in_dim3A_1230, %add3A_1244 : vector<16xi32>
        %gather3A_1246 = tpu.vector_load_idx %arg9[%add3A_1245] : memref<12288xf32, #tpu.memory_space<vmem>>[vector<16xi32>], vector<16xf32>,
        %add3A_1247 = arith.constant 2 : i32
        %add3A_1248 = vector.broadcast %add3A_1247 : i32 to vector<16xi32>
        %add3A_1249 = arith.addi %broadcast_in_dim3A_1230, %add3A_1248 : vector<16xi32>
        %gather3A_1250 = tpu.vector_load_idx %arg9[%add3A_1249] : memref<12288xf32, #tpu.memory_space<vmem>>[vector<16xi32>], vector<16xf32>,
        %gather3A_1251 = tpu.vector_load_idx %arg10[%broadcast_in_dim3A_1238] : memref<4096xf32, #tpu.memory_space<vmem>>[vector<16xi32>], vector<16xf32>,
        %gather3A_1252 = tpu.vector_load_idx %arg11[%broadcast_in_dim3A_1235] : memref<8192xf32, #tpu.memory_space<vmem>>[vector<16xi32>], vector<16xf32>,
        %add3A_1253 = arith.constant 1 : i32
        %add3A_1254 = vector.broadcast %add3A_1253 : i32 to vector<16xi32>
        %add3A_1255 = arith.addi %broadcast_in_dim3A_1235, %add3A_1254 : vector<16xi32>
        %gather3A_1256 = tpu.vector_load_idx %arg11[%add3A_1255] : memref<8192xf32, #tpu.memory_space<vmem>>[vector<16xi32>], vector<16xf32>,
        %gather3A_1257 = tpu.vector_load_idx %arg8[%broadcast_in_dim3A_1241] : memref<4096xi32, #tpu.memory_space<vmem>>[vector<16xi32>], vector<16xi32>,
        %gather3A_1258 = tpu.vector_load_idx %arg12[%broadcast_in_dim3A_1238] : memref<4096xi32, #tpu.memory_space<vmem>>[vector<16xi32>], vector<16xi32>,
        %sub3A_1259 = arith.subf %gather3A_198, %gather3A_1242 : vector<16xf32>
        %sub3A_1260 = arith.subf %gather3A_202, %gather3A_1246 : vector<16xf32>
        %sub3A_1261 = arith.subf %gather3A_206, %gather3A_1250 : vector<16xf32>
        %mul3A_1262 = arith.mulf %sub3A_1259, %sub3A_1259 : vector<16xf32>
        %mul3A_1263 = arith.mulf %sub3A_1260, %sub3A_1260 : vector<16xf32>
        %add3A_1264 = arith.addf %mul3A_1262, %mul3A_1263 : vector<16xf32>
        %mul3A_1265 = arith.mulf %sub3A_1261, %sub3A_1261 : vector<16xf32>
        %add3A_1266 = arith.addf %add3A_1264, %mul3A_1265 : vector<16xf32>
        %bitcast_convert_type3A_1267 = tpu.bitcast %add3A_1266 : vector<16xf32> -> vector<16xi32>
        %shift_right_arithmetic3A_1268 = arith.constant 1 : i32
        %shift_right_arithmetic3A_1269 = vector.broadcast %shift_right_arithmetic3A_1268 : i32 to vector<16xi32>
        %shift_right_arithmetic3A_1270 = arith.shrsi %bitcast_convert_type3A_1267, %shift_right_arithmetic3A_1269 : vector<16xi32>
        %sub3A_1271 = arith.constant 1597463007 : i32
        %sub3A_1272 = vector.broadcast %sub3A_1271 : i32 to vector<16xi32>
        %sub3A_1273 = arith.subi %sub3A_1272, %shift_right_arithmetic3A_1270 : vector<16xi32>
        %bitcast_convert_type3A_1274 = tpu.bitcast %sub3A_1273 : vector<16xi32> -> vector<16xf32>
        %mul3A_1275 = arith.constant 5.000000e-01 : f32
        %mul3A_1276 = vector.broadcast %mul3A_1275 : f32 to vector<16xf32>
        %mul3A_1277 = arith.mulf %mul3A_1276, %add3A_1266 : vector<16xf32>
        %mul3A_1278 = arith.mulf %mul3A_1277, %bitcast_convert_type3A_1274 : vector<16xf32>
        %mul3A_1279 = arith.mulf %mul3A_1278, %bitcast_convert_type3A_1274 : vector<16xf32>
        %sub3A_1280 = arith.constant 1.500000e+00 : f32
        %sub3A_1281 = vector.broadcast %sub3A_1280 : f32 to vector<16xf32>
        %sub3A_1282 = arith.subf %sub3A_1281, %mul3A_1279 : vector<16xf32>
        %mul3A_1283 = arith.mulf %bitcast_convert_type3A_1274, %sub3A_1282 : vector<16xf32>
        %mul3A_1284 = arith.mulf %mul3A_1277, %mul3A_1283 : vector<16xf32>
        %mul3A_1285 = arith.mulf %mul3A_1284, %mul3A_1283 : vector<16xf32>
        %sub3A_1286 = arith.constant 1.500000e+00 : f32
        %sub3A_1287 = vector.broadcast %sub3A_1286 : f32 to vector<16xf32>
        %sub3A_1288 = arith.subf %sub3A_1287, %mul3A_1285 : vector<16xf32>
        %mul3A_1289 = arith.mulf %mul3A_1283, %sub3A_1288 : vector<16xf32>
        %mul3A_1290 = arith.mulf %get3A_207, %gather3A_1251 : vector<16xf32>
        %mul3A_1291 = arith.mulf %mul3A_1290, %mul3A_1289 : vector<16xf32>
        %add3A_1292 = arith.addf %gather3A_208, %gather3A_1252 : vector<16xf32>
        %mul3A_1293 = arith.mulf %add3A_1292, %mul3A_1289 : vector<16xf32>
        %mul3A_1294 = arith.mulf %mul3A_1293, %mul3A_1293 : vector<16xf32>
        %mul3A_1295 = arith.mulf %mul3A_1294, %mul3A_1294 : vector<16xf32>
        %mul3A_1296 = arith.mulf %mul3A_1295, %mul3A_1294 : vector<16xf32>
        %mul3A_1297 = arith.mulf %gather3A_212, %gather3A_1256 : vector<16xf32>
        %mul3A_1298 = arith.mulf %mul3A_1297, %mul3A_1296 : vector<16xf32>
        %sub3A_1299 = arith.constant 1.000000e+00 : f32
        %sub3A_1300 = vector.broadcast %sub3A_1299 : f32 to vector<16xf32>
        %sub3A_1301 = arith.subf %mul3A_1296, %sub3A_1300 : vector<16xf32>
        %mul3A_1302 = arith.mulf %mul3A_1298, %sub3A_1301 : vector<16xf32>
        %eq3A_1303 = arith.cmpi eq, %get3A_215, %gather3A_1257 : vector<16xi32>
        %ne3A_1304 = arith.cmpi ne, %get3A_217, %gather3A_1258 : vector<16xi32>
        %and3A_1305 = arith.andi %eq3A_1303, %ne3A_1304 : vector<16xi1>
        %add3A_1306 = arith.addf %mul3A_1291, %mul3A_1302 : vector<16xf32>
        %jit3A_1307 = arith.constant 0.000000e+00 : f32
        %broadcast_in_dim3A_1308 = vector.broadcast %jit3A_1307 : f32 to vector<16xf32>
        %select_n3A_1309 = arith.select %and3A_1305, %add3A_1306, %broadcast_in_dim3A_1308 : vector<16xi1>, vector<16xf32>
        %add3A_1310 = arith.addf %add3A_1225, %select_n3A_1309 : vector<16xf32>
        %mul3A_1311 = arith.constant 3 : i32
        %mul3A_1312 = arith.muli %mul3A_1311, %sub3A_293 : i32
        %add3A_1313 = arith.constant 36 : i32
        %add3A_1314 = arith.addi %mul3A_1312, %add3A_1313 : i32
        %broadcast_in_dim3A_1315 = vector.broadcast %add3A_1314 : i32 to vector<16xi32>
        %mul3A_1316 = arith.constant 2 : i32
        %mul3A_1317 = arith.muli %mul3A_1316, %sub3A_293 : i32
        %add3A_1318 = arith.constant 24 : i32
        %add3A_1319 = arith.addi %mul3A_1317, %add3A_1318 : i32
        %broadcast_in_dim3A_1320 = vector.broadcast %add3A_1319 : i32 to vector<16xi32>
        %add3A_1321 = arith.constant 12 : i32
        %add3A_1322 = arith.addi %sub3A_293, %add3A_1321 : i32
        %broadcast_in_dim3A_1323 = vector.broadcast %add3A_1322 : i32 to vector<16xi32>
        %add3A_1324 = arith.constant 12 : i32
        %add3A_1325 = arith.addi %mul3A_292, %add3A_1324 : i32
        %broadcast_in_dim3A_1326 = vector.broadcast %add3A_1325 : i32 to vector<16xi32>
        %gather3A_1327 = tpu.vector_load_idx %arg9[%broadcast_in_dim3A_1315] : memref<12288xf32, #tpu.memory_space<vmem>>[vector<16xi32>], vector<16xf32>,
        %add3A_1328 = arith.constant 1 : i32
        %add3A_1329 = vector.broadcast %add3A_1328 : i32 to vector<16xi32>
        %add3A_1330 = arith.addi %broadcast_in_dim3A_1315, %add3A_1329 : vector<16xi32>
        %gather3A_1331 = tpu.vector_load_idx %arg9[%add3A_1330] : memref<12288xf32, #tpu.memory_space<vmem>>[vector<16xi32>], vector<16xf32>,
        %add3A_1332 = arith.constant 2 : i32
        %add3A_1333 = vector.broadcast %add3A_1332 : i32 to vector<16xi32>
        %add3A_1334 = arith.addi %broadcast_in_dim3A_1315, %add3A_1333 : vector<16xi32>
        %gather3A_1335 = tpu.vector_load_idx %arg9[%add3A_1334] : memref<12288xf32, #tpu.memory_space<vmem>>[vector<16xi32>], vector<16xf32>,
        %gather3A_1336 = tpu.vector_load_idx %arg10[%broadcast_in_dim3A_1323] : memref<4096xf32, #tpu.memory_space<vmem>>[vector<16xi32>], vector<16xf32>,
        %gather3A_1337 = tpu.vector_load_idx %arg11[%broadcast_in_dim3A_1320] : memref<8192xf32, #tpu.memory_space<vmem>>[vector<16xi32>], vector<16xf32>,
        %add3A_1338 = arith.constant 1 : i32
        %add3A_1339 = vector.broadcast %add3A_1338 : i32 to vector<16xi32>
        %add3A_1340 = arith.addi %broadcast_in_dim3A_1320, %add3A_1339 : vector<16xi32>
        %gather3A_1341 = tpu.vector_load_idx %arg11[%add3A_1340] : memref<8192xf32, #tpu.memory_space<vmem>>[vector<16xi32>], vector<16xf32>,
        %gather3A_1342 = tpu.vector_load_idx %arg8[%broadcast_in_dim3A_1326] : memref<4096xi32, #tpu.memory_space<vmem>>[vector<16xi32>], vector<16xi32>,
        %gather3A_1343 = tpu.vector_load_idx %arg12[%broadcast_in_dim3A_1323] : memref<4096xi32, #tpu.memory_space<vmem>>[vector<16xi32>], vector<16xi32>,
        %sub3A_1344 = arith.subf %gather3A_198, %gather3A_1327 : vector<16xf32>
        %sub3A_1345 = arith.subf %gather3A_202, %gather3A_1331 : vector<16xf32>
        %sub3A_1346 = arith.subf %gather3A_206, %gather3A_1335 : vector<16xf32>
        %mul3A_1347 = arith.mulf %sub3A_1344, %sub3A_1344 : vector<16xf32>
        %mul3A_1348 = arith.mulf %sub3A_1345, %sub3A_1345 : vector<16xf32>
        %add3A_1349 = arith.addf %mul3A_1347, %mul3A_1348 : vector<16xf32>
        %mul3A_1350 = arith.mulf %sub3A_1346, %sub3A_1346 : vector<16xf32>
        %add3A_1351 = arith.addf %add3A_1349, %mul3A_1350 : vector<16xf32>
        %bitcast_convert_type3A_1352 = tpu.bitcast %add3A_1351 : vector<16xf32> -> vector<16xi32>
        %shift_right_arithmetic3A_1353 = arith.constant 1 : i32
        %shift_right_arithmetic3A_1354 = vector.broadcast %shift_right_arithmetic3A_1353 : i32 to vector<16xi32>
        %shift_right_arithmetic3A_1355 = arith.shrsi %bitcast_convert_type3A_1352, %shift_right_arithmetic3A_1354 : vector<16xi32>
        %sub3A_1356 = arith.constant 1597463007 : i32
        %sub3A_1357 = vector.broadcast %sub3A_1356 : i32 to vector<16xi32>
        %sub3A_1358 = arith.subi %sub3A_1357, %shift_right_arithmetic3A_1355 : vector<16xi32>
        %bitcast_convert_type3A_1359 = tpu.bitcast %sub3A_1358 : vector<16xi32> -> vector<16xf32>
        %mul3A_1360 = arith.constant 5.000000e-01 : f32
        %mul3A_1361 = vector.broadcast %mul3A_1360 : f32 to vector<16xf32>
        %mul3A_1362 = arith.mulf %mul3A_1361, %add3A_1351 : vector<16xf32>
        %mul3A_1363 = arith.mulf %mul3A_1362, %bitcast_convert_type3A_1359 : vector<16xf32>
        %mul3A_1364 = arith.mulf %mul3A_1363, %bitcast_convert_type3A_1359 : vector<16xf32>
        %sub3A_1365 = arith.constant 1.500000e+00 : f32
        %sub3A_1366 = vector.broadcast %sub3A_1365 : f32 to vector<16xf32>
        %sub3A_1367 = arith.subf %sub3A_1366, %mul3A_1364 : vector<16xf32>
        %mul3A_1368 = arith.mulf %bitcast_convert_type3A_1359, %sub3A_1367 : vector<16xf32>
        %mul3A_1369 = arith.mulf %mul3A_1362, %mul3A_1368 : vector<16xf32>
        %mul3A_1370 = arith.mulf %mul3A_1369, %mul3A_1368 : vector<16xf32>
        %sub3A_1371 = arith.constant 1.500000e+00 : f32
        %sub3A_1372 = vector.broadcast %sub3A_1371 : f32 to vector<16xf32>
        %sub3A_1373 = arith.subf %sub3A_1372, %mul3A_1370 : vector<16xf32>
        %mul3A_1374 = arith.mulf %mul3A_1368, %sub3A_1373 : vector<16xf32>
        %mul3A_1375 = arith.mulf %get3A_207, %gather3A_1336 : vector<16xf32>
        %mul3A_1376 = arith.mulf %mul3A_1375, %mul3A_1374 : vector<16xf32>
        %add3A_1377 = arith.addf %gather3A_208, %gather3A_1337 : vector<16xf32>
        %mul3A_1378 = arith.mulf %add3A_1377, %mul3A_1374 : vector<16xf32>
        %mul3A_1379 = arith.mulf %mul3A_1378, %mul3A_1378 : vector<16xf32>
        %mul3A_1380 = arith.mulf %mul3A_1379, %mul3A_1379 : vector<16xf32>
        %mul3A_1381 = arith.mulf %mul3A_1380, %mul3A_1379 : vector<16xf32>
        %mul3A_1382 = arith.mulf %gather3A_212, %gather3A_1341 : vector<16xf32>
        %mul3A_1383 = arith.mulf %mul3A_1382, %mul3A_1381 : vector<16xf32>
        %sub3A_1384 = arith.constant 1.000000e+00 : f32
        %sub3A_1385 = vector.broadcast %sub3A_1384 : f32 to vector<16xf32>
        %sub3A_1386 = arith.subf %mul3A_1381, %sub3A_1385 : vector<16xf32>
        %mul3A_1387 = arith.mulf %mul3A_1383, %sub3A_1386 : vector<16xf32>
        %eq3A_1388 = arith.cmpi eq, %get3A_215, %gather3A_1342 : vector<16xi32>
        %ne3A_1389 = arith.cmpi ne, %get3A_217, %gather3A_1343 : vector<16xi32>
        %and3A_1390 = arith.andi %eq3A_1388, %ne3A_1389 : vector<16xi1>
        %add3A_1391 = arith.addf %mul3A_1376, %mul3A_1387 : vector<16xf32>
        %jit3A_1392 = arith.constant 0.000000e+00 : f32
        %broadcast_in_dim3A_1393 = vector.broadcast %jit3A_1392 : f32 to vector<16xf32>
        %select_n3A_1394 = arith.select %and3A_1390, %add3A_1391, %broadcast_in_dim3A_1393 : vector<16xi1>, vector<16xf32>
        %add3A_1395 = arith.addf %add3A_1310, %select_n3A_1394 : vector<16xf32>
        %mul3A_1396 = arith.constant 3 : i32
        %mul3A_1397 = arith.muli %mul3A_1396, %sub3A_293 : i32
        %add3A_1398 = arith.constant 39 : i32
        %add3A_1399 = arith.addi %mul3A_1397, %add3A_1398 : i32
        %broadcast_in_dim3A_1400 = vector.broadcast %add3A_1399 : i32 to vector<16xi32>
        %mul3A_1401 = arith.constant 2 : i32
        %mul3A_1402 = arith.muli %mul3A_1401, %sub3A_293 : i32
        %add3A_1403 = arith.constant 26 : i32
        %add3A_1404 = arith.addi %mul3A_1402, %add3A_1403 : i32
        %broadcast_in_dim3A_1405 = vector.broadcast %add3A_1404 : i32 to vector<16xi32>
        %add3A_1406 = arith.constant 13 : i32
        %add3A_1407 = arith.addi %sub3A_293, %add3A_1406 : i32
        %broadcast_in_dim3A_1408 = vector.broadcast %add3A_1407 : i32 to vector<16xi32>
        %add3A_1409 = arith.constant 13 : i32
        %add3A_1410 = arith.addi %mul3A_292, %add3A_1409 : i32
        %broadcast_in_dim3A_1411 = vector.broadcast %add3A_1410 : i32 to vector<16xi32>
        %gather3A_1412 = tpu.vector_load_idx %arg9[%broadcast_in_dim3A_1400] : memref<12288xf32, #tpu.memory_space<vmem>>[vector<16xi32>], vector<16xf32>,
        %add3A_1413 = arith.constant 1 : i32
        %add3A_1414 = vector.broadcast %add3A_1413 : i32 to vector<16xi32>
        %add3A_1415 = arith.addi %broadcast_in_dim3A_1400, %add3A_1414 : vector<16xi32>
        %gather3A_1416 = tpu.vector_load_idx %arg9[%add3A_1415] : memref<12288xf32, #tpu.memory_space<vmem>>[vector<16xi32>], vector<16xf32>,
        %add3A_1417 = arith.constant 2 : i32
        %add3A_1418 = vector.broadcast %add3A_1417 : i32 to vector<16xi32>
        %add3A_1419 = arith.addi %broadcast_in_dim3A_1400, %add3A_1418 : vector<16xi32>
        %gather3A_1420 = tpu.vector_load_idx %arg9[%add3A_1419] : memref<12288xf32, #tpu.memory_space<vmem>>[vector<16xi32>], vector<16xf32>,
        %gather3A_1421 = tpu.vector_load_idx %arg10[%broadcast_in_dim3A_1408] : memref<4096xf32, #tpu.memory_space<vmem>>[vector<16xi32>], vector<16xf32>,
        %gather3A_1422 = tpu.vector_load_idx %arg11[%broadcast_in_dim3A_1405] : memref<8192xf32, #tpu.memory_space<vmem>>[vector<16xi32>], vector<16xf32>,
        %add3A_1423 = arith.constant 1 : i32
        %add3A_1424 = vector.broadcast %add3A_1423 : i32 to vector<16xi32>
        %add3A_1425 = arith.addi %broadcast_in_dim3A_1405, %add3A_1424 : vector<16xi32>
        %gather3A_1426 = tpu.vector_load_idx %arg11[%add3A_1425] : memref<8192xf32, #tpu.memory_space<vmem>>[vector<16xi32>], vector<16xf32>,
        %gather3A_1427 = tpu.vector_load_idx %arg8[%broadcast_in_dim3A_1411] : memref<4096xi32, #tpu.memory_space<vmem>>[vector<16xi32>], vector<16xi32>,
        %gather3A_1428 = tpu.vector_load_idx %arg12[%broadcast_in_dim3A_1408] : memref<4096xi32, #tpu.memory_space<vmem>>[vector<16xi32>], vector<16xi32>,
        %sub3A_1429 = arith.subf %gather3A_198, %gather3A_1412 : vector<16xf32>
        %sub3A_1430 = arith.subf %gather3A_202, %gather3A_1416 : vector<16xf32>
        %sub3A_1431 = arith.subf %gather3A_206, %gather3A_1420 : vector<16xf32>
        %mul3A_1432 = arith.mulf %sub3A_1429, %sub3A_1429 : vector<16xf32>
        %mul3A_1433 = arith.mulf %sub3A_1430, %sub3A_1430 : vector<16xf32>
        %add3A_1434 = arith.addf %mul3A_1432, %mul3A_1433 : vector<16xf32>
        %mul3A_1435 = arith.mulf %sub3A_1431, %sub3A_1431 : vector<16xf32>
        %add3A_1436 = arith.addf %add3A_1434, %mul3A_1435 : vector<16xf32>
        %bitcast_convert_type3A_1437 = tpu.bitcast %add3A_1436 : vector<16xf32> -> vector<16xi32>
        %shift_right_arithmetic3A_1438 = arith.constant 1 : i32
        %shift_right_arithmetic3A_1439 = vector.broadcast %shift_right_arithmetic3A_1438 : i32 to vector<16xi32>
        %shift_right_arithmetic3A_1440 = arith.shrsi %bitcast_convert_type3A_1437, %shift_right_arithmetic3A_1439 : vector<16xi32>
        %sub3A_1441 = arith.constant 1597463007 : i32
        %sub3A_1442 = vector.broadcast %sub3A_1441 : i32 to vector<16xi32>
        %sub3A_1443 = arith.subi %sub3A_1442, %shift_right_arithmetic3A_1440 : vector<16xi32>
        %bitcast_convert_type3A_1444 = tpu.bitcast %sub3A_1443 : vector<16xi32> -> vector<16xf32>
        %mul3A_1445 = arith.constant 5.000000e-01 : f32
        %mul3A_1446 = vector.broadcast %mul3A_1445 : f32 to vector<16xf32>
        %mul3A_1447 = arith.mulf %mul3A_1446, %add3A_1436 : vector<16xf32>
        %mul3A_1448 = arith.mulf %mul3A_1447, %bitcast_convert_type3A_1444 : vector<16xf32>
        %mul3A_1449 = arith.mulf %mul3A_1448, %bitcast_convert_type3A_1444 : vector<16xf32>
        %sub3A_1450 = arith.constant 1.500000e+00 : f32
        %sub3A_1451 = vector.broadcast %sub3A_1450 : f32 to vector<16xf32>
        %sub3A_1452 = arith.subf %sub3A_1451, %mul3A_1449 : vector<16xf32>
        %mul3A_1453 = arith.mulf %bitcast_convert_type3A_1444, %sub3A_1452 : vector<16xf32>
        %mul3A_1454 = arith.mulf %mul3A_1447, %mul3A_1453 : vector<16xf32>
        %mul3A_1455 = arith.mulf %mul3A_1454, %mul3A_1453 : vector<16xf32>
        %sub3A_1456 = arith.constant 1.500000e+00 : f32
        %sub3A_1457 = vector.broadcast %sub3A_1456 : f32 to vector<16xf32>
        %sub3A_1458 = arith.subf %sub3A_1457, %mul3A_1455 : vector<16xf32>
        %mul3A_1459 = arith.mulf %mul3A_1453, %sub3A_1458 : vector<16xf32>
        %mul3A_1460 = arith.mulf %get3A_207, %gather3A_1421 : vector<16xf32>
        %mul3A_1461 = arith.mulf %mul3A_1460, %mul3A_1459 : vector<16xf32>
        %add3A_1462 = arith.addf %gather3A_208, %gather3A_1422 : vector<16xf32>
        %mul3A_1463 = arith.mulf %add3A_1462, %mul3A_1459 : vector<16xf32>
        %mul3A_1464 = arith.mulf %mul3A_1463, %mul3A_1463 : vector<16xf32>
        %mul3A_1465 = arith.mulf %mul3A_1464, %mul3A_1464 : vector<16xf32>
        %mul3A_1466 = arith.mulf %mul3A_1465, %mul3A_1464 : vector<16xf32>
        %mul3A_1467 = arith.mulf %gather3A_212, %gather3A_1426 : vector<16xf32>
        %mul3A_1468 = arith.mulf %mul3A_1467, %mul3A_1466 : vector<16xf32>
        %sub3A_1469 = arith.constant 1.000000e+00 : f32
        %sub3A_1470 = vector.broadcast %sub3A_1469 : f32 to vector<16xf32>
        %sub3A_1471 = arith.subf %mul3A_1466, %sub3A_1470 : vector<16xf32>
        %mul3A_1472 = arith.mulf %mul3A_1468, %sub3A_1471 : vector<16xf32>
        %eq3A_1473 = arith.cmpi eq, %get3A_215, %gather3A_1427 : vector<16xi32>
        %ne3A_1474 = arith.cmpi ne, %get3A_217, %gather3A_1428 : vector<16xi32>
        %and3A_1475 = arith.andi %eq3A_1473, %ne3A_1474 : vector<16xi1>
        %add3A_1476 = arith.addf %mul3A_1461, %mul3A_1472 : vector<16xf32>
        %jit3A_1477 = arith.constant 0.000000e+00 : f32
        %broadcast_in_dim3A_1478 = vector.broadcast %jit3A_1477 : f32 to vector<16xf32>
        %select_n3A_1479 = arith.select %and3A_1475, %add3A_1476, %broadcast_in_dim3A_1478 : vector<16xi1>, vector<16xf32>
        %add3A_1480 = arith.addf %add3A_1395, %select_n3A_1479 : vector<16xf32>
        %mul3A_1481 = arith.constant 3 : i32
        %mul3A_1482 = arith.muli %mul3A_1481, %sub3A_293 : i32
        %add3A_1483 = arith.constant 42 : i32
        %add3A_1484 = arith.addi %mul3A_1482, %add3A_1483 : i32
        %broadcast_in_dim3A_1485 = vector.broadcast %add3A_1484 : i32 to vector<16xi32>
        %mul3A_1486 = arith.constant 2 : i32
        %mul3A_1487 = arith.muli %mul3A_1486, %sub3A_293 : i32
        %add3A_1488 = arith.constant 28 : i32
        %add3A_1489 = arith.addi %mul3A_1487, %add3A_1488 : i32
        %broadcast_in_dim3A_1490 = vector.broadcast %add3A_1489 : i32 to vector<16xi32>
        %add3A_1491 = arith.constant 14 : i32
        %add3A_1492 = arith.addi %sub3A_293, %add3A_1491 : i32
        %broadcast_in_dim3A_1493 = vector.broadcast %add3A_1492 : i32 to vector<16xi32>
        %add3A_1494 = arith.constant 14 : i32
        %add3A_1495 = arith.addi %mul3A_292, %add3A_1494 : i32
        %broadcast_in_dim3A_1496 = vector.broadcast %add3A_1495 : i32 to vector<16xi32>
        %gather3A_1497 = tpu.vector_load_idx %arg9[%broadcast_in_dim3A_1485] : memref<12288xf32, #tpu.memory_space<vmem>>[vector<16xi32>], vector<16xf32>,
        %add3A_1498 = arith.constant 1 : i32
        %add3A_1499 = vector.broadcast %add3A_1498 : i32 to vector<16xi32>
        %add3A_1500 = arith.addi %broadcast_in_dim3A_1485, %add3A_1499 : vector<16xi32>
        %gather3A_1501 = tpu.vector_load_idx %arg9[%add3A_1500] : memref<12288xf32, #tpu.memory_space<vmem>>[vector<16xi32>], vector<16xf32>,
        %add3A_1502 = arith.constant 2 : i32
        %add3A_1503 = vector.broadcast %add3A_1502 : i32 to vector<16xi32>
        %add3A_1504 = arith.addi %broadcast_in_dim3A_1485, %add3A_1503 : vector<16xi32>
        %gather3A_1505 = tpu.vector_load_idx %arg9[%add3A_1504] : memref<12288xf32, #tpu.memory_space<vmem>>[vector<16xi32>], vector<16xf32>,
        %gather3A_1506 = tpu.vector_load_idx %arg10[%broadcast_in_dim3A_1493] : memref<4096xf32, #tpu.memory_space<vmem>>[vector<16xi32>], vector<16xf32>,
        %gather3A_1507 = tpu.vector_load_idx %arg11[%broadcast_in_dim3A_1490] : memref<8192xf32, #tpu.memory_space<vmem>>[vector<16xi32>], vector<16xf32>,
        %add3A_1508 = arith.constant 1 : i32
        %add3A_1509 = vector.broadcast %add3A_1508 : i32 to vector<16xi32>
        %add3A_1510 = arith.addi %broadcast_in_dim3A_1490, %add3A_1509 : vector<16xi32>
        %gather3A_1511 = tpu.vector_load_idx %arg11[%add3A_1510] : memref<8192xf32, #tpu.memory_space<vmem>>[vector<16xi32>], vector<16xf32>,
        %gather3A_1512 = tpu.vector_load_idx %arg8[%broadcast_in_dim3A_1496] : memref<4096xi32, #tpu.memory_space<vmem>>[vector<16xi32>], vector<16xi32>,
        %gather3A_1513 = tpu.vector_load_idx %arg12[%broadcast_in_dim3A_1493] : memref<4096xi32, #tpu.memory_space<vmem>>[vector<16xi32>], vector<16xi32>,
        %sub3A_1514 = arith.subf %gather3A_198, %gather3A_1497 : vector<16xf32>
        %sub3A_1515 = arith.subf %gather3A_202, %gather3A_1501 : vector<16xf32>
        %sub3A_1516 = arith.subf %gather3A_206, %gather3A_1505 : vector<16xf32>
        %mul3A_1517 = arith.mulf %sub3A_1514, %sub3A_1514 : vector<16xf32>
        %mul3A_1518 = arith.mulf %sub3A_1515, %sub3A_1515 : vector<16xf32>
        %add3A_1519 = arith.addf %mul3A_1517, %mul3A_1518 : vector<16xf32>
        %mul3A_1520 = arith.mulf %sub3A_1516, %sub3A_1516 : vector<16xf32>
        %add3A_1521 = arith.addf %add3A_1519, %mul3A_1520 : vector<16xf32>
        %bitcast_convert_type3A_1522 = tpu.bitcast %add3A_1521 : vector<16xf32> -> vector<16xi32>
        %shift_right_arithmetic3A_1523 = arith.constant 1 : i32
        %shift_right_arithmetic3A_1524 = vector.broadcast %shift_right_arithmetic3A_1523 : i32 to vector<16xi32>
        %shift_right_arithmetic3A_1525 = arith.shrsi %bitcast_convert_type3A_1522, %shift_right_arithmetic3A_1524 : vector<16xi32>
        %sub3A_1526 = arith.constant 1597463007 : i32
        %sub3A_1527 = vector.broadcast %sub3A_1526 : i32 to vector<16xi32>
        %sub3A_1528 = arith.subi %sub3A_1527, %shift_right_arithmetic3A_1525 : vector<16xi32>
        %bitcast_convert_type3A_1529 = tpu.bitcast %sub3A_1528 : vector<16xi32> -> vector<16xf32>
        %mul3A_1530 = arith.constant 5.000000e-01 : f32
        %mul3A_1531 = vector.broadcast %mul3A_1530 : f32 to vector<16xf32>
        %mul3A_1532 = arith.mulf %mul3A_1531, %add3A_1521 : vector<16xf32>
        %mul3A_1533 = arith.mulf %mul3A_1532, %bitcast_convert_type3A_1529 : vector<16xf32>
        %mul3A_1534 = arith.mulf %mul3A_1533, %bitcast_convert_type3A_1529 : vector<16xf32>
        %sub3A_1535 = arith.constant 1.500000e+00 : f32
        %sub3A_1536 = vector.broadcast %sub3A_1535 : f32 to vector<16xf32>
        %sub3A_1537 = arith.subf %sub3A_1536, %mul3A_1534 : vector<16xf32>
        %mul3A_1538 = arith.mulf %bitcast_convert_type3A_1529, %sub3A_1537 : vector<16xf32>
        %mul3A_1539 = arith.mulf %mul3A_1532, %mul3A_1538 : vector<16xf32>
        %mul3A_1540 = arith.mulf %mul3A_1539, %mul3A_1538 : vector<16xf32>
        %sub3A_1541 = arith.constant 1.500000e+00 : f32
        %sub3A_1542 = vector.broadcast %sub3A_1541 : f32 to vector<16xf32>
        %sub3A_1543 = arith.subf %sub3A_1542, %mul3A_1540 : vector<16xf32>
        %mul3A_1544 = arith.mulf %mul3A_1538, %sub3A_1543 : vector<16xf32>
        %mul3A_1545 = arith.mulf %get3A_207, %gather3A_1506 : vector<16xf32>
        %mul3A_1546 = arith.mulf %mul3A_1545, %mul3A_1544 : vector<16xf32>
        %add3A_1547 = arith.addf %gather3A_208, %gather3A_1507 : vector<16xf32>
        %mul3A_1548 = arith.mulf %add3A_1547, %mul3A_1544 : vector<16xf32>
        %mul3A_1549 = arith.mulf %mul3A_1548, %mul3A_1548 : vector<16xf32>
        %mul3A_1550 = arith.mulf %mul3A_1549, %mul3A_1549 : vector<16xf32>
        %mul3A_1551 = arith.mulf %mul3A_1550, %mul3A_1549 : vector<16xf32>
        %mul3A_1552 = arith.mulf %gather3A_212, %gather3A_1511 : vector<16xf32>
        %mul3A_1553 = arith.mulf %mul3A_1552, %mul3A_1551 : vector<16xf32>
        %sub3A_1554 = arith.constant 1.000000e+00 : f32
        %sub3A_1555 = vector.broadcast %sub3A_1554 : f32 to vector<16xf32>
        %sub3A_1556 = arith.subf %mul3A_1551, %sub3A_1555 : vector<16xf32>
        %mul3A_1557 = arith.mulf %mul3A_1553, %sub3A_1556 : vector<16xf32>
        %eq3A_1558 = arith.cmpi eq, %get3A_215, %gather3A_1512 : vector<16xi32>
        %ne3A_1559 = arith.cmpi ne, %get3A_217, %gather3A_1513 : vector<16xi32>
        %and3A_1560 = arith.andi %eq3A_1558, %ne3A_1559 : vector<16xi1>
        %add3A_1561 = arith.addf %mul3A_1546, %mul3A_1557 : vector<16xf32>
        %jit3A_1562 = arith.constant 0.000000e+00 : f32
        %broadcast_in_dim3A_1563 = vector.broadcast %jit3A_1562 : f32 to vector<16xf32>
        %select_n3A_1564 = arith.select %and3A_1560, %add3A_1561, %broadcast_in_dim3A_1563 : vector<16xi1>, vector<16xf32>
        %add3A_1565 = arith.addf %add3A_1480, %select_n3A_1564 : vector<16xf32>
        %mul3A_1566 = arith.constant 3 : i32
        %mul3A_1567 = arith.muli %mul3A_1566, %sub3A_293 : i32
        %add3A_1568 = arith.constant 45 : i32
        %add3A_1569 = arith.addi %mul3A_1567, %add3A_1568 : i32
        %broadcast_in_dim3A_1570 = vector.broadcast %add3A_1569 : i32 to vector<16xi32>
        %mul3A_1571 = arith.constant 2 : i32
        %mul3A_1572 = arith.muli %mul3A_1571, %sub3A_293 : i32
        %add3A_1573 = arith.constant 30 : i32
        %add3A_1574 = arith.addi %mul3A_1572, %add3A_1573 : i32
        %broadcast_in_dim3A_1575 = vector.broadcast %add3A_1574 : i32 to vector<16xi32>
        %add3A_1576 = arith.constant 15 : i32
        %add3A_1577 = arith.addi %sub3A_293, %add3A_1576 : i32
        %broadcast_in_dim3A_1578 = vector.broadcast %add3A_1577 : i32 to vector<16xi32>
        %add3A_1579 = arith.constant 15 : i32
        %add3A_1580 = arith.addi %mul3A_292, %add3A_1579 : i32
        %broadcast_in_dim3A_1581 = vector.broadcast %add3A_1580 : i32 to vector<16xi32>
        %gather3A_1582 = tpu.vector_load_idx %arg9[%broadcast_in_dim3A_1570] : memref<12288xf32, #tpu.memory_space<vmem>>[vector<16xi32>], vector<16xf32>,
        %add3A_1583 = arith.constant 1 : i32
        %add3A_1584 = vector.broadcast %add3A_1583 : i32 to vector<16xi32>
        %add3A_1585 = arith.addi %broadcast_in_dim3A_1570, %add3A_1584 : vector<16xi32>
        %gather3A_1586 = tpu.vector_load_idx %arg9[%add3A_1585] : memref<12288xf32, #tpu.memory_space<vmem>>[vector<16xi32>], vector<16xf32>,
        %add3A_1587 = arith.constant 2 : i32
        %add3A_1588 = vector.broadcast %add3A_1587 : i32 to vector<16xi32>
        %add3A_1589 = arith.addi %broadcast_in_dim3A_1570, %add3A_1588 : vector<16xi32>
        %gather3A_1590 = tpu.vector_load_idx %arg9[%add3A_1589] : memref<12288xf32, #tpu.memory_space<vmem>>[vector<16xi32>], vector<16xf32>,
        %gather3A_1591 = tpu.vector_load_idx %arg10[%broadcast_in_dim3A_1578] : memref<4096xf32, #tpu.memory_space<vmem>>[vector<16xi32>], vector<16xf32>,
        %gather3A_1592 = tpu.vector_load_idx %arg11[%broadcast_in_dim3A_1575] : memref<8192xf32, #tpu.memory_space<vmem>>[vector<16xi32>], vector<16xf32>,
        %add3A_1593 = arith.constant 1 : i32
        %add3A_1594 = vector.broadcast %add3A_1593 : i32 to vector<16xi32>
        %add3A_1595 = arith.addi %broadcast_in_dim3A_1575, %add3A_1594 : vector<16xi32>
        %gather3A_1596 = tpu.vector_load_idx %arg11[%add3A_1595] : memref<8192xf32, #tpu.memory_space<vmem>>[vector<16xi32>], vector<16xf32>,
        %gather3A_1597 = tpu.vector_load_idx %arg8[%broadcast_in_dim3A_1581] : memref<4096xi32, #tpu.memory_space<vmem>>[vector<16xi32>], vector<16xi32>,
        %gather3A_1598 = tpu.vector_load_idx %arg12[%broadcast_in_dim3A_1578] : memref<4096xi32, #tpu.memory_space<vmem>>[vector<16xi32>], vector<16xi32>,
        %sub3A_1599 = arith.subf %gather3A_198, %gather3A_1582 : vector<16xf32>
        %sub3A_1600 = arith.subf %gather3A_202, %gather3A_1586 : vector<16xf32>
        %sub3A_1601 = arith.subf %gather3A_206, %gather3A_1590 : vector<16xf32>
        %mul3A_1602 = arith.mulf %sub3A_1599, %sub3A_1599 : vector<16xf32>
        %mul3A_1603 = arith.mulf %sub3A_1600, %sub3A_1600 : vector<16xf32>
        %add3A_1604 = arith.addf %mul3A_1602, %mul3A_1603 : vector<16xf32>
        %mul3A_1605 = arith.mulf %sub3A_1601, %sub3A_1601 : vector<16xf32>
        %add3A_1606 = arith.addf %add3A_1604, %mul3A_1605 : vector<16xf32>
        %bitcast_convert_type3A_1607 = tpu.bitcast %add3A_1606 : vector<16xf32> -> vector<16xi32>
        %shift_right_arithmetic3A_1608 = arith.constant 1 : i32
        %shift_right_arithmetic3A_1609 = vector.broadcast %shift_right_arithmetic3A_1608 : i32 to vector<16xi32>
        %shift_right_arithmetic3A_1610 = arith.shrsi %bitcast_convert_type3A_1607, %shift_right_arithmetic3A_1609 : vector<16xi32>
        %sub3A_1611 = arith.constant 1597463007 : i32
        %sub3A_1612 = vector.broadcast %sub3A_1611 : i32 to vector<16xi32>
        %sub3A_1613 = arith.subi %sub3A_1612, %shift_right_arithmetic3A_1610 : vector<16xi32>
        %bitcast_convert_type3A_1614 = tpu.bitcast %sub3A_1613 : vector<16xi32> -> vector<16xf32>
        %mul3A_1615 = arith.constant 5.000000e-01 : f32
        %mul3A_1616 = vector.broadcast %mul3A_1615 : f32 to vector<16xf32>
        %mul3A_1617 = arith.mulf %mul3A_1616, %add3A_1606 : vector<16xf32>
        %mul3A_1618 = arith.mulf %mul3A_1617, %bitcast_convert_type3A_1614 : vector<16xf32>
        %mul3A_1619 = arith.mulf %mul3A_1618, %bitcast_convert_type3A_1614 : vector<16xf32>
        %sub3A_1620 = arith.constant 1.500000e+00 : f32
        %sub3A_1621 = vector.broadcast %sub3A_1620 : f32 to vector<16xf32>
        %sub3A_1622 = arith.subf %sub3A_1621, %mul3A_1619 : vector<16xf32>
        %mul3A_1623 = arith.mulf %bitcast_convert_type3A_1614, %sub3A_1622 : vector<16xf32>
        %mul3A_1624 = arith.mulf %mul3A_1617, %mul3A_1623 : vector<16xf32>
        %mul3A_1625 = arith.mulf %mul3A_1624, %mul3A_1623 : vector<16xf32>
        %sub3A_1626 = arith.constant 1.500000e+00 : f32
        %sub3A_1627 = vector.broadcast %sub3A_1626 : f32 to vector<16xf32>
        %sub3A_1628 = arith.subf %sub3A_1627, %mul3A_1625 : vector<16xf32>
        %mul3A_1629 = arith.mulf %mul3A_1623, %sub3A_1628 : vector<16xf32>
        %mul3A_1630 = arith.mulf %get3A_207, %gather3A_1591 : vector<16xf32>
        %mul3A_1631 = arith.mulf %mul3A_1630, %mul3A_1629 : vector<16xf32>
        %add3A_1632 = arith.addf %gather3A_208, %gather3A_1592 : vector<16xf32>
        %mul3A_1633 = arith.mulf %add3A_1632, %mul3A_1629 : vector<16xf32>
        %mul3A_1634 = arith.mulf %mul3A_1633, %mul3A_1633 : vector<16xf32>
        %mul3A_1635 = arith.mulf %mul3A_1634, %mul3A_1634 : vector<16xf32>
        %mul3A_1636 = arith.mulf %mul3A_1635, %mul3A_1634 : vector<16xf32>
        %mul3A_1637 = arith.mulf %gather3A_212, %gather3A_1596 : vector<16xf32>
        %mul3A_1638 = arith.mulf %mul3A_1637, %mul3A_1636 : vector<16xf32>
        %sub3A_1639 = arith.constant 1.000000e+00 : f32
        %sub3A_1640 = vector.broadcast %sub3A_1639 : f32 to vector<16xf32>
        %sub3A_1641 = arith.subf %mul3A_1636, %sub3A_1640 : vector<16xf32>
        %mul3A_1642 = arith.mulf %mul3A_1638, %sub3A_1641 : vector<16xf32>
        %eq3A_1643 = arith.cmpi eq, %get3A_215, %gather3A_1597 : vector<16xi32>
        %ne3A_1644 = arith.cmpi ne, %get3A_217, %gather3A_1598 : vector<16xi32>
        %and3A_1645 = arith.andi %eq3A_1643, %ne3A_1644 : vector<16xi1>
        %add3A_1646 = arith.addf %mul3A_1631, %mul3A_1642 : vector<16xf32>
        %jit3A_1647 = arith.constant 0.000000e+00 : f32
        %broadcast_in_dim3A_1648 = vector.broadcast %jit3A_1647 : f32 to vector<16xf32>
        %select_n3A_1649 = arith.select %and3A_1645, %add3A_1646, %broadcast_in_dim3A_1648 : vector<16xi1>, vector<16xf32>
        %add3A_1650 = arith.addf %add3A_1565, %select_n3A_1649 : vector<16xf32>
        %eq3A_1651 = arith.cmpi eq, %while3A_289, %add3A_230 : i32
        %add3A_1652 = arith.addf %add3A_1650, %add3A_1650 : vector<16xf32>
        %select_n3A_1653 = arith.select %eq3A_1651, %add3A_1650, %add3A_1652 : vector<16xf32>
        %add3A_1654 = arith.addf %while3A_290, %select_n3A_1653 : vector<16xf32>
        scf.yield %add3A_1654 : vector<16xf32>
      }
      %eq3A_241 = arith.constant 0 : i32
      %eq3A_242 = vector.broadcast %eq3A_241 : i32 to vector<16xi32>
      %eq3A_243 = arith.cmpi eq, %iota3A, %eq3A_242 : vector<16xi32>
      tpu.vector_store_idx %arg13[%get3A_215], %while3A_240 masked %eq3A_243 {add = true} : memref<64xf32, #tpu.memory_space<vmem>>[vector<16xi32>], vector<16xf32>, vector<16xi1>
      %eq3A_244 = arith.constant 1 : i32
      %eq3A_245 = vector.broadcast %eq3A_244 : i32 to vector<16xi32>
      %eq3A_246 = arith.cmpi eq, %iota3A, %eq3A_245 : vector<16xi32>
      tpu.vector_store_idx %arg13[%get3A_215], %while3A_240 masked %eq3A_246 {add = true} : memref<64xf32, #tpu.memory_space<vmem>>[vector<16xi32>], vector<16xf32>, vector<16xi1>
      %eq3A_247 = arith.constant 2 : i32
      %eq3A_248 = vector.broadcast %eq3A_247 : i32 to vector<16xi32>
      %eq3A_249 = arith.cmpi eq, %iota3A, %eq3A_248 : vector<16xi32>
      tpu.vector_store_idx %arg13[%get3A_215], %while3A_240 masked %eq3A_249 {add = true} : memref<64xf32, #tpu.memory_space<vmem>>[vector<16xi32>], vector<16xf32>, vector<16xi1>
      %eq3A_250 = arith.constant 3 : i32
      %eq3A_251 = vector.broadcast %eq3A_250 : i32 to vector<16xi32>
      %eq3A_252 = arith.cmpi eq, %iota3A, %eq3A_251 : vector<16xi32>
      tpu.vector_store_idx %arg13[%get3A_215], %while3A_240 masked %eq3A_252 {add = true} : memref<64xf32, #tpu.memory_space<vmem>>[vector<16xi32>], vector<16xf32>, vector<16xi1>
      %eq3A_253 = arith.constant 4 : i32
      %eq3A_254 = vector.broadcast %eq3A_253 : i32 to vector<16xi32>
      %eq3A_255 = arith.cmpi eq, %iota3A, %eq3A_254 : vector<16xi32>
      tpu.vector_store_idx %arg13[%get3A_215], %while3A_240 masked %eq3A_255 {add = true} : memref<64xf32, #tpu.memory_space<vmem>>[vector<16xi32>], vector<16xf32>, vector<16xi1>
      %eq3A_256 = arith.constant 5 : i32
      %eq3A_257 = vector.broadcast %eq3A_256 : i32 to vector<16xi32>
      %eq3A_258 = arith.cmpi eq, %iota3A, %eq3A_257 : vector<16xi32>
      tpu.vector_store_idx %arg13[%get3A_215], %while3A_240 masked %eq3A_258 {add = true} : memref<64xf32, #tpu.memory_space<vmem>>[vector<16xi32>], vector<16xf32>, vector<16xi1>
      %eq3A_259 = arith.constant 6 : i32
      %eq3A_260 = vector.broadcast %eq3A_259 : i32 to vector<16xi32>
      %eq3A_261 = arith.cmpi eq, %iota3A, %eq3A_260 : vector<16xi32>
      tpu.vector_store_idx %arg13[%get3A_215], %while3A_240 masked %eq3A_261 {add = true} : memref<64xf32, #tpu.memory_space<vmem>>[vector<16xi32>], vector<16xf32>, vector<16xi1>
      %eq3A_262 = arith.constant 7 : i32
      %eq3A_263 = vector.broadcast %eq3A_262 : i32 to vector<16xi32>
      %eq3A_264 = arith.cmpi eq, %iota3A, %eq3A_263 : vector<16xi32>
      tpu.vector_store_idx %arg13[%get3A_215], %while3A_240 masked %eq3A_264 {add = true} : memref<64xf32, #tpu.memory_space<vmem>>[vector<16xi32>], vector<16xf32>, vector<16xi1>
      %eq3A_265 = arith.constant 8 : i32
      %eq3A_266 = vector.broadcast %eq3A_265 : i32 to vector<16xi32>
      %eq3A_267 = arith.cmpi eq, %iota3A, %eq3A_266 : vector<16xi32>
      tpu.vector_store_idx %arg13[%get3A_215], %while3A_240 masked %eq3A_267 {add = true} : memref<64xf32, #tpu.memory_space<vmem>>[vector<16xi32>], vector<16xf32>, vector<16xi1>
      %eq3A_268 = arith.constant 9 : i32
      %eq3A_269 = vector.broadcast %eq3A_268 : i32 to vector<16xi32>
      %eq3A_270 = arith.cmpi eq, %iota3A, %eq3A_269 : vector<16xi32>
      tpu.vector_store_idx %arg13[%get3A_215], %while3A_240 masked %eq3A_270 {add = true} : memref<64xf32, #tpu.memory_space<vmem>>[vector<16xi32>], vector<16xf32>, vector<16xi1>
      %eq3A_271 = arith.constant 10 : i32
      %eq3A_272 = vector.broadcast %eq3A_271 : i32 to vector<16xi32>
      %eq3A_273 = arith.cmpi eq, %iota3A, %eq3A_272 : vector<16xi32>
      tpu.vector_store_idx %arg13[%get3A_215], %while3A_240 masked %eq3A_273 {add = true} : memref<64xf32, #tpu.memory_space<vmem>>[vector<16xi32>], vector<16xf32>, vector<16xi1>
      %eq3A_274 = arith.constant 11 : i32
      %eq3A_275 = vector.broadcast %eq3A_274 : i32 to vector<16xi32>
      %eq3A_276 = arith.cmpi eq, %iota3A, %eq3A_275 : vector<16xi32>
      tpu.vector_store_idx %arg13[%get3A_215], %while3A_240 masked %eq3A_276 {add = true} : memref<64xf32, #tpu.memory_space<vmem>>[vector<16xi32>], vector<16xf32>, vector<16xi1>
      %eq3A_277 = arith.constant 12 : i32
      %eq3A_278 = vector.broadcast %eq3A_277 : i32 to vector<16xi32>
      %eq3A_279 = arith.cmpi eq, %iota3A, %eq3A_278 : vector<16xi32>
      tpu.vector_store_idx %arg13[%get3A_215], %while3A_240 masked %eq3A_279 {add = true} : memref<64xf32, #tpu.memory_space<vmem>>[vector<16xi32>], vector<16xf32>, vector<16xi1>
      %eq3A_280 = arith.constant 13 : i32
      %eq3A_281 = vector.broadcast %eq3A_280 : i32 to vector<16xi32>
      %eq3A_282 = arith.cmpi eq, %iota3A, %eq3A_281 : vector<16xi32>
      tpu.vector_store_idx %arg13[%get3A_215], %while3A_240 masked %eq3A_282 {add = true} : memref<64xf32, #tpu.memory_space<vmem>>[vector<16xi32>], vector<16xf32>, vector<16xi1>
      %eq3A_283 = arith.constant 14 : i32
      %eq3A_284 = vector.broadcast %eq3A_283 : i32 to vector<16xi32>
      %eq3A_285 = arith.cmpi eq, %iota3A, %eq3A_284 : vector<16xi32>
      tpu.vector_store_idx %arg13[%get3A_215], %while3A_240 masked %eq3A_285 {add = true} : memref<64xf32, #tpu.memory_space<vmem>>[vector<16xi32>], vector<16xf32>, vector<16xi1>
      %eq3A_286 = arith.constant 15 : i32
      %eq3A_287 = vector.broadcast %eq3A_286 : i32 to vector<16xi32>
      %eq3A_288 = arith.cmpi eq, %iota3A, %eq3A_287 : vector<16xi32>
      tpu.vector_store_idx %arg13[%get3A_215], %while3A_240 masked %eq3A_288 {add = true} : memref<64xf32, #tpu.memory_space<vmem>>[vector<16xi32>], vector<16xf32>, vector<16xi1>
    }
    %scan3A_184 = arith.constant 8 : i32
    "tpu.region"() ({
      %run_scoped3A = tpu.sem_alloc : memref<!tpu.dma_semaphore, #tpu.memory_space<semaphore_mem>>
      %dma_start3A = arith.constant 0 : i32
      %dma_start3A_185 = tpu.memref_slice %arg7[%add3A, %dma_start3A] : memref<32x64xf32, #tpu.memory_space<hbm>> -> memref<1x64xf32, #tpu.memory_space<hbm>>
      %dma_start3A_186 = tpu.memref_squeeze %dma_start3A_185 : memref<1x64xf32, #tpu.memory_space<hbm>> -> memref<64xf32, #tpu.memory_space<hbm>>
      %dma_start3A_187 = arith.constant 0 : i32
      %dma_start3A_188 = tpu.memref_slice %arg7[%add3A, %dma_start3A_187] : memref<32x64xf32, #tpu.memory_space<hbm>> -> memref<1x64xf32, #tpu.memory_space<hbm>>
      %dma_start3A_189 = tpu.memref_squeeze %dma_start3A_188 : memref<1x64xf32, #tpu.memory_space<hbm>> -> memref<64xf32, #tpu.memory_space<hbm>>
      tpu.enqueue_dma source(%arg13 : memref<64xf32, #tpu.memory_space<vmem>>) target(%dma_start3A_189 : memref<64xf32, #tpu.memory_space<hbm>>) target_semaphore(%run_scoped3A : memref<!tpu.dma_semaphore, #tpu.memory_space<semaphore_mem>>)
      %dma_wait3A = arith.constant 0 : i32
      %dma_wait3A_190 = tpu.memref_slice %arg7[%add3A, %dma_wait3A] : memref<32x64xf32, #tpu.memory_space<hbm>> -> memref<1x64xf32, #tpu.memory_space<hbm>>
      %dma_wait3A_191 = tpu.memref_squeeze %dma_wait3A_190 : memref<1x64xf32, #tpu.memory_space<hbm>> -> memref<64xf32, #tpu.memory_space<hbm>>
      %dma_wait3A_192 = arith.constant 0 : i32
      %dma_wait3A_193 = tpu.memref_slice %arg7[%add3A, %dma_wait3A_192] : memref<32x64xf32, #tpu.memory_space<hbm>> -> memref<1x64xf32, #tpu.memory_space<hbm>>
      %dma_wait3A_194 = tpu.memref_squeeze %dma_wait3A_193 : memref<1x64xf32, #tpu.memory_space<hbm>> -> memref<64xf32, #tpu.memory_space<hbm>>
      tpu.wait_dma2 semaphore(%run_scoped3A : memref<!tpu.dma_semaphore, #tpu.memory_space<semaphore_mem>>) src(%arg13 : memref<64xf32, #tpu.memory_space<vmem>>) dst(%dma_wait3A_194 : memref<64xf32, #tpu.memory_space<hbm>>)
      tpu.yield
    }) : () -> ()
    return
  }
}

</mosaic_0001>

<sc_bundles>
// kernel: _sc_call.3.cloned.1.call-start
scs
__scs_entry_jumppad:
0x0: {  	(pc) =	sbr.rel $0x88, $3  }
0x1: {  	(tag) =	ssettag $0x0;
	lr =	simm.s32 $0x1  }
0x2: {  	[smem:$0x3F9C] =	sst lr;
	_ =	strace $0xD0000000  }
0x3: {  	_ = 	snop  }
0x4: {  	_ = 	snop  }
0x5: {  	_ = 	snop  }
0x6: {  	_ = 	snop  }
0x7: {  	_ = 	snop  }
__scs_overlays_trampoline_lowered:
0x8: {  	[smem:$0x3FAB] =	sst s0  }
0x9: {  	[smem:$0x3FAC] =	sst s1  }
0xa: {  	[smem:$0x3FAD] =	sst s2  }
0xb: {  	[smem:$0x3FAE] =	sst s3  }
0xc: {  	[smem:$0x3FAF] =	sst s4  }
0xd: {  	[smem:$0x3FB0] =	sst s5  }
0xe: {  	[smem:$0x3FB1] =	sst s6  }
0xf: {  	[smem:$0x3FB2] =	sst s7  }
0x10: {  	[smem:$0x3FB3] =	sst s8  }
0x11: {  	[smem:$0x3FB4] =	sst s9;
	s0 =	simm.s32 @!p0 $0x0  }
0x12: {  	s1 =	sld [smem:$0x3F9A];
	s0 =	simm.s32 @p0 $0x1  }
0x13: {  	[smem:$0x3FB5] =	sst s0;
	s0 =	simm.s32 @!p1 $0x0  }
0x14: {  	s2 =	sld [smem:$0x3F99];
	s0 =	simm.s32 @p1 $0x1  }
0x15: {  	[smem:$0x3FB6] =	sst s0;
	s0 =	simm.s32 @!p2 $0x0  }
0x16: {  	s3 =	sld [smem:$0x3FDB];
	s0 =	simm.s32 @p2 $0x1  }
0x17: {  	s4 =	simm.s32 $0x1BF5;
	[smem:$0x3FB8] =	sst s0  }
0x18: {  	s0 =	sld [smem:$0x3F9B];
	_ =	swait.ge [sflag:s4], $0x0  }
0x19: {  	s7 =	sld [smem:$0x3F9C]  }
0x1a: {  	s8 =	sadd.s32 $0xFFFFE003, lr  }
0x1b: {  	s9 =	sadd.s32 $0xFFFFFEF7, lr;
	s5 =	simm.s32 $0xFFFFFFFF;
	p2 =	slt.u32 s8, $0xFFFFF086  }
0x1c: {  	p1 =	slt.u32 s9, $0xF7A;
	s5 =	simm.s32 @!p2 $0x0  }
0x1d: {  	s5 =	simm.s32 @p1 $0x1;
	p0 =	seq.s32 s7, s2  }
0x1e: {  	s7 =	smul.u32 @!p0 $0xF7A, s2;
	p2 =	seq.s32 @!p0 s5, $0x0  }
0x1f: {  	s9 =	smul.u32 $0xF7A, s1;
	s8 =	simm.s32 @!p0 $0x1BF5;
	p2 =	por !p2, p0  }
0x20: {  	[sflag:s8] =	ssyncset.s32 @!p0 $0xFFFFF086;
	s6 =	sadd.s32 @!p0 s3, s7;
	s7 =	simm.s32 @!p0 $0x108  }
0x21: {  	s3 =	sadd.s32 s3, s9;
	s6 =	sadd.s32 @!p0 $0x88, s6;
	s7 =	simm.s32 @p2 $0x1082  }
0x22: {  	[simem:s7], [sflag:s8] =	dma.local @!p0 [hbm:s6], $0xF7A  }
0x23: {  	s9 =	sor.u32 $0xD0000000, s2;
	s6 =	simm.s32 $0x108;
	_ =	swait.ge @!p0 [sflag:s8], $0x0  }
0x24: {  	s3 =	sadd.s32 $0x88, s3;
	s6 =	simm.s32 @!p1 $0x1082;
	[sflag:s4] =	ssyncset.s32 $0xFFFFF086  }
0x25: {  	[simem:s6], [sflag:s4] =	dma.local [hbm:s3], $0xF7A  }
0x26: {  	[smem:$0x3F9C] =	sst s1;
	(tag) =	ssettag s2;
	_ =	strace s9  }
0x27: {  	s1 =	sld [smem:$0x3FAC]  }
0x28: {  	s2 =	sld [smem:$0x3FAD]  }
0x29: {  	s4 =	sld [smem:$0x3FAF]  }
0x2a: {  	p0 =	seq.s32 s5, $0x0;
	s5 =	sld [smem:$0x3FB0]  }
0x2b: {  	s6 =	sld [smem:$0x3FB1]  }
0x2c: {  	s7 =	sld [smem:$0x3FB2]  }
0x2d: {  	s3 =	simm.s32 $0x108;
	s8 =	sld [smem:$0x3FB3]  }
0x2e: {  	s3 =	simm.s32 @!p0 $0x1082;
	s9 =	sld [smem:$0x3FB4]  }
0x2f: {  	lr =	sadd.s32 s0, s3;
	s0 =	sld [smem:$0x3FAB]  }
0x30: {  	s3 =	sld [smem:$0x3FAE]  }
0x31: {  	[smem:$0x3FB7] =	sst s10  }
0x32: {  	s10 =	sld [smem:$0x3FB5];
	_ =	sdelay $0x3  }
0x33: {  	p0 =	seq.s32 s10, $0x1;
	s10 =	sld [smem:$0x3FB7];
	_ =	sdelay $0x3  }
0x34: {  	[smem:$0x3FB7] =	sst s10  }
0x35: {  	s10 =	sld [smem:$0x3FB6];
	_ =	sdelay $0x3  }
0x36: {  	p1 =	seq.s32 s10, $0x1;
	s10 =	sld [smem:$0x3FB7];
	_ =	sdelay $0x3  }
0x37: {  	[smem:$0x3FB7] =	sst s10  }
0x38: {  	s10 =	sld [smem:$0x3FB8]  }
0x39: {  	_ = 	snop;
	(pc) =	sbr.ind lr, $3  }
0x3a: {  	_ = 	snop  }
0x3b: {  	_ = 	snop  }
0x3c: {  	p2 =	seq.s32 s10, $0x1;
	s10 =	sld [smem:$0x3FB7]  }
0x3d: {  	_ =	shalt  }
0x3e: {  	_ =	shalt  }
0x3f: {  	_ =	shalt  }
0x40: {  	_ =	shalt  }
0x41: {  	_ =	shalt  }
0x42: {  	_ =	shalt  }
0x43: {  	_ =	shalt  }
0x44: {  	_ =	shalt  }
0x45: {  	_ =	shalt  }
0x46: {  	_ =	shalt  }
0x47: {  	_ =	shalt  }
0x48: {  	_ =	shalt  }
0x49: {  	_ =	shalt  }
0x4a: {  	_ =	shalt  }
0x4b: {  	_ =	shalt  }
0x4c: {  	_ =	shalt  }
0x4d: {  	_ =	shalt  }
0x4e: {  	_ =	shalt  }
0x4f: {  	_ =	shalt  }
0x50: {  	_ =	shalt  }
0x51: {  	_ =	shalt  }
0x52: {  	_ =	shalt  }
0x53: {  	_ =	shalt  }
0x54: {  	_ =	shalt  }
0x55: {  	_ =	shalt  }
0x56: {  	_ =	shalt  }
0x57: {  	_ =	shalt  }
0x58: {  	_ =	shalt  }
0x59: {  	_ =	shalt  }
0x5a: {  	_ =	shalt  }
0x5b: {  	_ =	shalt  }
0x5c: {  	_ =	shalt  }
0x5d: {  	_ =	shalt  }
0x5e: {  	_ =	shalt  }
0x5f: {  	_ =	shalt  }
0x60: {  	_ =	shalt  }
0x61: {  	_ =	shalt  }
0x62: {  	_ =	shalt  }
0x63: {  	_ =	shalt  }
0x64: {  	_ =	shalt  }
0x65: {  	_ =	shalt  }
0x66: {  	_ =	shalt  }
0x67: {  	_ =	shalt  }
0x68: {  	_ =	shalt  }
0x69: {  	_ =	shalt  }
0x6a: {  	_ =	shalt  }
0x6b: {  	_ =	shalt  }
0x6c: {  	_ =	shalt  }
0x6d: {  	_ =	shalt  }
0x6e: {  	_ =	shalt  }
0x6f: {  	_ =	shalt  }
0x70: {  	_ =	shalt  }
0x71: {  	_ =	shalt  }
0x72: {  	_ =	shalt  }
0x73: {  	_ =	shalt  }
0x74: {  	_ =	shalt  }
0x75: {  	_ =	shalt  }
0x76: {  	_ =	shalt  }
0x77: {  	_ =	shalt  }
0x78: {  	_ =	shalt  }
0x79: {  	_ =	shalt  }
0x7a: {  	_ =	shalt  }
0x7b: {  	_ =	shalt  }
0x7c: {  	_ =	shalt  }
0x7d: {  	_ =	shalt  }
0x7e: {  	_ =	shalt  }
0x7f: {  	_ =	shalt  }
0x80: {  	_ =	shalt  }
0x81: {  	_ =	shalt  }
0x82: {  	_ =	shalt  }
0x83: {  	_ =	shalt  }
0x84: {  	_ =	shalt  }
0x85: {  	_ =	shalt  }
0x86: {  	_ =	shalt  }
0x87: {  	_ =	shalt  }
.Lfunc_end0:
.L_simem_size_0:
called_computation_lowered:
.L_overlay_start_0:
0x88: {  	s2 =	sld [smem:$0x3FD9]  }
0x89: {  	s3 =	sld [smem:$0x3FFE];
	_ =	sdelay $0x1  }
0x8a: {  	s1 =	srdreg.scid  }
0x8b: {  	s0 =	sand.u32 $0x1, s1  }
0x8c: {  	s18 =	sshll.u32 s0, $0xA;
	s2 =	sadd.s32 s3, s2  }
0x8d: {  	s2 =	sadd.s32 s2, s18  }
0x8e: {  	[smem:$0x3FC3] =	sst s2  }
0x8f: {  	_ = 	snop  }
0x90: {  	s2 =	sld [smem:$0x3FC9]  }
0x91: {  	s19 =	sld [smem:$0x3FC8]  }
0x92: {  	s4 =	sld [smem:$0x3FC7]  }
0x93: {  	s5 =	sld [smem:$0x3FC6]  }
0x94: {  	s6 =	sld [smem:$0x3FC5]  }
0x95: {  	s7 =	sld [smem:$0x3FD0];
	(tm) =	ssettm $0x1  }
0x96: {  	s8 =	sld [smem:$0x3FFB];
	_ =	sdelay $0x3  }
0x97: {  	_ =	strace s8  }
0x98: {  	s8 =	sld [smem:$0x3FFC];
	_ =	sdelay $0x3  }
0x99: {  	_ =	strace s8  }
0x9a: {  	s8 =	sld [smem:$0x3FFD];
	_ =	sdelay $0x3  }
0x9b: {  	_ =	strace s8  }
0x9c: {  	_ =	strace $0x8FFFFFFF  }
0x9d: {  	s20 =	sld [smem:$0x3FDB];
	_ =	sdelay $0x1  }
0x9e: {  	s9 =	simm.s32 $_scs_section_size  }
0x9f: {  	s10 =	simm.s32 $_size__tile_overlayer_lowered;
	s11 =	simm.s32 $_tile_overlayer_lowered  }
0xa0: {  	s23 =	simm.s32 $0x1BFF;
	s22 =	sshll.u32 s11, $0x1;
	s8 =	sadd.s32 s9, s20  }
0xa1: {  	s12 =	simm.s32 $0x0;
	s21 =	sshll.u32 s10, $0x1;
	s10 =	sadd.s32 s22, s8  }
0xa2: {  	[timem:s12], [sflag:s23] =	dma.local [hbm:s10], s21  }
0xa3: {  	_ =	swait.ge [sflag:s23], s21  }
0xa4: {  	s9 =	ssub.s32 $0x0, s21;
	[sflag:s23] =	ssyncset.done $0x0  }
0xa5: {  	[sflag:s23] =	ssyncadd.s32 s9;
	_ =	sdelay $0x1  }
0xa6: {  	s24 =	simm.s32 $0x1B8B  }
0xa7: {  	_ =	swait.ge [sflag:s24], $0x1  }
0xa8: {  	[sflag:s24] =	ssyncset.done $0x0  }
0xa9: {  	s25 =	simm.s32 $0x1B8E;
	[sflag:s24] =	ssyncadd.s32 $0xFFFFFFFF  }
0xaa: {  	s26 =	simm.s32 $execute0_lowered;
	[smem:$0x3FD2] =	sst s25  }
0xab: {  	s9 =	sshll.u32 s26, $0x1;
	_ =	strace $0x80000046;
	[dreg:$0x1] =	wrdreg $0xFFFFFFFF  }
0xac: {  	s28 =	simm.s32 $_size_execute0_lowered;
	s8 =	sadd.s32 s8, s9;
	[dreg:$0x0] =	wrdreg $0x0  }
0xad: {  	s9 =	sshll.u32 s28, $0x1;
	[dreg:$0x2] =	wrdreg s8  }
0xae: {  	[dreg:$0x3] =	wrdreg s9  }
0xaf: {  	[dreg:$0x4] =	wrdreg $0xC0  }
0xb0: {  	_ =	task [dreg:s12], $0x5FFFF  }
0xb1: {  	[dreg:$0x1] =	wrdreg $0xFFFFFFFF  }
0xb2: {  	[dreg:$0x0] =	wrdreg $0x60  }
0xb3: {  	[dreg:$0x2] =	wrdreg s2  }
0xb4: {  	[dreg:$0x3] =	wrdreg s19  }
0xb5: {  	[dreg:$0x4] =	wrdreg s4  }
0xb6: {  	[dreg:$0x5] =	wrdreg s5  }
0xb7: {  	[dreg:$0x6] =	wrdreg s6  }
0xb8: {  	[dreg:$0x7] =	wrdreg s7  }
0xb9: {  	[dreg:$0x8] =	wrdreg $0x9  }
0xba: {  	_ =	task.clear_ibuf [dreg:s12], $0x9FFFF;
	_ =	strace $0x90000046  }
0xbb: {  	s29 =	simm.s32 $0x9;
	_ =	strace $0x80000048  }
0xbc: {  	_ =	swait.ge [sflag:s29], $0x1  }
0xbd: {  	[sflag:s29] =	ssyncadd.s32 $0xFFFFFFFF  }
0xbe: {  	_ =	strace $0x90000048  }
0xbf: {  	_ =	sfence  }
0xc0: {  	s30 =	sld [smem:$0x0];
	_ =	sdelay $0x2  }
0xc1: {  	s31 =	sshll.u32 s1, $0xD;
	s1 =	sshrl.u32 s1, $0x2  }
0xc2: {  	s3 =	sand.u32 $0x4000, s31;
	s1 =	sadd.s32 s1, s30  }
0xc3: {  	s0 =	sor.u32 s3, s0;
	s1 =	sshll.u32 s1, $0x11  }
0xc4: {  	s0 =	sor.u32 s1, s0  }
0xc5: {  	s0 =	sadd.s32 $0x8F2B, s0  }
0xc6: {  	[sflag:s0] =	ssyncadd.remote.s32 $0x1  }
0xc7: {  	_ =	sfence.sel $0xFFFF  }
0xc8: {  	[dreg:$0x0] =	wrdreg $0xFFFFFFFF;
	(pc) =	sbr.abs _section_cstart, $3  }
0xc9: {  	[dreg:$0x1] =	wrdreg $0xFFFFFFFF  }
0xca: {  	_ =	task.clear_ibuf [dreg:s12], $0x2FFFF;
	_ =	strace $0x9FFFFFFF  }
0xcb: {  	(tm) =	ssettm $0x7FFFFFFF  }
tec
execute0_lowered:
.L_overlay_start_1:
0x0: {  	(tag) =	ssettag $0x1  }
0x1: {  	s0 =	rddreg [dreg:$0x0]  }
0x2: {  	s1 =	rddreg [dreg:$0x1]  }
0x3: {  	s2 =	rddreg [dreg:$0x2]  }
0x4: {  	s3 =	srdreg.scid;
	s5 =	rddreg [dreg:$0x4]  }
0x5: {  	s14 =	stileid.u32;
	v0 =	vlaneseq.u32;
	s6 =	rddreg [dreg:$0x5];
	vm1 =	vcmask $0xB08;
	vm0 =	vcmask $0x300;
	s8 =	simm.s32 $0x0  }
0x6: {  	v2 =	vimm.f32 $0.0e+00;
	vm5 =	vcmask $0x3330;
	v3 =	vimm.s32 $0x7FF;
	s15 =	simm.s32 $0x1;
	s16 =	simm.s32 $0x1000;
	s17 =	simm.s32 $0x5000  }
0x7: {  	vm6 =	vcmask $0x3B38;
	v4 =	vimm.s32 $0x800;
	v5 =	vimm.s32 $0x0;
	s18 =	simm.s32 $0x8080;
	s19 =	simm.s32 $0x4000;
	s20 =	simm.s32 $0x7000  }
0x8: {  	vm8 =	vcmask $0x704;
	vm9 =	vcmask $0xF0C;
	vm10 =	vcmask $0x1714;
	s21 =	simm.s32 $0x8000;
	s22 =	simm.s32 $0x0;
	s3 =	sand.u32 $0x1, s3  }
0x9: {  	vm11 =	vcmask $0x1F1C;
	vm12 =	vcmask $0x2724;
	vm13 =	vcmask $0x2F2C;
	s12 =	sshll.u32 s14, $0x7;
	[smem:$0x7FF] =	sst s8;
	s4 =	sshll.u32 s3, $0x4  }
0xa: {  	vm14 =	vcmask $0x3734;
	vm0 =	vmor vm0, vm1;
	vm1 =	vcmask $0x1310;
	s31 =	sshll.u32 s14, $0x3;
	s10 =	sand.u32 $0x380, s12;
	s4 =	sor.u32 s14, s4  }
0xb: {  	v1 =	vmul.u32 $0x10, v0;
	vm0 =	vmor vm0, vm1;
	vm1 =	vcmask $0x1B18;
	s11 =	ssub.s32 $0x2, s3;
	_ =	strace $0x80000047;
	s7 =	sshll.u32 s4, $0x7  }
.Ltmp0:
0xc: {  	s30 =	sshll.u32 s3, $0xB;
	vm2 =	vmmov vm1;
	vm0 =	vmor vm0, vm1;
	vm1 =	vcmask $0x2320;
	s9 =	sand.u32 $0xC00, s7;
	(pc) =	sbr.rel .LBB2_1-.Ltmp0, $4  }
0xd: {  	s3 =	sshll.u32 s3, $0x7;
	s28 =	sshrl.u32 s11, $0x1;
	vm4 =	vmmov vm1;
	vm0 =	vmor vm0, vm1;
	vm1 =	vcmask $0x2B28;
	s9 =	sor.u32 s10, s9  }
0xe: {  	vm15 =	vcmask $0x3F3C;
	v1 =	vor.u32 $0xF, v1;
	s12 =	sor.u32 s12, s30;
	s11 =	ssub.s32 s11, s28;
	vm0 =	vmor vm0, vm1;
	s13 =	sshrl.u32 s9, $0x3  }
0xf: {  	s14 =	simm.s32 $0x2;
	v1 =	vadd.s32 s7, v1;
	vm3 =	vmmov vm1;
	s11 =	smax.u32 s11, $0x1;
	vm0 =	vmor vm0, vm5;
	s29 =	sadd.s32 s6, s13  }
0x10: {  	v6 =	vmov s7;
	v1 =	vmin.u32 v1, $0xFFF;
	s9 =	sshll.u32 s4, $0x3;
	vm7 =	vmor vm0, vm6;
	s13 =	sor.u32 s31, s3;
	[dreg:$0x7] =	wrdreg s29  }
.LBB2_13:
0x11: {  	s22 =	sadd.s32 $0x1, s22  }
0x12: {  	p0 =	sne.s32 s22, s11  }
.Ltmp1:
0x13: {  	s3 =	rddreg [dreg:$0x7];
	(pc) =	sbr.rel @!p0 .LBB2_14-.Ltmp1, $4  }
0x14: {  	[hbm4b:s3+s8] =	stream.linear.scatter [tilespmem:s21], [sflag:$0x2], $0x80, $0x38;
	[tilespmem:$0x8100] =	vst v63  }
0x15: {  	_ =	swait.ge [sflag:s14], $0x80  }
0x16: {  	[sflag:s14] =	ssyncset.done $0x0  }
0x17: {  	[sflag:s14] =	ssyncadd.s32 $0xFFFFFF80  }
.LBB2_1:
0x18: {  	s3 =	rddreg [dreg:$0x3]  }
0x19: {  	[tilespmem:s8], [sflag:$0x2] =	stream.linear.gather [hbm4b:s3+s8], $0x1000, $0x38;
	[tilespmem:$0x8100] =	vst v63  }
0x1a: {  	_ =	swait.ge [sflag:s14], $0x1000  }
0x1b: {  	[sflag:s14] =	ssyncset.done $0x0  }
0x1c: {  	[sflag:s14] =	ssyncadd.s32 $0xFFFFF000  }
0x1d: {  	[tilespmem:$0x8000] =	vst v2  }
0x1e: {  	[tilespmem:$0x8010] =	vst v2  }
0x1f: {  	[tilespmem:$0x8020] =	vst v2  }
0x20: {  	[tilespmem:$0x8030] =	vst v2  }
0x21: {  	v7 =	vld.idx.msk [tilespmem:v1+s8+$0x0], $0xffff  }
0x22: {  	v8 =	vld.idx.msk [tilespmem:v3+s8+$0x0], $0xffff;
	_ =	sdelay $0x4  }
0x23: {  	vm0 =	vgt.s32 v8, v7  }
0x24: {  	v8 =	vsel vm0, $0x0, v4  }
0x25: {  	v9 =	vor.u32 $0x3FF, v8;
	_ =	sdelay $0x4  }
0x26: {  	v9 =	vld.idx.msk [tilespmem:v9+s8+$0x0], $0xffff;
	_ =	sdelay $0x4  }
0x27: {  	v10 =	vor.u32 $0x400, v8;
	vm0 =	vgt.s32 v9, v7  }
0x28: {  	v8 =	vsel vm0, v8, v10  }
0x29: {  	v54 =	vor.u32 $0x1FF, v8;
	_ =	sdelay $0x4  }
0x2a: {  	v9 =	vld.idx.msk [tilespmem:v54+s8+$0x0], $0xffff;
	_ =	sdelay $0x4  }
0x2b: {  	v10 =	vor.u32 $0x200, v8;
	vm0 =	vgt.s32 v9, v7  }
0x2c: {  	v8 =	vsel vm0, v8, v10  }
0x2d: {  	v55 =	vor.u32 $0xFF, v8;
	_ =	sdelay $0x4  }
0x2e: {  	v9 =	vld.idx.msk [tilespmem:v55+s8+$0x0], $0xffff;
	_ =	sdelay $0x4  }
0x2f: {  	v10 =	vor.u32 $0x100, v8;
	vm0 =	vgt.s32 v9, v7  }
0x30: {  	v8 =	vsel vm0, v8, v10  }
0x31: {  	v56 =	vadd.s32 $0x7F, v8;
	_ =	sdelay $0x4  }
0x32: {  	v9 =	vld.idx.msk [tilespmem:v56+s8+$0x0], $0xffff;
	_ =	sdelay $0x4  }
0x33: {  	v10 =	vadd.s32 $0x80, v8;
	vm0 =	vgt.s32 v9, v7  }
0x34: {  	v8 =	vsel vm0, v8, v10  }
0x35: {  	v57 =	vadd.s32 $0x3F, v8;
	_ =	sdelay $0x4  }
0x36: {  	v9 =	vld.idx.msk [tilespmem:v57+s8+$0x0], $0xffff;
	_ =	sdelay $0x4  }
0x37: {  	v10 =	vadd.s32 $0x40, v8;
	vm0 =	vgt.s32 v9, v7  }
0x38: {  	v8 =	vsel vm0, v8, v10  }
0x39: {  	v58 =	vadd.s32 $0x1F, v8;
	_ =	sdelay $0x4  }
0x3a: {  	v9 =	vld.idx.msk [tilespmem:v58+s8+$0x0], $0xffff;
	_ =	sdelay $0x4  }
0x3b: {  	v10 =	vadd.s32 $0x20, v8;
	vm0 =	vgt.s32 v9, v7  }
0x3c: {  	v8 =	vsel vm0, v8, v10  }
0x3d: {  	v59 =	vadd.s32 $0xF, v8;
	_ =	sdelay $0x4  }
0x3e: {  	v9 =	vld.idx.msk [tilespmem:v59+s8+$0x0], $0xffff;
	_ =	sdelay $0x4  }
0x3f: {  	v10 =	vadd.s32 $0x10, v8;
	vm0 =	vgt.s32 v9, v7  }
0x40: {  	v8 =	vsel vm0, v8, v10  }
0x41: {  	v60 =	vadd.s32 $0x7, v8;
	_ =	sdelay $0x4  }
0x42: {  	v9 =	vld.idx.msk [tilespmem:v60+s8+$0x0], $0xffff;
	_ =	sdelay $0x4  }
0x43: {  	v10 =	vadd.s32 $0x8, v8;
	vm0 =	vgt.s32 v9, v7  }
0x44: {  	v8 =	vsel vm0, v8, v10  }
0x45: {  	v61 =	vadd.s32 $0x3, v8;
	_ =	sdelay $0x4  }
0x46: {  	v9 =	vld.idx.msk [tilespmem:v61+s8+$0x0], $0xffff;
	_ =	sdelay $0x4  }
0x47: {  	v10 =	vadd.s32 $0x4, v8;
	vm0 =	vgt.s32 v9, v7  }
0x48: {  	v8 =	vsel vm0, v8, v10  }
0x49: {  	v62 =	vadd.s32 $0x1, v8;
	_ =	sdelay $0x4  }
0x4a: {  	v9 =	vld.idx.msk [tilespmem:v62+s8+$0x0], $0xffff;
	_ =	sdelay $0x4  }
0x4b: {  	v10 =	vadd.s32 $0x2, v8;
	vm0 =	vgt.s32 v9, v7  }
0x4c: {  	v8 =	vsel vm0, v8, v10;
	_ =	sdelay $0x4  }
0x4d: {  	v63 =	vld.idx.msk [tilespmem:v8+s8+$0x0], $0xffff;
	_ =	sdelay $0x4  }
0x4e: {  	vm0 =	vle.s32 v63, v7  }
0x4f: {  	v7 =	vsel vm0, $0x1, v5  }
0x50: {  	v7 =	vadd.s32 v7, v8  }
0x51: {  	v8 =	vxor.u32 $0x80000000, v7  }
0x52: {  	(xrf0) =	vmax.scan.msk.u32 $0xffff, v8;
	_ =	sdelay $0x5  }
0x53: {  	v8, _, _ =	vpop (xrf0)  }
0x54: {  	(v2sf) =	vpush v8, $0xF;
	_ =	sdelay $0xe  }
0x55: {  	s31 =	spop (v2sf)  }
0x56: {  	s3 =	sxor.u32 $0x80000000, s31  }
0x57: {  	s3 =	ssub.s32 s3, s7  }
0x58: {  	s3 =	sadd.s32 $0x7F, s3  }
0x59: {  	s4 =	sshra.s32 s3, $0x7  }
0x5a: {  	p0 =	slt.s32 s4, $0x1  }
.Ltmp2:
0x5b: {  	_ = 	snop;
	(pc) =	sbr.rel @p0 .LBB2_9-.Ltmp2, $4  }
0x5c: {  	_ = 	snop  }
0x5d: {  	v7 =	vadd.s32 $0xF, v7  }
0x5e: {  	v7 =	vshrl.u32 v7, $0x4  }
0x5f: {  	[tilespmem:$0x8080] =	vst v7  }
0x60: {  	p0 =	slt.s32 s12, $0xF80;
	s25 =	smov.u32 s12  }
0x61: {  	s25 =	simm.s32 @!p0 $0xF80;
	p0 =	sne.s32 s4, $0x1  }
.Ltmp3:
0x62: {  	_ = 	snop;
	(pc) =	sbr.rel @!p0 .LBB2_4-.Ltmp3, $4  }
0x63: {  	s23 =	smul.u32 $0x3, s25;
	s6 =	ssub.s32 s25, s7  }
0x64: {  	s24 =	smul.u32 $0xC, s6  }
0x65: {  	s3 =	sadd.s32 $0x80, s12;
	s28 =	sshrl.u32 s23, $0x3  }
0x66: {  	s23 =	sadd.s32 $0xFFFFFFFF, s4;
	s26 =	sshra.s32 s24, $0x2;
	s24 =	smov.u32 s25  }
.LBB2_3:
0x67: {  	p1 =	sne.s32 s23, $0x1;
	s26 =	sadd.s32 $0x1000, s26;
	s28 =	sadd.s32 s0, s28  }
0x68: {  	s24 =	smov.u32 s3;
	s29 =	smov.u32 s6;
	s3 =	sadd.s32 $0x80, s3  }
0x69: {  	[tilespmem:s26], [sflag:$0x1] =	stream.linear.gather [hbm4b:s28+s8], $0x180, $0x38;
	[tilespmem:$0x8100] =	vst v63  }
0x6a: {  	s6 =	sshrl.u32 s25, $0x2;
	s23 =	sadd.s32 $0xFFFFFFFF, s23;
	p2 =	slt.s32 s24, $0xF80  }
0x6b: {  	s26 =	sshrl.u32 s25, $0x3;
	s28 =	sshll.u32 s29, $0x3;
	s24 =	simm.s32 @!p2 $0xF80  }
0x6c: {  	s30 =	sand.u32 $0x1FFFFFE0, s6;
	s6 =	sadd.s32 $0x4000, s29;
	s25 =	smul.u32 $0x3, s24  }
0x6d: {  	s31 =	sadd.s32 s1, s26;
	s28 =	sshra.s32 s28, $0x2;
	s30 =	sadd.s32 s2, s30  }
0x6e: {  	[tilespmem:s6], [sflag:$0x1] =	stream.linear.gather [hbm4b:s31+s8], $0x80, $0x38;
	[tilespmem:$0x8100] =	vst v63  }
.Ltmp4:
0x6f: {  	s28 =	sadd.s32 $0x5000, s28;
	s6 =	ssub.s32 s24, s7;
	(pc) =	sbr.rel @p1 .LBB2_3-.Ltmp4, $4  }
0x70: {  	[tilespmem:s28], [sflag:$0x1] =	stream.linear.gather [hbm4b:s30+s8], $0x100, $0x38;
	[tilespmem:$0x8100] =	vst v63  }
0x71: {  	s29 =	sadd.s32 $0x7000, s29;
	s26 =	sadd.s32 s5, s26;
	s28 =	smul.u32 $0xC, s6  }
0x72: {  	[tilespmem:s29], [sflag:$0x1] =	stream.linear.gather [hbm4b:s26+s8], $0x80, $0x38;
	[tilespmem:$0x8100] =	vst v63  }
0x73: {  	s26 =	sshra.s32 s28, $0x2;
	s28 =	sshrl.u32 s25, $0x3;
	s25 =	smov.u32 s24  }
.LBB2_4:
0x74: {  	s3 =	sadd.s32 $0x1000, s26;
	s23 =	sadd.s32 s0, s28;
	s31 =	sshrl.u32 s24, $0x2  }
0x75: {  	s10 =	sshrl.u32 s24, $0x3;
	s28 =	sshll.u32 s6, $0x3;
	s25 =	sadd.s32 $0x4000, s6  }
0x76: {  	[tilespmem:s3], [sflag:$0x1] =	stream.linear.gather [hbm4b:s23+s8], $0x180, $0x38;
	[tilespmem:$0x8100] =	vst v63  }
0x77: {  	s3 =	sand.u32 $0x1FFFFFE0, s31;
	s29 =	sadd.s32 s1, s10;
	s24 =	sshra.s32 s28, $0x2  }
0x78: {  	[tilespmem:s25], [sflag:$0x1] =	stream.linear.gather [hbm4b:s29+s8], $0x80, $0x38;
	[tilespmem:$0x8100] =	vst v63  }
0x79: {  	s24 =	sadd.s32 $0x5000, s24;
	s3 =	sadd.s32 s2, s3  }
0x7a: {  	[tilespmem:s24], [sflag:$0x1] =	stream.linear.gather [hbm4b:s3+s8], $0x100, $0x38;
	[tilespmem:$0x8100] =	vst v63  }
0x7b: {  	s30 =	sadd.s32 $0x7000, s6;
	s31 =	sadd.s32 s5, s10  }
0x7c: {  	[tilespmem:s30], [sflag:$0x1] =	stream.linear.gather [hbm4b:s31+s8], $0x80, $0x38;
	[tilespmem:$0x8100] =	vst v63  }
0x7d: {  	_ =	swait.ge [sflag:s15], $0x180  }
0x7e: {  	[sflag:s15] =	ssyncset.done $0x0  }
0x7f: {  	[sflag:s15] =	ssyncadd.s32 $0xFFFFFE80  }
0x80: {  	_ =	swait.ge [sflag:s15], $0x80  }
0x81: {  	[sflag:s15] =	ssyncset.done $0x0  }
0x82: {  	[sflag:s15] =	ssyncadd.s32 $0xFFFFFF80  }
.Ltmp5:
0x83: {  	_ =	swait.ge [sflag:s15], $0x100;
	(pc) =	sbr.rel @!p0 .LBB2_6-.Ltmp5, $4  }
0x84: {  	[sflag:s15] =	ssyncset.done $0x0  }
0x85: {  	[sflag:s15] =	ssyncadd.s32 $0xFFFFFF00  }
0x86: {  	_ =	swait.ge [sflag:s15], $0x80  }
0x87: {  	s3 =	sadd.s32 $0xFFFFFFFF, s4;
	[sflag:s15] =	ssyncset.done $0x0  }
.LBB2_5:
0x88: {  	p1 =	sne.s32 s3, $0x1;
	s3 =	sadd.s32 $0xFFFFFFFF, s3;
	[sflag:s15] =	ssyncadd.s32 $0xFFFFFF80  }
0x89: {  	_ =	swait.ge [sflag:s15], $0x180  }
0x8a: {  	[sflag:s15] =	ssyncset.done $0x0  }
0x8b: {  	[sflag:s15] =	ssyncadd.s32 $0xFFFFFE80  }
0x8c: {  	_ =	swait.ge [sflag:s15], $0x80  }
0x8d: {  	[sflag:s15] =	ssyncset.done $0x0  }
0x8e: {  	[sflag:s15] =	ssyncadd.s32 $0xFFFFFF80  }
.Ltmp6:
0x8f: {  	_ =	swait.ge [sflag:s15], $0x100;
	(pc) =	sbr.rel @p1 .LBB2_5-.Ltmp6, $4  }
0x90: {  	[sflag:s15] =	ssyncset.done $0x0  }
0x91: {  	[sflag:s15] =	ssyncadd.s32 $0xFFFFFF00  }
0x92: {  	_ =	swait.ge [sflag:s15], $0x80  }
0x93: {  	[sflag:s15] =	ssyncset.done $0x0  }
.LBB2_6:
0x94: {  	[sflag:s15] =	ssyncadd.s32 $0xFFFFFF80;
	s3 =	simm.s32 $0x5080  }
0x95: {  	v15 =	vld [tilespmem:s3+$0xFFFFFFF0]  }
0x96: {  	v13 =	vld [tilespmem:s3+$0x0]  }
0x97: {  	v26 =	vld [tilespmem:s3+$0x50]  }
0x98: {  	v7 =	vld [tilespmem:s3+$0xFFFFFF90]  }
0x99: {  	v22 =	vld [tilespmem:s3+$0x10]  }
0x9a: {  	v11 =	vld [tilespmem:s3+$0xFFFFFFA0]  }
0x9b: {  	v28 =	vld [tilespmem:s3+$0xFFFFFFC0]  }
0x9c: {  	v21 =	vld [tilespmem:s3+$0xFFFFFFB0]  }
0x9d: {  	v38 =	vld [tilespmem:s3+$0x30];
	v8 =	vshra.s32 v13, $0x1;
	v17 =	vmul.f32 $5.000000000e-01, v13  }
0x9e: {  	v30 =	vmul.f32 $5.000000000e-01, v26;
	v12 =	vshra.s32 v15, $0x1;
	v29 =	vmul.f32 $5.000000000e-01, v15  }
0x9f: {  	v16 =	vshra.s32 v7, $0x1;
	v9 =	vmul.f32 $5.000000000e-01, v7;
	v18 =	vshra.s32 v22, $0x1  }
0xa0: {  	v25 =	vld [tilespmem:s3+$0x20];
	v33 =	vshra.s32 v11, $0x1;
	v23 =	vmul.f32 $5.000000000e-01, v22;
	v31 =	vshra.s32 v28, $0x1  }
0xa1: {  	v27 =	vmul.f32 $5.000000000e-01, v28;
	v34 =	vshra.s32 v21, $0x1;
	v40 =	vshra.s32 v26, $0x1  }
0xa2: {  	v53 =	vmul.f32 $5.000000000e-01, v38;
	v10 =	vsub.s32 $0x5F3759DF, v8;
	v16 =	vsub.s32 $0x5F3759DF, v16  }
0xa3: {  	v19 =	vsub.s32 $0x5F3759DF, v12;
	v32 =	vsub.s32 $0x5F3759DF, v18;
	v14 =	vmul.f32 v10, v17  }
0xa4: {  	v8 =	vld [tilespmem:s3+$0x60];
	v40 =	vsub.s32 $0x5F3759DF, v40;
	v18 =	vmul.f32 v19, v29;
	v20 =	vmul.f32 v16, v9  }
0xa5: {  	v24 =	vld [tilespmem:s3+$0xFFFFFF80];
	v43 =	vshra.s32 v25, $0x1;
	v41 =	vmul.f32 v40, v30;
	v12 =	vmul.f32 v10, v14  }
0xa6: {  	v46 =	vshra.s32 v38, $0x1;
	v44 =	vmul.f32 v32, v23;
	v18 =	vmul.f32 v19, v18  }
0xa7: {  	v37 =	vsub.s32 $0x5F3759DF, v31;
	v41 =	vmul.f32 v40, v41;
	v12 =	vsub.f32 $1.500000000e+00, v12  }
0xa8: {  	v47 =	vld [tilespmem:s3+$0x40];
	v20 =	vmul.f32 v16, v20;
	v44 =	vmul.f32 v32, v44;
	v18 =	vsub.f32 $1.500000000e+00, v18  }
0xa9: {  	v41 =	vsub.f32 $1.500000000e+00, v41;
	v35 =	vmul.f32 v10, v12;
	v10 =	vmul.f32 $5.000000000e-01, v8  }
0xaa: {  	v20 =	vsub.f32 $1.500000000e+00, v20;
	v12 =	vmul.f32 $5.000000000e-01, v24;
	v19 =	vmul.f32 v19, v18  }
0xab: {  	v14 =	vshra.s32 v24, $0x1;
	v18 =	vmul.f32 v37, v27;
	v59 =	vmul.f32 v40, v41  }
0xac: {  	v36 =	vsub.s32 $0x5F3759DF, v14;
	v50 =	vmul.f32 v16, v20;
	v20 =	vmul.f32 $5.000000000e-01, v25  }
0xad: {  	v60 =	vshra.s32 v47, $0x1;
	v31 =	vmul.f32 v35, v17;
	v39 =	vmul.f32 v36, v12  }
0xae: {  	v34 =	vsub.s32 $0x5F3759DF, v34;
	v42 =	vmul.f32 v19, v29;
	v45 =	vmul.f32 v37, v18  }
0xaf: {  	v44 =	vsub.f32 $1.500000000e+00, v44;
	v18 =	vmul.f32 $5.000000000e-01, v21;
	v31 =	vmul.f32 v31, v35  }
0xb0: {  	v39 =	vmul.f32 v36, v39;
	v42 =	vmul.f32 v42, v19;
	v45 =	vsub.f32 $1.500000000e+00, v45  }
0xb1: {  	v32 =	vmul.f32 v32, v44;
	v41 =	vmul.f32 v34, v18;
	v31 =	vsub.f32 $1.500000000e+00, v31  }
0xb2: {  	v39 =	vsub.f32 $1.500000000e+00, v39;
	v57 =	vsub.f32 $1.500000000e+00, v42;
	v37 =	vmul.f32 v37, v45  }
0xb3: {  	v33 =	vsub.s32 $0x5F3759DF, v33;
	v14 =	vld [tilespmem:s3+$0xFFFFFFE0];
	v41 =	vmul.f32 v34, v41;
	v31 =	vmul.f32 v31, v35  }
0xb4: {  	v46 =	vsub.s32 $0x5F3759DF, v46;
	v36 =	vmul.f32 v36, v39;
	v19 =	vmul.f32 v57, v19  }
0xb5: {  	v43 =	vsub.s32 $0x5F3759DF, v43;
	v54 =	vmul.f32 v37, v27;
	v57 =	vmul.f32 v46, v53  }
0xb6: {  	v40 =	vsub.s32 $0x5F3759DF, v60;
	v58 =	vmul.f32 v31, v13;
	v61 =	vmul.f32 v36, v12  }
0xb7: {  	v41 =	vsub.f32 $1.500000000e+00, v41;
	v49 =	vmul.f32 v19, v15;
	v19 =	vmul.f32 v59, v30  }
0xb8: {  	v48 =	vshra.s32 v14, $0x1;
	v15 =	vmul.f32 $5.000000000e-01, v14;
	v57 =	vmul.f32 v46, v57  }
0xb9: {  	v39 =	vsub.s32 $0x5F3759DF, v48;
	v31 =	vld [tilespmem:s3+$0x70];
	v34 =	vmul.f32 v34, v41;
	v51 =	vmul.f32 v19, v59  }
0xba: {  	v13 =	vld [tilespmem:s3+$0xFFFFFFD0];
	v42 =	vadd.f32 v58, v58;
	v52 =	vmul.f32 v39, v15;
	v19 =	vmul.f32 $5.000000000e-01, v11  }
0xbb: {  	v49 =	vadd.f32 v49, v49;
	v48 =	vmul.f32 v61, v36;
	v57 =	vsub.f32 $1.500000000e+00, v57  }
0xbc: {  	v41 =	vmul.f32 v34, v18;
	v51 =	vsub.f32 $1.500000000e+00, v51;
	v52 =	vmul.f32 v39, v52  }
0xbd: {  	v49 =	vsel vm7, v29, v49;
	v29 =	vmul.f32 v43, v20;
	v63 =	vmul.f32 v33, v19  }
0xbe: {  	v42 =	vsel vm7, v17, v42;
	v46 =	vmul.f32 v46, v57;
	v16 =	vmul.f32 $5.000000000e-01, v31  }
0xbf: {  	v48 =	vsub.f32 $1.500000000e+00, v48;
	v17 =	vmul.f32 $5.000000000e-01, v13;
	v35 =	vmul.f32 v51, v59  }
0xc0: {  	v62 =	vshra.s32 v13, $0x1;
	v51 =	vmul.f32 $5.000000000e-01, v47;
	v58 =	vmul.f32 v43, v29  }
0xc1: {  	v45 =	vsub.s32 $0x5F3759DF, v62;
	v36 =	vmul.f32 v48, v36;
	v61 =	vmul.f32 v46, v53  }
0xc2: {  	v29 =	vsub.f32 $1.500000000e+00, v52;
	v62 =	vmul.f32 v32, v23;
	v55 =	vmul.f32 v45, v17  }
0xc3: {  	v59 =	vshra.s32 v31, $0x1;
	v56 =	vmul.f32 v40, v51;
	v26 =	vmul.f32 v35, v26  }
0xc4: {  	v44 =	vsub.s32 $0x5F3759DF, v59;
	v35 =	vmul.f32 v33, v63;
	v24 =	vmul.f32 v36, v24  }
0xc5: {  	v52 =	vmul.f32 v61, v46;
	v63 =	vshra.s32 v8, $0x1;
	v56 =	vmul.f32 v40, v56  }
0xc6: {  	v29 =	vmul.f32 v39, v29;
	v36 =	vmul.f32 v62, v32;
	v57 =	vsub.f32 $1.500000000e+00, v58  }
0xc7: {  	v55 =	vmul.f32 v45, v55;
	v62 =	vsub.f32 $1.500000000e+00, v52;
	v56 =	vsub.f32 $1.500000000e+00, v56  }
0xc8: {  	v58 =	vmul.f32 v29, v15;
	v43 =	vmul.f32 v43, v57;
	v35 =	vsub.f32 $1.500000000e+00, v35  }
0xc9: {  	v36 =	vsub.f32 $1.500000000e+00, v36;
	v57 =	vmul.f32 v41, v34;
	v40 =	vmul.f32 v40, v56  }
0xca: {  	v55 =	vsub.f32 $1.500000000e+00, v55;
	v46 =	vmul.f32 v62, v46;
	v33 =	vmul.f32 v33, v35  }
0xcb: {  	v32 =	vmul.f32 v36, v32;
	v56 =	vadd.f32 v26, v26;
	v60 =	vmul.f32 v40, v51  }
0xcc: {  	v26 =	vmul.f32 v45, v55;
	v55 =	vsub.s32 $0x5F3759DF, v63;
	v63 =	vmul.f32 v54, v37  }
0xcd: {  	v48 =	vmul.f32 v60, v40;
	v60 =	vmul.f32 v44, v16  }
0xce: {  	v35 =	vsub.f32 $1.500000000e+00, v57;
	v54 =	vmul.f32 v50, v9;
	v59 =	vsub.f32 $1.500000000e+00, v63  }
0xcf: {  	v22 =	vmul.f32 v32, v22;
	v45 =	vmul.f32 v44, v60  }
0xd0: {  	v34 =	vmul.f32 v35, v34;
	v52 =	vsel vm7, v30, v56;
	v37 =	vmul.f32 v59, v37  }
0xd1: {  	v30 =	vmul.f32 v46, v38;
	v61 =	vsub.f32 $1.500000000e+00, v48;
	v45 =	vsub.f32 $1.500000000e+00, v45  }
0xd2: {  	v60 =	vmul.f32 v55, v10;
	v28 =	vmul.f32 v37, v28  }
0xd3: {  	v30 =	vadd.f32 v30, v30;
	v39 =	vmul.f32 v61, v40;
	v38 =	vmul.f32 v44, v45  }
0xd4: {  	v61 =	vmul.f32 v43, v20;
	v63 =	vmul.f32 v55, v60  }
0xd5: {  	v48 =	vsel vm7, v53, v30;
	v39 =	vmul.f32 v39, v47;
	v62 =	vmul.f32 v38, v16  }
0xd6: {  	v40 =	vmul.f32 v58, v29;
	v56 =	vadd.f32 v28, v28;
	v30 =	vmul.f32 v61, v43  }
0xd7: {  	v58 =	vmul.f32 v33, v19;
	v39 =	vadd.f32 v39, v39;
	v37 =	vmul.f32 v62, v38  }
0xd8: {  	v59 =	vsel vm7, v27, v56;
	v27 =	vmul.f32 v54, v50;
	v53 =	vsub.f32 $1.500000000e+00, v30  }
0xd9: {  	[tilespmem:s3+$0x0] =	vst v42;
	v39 =	vsel vm7, v51, v39;
	v51 =	vsub.f32 $1.500000000e+00, v63;
	v37 =	vsub.f32 $1.500000000e+00, v37  }
0xda: {  	[tilespmem:s3+$0xFFFFFFF0] =	vst v49;
	v32 =	vmul.f32 v58, v33;
	v61 =	vadd.f32 v22, v22;
	v22 =	vmul.f32 v53, v43  }
.Ltmp7:
0xdb: {  	[tilespmem:s3+$0x50] =	vst v52;
	v30 =	vsub.f32 $1.500000000e+00, v40;
	v28 =	vmul.f32 v55, v51;
	v37 =	vmul.f32 v37, v38;
	(pc) =	sbr.rel @!p0 .LBB2_8-.Ltmp7, $4  }
0xdc: {  	[tilespmem:s3+$0x30] =	vst v48;
	v62 =	vsub.f32 $1.500000000e+00, v27;
	v27 =	vmul.f32 v26, v17;
	v22 =	vmul.f32 v22, v25  }
0xdd: {  	[tilespmem:s3+$0xFFFFFFC0] =	vst v59;
	v32 =	vsub.f32 $1.500000000e+00, v32;
	v60 =	vmul.f32 v28, v10;
	v63 =	vmul.f32 v37, v31  }
0xde: {  	[tilespmem:s3+$0x40] =	vst v39;
	v25 =	vmul.f32 v62, v50;
	v31 =	vmul.f32 v34, v21;
	v21 =	vsel vm7, v23, v61  }
0xdf: {  	s4 =	sadd.s32 $0xFFFFFFFF, s4;
	s6 =	simm.s32 $0x5180;
	v23 =	vmul.f32 v32, v33;
	v32 =	vmul.f32 v60, v28;
	[tilespmem:s3+$0x10] =	vst v21;
	v21 =	vadd.f32 v63, v63  }
.LBB2_7:
0xe0: {  	p0 =	sne.s32 s4, $0x1;
	s4 =	sadd.s32 $0xFFFFFFFF, s4;
	v31 =	vadd.f32 v31, v31;
	v27 =	vmul.f32 v27, v26;
	v29 =	vmul.f32 v30, v29  }
0xe1: {  	v7 =	vmul.f32 v25, v7;
	v11 =	vmul.f32 v23, v11;
	v23 =	vsub.f32 $1.500000000e+00, v32  }
0xe2: {  	v22 =	vadd.f32 v22, v22;
	v32 =	vld [tilespmem:s6+$0xFFFFFFF0];
	v18 =	vsel vm7, v18, v31;
	v25 =	vsub.f32 $1.500000000e+00, v27  }
0xe3: {  	v7 =	vadd.f32 v7, v7;
	v14 =	vmul.f32 v29, v14;
	v11 =	vadd.f32 v11, v11;
	[tilespmem:s3+$0xFFFFFFB0] =	vst v18  }
0xe4: {  	v20 =	vsel vm7, v20, v22;
	v18 =	vadd.f32 v24, v24;
	v22 =	vmul.f32 v23, v28;
	v29 =	vld [tilespmem:s6+$0x50]  }
0xe5: {  	v7 =	vsel vm7, v9, v7;
	v31 =	vld [tilespmem:s6+$0x0];
	v9 =	vsel vm7, v19, v11;
	v11 =	vmul.f32 v25, v26;
	[tilespmem:s3+$0x20] =	vst v20  }
0xe6: {  	v14 =	vadd.f32 v14, v14;
	v12 =	vsel vm7, v12, v18;
	v8 =	vmul.f32 v22, v8;
	[tilespmem:s3+$0xFFFFFF90] =	vst v7  }
0xe7: {  	v7 =	vld [tilespmem:s6+$0xFFFFFF90];
	[tilespmem:s3+$0xFFFFFFA0] =	vst v9;
	v9 =	vmul.f32 v11, v13  }
0xe8: {  	v11 =	vsel vm7, v15, v14;
	v8 =	vadd.f32 v8, v8;
	v22 =	vld [tilespmem:s6+$0x10];
	[tilespmem:s3+$0xFFFFFF80] =	vst v12;
	v12 =	vsel vm7, v16, v21  }
0xe9: {  	v24 =	vld [tilespmem:s6+$0xFFFFFF80];
	v26 =	vmul.f32 $5.000000000e-01, v29;
	v9 =	vadd.f32 v9, v9;
	[tilespmem:s3+$0xFFFFFFE0] =	vst v11  }
0xea: {  	v13 =	vshra.s32 v32, $0x1;
	v20 =	vmul.f32 $5.000000000e-01, v32;
	v8 =	vsel vm7, v10, v8;
	v21 =	vld [tilespmem:s6+$0xFFFFFFB0];
	[tilespmem:s3+$0x70] =	vst v12  }
0xeb: {  	v10 =	vshra.s32 v31, $0x1;
	v16 =	vmul.f32 $5.000000000e-01, v31;
	v11 =	vld [tilespmem:s6+$0xFFFFFFA0];
	v9 =	vsel vm7, v17, v9;
	[tilespmem:s3+$0x60] =	vst v8  }
0xec: {  	v14 =	vsub.s32 $0x5F3759DF, v10;
	v12 =	vshra.s32 v7, $0x1;
	v28 =	vld [tilespmem:s6+$0xFFFFFFC0];
	[tilespmem:s3+$0xFFFFFFD0] =	vst v9;
	s3 =	smov.u32 s6  }
0xed: {  	v9 =	vmul.f32 $5.000000000e-01, v7;
	v10 =	vmul.f32 v14, v16;
	v15 =	vshra.s32 v22, $0x1;
	v8 =	vld [tilespmem:s6+$0x60]  }
0xee: {  	v18 =	vsub.s32 $0x5F3759DF, v13;
	v17 =	vsub.s32 $0x5F3759DF, v12;
	v34 =	vsub.s32 $0x5F3759DF, v15  }
0xef: {  	v15 =	vshra.s32 v24, $0x1;
	v19 =	vmul.f32 v17, v9;
	v10 =	vmul.f32 v14, v10  }
0xf0: {  	v12 =	vmul.f32 v18, v20;
	v23 =	vmul.f32 $5.000000000e-01, v22;
	v35 =	vshra.s32 v11, $0x1;
	v13 =	vld [tilespmem:s6+$0xFFFFFFD0]  }
0xf1: {  	v33 =	vsub.f32 $1.500000000e+00, v10;
	v36 =	vshra.s32 v28, $0x1;
	v27 =	vmul.f32 $5.000000000e-01, v28  }
0xf2: {  	v30 =	vshra.s32 v21, $0x1;
	v37 =	vmul.f32 v18, v12;
	v25 =	vld [tilespmem:s6+$0x20];
	v10 =	vmul.f32 $5.000000000e-01, v8  }
0xf3: {  	v12 =	vmul.f32 $5.000000000e-01, v24;
	v30 =	vsub.s32 $0x5F3759DF, v30;
	v38 =	vmul.f32 v14, v33;
	v33 =	vld [tilespmem:s6+$0x30]  }
0xf4: {  	v15 =	vsub.s32 $0x5F3759DF, v15;
	v39 =	vsub.s32 $0x5F3759DF, v36;
	v36 =	vsub.f32 $1.500000000e+00, v37  }
0xf5: {  	v41 =	vshra.s32 v29, $0x1;
	v37 =	vmul.f32 v15, v12;
	v40 =	vmul.f32 v38, v16;
	v14 =	vld [tilespmem:s6+$0xFFFFFFE0]  }
0xf6: {  	v41 =	vsub.s32 $0x5F3759DF, v41;
	v42 =	vmul.f32 v39, v27;
	v43 =	vmul.f32 v18, v36  }
0xf7: {  	v44 =	vmul.f32 v41, v26;
	v18 =	vmul.f32 v40, v38;
	v40 =	vshra.s32 v25, $0x1  }
0xf8: {  	v46 =	vmul.f32 v34, v23;
	v45 =	vmul.f32 v43, v20;
	v47 =	vshra.s32 v33, $0x1  }
0xf9: {  	v19 =	vmul.f32 v17, v19;
	v37 =	vmul.f32 v15, v37;
	v18 =	vsub.f32 $1.500000000e+00, v18;
	v36 =	vld [tilespmem:s6+$0x40]  }
0xfa: {  	v42 =	vmul.f32 v39, v42;
	v45 =	vmul.f32 v45, v43;
	v48 =	vshra.s32 v14, $0x1  }
0xfb: {  	v44 =	vmul.f32 v41, v44;
	v37 =	vsub.f32 $1.500000000e+00, v37;
	v38 =	vmul.f32 v18, v38  }
0xfc: {  	v19 =	vsub.f32 $1.500000000e+00, v19;
	v18 =	vmul.f32 $5.000000000e-01, v21;
	v45 =	vsub.f32 $1.500000000e+00, v45  }
0xfd: {  	v44 =	vsub.f32 $1.500000000e+00, v44;
	v48 =	vsub.s32 $0x5F3759DF, v48;
	v38 =	vmul.f32 v38, v31;
	v31 =	vld [tilespmem:s6+$0x70]  }
0xfe: {  	v37 =	vmul.f32 v15, v37;
	v15 =	vmul.f32 v45, v43;
	v43 =	vshra.s32 v36, $0x1  }
0xff: {  	v41 =	vmul.f32 v41, v44;
	v45 =	vmul.f32 v30, v18;
	v38 =	vadd.f32 v38, v38  }
0x100: {  	v35 =	vsub.s32 $0x5F3759DF, v35;
	v44 =	vmul.f32 v37, v12;
	v49 =	vmul.f32 v15, v32  }
0x101: {  	v15 =	vmul.f32 $5.000000000e-01, v14;
	v16 =	vsel vm7, v16, v38;
	v38 =	vmul.f32 v41, v26  }
0x102: {  	v32 =	vmul.f32 v17, v19;
	v17 =	vadd.f32 v49, v49;
	[tilespmem:s6+$0x0] =	vst v16;
	v16 =	vmul.f32 $5.000000000e-01, v31  }
0x103: {  	v49 =	vmul.f32 v48, v15;
	v38 =	vmul.f32 v38, v41  }
0x104: {  	v42 =	vsub.f32 $1.500000000e+00, v42;
	v19 =	vmul.f32 $5.000000000e-01, v11;
	v17 =	vsel vm7, v20, v17  }
0x105: {  	v50 =	vshra.s32 v13, $0x1;
	v20 =	vmul.f32 $5.000000000e-01, v25;
	v38 =	vsub.f32 $1.500000000e+00, v38;
	[tilespmem:s6+$0xFFFFFFF0] =	vst v17  }
0x106: {  	v39 =	vmul.f32 v39, v42;
	v42 =	vsub.s32 $0x5F3759DF, v50;
	v17 =	vmul.f32 $5.000000000e-01, v13  }
0x107: {  	v40 =	vsub.s32 $0x5F3759DF, v40;
	v50 =	vmul.f32 $5.000000000e-01, v33;
	v38 =	vmul.f32 v38, v41  }
0x108: {  	v43 =	vsub.s32 $0x5F3759DF, v43;
	v41 =	vmul.f32 v48, v49;
	v49 =	vmul.f32 $5.000000000e-01, v36  }
0x109: {  	v51 =	vmul.f32 v39, v27;
	v52 =	vmul.f32 v42, v17  }
0x10a: {  	v47 =	vsub.s32 $0x5F3759DF, v47;
	v44 =	vmul.f32 v44, v37;
	v53 =	vmul.f32 v43, v49  }
0x10b: {  	v46 =	vmul.f32 v34, v46;
	v54 =	vmul.f32 v47, v50;
	v41 =	vsub.f32 $1.500000000e+00, v41  }
0x10c: {  	v44 =	vsub.f32 $1.500000000e+00, v44;
	v52 =	vmul.f32 v42, v52;
	v53 =	vmul.f32 v43, v53  }
0x10d: {  	v54 =	vmul.f32 v47, v54;
	v56 =	vshra.s32 v31, $0x1;
	v55 =	vmul.f32 v40, v20  }
0x10e: {  	v46 =	vsub.f32 $1.500000000e+00, v46;
	v57 =	vmul.f32 v35, v19;
	v53 =	vsub.f32 $1.500000000e+00, v53  }
0x10f: {  	v54 =	vsub.f32 $1.500000000e+00, v54;
	v55 =	vmul.f32 v40, v55;
	v29 =	vmul.f32 v38, v29  }
0x110: {  	v38 =	vmul.f32 v35, v57;
	v43 =	vmul.f32 v43, v53;
	v53 =	vsub.s32 $0x5F3759DF, v56  }
0x111: {  	v37 =	vmul.f32 v44, v37;
	v44 =	vmul.f32 v47, v54;
	v29 =	vadd.f32 v29, v29  }
0x112: {  	v34 =	vmul.f32 v34, v46;
	v47 =	vsub.f32 $1.500000000e+00, v52;
	v46 =	vmul.f32 v43, v49  }
0x113: {  	v24 =	vmul.f32 v37, v24;
	v37 =	vmul.f32 v44, v50;
	v26 =	vsel vm7, v26, v29  }
0x114: {  	v52 =	vmul.f32 v34, v23;
	v46 =	vmul.f32 v46, v43;
	[tilespmem:s6+$0x50] =	vst v26;
	v26 =	vshra.s32 v8, $0x1  }
0x115: {  	v37 =	vmul.f32 v37, v44;
	v56 =	vmul.f32 v53, v16;
	v54 =	vsub.s32 $0x5F3759DF, v26  }
0x116: {  	v29 =	vmul.f32 v48, v41;
	v41 =	vsub.f32 $1.500000000e+00, v46;
	v26 =	vmul.f32 v42, v47  }
0x117: {  	v37 =	vsub.f32 $1.500000000e+00, v37;
	v46 =	vmul.f32 v53, v56;
	v42 =	vmul.f32 v52, v34  }
0x118: {  	v48 =	vsub.f32 $1.500000000e+00, v55;
	v47 =	vmul.f32 v51, v39;
	v41 =	vmul.f32 v41, v43  }
0x119: {  	v37 =	vmul.f32 v37, v44;
	v43 =	vmul.f32 v29, v15;
	v44 =	vsub.f32 $1.500000000e+00, v46  }
0x11a: {  	v46 =	vsub.f32 $1.500000000e+00, v47;
	v36 =	vmul.f32 v41, v36;
	v41 =	vmul.f32 v54, v10  }
0x11b: {  	v33 =	vmul.f32 v37, v33;
	v40 =	vmul.f32 v40, v48;
	v42 =	vsub.f32 $1.500000000e+00, v42  }
0x11c: {  	v37 =	vmul.f32 v46, v39;
	v39 =	vmul.f32 v53, v44;
	v36 =	vadd.f32 v36, v36  }
0x11d: {  	v33 =	vadd.f32 v33, v33;
	v44 =	vmul.f32 v30, v45;
	v45 =	vmul.f32 v40, v20  }
0x11e: {  	v28 =	vmul.f32 v37, v28;
	v37 =	vmul.f32 v39, v16;
	v36 =	vsel vm7, v49, v36  }
0x11f: {  	v33 =	vsel vm7, v50, v33;
	v44 =	vsub.f32 $1.500000000e+00, v44;
	[tilespmem:s6+$0x40] =	vst v36;
	v36 =	vmul.f32 v54, v41  }
0x120: {  	v38 =	vsub.f32 $1.500000000e+00, v38;
	v41 =	vmul.f32 v43, v29;
	[tilespmem:s6+$0x30] =	vst v33;
	v33 =	vmul.f32 v37, v39  }
0x121: {  	v37 =	vmul.f32 v30, v44;
	v30 =	vmul.f32 v45, v40  }
0x122: {  	v35 =	vmul.f32 v35, v38;
	v36 =	vsub.f32 $1.500000000e+00, v36;
	v33 =	vsub.f32 $1.500000000e+00, v33  }
0x123: {  	v34 =	vmul.f32 v42, v34;
	v38 =	vmul.f32 v37, v18;
	v42 =	vsub.f32 $1.500000000e+00, v30  }
0x124: {  	v43 =	vmul.f32 v32, v9;
	v44 =	vadd.f32 v28, v28;
	v28 =	vmul.f32 v54, v36  }
0x125: {  	v22 =	vmul.f32 v34, v22;
	v30 =	vsub.f32 $1.500000000e+00, v41;
	v36 =	vmul.f32 v38, v37  }
0x126: {  	v34 =	vmul.f32 v35, v19;
	v27 =	vsel vm7, v27, v44;
	v38 =	vmul.f32 v28, v10  }
0x127: {  	v41 =	vmul.f32 v43, v32;
	v33 =	vmul.f32 v33, v39;
	v36 =	vsub.f32 $1.500000000e+00, v36;
	[tilespmem:s6+$0xFFFFFFC0] =	vst v27  }
.Ltmp8:
0x128: {  	v34 =	vmul.f32 v34, v35;
	v39 =	vadd.f32 v22, v22;
	v22 =	vmul.f32 v42, v40;
	(pc) =	sbr.rel @p0 .LBB2_7-.Ltmp8, $4  }
0x129: {  	v40 =	vsub.f32 $1.500000000e+00, v41;
	v27 =	vmul.f32 v26, v17;
	v36 =	vmul.f32 v36, v37  }
0x12a: {  	v34 =	vsub.f32 $1.500000000e+00, v34;
	v22 =	vmul.f32 v22, v25;
	v33 =	vmul.f32 v33, v31  }
0x12b: {  	v25 =	vmul.f32 v40, v32;
	v31 =	vmul.f32 v36, v21;
	v21 =	vsel vm7, v23, v39  }
0x12c: {  	v32 =	vmul.f32 v38, v28;
	s6 =	sadd.s32 $0x100, s6;
	v23 =	vmul.f32 v34, v35;
	[tilespmem:s3+$0x10] =	vst v21;
	v21 =	vadd.f32 v33, v33  }
.LBB2_8:
0x12d: {  	v31 =	vadd.f32 v31, v31  }
0x12e: {  	v27 =	vmul.f32 v27, v26;
	v7 =	vmul.f32 v25, v7;
	v22 =	vadd.f32 v22, v22  }
0x12f: {  	v58 =	vmul.f32 v30, v29;
	v61 =	vadd.f32 v24, v24;
	v57 =	vsub.f32 $1.500000000e+00, v32  }
0x130: {  	v11 =	vmul.f32 v23, v11;
	v63 =	vsel vm7, v16, v21;
	v27 =	vsub.f32 $1.500000000e+00, v27  }
0x131: {  	v18 =	vsel vm7, v18, v31;
	v7 =	vadd.f32 v7, v7;
	[tilespmem:s3+$0x70] =	vst v63;
	v60 =	vmul.f32 v57, v28  }
0x132: {  	v14 =	vmul.f32 v58, v14;
	v59 =	vsel vm7, v20, v22;
	[tilespmem:s3+$0xFFFFFFB0] =	vst v18;
	v62 =	vmul.f32 v27, v26  }
0x133: {  	v11 =	vadd.f32 v11, v11;
	[tilespmem:s3+$0x20] =	vst v59;
	v7 =	vsel vm7, v9, v7;
	v8 =	vmul.f32 v60, v8  }
0x134: {  	v12 =	vsel vm7, v12, v61;
	[tilespmem:s3+$0xFFFFFF90] =	vst v7;
	v7 =	vadd.f32 v14, v14;
	v9 =	vmul.f32 v62, v13  }
0x135: {  	[tilespmem:s3+$0xFFFFFF80] =	vst v12;
	v11 =	vsel vm7, v19, v11;
	v8 =	vadd.f32 v8, v8  }
0x136: {  	[tilespmem:s3+$0xFFFFFFA0] =	vst v11;
	v7 =	vsel vm7, v15, v7;
	v9 =	vadd.f32 v9, v9  }
0x137: {  	[tilespmem:s3+$0xFFFFFFE0] =	vst v7;
	v7 =	vsel vm7, v10, v8  }
0x138: {  	v8 =	vsel vm7, v17, v9;
	[tilespmem:s3+$0x60] =	vst v7  }
0x139: {  	[tilespmem:s3+$0xFFFFFFD0] =	vst v8  }
.LBB2_9:
.Ltmp9:
0x13a: {  	(pc) =	sbr.rel .LBB2_10-.Ltmp9, $3  }
0x13b: {  	_ =	sdelay $0x1  }
0x13c: {  	s6 =	simm.s32 $0x0;
	s24 =	simm.s32 $0x1E  }
0x13d: {  	s25 =	simm.s32 $0x2D;
	s26 =	smov.u32 s13;
	s28 =	simm.s32 $0x0  }
.LBB2_12:
0x13e: {  	vm0 =	vcmask $0xB08;
	_ =	sdelay $0x3  }
0x13f: {  	[tilespmem:v7+s21+$0x0] =	vst.idx.add.f32.msk $0x1, v8  }
0x140: {  	[tilespmem:v7+s21+$0x0] =	vst.idx.add.f32.msk vm8, v8  }
0x141: {  	[tilespmem:v7+s21+$0x0] =	vst.idx.add.f32.msk vm0, v8;
	vm0 =	vcmask $0x1310;
	_ =	sdelay $0x4  }
0x142: {  	[tilespmem:v7+s21+$0x0] =	vst.idx.add.f32.msk vm9, v8  }
0x143: {  	[tilespmem:v7+s21+$0x0] =	vst.idx.add.f32.msk vm0, v8  }
0x144: {  	[tilespmem:v7+s21+$0x0] =	vst.idx.add.f32.msk vm10, v8  }
0x145: {  	[tilespmem:v7+s21+$0x0] =	vst.idx.add.f32.msk vm2, v8  }
0x146: {  	[tilespmem:v7+s21+$0x0] =	vst.idx.add.f32.msk vm11, v8  }
0x147: {  	[tilespmem:v7+s21+$0x0] =	vst.idx.add.f32.msk vm4, v8  }
0x148: {  	s28 =	sadd.s32 $0x1, s28;
	[tilespmem:v7+s21+$0x0] =	vst.idx.add.f32.msk vm12, v8  }
0x149: {  	p0 =	sne.s32 s28, $0x8;
	[tilespmem:v7+s21+$0x0] =	vst.idx.add.f32.msk vm3, v8  }
.Ltmp10:
0x14a: {  	[tilespmem:v7+s21+$0x0] =	vst.idx.add.f32.msk vm13, v8;
	(pc) =	sbr.rel @!p0 .LBB2_13-.Ltmp10, $4  }
0x14b: {  	[tilespmem:v7+s21+$0x0] =	vst.idx.add.f32.msk vm5, v8  }
0x14c: {  	[tilespmem:v7+s21+$0x0] =	vst.idx.add.f32.msk vm14, v8  }
0x14d: {  	s26 =	sadd.s32 $0x1, s26;
	[tilespmem:v7+s21+$0x0] =	vst.idx.add.f32.msk vm6, v8  }
0x14e: {  	s6 =	sadd.s32 $0x10, s6;
	s24 =	sadd.s32 $0x20, s24;
	s25 =	sadd.s32 $0x30, s25;
	[tilespmem:v7+s21+$0x0] =	vst.idx.add.f32.msk vm15, v8  }
.LBB2_10:
0x14f: {  	v7 =	vmov s28;
	_ =	sdelay $0x4  }
0x150: {  	v7 =	vld.idx.msk [tilespmem:v7+s18+$0x0], $0xffff;
	_ =	sdelay $0x4  }
0x151: {  	v7 =	vxor.u32 $0x80000000, v7  }
0x152: {  	(xrf0) =	vmax.scan.msk.u32 $0xffff, v7;
	_ =	sdelay $0x5  }
0x153: {  	v7, _, _ =	vpop (xrf0)  }
0x154: {  	(v2sf) =	vpush v7, $0xF;
	_ =	sdelay $0x7  }
0x155: {  	s3 =	smul.u32 $0x30, s28;
	v7 =	vmul.u32 $0x3, v0;
	_ =	sdelay $0x1  }
0x156: {  	v8 =	vadd.s32 s3, v7  }
0x157: {  	v9 =	vadd.s32 $0x1, v7  }
0x158: {  	v7 =	vadd.s32 $0x2, v7;
	v10 =	vadd.s32 s3, v9;
	v9 =	vmul.u32 $0x2, v0  }
0x159: {  	v7 =	vadd.s32 s3, v7  }
0x15a: {  	s4 =	sshll.u32 s28, $0x5;
	v11 =	vor.u32 $0x1, v9  }
0x15b: {  	s10 =	sshll.u32 s28, $0x4;
	v13 =	vor.u32 s4, v9;
	v9 =	vld.idx.msk [tilespmem:v8+s16+$0x0], $0xffff;
	v8 =	vor.u32 s4, v11;
	s4 =	spop (v2sf)  }
0x15c: {  	s23 =	sadd.s32 s9, s28;
	v12 =	vld [tilespmem:s10+$0x4000];
	s29 =	sxor.u32 $0x80000000, s4  }
0x15d: {  	v15 =	vld [tilespmem:s10+$0x7000];
	p0 =	sge.s32 s23, s29  }
.Ltmp11:
0x15e: {  	v11 =	vld.idx.msk [tilespmem:v7+s16+$0x0], $0xffff;
	(pc) =	sbr.rel @p0 .LBB2_12-.Ltmp11, $4  }
0x15f: {  	v7 =	vld.idx.msk [tilespmem:v6+s10+$0x0 ss:$0x1], $0xffff  }
0x160: {  	v10 =	vld.idx.msk [tilespmem:v10+s16+$0x0], $0xffff  }
0x161: {  	s30 =	smov.u32 s25;
	v13 =	vld.idx.msk [tilespmem:v13+s17+$0x0], $0xffff  }
0x162: {  	s31 =	smov.u32 s24;
	s3 =	simm.s32 $0x0;
	v14 =	vld.idx.msk [tilespmem:v8+s17+$0x0], $0xffff;
	v8 =	vimm.f32 $0.0e+00;
	s23 =	smov.u32 s6  }
.LBB2_11:
0x163: {  	s4 =	sadd.s32 $0xFFFFFFD3, s30  }
0x164: {  	v16 =	vmov s4  }
0x165: {  	v17 =	vor.u32 $0x1, v16;
	_ =	sdelay $0x1  }
0x166: {  	v18 =	vor.u32 $0x2, v16;
	_ =	sdelay $0x1  }
0x167: {  	v16 =	vld.idx.msk [tilespmem:v16+s16+$0x0], $0xffff  }
0x168: {  	v17 =	vld.idx.msk [tilespmem:v17+s16+$0x0], $0xffff  }
0x169: {  	s10 =	sadd.s32 $0xFFFFFFD6, s30  }
0x16a: {  	v22 =	vmov s23;
	v51 =	vmov s10;
	v18 =	vld.idx.msk [tilespmem:v18+s16+$0x0], $0xffff  }
0x16b: {  	s10 =	sadd.s32 $0xFFFFFFE2, s31;
	v22 =	vand.u32 $0xFFFFFFF0, v22;
	v19 =	vadd.s32 $0x1, v51  }
0x16c: {  	v23 =	vmov s10;
	v22 =	vbroadcast v22, $0x0;
	s10 =	sadd.s32 $0xFFFFFFD9, s30  }
0x16d: {  	v52 =	vmov s10;
	s10 =	sadd.s32 $0xFFFFFFE4, s31;
	v16 =	vsub.f32 v9, v16;
	v17 =	vsub.f32 v10, v17  }
0x16e: {  	v24 =	vor.u32 $0x1, v52;
	v28 =	vmov s10  }
0x16f: {  	s10 =	sadd.s32 $0xFFFFFFDC, s30;
	v18 =	vsub.f32 v11, v18;
	v16 =	vmul.f32 v16, v16;
	v17 =	vmul.f32 v17, v17  }
0x170: {  	v25 =	vadd.s32 $0x2, v52;
	v57 =	vmov s10;
	v19 =	vld.idx.msk [tilespmem:v19+s16+$0x0], $0xffff  }
0x171: {  	v30 =	vor.u32 $0x2, v57;
	v53 =	vld.idx.msk [tilespmem:v23+s17+$0x0], $0xffff;
	v16 =	vadd.f32 v17, v16;
	v17 =	vmul.f32 v18, v18  }
0x172: {  	s4 =	sadd.s32 s23, s12;
	s10 =	sadd.s32 $0x1, s23;
	v26 =	vld.idx.msk [tilespmem:v22+s19+$0x0], $0xffff  }
0x173: {  	v59 =	vmov s10;
	s10 =	sadd.s32 $0x1, s4;
	v23 =	vor.u32 $0x1, v23;
	v22 =	vld.idx.msk [tilespmem:v22+s20+$0x0], $0xffff;
	v16 =	vadd.f32 v17, v16  }
0x174: {  	v34 =	vmov s10;
	s10 =	sadd.s32 $0xFFFFFFE6, s31;
	v24 =	vld.idx.msk [tilespmem:v24+s16+$0x0], $0xffff;
	v17 =	vadd.s32 $0x2, v51  }
0x175: {  	v38 =	vmov s10;
	s10 =	sadd.s32 $0x2, s23;
	v25 =	vld.idx.msk [tilespmem:v25+s16+$0x0], $0xffff;
	v20 =	vshra.s32 v16, $0x1;
	v16 =	vmul.f32 $5.000000000e-01, v16  }
0x176: {  	v54 =	vmov s4;
	v41 =	vmov s10;
	s10 =	sadd.s32 $0xFFFFFFDF, s30;
	v33 =	vld.idx.msk [tilespmem:v30+s16+$0x0], $0xffff;
	v20 =	vsub.s32 $0x5F3759DF, v20  }
0x177: {  	v62 =	vor.u32 $0x1, v28;
	v43 =	vmov s10;
	v18 =	vld.idx.msk [tilespmem:v51+s16+$0x0], $0xffff;
	v21 =	vmul.f32 v20, v16  }
0x178: {  	v58 =	vadd.s32 $0x1, v57;
	v60 =	vand.u32 $0xFFFFFFF1, v59;
	s10 =	sadd.s32 $0x2, s4;
	v44 =	vor.u32 $0x1, v43;
	v23 =	vld.idx.msk [tilespmem:v23+s17+$0x0], $0xffff  }
0x179: {  	v46 =	vor.u32 $0x2, v43;
	v49 =	vmov s10;
	v17 =	vld.idx.msk [tilespmem:v17+s16+$0x0], $0xffff;
	v21 =	vmul.f32 v20, v21  }
0x17a: {  	v61 =	vld.idx.msk [tilespmem:v28+s17+$0x0], $0xffff;
	v19 =	vsub.f32 v10, v19;
	v26 =	vmul.f32 v26, v12;
	v25 =	vsub.f32 v11, v25  }
0x17b: {  	vm1 =	vne.s32 v15, v22;
	v42 =	vld.idx.msk [tilespmem:v38+s17+$0x0], $0xffff;
	v24 =	vsub.f32 v10, v24;
	v21 =	vsub.f32 $1.500000000e+00, v21  }
0x17c: {  	v19 =	vmul.f32 v19, v19;
	v56 =	vmul.f32 v25, v25;
	v25 =	vld.idx.msk [tilespmem:v57+s16+$0x0], $0xffff;
	v18 =	vsub.f32 v9, v18  }
0x17d: {  	v24 =	vmul.f32 v24, v24;
	v28 =	vsub.f32 v11, v33;
	v20 =	vmul.f32 v20, v21  }
0x17e: {  	v23 =	vmul.f32 v23, v14;
	v18 =	vmul.f32 v18, v18;
	v17 =	vsub.f32 v11, v17;
	v21 =	vld.idx.msk [tilespmem:v52+s16+$0x0], $0xffff  }
0x17f: {  	v63 =	vadd.f32 v61, v13;
	v40 =	vmul.f32 v28, v28;
	v16 =	vmul.f32 v20, v16  }
0x180: {  	v28 =	vand.u32 $0xFFFFFFF2, v41;
	v18 =	vadd.f32 v19, v18;
	v17 =	vmul.f32 v17, v17  }
0x181: {  	v30 =	vld.idx.msk [tilespmem:v44+s16+$0x0], $0xffff;
	v47 =	vadd.f32 v42, v13;
	v25 =	vsub.f32 v9, v25;
	v16 =	vmul.f32 v16, v20  }
0x182: {  	v19 =	vadd.f32 v53, v13;
	v17 =	vadd.f32 v17, v18;
	v18 =	vand.u32 $0xFFFFFFF0, v54  }
0x183: {  	s10 =	sadd.s32 $0xFFFFFFE8, s31;
	v51 =	vld.idx.msk [tilespmem:v46+s16+$0x0], $0xffff;
	v18 =	vbroadcast v18, $0x0;
	v21 =	vsub.f32 v9, v21;
	v16 =	vsub.f32 $1.500000000e+00, v16  }
0x184: {  	v54 =	vmov s10;
	v27 =	vshra.s32 v17, $0x1;
	v17 =	vmul.f32 $5.000000000e-01, v17  }
0x185: {  	v27 =	vsub.s32 $0x5F3759DF, v27;
	v21 =	vmul.f32 v21, v21;
	v16 =	vmul.f32 v16, v20  }
0x186: {  	v28 =	vbroadcast v28, $0x0;
	v30 =	vsub.f32 v10, v30;
	v55 =	vmul.f32 v27, v17  }
0x187: {  	v25 =	vmul.f32 v25, v25;
	v21 =	vadd.f32 v24, v21;
	v19 =	vmul.f32 v16, v19  }
0x188: {  	v57 =	vsub.f32 v11, v51;
	s10 =	sadd.s32 $0x3, s23;
	v24 =	vbroadcast v60, $0x0;
	v20 =	vmul.f32 v27, v55  }
0x189: {  	v59 =	vmov s10;
	v18 =	vld.idx.msk [tilespmem:v18+s8+$0x0], $0xffff;
	v21 =	vadd.f32 v56, v21;
	v19 =	vmul.f32 v19, v19  }
0x18a: {  	v60 =	vld.idx.msk [tilespmem:v54+s17+$0x0], $0xffff;
	v16 =	vmul.f32 v16, v26;
	v26 =	vor.u32 $0x1, v38;
	v20 =	vsub.f32 $1.500000000e+00, v20  }
0x18b: {  	v31 =	vshra.s32 v21, $0x1;
	v21 =	vmul.f32 $5.000000000e-01, v21;
	v29 =	vmul.f32 v19, v19  }
0x18c: {  	v20 =	vmul.f32 v27, v20;
	v31 =	vsub.s32 $0x5F3759DF, v31;
	v27 =	vld.idx.msk [tilespmem:v58+s16+$0x0], $0xffff;
	v58 =	vmul.f32 v30, v30  }
0x18d: {  	v30 =	vand.u32 $0xFFFFFFF3, v59;
	v32 =	vmul.f32 v31, v21;
	v19 =	vmul.f32 v29, v19  }
0x18e: {  	v37 =	vld.idx.msk [tilespmem:v24+s19+$0x0], $0xffff;
	v17 =	vmul.f32 v20, v17;
	vm0 =	veq.s32 v7, v18;
	v18 =	vand.u32 $0xFFFFFFF1, v34  }
0x18f: {  	v38 =	vadd.f32 v60, v13;
	v61 =	vbroadcast v30, $0x0;
	v18 =	vbroadcast v18, $0x0  }
0x190: {  	v55 =	vld.idx.msk [tilespmem:v28+s19+$0x0], $0xffff;
	v23 =	vmul.f32 v19, v23;
	v17 =	vmul.f32 v17, v20;
	v19 =	vadd.f32 $-1.000000000e+00, v19  }
0x191: {  	v52 =	vld.idx.msk [tilespmem:v26+s17+$0x0], $0xffff;
	v26 =	vor.u32 $0x1, v54;
	v32 =	vmul.f32 v31, v32;
	vm0 =	vmand vm0, vm1  }
0x192: {  	s10 =	sadd.s32 $0xFFFFFFE2, s30;
	v27 =	vsub.f32 v10, v27;
	v17 =	vsub.f32 $1.500000000e+00, v17;
	v19 =	vmul.f32 v19, v23  }
0x193: {  	v36 =	vsub.f32 $1.500000000e+00, v32;
	v23 =	vld.idx.msk [tilespmem:v62+s17+$0x0], $0xffff;
	v22 =	vmul.f32 v37, v12;
	v37 =	vmov s10  }
0x194: {  	v24 =	vld.idx.msk [tilespmem:v24+s20+$0x0], $0xffff;
	v27 =	vmul.f32 v27, v27;
	v17 =	vmul.f32 v17, v20;
	v16 =	vadd.f32 v19, v16  }
0x195: {  	v62 =	vmul.f32 v55, v12;
	v41 =	vadd.s32 $0x2, v37;
	v20 =	vmul.f32 v31, v36  }
0x196: {  	v25 =	vadd.f32 v27, v25;
	v18 =	vld.idx.msk [tilespmem:v18+s8+$0x0], $0xffff;
	v35 =	vmul.f32 v17, v63;
	v16 =	vadd.f32 $0.0e+00, v16  }
0x197: {  	v27 =	vld.idx.msk [tilespmem:v43+s16+$0x0], $0xffff;
	v21 =	vmul.f32 v20, v21;
	v17 =	vmul.f32 v17, v22;
	v22 =	vand.u32 $0xFFFFFFF2, v49  }
0x198: {  	v25 =	vadd.f32 v40, v25;
	v23 =	vmul.f32 v23, v14;
	v22 =	vbroadcast v22, $0x0  }
0x199: {  	vm1 =	vne.s32 v15, v24;
	v63 =	vld.idx.msk [tilespmem:v28+s20+$0x0], $0xffff;
	v19 =	vmul.f32 v35, v35;
	v21 =	vmul.f32 v21, v20  }
0x19a: {  	v28 =	vld.idx.msk [tilespmem:v37+s16+$0x0], $0xffff;
	v16 =	vnsel vm0, $0x0, v16;
	v45 =	vshra.s32 v25, $0x1;
	v25 =	vmul.f32 $5.000000000e-01, v25  }
0x19b: {  	v32 =	vld.idx.msk [tilespmem:v41+s16+$0x0], $0xffff;
	v39 =	vmul.f32 v19, v19;
	v21 =	vsub.f32 $1.500000000e+00, v21;
	v31 =	vsub.s32 $0x5F3759DF, v45  }
0x19c: {  	s10 =	sadd.s32 $0x3, s4;
	vm0 =	veq.s32 v7, v18;
	v27 =	vsub.f32 v9, v27;
	v18 =	vmul.f32 v52, v14  }
0x19d: {  	v45 =	vmov s10;
	v48 =	vmul.f32 v31, v25;
	vm0 =	vmand vm0, vm1  }
0x19e: {  	vm1 =	vne.s32 v15, v63;
	v19 =	vmul.f32 v39, v19;
	v20 =	vmul.f32 v21, v20  }
0x19f: {  	v27 =	vmul.f32 v27, v27;
	v39 =	vadd.s32 $0x1, v37;
	v28 =	vsub.f32 v9, v28  }
0x1a0: {  	v29 =	vmul.f32 v31, v48;
	v54 =	vsub.f32 v11, v32;
	v23 =	vmul.f32 v19, v23  }
0x1a1: {  	s10 =	sadd.s32 $0xFFFFFFEA, s31;
	v19 =	vadd.f32 $-1.000000000e+00, v19;
	v21 =	vmul.f32 v20, v47;
	v27 =	vadd.f32 v58, v27  }
0x1a2: {  	v43 =	vld.idx.msk [tilespmem:v26+s17+$0x0], $0xffff;
	v20 =	vmul.f32 v20, v62;
	v47 =	vmov s10;
	s10 =	sadd.s32 $0x4, s23;
	v50 =	vsub.f32 $1.500000000e+00, v29  }
0x1a3: {  	v22 =	vld.idx.msk [tilespmem:v22+s8+$0x0], $0xffff;
	v52 =	vmov s10;
	s10 =	sadd.s32 $0xFFFFFFE5, s30;
	v29 =	vor.u32 $0x1, v47;
	v21 =	vmul.f32 v21, v21  }
0x1a4: {  	v19 =	vmul.f32 v19, v23;
	v55 =	vmov s10;
	v23 =	vmul.f32 v31, v50  }
0x1a5: {  	v28 =	vmul.f32 v28, v28;
	v33 =	vor.u32 $0x1, v55;
	v53 =	vmul.f32 v21, v21  }
0x1a6: {  	v42 =	vld.idx.msk [tilespmem:v61+s19+$0x0], $0xffff;
	s10 =	sadd.s32 $0x4, s4;
	v58 =	vadd.s32 $0x2, v55;
	v17 =	vadd.f32 v19, v17;
	v56 =	vmul.f32 v23, v25  }
0x1a7: {  	v19 =	vld.idx.msk [tilespmem:v61+s20+$0x0], $0xffff;
	v61 =	vmov s10;
	v25 =	vmul.f32 v57, v57;
	v21 =	vmul.f32 v53, v21  }
0x1a8: {  	v17 =	vnsel vm0, $0x0, v17;
	vm0 =	veq.s32 v7, v22;
	v22 =	vmul.f32 v43, v14;
	v53 =	vld.idx.msk [tilespmem:v47+s17+$0x0], $0xffff  }
0x1a9: {  	v29 =	vld.idx.msk [tilespmem:v29+s17+$0x0], $0xffff;
	v24 =	vmul.f32 v56, v23;
	v25 =	vadd.f32 v25, v27;
	vm0 =	vmand vm0, vm1  }
0x1aa: {  	v16 =	vadd.f32 v17, v16;
	v18 =	vmul.f32 v21, v18;
	v21 =	vadd.f32 $-1.000000000e+00, v21  }
0x1ab: {  	v56 =	vmul.f32 v54, v54;
	v62 =	vld.idx.msk [tilespmem:v55+s16+$0x0], $0xffff;
	v24 =	vsub.f32 $1.500000000e+00, v24;
	v36 =	vshra.s32 v25, $0x1  }
0x1ac: {  	v63 =	vld.idx.msk [tilespmem:v33+s16+$0x0], $0xffff;
	v25 =	vmul.f32 $5.000000000e-01, v25;
	vm1 =	vne.s32 v15, v19;
	v18 =	vmul.f32 v21, v18  }
0x1ad: {  	v21 =	vmul.f32 v42, v12;
	v23 =	vmul.f32 v24, v23;
	v24 =	vsub.s32 $0x5F3759DF, v36  }
0x1ae: {  	v48 =	vld.idx.msk [tilespmem:v39+s16+$0x0], $0xffff;
	v57 =	vadd.f32 v53, v13;
	v37 =	vmul.f32 v29, v14;
	v40 =	vmul.f32 v24, v25  }
0x1af: {  	v18 =	vadd.f32 v18, v20;
	v20 =	vand.u32 $0xFFFFFFF3, v45;
	v30 =	vmul.f32 v23, v38  }
0x1b0: {  	s10 =	sadd.s32 $0xFFFFFFEC, s31;
	v35 =	vsub.f32 v9, v62;
	v20 =	vbroadcast v20, $0x0;
	v21 =	vmul.f32 v23, v21  }
0x1b1: {  	v36 =	vsub.f32 v10, v63;
	v38 =	vmov s10;
	s10 =	sadd.s32 $0xFFFFFFE8, s30;
	v44 =	vmul.f32 v24, v40  }
0x1b2: {  	v17 =	vnsel vm0, $0x0, v18;
	v39 =	vmov s10;
	v29 =	vor.u32 $0x1, v38  }
0x1b3: {  	v46 =	vmul.f32 v30, v30;
	v30 =	vsub.f32 v10, v48;
	v26 =	vsub.f32 $1.500000000e+00, v44  }
0x1b4: {  	v16 =	vadd.f32 v17, v16;
	v27 =	vmul.f32 v36, v36;
	v40 =	vadd.s32 $0x1, v39  }
0x1b5: {  	s10 =	sadd.s32 $0x5, s23;
	v49 =	vmul.f32 v46, v46;
	v50 =	vmul.f32 v24, v26;
	v26 =	vand.u32 $0xFFFFFFF4, v52  }
0x1b6: {  	v42 =	vmov s10;
	s10 =	sadd.s32 $0x5, s4;
	v30 =	vmul.f32 v30, v30;
	v26 =	vbroadcast v26, $0x0  }
0x1b7: {  	v44 =	vor.u32 $0x2, v39;
	v51 =	vmul.f32 v49, v46;
	v46 =	vmov s10  }
0x1b8: {  	v20 =	vld.idx.msk [tilespmem:v20+s8+$0x0], $0xffff;
	v28 =	vadd.f32 v30, v28;
	s10 =	sadd.s32 $0xFFFFFFEE, s31;
	v25 =	vmul.f32 v50, v25;
	v48 =	vand.u32 $0xFFFFFFF5, v46  }
0x1b9: {  	v34 =	vld.idx.msk [tilespmem:v58+s16+$0x0], $0xffff;
	v53 =	vmov s10;
	v22 =	vmul.f32 v51, v22;
	v24 =	vadd.f32 $-1.000000000e+00, v51  }
0x1ba: {  	v43 =	vld.idx.msk [tilespmem:v38+s17+$0x0], $0xffff;
	s10 =	sadd.s32 $0x6, s23;
	v60 =	vadd.f32 v56, v28;
	v51 =	vbroadcast v48, $0x0;
	v25 =	vmul.f32 v25, v50  }
0x1bb: {  	v29 =	vld.idx.msk [tilespmem:v29+s17+$0x0], $0xffff;
	v54 =	vmov s10;
	v38 =	vor.u32 $0x1, v53;
	v22 =	vmul.f32 v24, v22  }
0x1bc: {  	v30 =	vshra.s32 v60, $0x1;
	v24 =	vmul.f32 $5.000000000e-01, v60;
	v25 =	vsub.f32 $1.500000000e+00, v25;
	v59 =	vld.idx.msk [tilespmem:v26+s19+$0x0], $0xffff  }
0x1bd: {  	vm0 =	veq.s32 v7, v20;
	v20 =	vand.u32 $0xFFFFFFF4, v61;
	v30 =	vsub.s32 $0x5F3759DF, v30;
	v41 =	vld.idx.msk [tilespmem:v26+s20+$0x0], $0xffff  }
0x1be: {  	v32 =	vadd.f32 v22, v21;
	v33 =	vmul.f32 v30, v24;
	v26 =	vld.idx.msk [tilespmem:v44+s16+$0x0], $0xffff;
	v18 =	vmul.f32 v25, v50  }
0x1bf: {  	v20 =	vbroadcast v20, $0x0;
	vm0 =	vmand vm0, vm1;
	v22 =	vsub.f32 v11, v34;
	v58 =	vld.idx.msk [tilespmem:v53+s17+$0x0], $0xffff  }
0x1c0: {  	v19 =	vnsel vm0, $0x0, v32;
	v21 =	vmul.f32 v30, v33;
	v25 =	vmul.f32 v18, v57  }
0x1c1: {  	v49 =	vadd.f32 v43, v13;
	v22 =	vmul.f32 v22, v22;
	v16 =	vadd.f32 v19, v16  }
0x1c2: {  	v19 =	vld.idx.msk [tilespmem:v40+s16+$0x0], $0xffff;
	v57 =	vmul.f32 v29, v14;
	v21 =	vsub.f32 $1.500000000e+00, v21;
	v25 =	vmul.f32 v25, v25  }
0x1c3: {  	s10 =	sadd.s32 $0xFFFFFFEB, s30;
	v23 =	vmul.f32 v59, v12;
	vm1 =	vne.s32 v15, v41;
	v26 =	vsub.f32 v11, v26  }
0x1c4: {  	v59 =	vmov s10;
	v36 =	vadd.f32 v58, v13;
	v21 =	vmul.f32 v30, v21  }
0x1c5: {  	v30 =	vand.u32 $0xFFFFFFF6, v54;
	v60 =	vor.u32 $0x1, v59;
	v17 =	vmul.f32 v25, v25  }
0x1c6: {  	v20 =	vld.idx.msk [tilespmem:v20+s8+$0x0], $0xffff;
	v62 =	vor.u32 $0x2, v59;
	v18 =	vmul.f32 v18, v23;
	v30 =	vbroadcast v30, $0x0  }
0x1c7: {  	s10 =	sadd.s32 $0x6, s4;
	v26 =	vmul.f32 v26, v26;
	v24 =	vmul.f32 v21, v24;
	v19 =	vsub.f32 v10, v19  }
0x1c8: {  	v40 =	vmov s10;
	s10 =	sadd.s32 $0xFFFFFFF0, s31;
	v17 =	vmul.f32 v17, v25;
	v25 =	vmul.f32 v35, v35  }
0x1c9: {  	v44 =	vmov s10;
	v24 =	vmul.f32 v24, v21;
	v19 =	vmul.f32 v19, v19  }
0x1ca: {  	v28 =	vmul.f32 v17, v37;
	v17 =	vadd.f32 $-1.000000000e+00, v17;
	v25 =	vadd.f32 v27, v25;
	v27 =	vld.idx.msk [tilespmem:v39+s16+$0x0], $0xffff  }
0x1cb: {  	vm0 =	veq.s32 v7, v20;
	v20 =	vand.u32 $0xFFFFFFF5, v42;
	v39 =	vld.idx.msk [tilespmem:v59+s16+$0x0], $0xffff;
	v24 =	vsub.f32 $1.500000000e+00, v24  }
0x1cc: {  	v20 =	vbroadcast v20, $0x0;
	v17 =	vmul.f32 v17, v28;
	v22 =	vadd.f32 v22, v25  }
0x1cd: {  	v42 =	vand.u32 $0xFFFFFFF6, v40;
	vm0 =	vmand vm0, vm1;
	v21 =	vmul.f32 v24, v21  }
0x1ce: {  	v63 =	vld.idx.msk [tilespmem:v30+s19+$0x0], $0xffff;
	v45 =	vshra.s32 v22, $0x1;
	v22 =	vmul.f32 $5.000000000e-01, v22;
	v17 =	vadd.f32 v17, v18  }
0x1cf: {  	s10 =	sadd.s32 $0x7, s23;
	v18 =	vld.idx.msk [tilespmem:v51+s8+$0x0], $0xffff;
	v28 =	vsub.s32 $0x5F3759DF, v45;
	v52 =	vmul.f32 v21, v49;
	v27 =	vsub.f32 v9, v27  }
0x1d0: {  	v49 =	vmov s10;
	v24 =	vsub.f32 v9, v39;
	s10 =	sadd.s32 $0xFFFFFFEE, s30;
	v47 =	vmul.f32 v28, v22  }
0x1d1: {  	v41 =	vld.idx.msk [tilespmem:v60+s16+$0x0], $0xffff;
	v17 =	vnsel vm0, $0x0, v17;
	v53 =	vmov s10;
	v23 =	vmul.f32 v52, v52  }
0x1d2: {  	v55 =	vld.idx.msk [tilespmem:v20+s19+$0x0], $0xffff;
	v27 =	vmul.f32 v27, v27;
	v16 =	vadd.f32 v17, v16;
	v24 =	vmul.f32 v24, v24  }
0x1d3: {  	v20 =	vld.idx.msk [tilespmem:v20+s20+$0x0], $0xffff;
	v60 =	vadd.s32 $0x2, v53;
	v50 =	vmul.f32 v28, v47;
	v47 =	vmul.f32 v63, v12  }
0x1d4: {  	v56 =	vmul.f32 v23, v23;
	v19 =	vadd.f32 v19, v27;
	vm0 =	veq.s32 v7, v18  }
0x1d5: {  	v18 =	vbroadcast v42, $0x0;
	v25 =	vsub.f32 $1.500000000e+00, v50;
	v50 =	vand.u32 $0xFFFFFFF7, v49  }
0x1d6: {  	v52 =	vld.idx.msk [tilespmem:v44+s17+$0x0], $0xffff;
	v17 =	vmul.f32 v56, v23;
	v19 =	vadd.f32 v26, v19;
	v51 =	vbroadcast v50, $0x0  }
0x1d7: {  	v56 =	vadd.s32 $0x1, v53;
	v25 =	vmul.f32 v28, v25;
	v28 =	vmul.f32 v55, v12  }
0x1d8: {  	vm1 =	vne.s32 v15, v20;
	v23 =	vmul.f32 v17, v57;
	v61 =	vshra.s32 v19, $0x1  }
0x1d9: {  	v54 =	vld.idx.msk [tilespmem:v30+s20+$0x0], $0xffff;
	v19 =	vmul.f32 $5.000000000e-01, v19;
	v17 =	vadd.f32 $-1.000000000e+00, v17;
	v22 =	vmul.f32 v25, v22  }
0x1da: {  	v46 =	vld.idx.msk [tilespmem:v62+s16+$0x0], $0xffff;
	v31 =	vsub.s32 $0x5F3759DF, v61;
	v21 =	vmul.f32 v21, v28;
	v28 =	vsub.f32 v10, v41  }
0x1db: {  	v55 =	vadd.f32 v52, v13;
	v37 =	vmul.f32 v31, v19;
	v17 =	vmul.f32 v17, v23;
	v23 =	vld.idx.msk [tilespmem:v38+s17+$0x0], $0xffff  }
0x1dc: {  	s10 =	sadd.s32 $0x7, s4;
	vm0 =	vmand vm0, vm1;
	v22 =	vmul.f32 v22, v25;
	v28 =	vmul.f32 v28, v28  }
0x1dd: {  	v57 =	vmov s10;
	v18 =	vld.idx.msk [tilespmem:v18+s8+$0x0], $0xffff;
	v27 =	vmul.f32 v31, v37;
	v17 =	vadd.f32 v17, v21  }
0x1de: {  	vm1 =	vne.s32 v15, v54;
	v58 =	vld.idx.msk [tilespmem:v51+s19+$0x0], $0xffff;
	v22 =	vsub.f32 $1.500000000e+00, v22;
	v24 =	vadd.f32 v28, v24  }
0x1df: {  	v30 =	vand.u32 $0xFFFFFFF7, v57;
	v21 =	vld.idx.msk [tilespmem:v51+s20+$0x0], $0xffff;
	v45 =	vsub.f32 $1.500000000e+00, v27;
	v27 =	vsub.f32 v11, v46  }
0x1e0: {  	v17 =	vnsel vm0, $0x0, v17;
	v22 =	vmul.f32 v22, v25;
	v23 =	vmul.f32 v23, v14  }
0x1e1: {  	v16 =	vadd.f32 v17, v16;
	v17 =	vbroadcast v30, $0x0;
	v26 =	vmul.f32 v31, v45  }
0x1e2: {  	vm0 =	veq.s32 v7, v18;
	v27 =	vmul.f32 v27, v27;
	v25 =	vmul.f32 v22, v36  }
0x1e3: {  	s10 =	sadd.s32 $0xFFFFFFF2, s31;
	vm0 =	vmand vm0, vm1;
	v22 =	vmul.f32 v22, v47;
	v63 =	vmul.f32 v58, v12  }
0x1e4: {  	v36 =	vmov s10;
	s10 =	sadd.s32 $0xFFFFFFF1, s30;
	vm1 =	vne.s32 v15, v21;
	v19 =	vmul.f32 v26, v19  }
0x1e5: {  	v24 =	vadd.f32 v27, v24;
	v37 =	vmov s10;
	v28 =	vor.u32 $0x1, v36  }
0x1e6: {  	s10 =	sadd.s32 $0x8, s23;
	v43 =	vmul.f32 v25, v25;
	v25 =	vor.u32 $0x1, v44;
	v38 =	vor.u32 $0x1, v37  }
0x1e7: {  	v27 =	vld.idx.msk [tilespmem:v53+s16+$0x0], $0xffff;
	v40 =	vadd.s32 $0x2, v37;
	v41 =	vmov s10;
	s10 =	sadd.s32 $0x8, s4;
	v19 =	vmul.f32 v19, v26  }
0x1e8: {  	v59 =	vshra.s32 v24, $0x1;
	v24 =	vmul.f32 $5.000000000e-01, v24;
	v49 =	vmov s10  }
0x1e9: {  	s10 =	sadd.s32 $0x9, s23;
	v48 =	vmul.f32 v43, v43;
	v32 =	vsub.s32 $0x5F3759DF, v59;
	v29 =	vand.u32 $0xFFFFFFF8, v49  }
0x1ea: {  	v35 =	vld.idx.msk [tilespmem:v60+s16+$0x0], $0xffff;
	v52 =	vmov s10;
	s10 =	sadd.s32 $0xFFFFFFF4, s31;
	v19 =	vsub.f32 $1.500000000e+00, v19;
	v34 =	vmul.f32 v32, v24  }
0x1eb: {  	v62 =	vld.idx.msk [tilespmem:v56+s16+$0x0], $0xffff;
	v29 =	vbroadcast v29, $0x0;
	v53 =	vmov s10;
	s10 =	sadd.s32 $0xFFFFFFF4, s30;
	v20 =	vmul.f32 v48, v43  }
0x1ec: {  	v39 =	vld.idx.msk [tilespmem:v36+s17+$0x0], $0xffff;
	v27 =	vsub.f32 v9, v27;
	v56 =	vmov s10;
	v33 =	vor.u32 $0x1, v53  }
0x1ed: {  	v28 =	vld.idx.msk [tilespmem:v28+s17+$0x0], $0xffff;
	v19 =	vmul.f32 v19, v26;
	v61 =	vmul.f32 v32, v34;
	v57 =	vadd.s32 $0x1, v56  }
0x1ee: {  	v25 =	vld.idx.msk [tilespmem:v25+s17+$0x0], $0xffff;
	v60 =	vor.u32 $0x2, v56;
	v23 =	vmul.f32 v20, v23;
	v20 =	vadd.f32 $-1.000000000e+00, v20  }
0x1ef: {  	s10 =	sadd.s32 $0x9, s4;
	v27 =	vmul.f32 v27, v27;
	v26 =	vmul.f32 v19, v55;
	v18 =	vsub.f32 $1.500000000e+00, v61  }
0x1f0: {  	v17 =	vld.idx.msk [tilespmem:v17+s8+$0x0], $0xffff;
	v19 =	vmul.f32 v19, v63;
	v63 =	vmov s10;
	s10 =	sadd.s32 $0xFFFFFFF6, s31;
	v20 =	vmul.f32 v20, v23  }
0x1f1: {  	v42 =	vld.idx.msk [tilespmem:v37+s16+$0x0], $0xffff;
	v23 =	vsub.f32 v10, v62;
	v46 =	vadd.f32 v39, v13;
	v37 =	vmov s10  }
0x1f2: {  	v26 =	vmul.f32 v26, v26;
	v18 =	vmul.f32 v32, v18;
	v32 =	vand.u32 $0xFFFFFFF9, v52  }
0x1f3: {  	v28 =	vmul.f32 v28, v14;
	v20 =	vadd.f32 v20, v22;
	v25 =	vmul.f32 v25, v14  }
0x1f4: {  	v59 =	vld.idx.msk [tilespmem:v53+s17+$0x0], $0xffff;
	v22 =	vsub.f32 v11, v35;
	v23 =	vmul.f32 v23, v23;
	v32 =	vbroadcast v32, $0x0  }
0x1f5: {  	v44 =	vld.idx.msk [tilespmem:v38+s16+$0x0], $0xffff;
	v34 =	vmul.f32 v26, v26;
	v24 =	vmul.f32 v18, v24;
	v20 =	vnsel vm0, $0x0, v20  }
0x1f6: {  	v23 =	vadd.f32 v23, v27;
	v22 =	vmul.f32 v22, v22;
	vm0 =	veq.s32 v7, v17  }
0x1f7: {  	v17 =	vand.u32 $0xFFFFFFF8, v41;
	v27 =	vsub.f32 v9, v42;
	v26 =	vmul.f32 v34, v26  }
0x1f8: {  	v48 =	vld.idx.msk [tilespmem:v40+s16+$0x0], $0xffff;
	v24 =	vmul.f32 v24, v18;
	v17 =	vbroadcast v17, $0x0;
	v16 =	vadd.f32 v20, v16  }
0x1f9: {  	s10 =	sadd.s32 $0xA, s23;
	vm0 =	vmand vm0, vm1;
	v36 =	vadd.f32 v59, v13;
	v34 =	vld.idx.msk [tilespmem:v60+s16+$0x0], $0xffff;
	v43 =	vadd.f32 v22, v23  }
0x1fa: {  	v41 =	vld.idx.msk [tilespmem:v37+s17+$0x0], $0xffff;
	v22 =	vsub.f32 v10, v44;
	v27 =	vmul.f32 v27, v27;
	v44 =	vmov s10  }
0x1fb: {  	v25 =	vmul.f32 v26, v25;
	v26 =	vadd.f32 $-1.000000000e+00, v26;
	v24 =	vsub.f32 $1.500000000e+00, v24  }
0x1fc: {  	v47 =	vshra.s32 v43, $0x1;
	v21 =	vmul.f32 $5.000000000e-01, v43;
	v22 =	vmul.f32 v22, v22  }
0x1fd: {  	v29 =	vld.idx.msk [tilespmem:v29+s8+$0x0], $0xffff;
	v45 =	vmul.f32 v26, v25;
	v18 =	vmul.f32 v24, v18;
	v25 =	vsub.s32 $0x5F3759DF, v47  }
0x1fe: {  	v61 =	vld.idx.msk [tilespmem:v32+s19+$0x0], $0xffff;
	v26 =	vsub.f32 v11, v48;
	v47 =	vor.u32 $0x1, v37;
	v22 =	vadd.f32 v22, v27  }
0x1ff: {  	v50 =	vmul.f32 v25, v21;
	v42 =	vsub.f32 v11, v34;
	v48 =	vadd.f32 v41, v13  }
0x200: {  	v24 =	vmul.f32 v18, v46;
	v26 =	vmul.f32 v26, v26;
	v19 =	vadd.f32 v45, v19  }
0x201: {  	s10 =	sadd.s32 $0xFFFFFFF7, s30;
	v51 =	vld.idx.msk [tilespmem:v17+s19+$0x0], $0xffff;
	v46 =	vand.u32 $0xFFFFFFFA, v44;
	v30 =	vmul.f32 v25, v50;
	v45 =	vmul.f32 v42, v42  }
0x202: {  	v17 =	vld.idx.msk [tilespmem:v17+s20+$0x0], $0xffff;
	v50 =	vmov s10;
	v24 =	vmul.f32 v24, v24;
	v22 =	vadd.f32 v26, v22  }
0x203: {  	v19 =	vnsel vm0, $0x0, v19;
	vm0 =	veq.s32 v7, v29;
	v20 =	vmul.f32 v61, v12  }
0x204: {  	v52 =	vld.idx.msk [tilespmem:v32+s20+$0x0], $0xffff;
	v29 =	vbroadcast v46, $0x0;
	v30 =	vsub.f32 $1.500000000e+00, v30;
	v16 =	vadd.f32 v19, v16  }
0x205: {  	v26 =	vld.idx.msk [tilespmem:v56+s16+$0x0], $0xffff;
	v54 =	vmul.f32 v24, v24;
	v58 =	vshra.s32 v22, $0x1;
	v22 =	vmul.f32 $5.000000000e-01, v22  }
0x206: {  	s10 =	sadd.s32 $0xFFFFFFF8, s31;
	v25 =	vmul.f32 v25, v30;
	v55 =	vmul.f32 v51, v12;
	v30 =	vsub.s32 $0x5F3759DF, v58  }
0x207: {  	vm1 =	vne.s32 v15, v17;
	v51 =	vor.u32 $0x1, v50;
	v58 =	vmov s10  }
0x208: {  	s10 =	sadd.s32 $0xA, s4;
	v23 =	vmul.f32 v54, v24;
	v35 =	vmul.f32 v30, v22;
	vm0 =	vmand vm0, vm1  }
0x209: {  	v17 =	vld.idx.msk [tilespmem:v33+s17+$0x0], $0xffff;
	v54 =	vor.u32 $0x2, v50;
	vm1 =	vne.s32 v15, v52;
	v60 =	vmov s10  }
0x20a: {  	v24 =	vld.idx.msk [tilespmem:v57+s16+$0x0], $0xffff;
	v21 =	vmul.f32 v25, v21;
	v18 =	vmul.f32 v18, v55;
	v26 =	vsub.f32 v9, v26  }
0x20b: {  	v19 =	vand.u32 $0xFFFFFFFA, v60;
	v62 =	vmul.f32 v23, v28;
	v35 =	vmul.f32 v30, v35  }
0x20c: {  	v23 =	vadd.f32 $-1.000000000e+00, v23;
	v28 =	vand.u32 $0xFFFFFFF9, v63;
	v21 =	vmul.f32 v21, v25  }
0x20d: {  	v19 =	vbroadcast v19, $0x0;
	v39 =	vbroadcast v28, $0x0;
	v35 =	vsub.f32 $1.500000000e+00, v35  }
0x20e: {  	v55 =	vld.idx.msk [tilespmem:v29+s19+$0x0], $0xffff;
	v26 =	vmul.f32 v26, v26;
	v38 =	vmul.f32 v23, v62;
	v21 =	vsub.f32 $1.500000000e+00, v21  }
0x20f: {  	s10 =	sadd.s32 $0xB, s23;
	v17 =	vmul.f32 v17, v14;
	v31 =	vld.idx.msk [tilespmem:v51+s16+$0x0], $0xffff;
	v24 =	vsub.f32 v10, v24;
	v40 =	vmul.f32 v30, v35  }
0x210: {  	v62 =	vld.idx.msk [tilespmem:v54+s16+$0x0], $0xffff;
	v18 =	vadd.f32 v38, v18;
	v35 =	vmov s10;
	s10 =	sadd.s32 $0xB, s4;
	v21 =	vmul.f32 v21, v25  }
0x211: {  	v30 =	vld.idx.msk [tilespmem:v47+s17+$0x0], $0xffff;
	v24 =	vmul.f32 v24, v24;
	v37 =	vmov s10;
	v22 =	vmul.f32 v40, v22  }
0x212: {  	v18 =	vnsel vm0, $0x0, v18;
	v38 =	vand.u32 $0xFFFFFFFB, v37;
	v25 =	vmul.f32 v21, v36  }
0x213: {  	v24 =	vadd.f32 v24, v26;
	v20 =	vmul.f32 v21, v20;
	v16 =	vadd.f32 v18, v16  }
0x214: {  	v23 =	vld.idx.msk [tilespmem:v39+s8+$0x0], $0xffff;
	v21 =	vmul.f32 v55, v12;
	v31 =	vsub.f32 v10, v31;
	v22 =	vmul.f32 v22, v40  }
0x215: {  	v36 =	vld.idx.msk [tilespmem:v58+s17+$0x0], $0xffff;
	v28 =	vsub.f32 v11, v62;
	v25 =	vmul.f32 v25, v25;
	v24 =	vadd.f32 v45, v24  }
0x216: {  	v29 =	vld.idx.msk [tilespmem:v29+s20+$0x0], $0xffff;
	v61 =	vmul.f32 v30, v14;
	v31 =	vmul.f32 v31, v31;
	v22 =	vsub.f32 $1.500000000e+00, v22  }
0x217: {  	v28 =	vmul.f32 v28, v28;
	v43 =	vmul.f32 v25, v25;
	v49 =	vshra.s32 v24, $0x1  }
0x218: {  	v24 =	vmul.f32 $5.000000000e-01, v24;
	v22 =	vmul.f32 v22, v40;
	v27 =	vsub.s32 $0x5F3759DF, v49  }
0x219: {  	vm0 =	veq.s32 v7, v23;
	v23 =	vor.u32 $0x1, v58;
	v40 =	vbroadcast v38, $0x0  }
0x21a: {  	s10 =	sadd.s32 $0xFFFFFFFA, s30;
	v39 =	vadd.f32 v36, v13;
	v25 =	vmul.f32 v43, v25;
	v53 =	vmul.f32 v27, v24  }
0x21b: {  	v57 =	vld.idx.msk [tilespmem:v50+s16+$0x0], $0xffff;
	vm0 =	vmand vm0, vm1;
	v43 =	vmov s10;
	vm1 =	vne.s32 v15, v29  }
0x21c: {  	s10 =	sadd.s32 $0xC, s23;
	v26 =	vmul.f32 v22, v48;
	v21 =	vmul.f32 v22, v21;
	v44 =	vadd.s32 $0x1, v43  }
0x21d: {  	v50 =	vmov s10;
	s10 =	sadd.s32 $0xFFFFFFFA, s31;
	v17 =	vmul.f32 v25, v17;
	v25 =	vadd.f32 $-1.000000000e+00, v25  }
0x21e: {  	v48 =	vadd.s32 $0x2, v43;
	v32 =	vmul.f32 v27, v53;
	v52 =	vmov s10;
	s10 =	sadd.s32 $0xFFFFFFFD, s30  }
0x21f: {  	v26 =	vmul.f32 v26, v26;
	v55 =	vmov s10;
	v17 =	vmul.f32 v25, v17  }
0x220: {  	s10 =	sadd.s32 $0xC, s4;
	v59 =	vsub.f32 $1.500000000e+00, v32;
	v25 =	vsub.f32 v9, v57;
	v57 =	vor.u32 $0x1, v55  }
0x221: {  	v19 =	vld.idx.msk [tilespmem:v19+s8+$0x0], $0xffff;
	v60 =	vadd.s32 $0x2, v55;
	v62 =	vmov s10;
	v56 =	vmul.f32 v26, v26  }
0x222: {  	s10 =	sadd.s32 $0xFFFFFFFC, s31;
	v27 =	vmul.f32 v27, v59;
	v17 =	vadd.f32 v17, v20;
	v25 =	vmul.f32 v25, v25  }
0x223: {  	v53 =	vld.idx.msk [tilespmem:v48+s16+$0x0], $0xffff;
	v48 =	vmov s10;
	v18 =	vmul.f32 v56, v26;
	v26 =	vand.u32 $0xFFFFFFFB, v35  }
0x224: {  	v24 =	vmul.f32 v27, v24;
	v26 =	vbroadcast v26, $0x0;
	v25 =	vadd.f32 v31, v25  }
0x225: {  	v23 =	vld.idx.msk [tilespmem:v23+s17+$0x0], $0xffff;
	v17 =	vnsel vm0, $0x0, v17;
	v63 =	vmul.f32 v18, v61;
	v18 =	vadd.f32 $-1.000000000e+00, v18  }
0x226: {  	v51 =	vld.idx.msk [tilespmem:v44+s16+$0x0], $0xffff;
	vm0 =	veq.s32 v7, v19;
	v31 =	vand.u32 $0xFFFFFFFC, v62;
	v16 =	vadd.f32 v17, v16  }
0x227: {  	vm0 =	vmand vm0, vm1;
	v17 =	vld.idx.msk [tilespmem:v40+s8+$0x0], $0xffff;
	v24 =	vmul.f32 v24, v27;
	v18 =	vmul.f32 v18, v63  }
0x228: {  	v40 =	vor.u32 $0x1, v52;
	v25 =	vadd.f32 v28, v25;
	v28 =	vld.idx.msk [tilespmem:v43+s16+$0x0], $0xffff;
	v63 =	vmov s30  }
0x229: {  	v59 =	vld.idx.msk [tilespmem:v52+s17+$0x0], $0xffff;
	v24 =	vsub.f32 $1.500000000e+00, v24;
	v18 =	vadd.f32 v18, v21;
	v21 =	vand.u32 $0xFFFFFFFC, v50  }
0x22a: {  	v42 =	vshra.s32 v25, $0x1;
	v25 =	vmul.f32 $5.000000000e-01, v25;
	v21 =	vbroadcast v21, $0x0  }
0x22b: {  	v23 =	vmul.f32 v23, v14;
	v24 =	vmul.f32 v24, v27;
	v27 =	vsub.s32 $0x5F3759DF, v42;
	v45 =	vld.idx.msk [tilespmem:v26+s19+$0x0], $0xffff  }
0x22c: {  	v58 =	vsub.f32 v10, v51;
	v26 =	vld.idx.msk [tilespmem:v26+s20+$0x0], $0xffff;
	v46 =	vmul.f32 v27, v25;
	v18 =	vnsel vm0, $0x0, v18  }
0x22d: {  	vm0 =	veq.s32 v7, v17;
	v17 =	vsub.f32 v9, v28;
	v28 =	vld.idx.msk [tilespmem:v40+s17+$0x0], $0xffff;
	v41 =	vmul.f32 v24, v39  }
0x22e: {  	v38 =	vld.idx.msk [tilespmem:v60+s16+$0x0], $0xffff;
	v36 =	vadd.s32 $0x1, v63;
	v37 =	vadd.f32 v59, v13;
	v49 =	vmul.f32 v27, v46  }
0x22f: {  	v39 =	vor.u32 $0x2, v63;
	v32 =	vld.idx.msk [tilespmem:v63+s16+$0x0], $0xffff;
	v17 =	vmul.f32 v17, v17;
	v20 =	vmul.f32 v41, v41  }
0x230: {  	v16 =	vadd.f32 v18, v16;
	v41 =	vbroadcast v31, $0x0;
	v19 =	vmul.f32 v45, v12;
	v61 =	vld.idx.msk [tilespmem:v21+s19+$0x0], $0xffff  }
0x231: {  	v22 =	vsub.f32 $1.500000000e+00, v49;
	vm1 =	vne.s32 v15, v26;
	v47 =	vmul.f32 v20, v20;
	v21 =	vld.idx.msk [tilespmem:v21+s20+$0x0], $0xffff  }
0x232: {  	s10 =	sadd.s32 $0xD, s23;
	vm0 =	vmand vm0, vm1;
	v51 =	vmul.f32 v28, v14;
	v54 =	vmul.f32 v24, v19;
	v19 =	vld.idx.msk [tilespmem:v55+s16+$0x0], $0xffff  }
0x233: {  	v22 =	vmul.f32 v27, v22;
	v27 =	vsub.f32 v11, v53;
	v24 =	vld.idx.msk [tilespmem:v57+s16+$0x0], $0xffff;
	v55 =	vmov s10  }
0x234: {  	v26 =	vld.idx.msk [tilespmem:v39+s16+$0x0], $0xffff;
	s10 =	sadd.s32 $0xFFFFFFFE, s31;
	v39 =	vmov s31;
	v20 =	vmul.f32 v47, v20;
	v47 =	vsub.f32 v9, v32  }
0x235: {  	v63 =	vmov s10;
	v56 =	vmul.f32 v22, v25;
	v25 =	vmul.f32 v58, v58  }
0x236: {  	v35 =	vmul.f32 v27, v27;
	v23 =	vmul.f32 v20, v23;
	v20 =	vadd.f32 $-1.000000000e+00, v20  }
0x237: {  	v27 =	vld.idx.msk [tilespmem:v36+s16+$0x0], $0xffff;
	v58 =	vand.u32 $0xFFFFFFFD, v55;
	v17 =	vadd.f32 v25, v17;
	v29 =	vmul.f32 v61, v12  }
0x238: {  	v25 =	vsub.f32 v11, v38;
	vm1 =	vne.s32 v15, v21;
	v20 =	vmul.f32 v20, v23  }
0x239: {  	v23 =	vmul.f32 v56, v22;
	v19 =	vsub.f32 v9, v19;
	v24 =	vsub.f32 v10, v24  }
0x23a: {  	s10 =	sadd.s32 $0xD, s4;
	v49 =	vsub.f32 v11, v26;
	v17 =	vadd.f32 v35, v17;
	v46 =	vmul.f32 v25, v25  }
0x23b: {  	v25 =	vmul.f32 v47, v47;
	v35 =	vmov s10;
	v23 =	vsub.f32 $1.500000000e+00, v23  }
0x23c: {  	v19 =	vmul.f32 v19, v19;
	v24 =	vmul.f32 v24, v24;
	v27 =	vsub.f32 v10, v27  }
0x23d: {  	v42 =	vshra.s32 v17, $0x1;
	v17 =	vmul.f32 $5.000000000e-01, v17;
	v22 =	vmul.f32 v23, v22  }
0x23e: {  	v31 =	vsub.s32 $0x5F3759DF, v42;
	v19 =	vadd.f32 v24, v19;
	v50 =	vmul.f32 v27, v27  }
0x23f: {  	v56 =	vld.idx.msk [tilespmem:v48+s17+$0x0], $0xffff;
	v18 =	vadd.f32 v20, v54;
	v44 =	vmul.f32 v31, v17;
	v23 =	vmul.f32 v22, v37  }
0x240: {  	v38 =	vand.u32 $0xFFFFFFFD, v35;
	v24 =	vmul.f32 v49, v49;
	v19 =	vadd.f32 v46, v19  }
0x241: {  	v25 =	vadd.f32 v50, v25;
	v43 =	vmul.f32 v23, v23;
	v23 =	vmul.f32 v31, v44  }
0x242: {  	v30 =	vbroadcast v38, $0x0;
	v52 =	vshra.s32 v19, $0x1;
	v19 =	vmul.f32 $5.000000000e-01, v19  }
0x243: {  	v24 =	vadd.f32 v24, v25;
	v54 =	vsub.s32 $0x5F3759DF, v52;
	v23 =	vsub.f32 $1.500000000e+00, v23  }
0x244: {  	v18 =	vnsel vm0, $0x0, v18;
	v34 =	vadd.f32 v56, v13;
	v57 =	vmul.f32 v54, v19  }
0x245: {  	v60 =	vshra.s32 v24, $0x1;
	v24 =	vmul.f32 $5.000000000e-01, v24;
	v23 =	vmul.f32 v31, v23  }
0x246: {  	v22 =	vmul.f32 v22, v29;
	v32 =	vsub.s32 $0x5F3759DF, v60;
	v59 =	vmul.f32 v54, v57  }
0x247: {  	v16 =	vadd.f32 v18, v16;
	v62 =	vmul.f32 v32, v24;
	v17 =	vmul.f32 v23, v17  }
0x248: {  	s10 =	sadd.s32 $0xE, s23;
	v37 =	vld.idx.msk [tilespmem:v41+s8+$0x0], $0xffff;
	v29 =	vor.u32 $0x1, v48;
	v25 =	vbroadcast v58, $0x0;
	v61 =	vsub.f32 $1.500000000e+00, v59  }
0x249: {  	v41 =	vmov s10;
	v36 =	vmul.f32 v32, v62;
	v17 =	vmul.f32 v17, v23  }
0x24a: {  	v35 =	vand.u32 $0xFFFFFFFE, v41;
	v45 =	vmul.f32 v43, v43;
	v26 =	vmul.f32 v54, v61  }
0x24b: {  	s10 =	sadd.s32 $0xE, s4;
	v35 =	vbroadcast v35, $0x0;
	v27 =	vsub.f32 $1.500000000e+00, v36;
	v17 =	vsub.f32 $1.500000000e+00, v17  }
0x24c: {  	v42 =	vld.idx.msk [tilespmem:v63+s17+$0x0], $0xffff;
	v47 =	vmov s10;
	v20 =	vmul.f32 v45, v43;
	v19 =	vmul.f32 v26, v19  }
0x24d: {  	vm0 =	veq.s32 v7, v37;
	v44 =	vld.idx.msk [tilespmem:v29+s17+$0x0], $0xffff;
	v27 =	vmul.f32 v32, v27;
	v17 =	vmul.f32 v17, v23  }
0x24e: {  	v53 =	vmul.f32 v20, v51;
	v20 =	vadd.f32 $-1.000000000e+00, v20;
	v19 =	vmul.f32 v19, v26  }
0x24f: {  	v46 =	vld.idx.msk [tilespmem:v39+s17+$0x0], $0xffff;
	v45 =	vor.u32 $0x1, v63;
	v24 =	vmul.f32 v27, v24;
	v23 =	vmul.f32 v17, v34  }
0x250: {  	v31 =	vor.u32 $0x1, v39;
	v40 =	vld.idx.msk [tilespmem:v25+s19+$0x0], $0xffff;
	v20 =	vmul.f32 v20, v53;
	v19 =	vsub.f32 $1.500000000e+00, v19  }
0x251: {  	vm0 =	vmand vm0, vm1;
	v50 =	vld.idx.msk [tilespmem:v35+s19+$0x0], $0xffff;
	v24 =	vmul.f32 v24, v27;
	v23 =	vmul.f32 v23, v23  }
0x252: {  	v49 =	vmul.f32 v44, v14;
	v32 =	vadd.f32 v42, v13;
	v19 =	vmul.f32 v19, v26  }
0x253: {  	s10 =	sadd.s32 $0xF, s23;
	v25 =	vld.idx.msk [tilespmem:v25+s20+$0x0], $0xffff;
	v26 =	vand.u32 $0xFFFFFFFE, v47;
	v24 =	vsub.f32 $1.500000000e+00, v24;
	v43 =	vmul.f32 v23, v23  }
0x254: {  	v30 =	vld.idx.msk [tilespmem:v30+s8+$0x0], $0xffff;
	v51 =	vmov s10;
	v26 =	vbroadcast v26, $0x0;
	v32 =	vmul.f32 v19, v32  }
0x255: {  	v21 =	vld.idx.msk [tilespmem:v45+s17+$0x0], $0xffff;
	v24 =	vmul.f32 v24, v27;
	v18 =	vmul.f32 v43, v23;
	v23 =	vadd.f32 v46, v13  }
0x256: {  	s4 =	sadd.s32 $0xF, s4;
	v20 =	vadd.f32 v20, v22;
	v48 =	vmul.f32 v40, v12;
	v28 =	vmul.f32 v50, v12  }
0x257: {  	v53 =	vmov s4;
	v31 =	vld.idx.msk [tilespmem:v31+s17+$0x0], $0xffff;
	v32 =	vmul.f32 v32, v32;
	v23 =	vmul.f32 v24, v23  }
0x258: {  	vm1 =	vne.s32 v15, v25;
	v20 =	vnsel vm0, $0x0, v20;
	v17 =	vmul.f32 v17, v48  }
0x259: {  	v55 =	vld.idx.msk [tilespmem:v51+s19+$0x0], $0xffff;
	vm0 =	veq.s32 v7, v30;
	v52 =	vmul.f32 v32, v32;
	v23 =	vmul.f32 v23, v23  }
0x25a: {  	v21 =	vmul.f32 v21, v14;
	v22 =	vmul.f32 v18, v49;
	v18 =	vadd.f32 $-1.000000000e+00, v18  }
0x25b: {  	v16 =	vadd.f32 v20, v16;
	v26 =	vld.idx.msk [tilespmem:v26+s8+$0x0], $0xffff;
	v54 =	vmul.f32 v52, v32;
	v57 =	vmul.f32 v23, v23  }
0x25c: {  	v56 =	vld.idx.msk [tilespmem:v35+s20+$0x0], $0xffff;
	vm0 =	vmand vm0, vm1;
	v60 =	vmul.f32 v31, v14;
	v18 =	vmul.f32 v18, v22  }
0x25d: {  	v61 =	vld.idx.msk [tilespmem:v51+s20+$0x0], $0xffff;
	v21 =	vmul.f32 v54, v21;
	v20 =	vadd.f32 $-1.000000000e+00, v54;
	v58 =	vmul.f32 v57, v23  }
0x25e: {  	v59 =	vld.idx.msk [tilespmem:v53+s8+$0x0], $0xffff;
	v19 =	vmul.f32 v19, v28;
	v22 =	vmul.f32 v55, v12;
	v17 =	vadd.f32 v18, v17  }
0x25f: {  	v20 =	vmul.f32 v20, v21;
	v62 =	vmul.f32 v58, v60;
	v18 =	vadd.f32 $-1.000000000e+00, v58  }
0x260: {  	v63 =	vmul.f32 v24, v22;
	vm1 =	veq.s32 v7, v26;
	v17 =	vnsel vm0, $0x0, v17  }
0x261: {  	vm0 =	vne.s32 v15, v56;
	v19 =	vadd.f32 v20, v19;
	v18 =	vmul.f32 v18, v62  }
0x262: {  	vm0 =	vmand vm1, vm0;
	v16 =	vadd.f32 v17, v16;
	vm1 =	vne.s32 v15, v61  }
0x263: {  	v17 =	vnsel vm0, $0x0, v19;
	vm0 =	veq.s32 v7, v59;
	v18 =	vadd.f32 v18, v63  }
0x264: {  	v16 =	vadd.f32 v17, v16;
	vm0 =	vmand vm0, vm1  }
0x265: {  	v17 =	vnsel vm0, $0x0, v18  }
0x266: {  	v16 =	vadd.f32 v17, v16;
	_ =	sdelay $0x1  }
0x267: {  	p0 =	seq.s32 s3, $0x0;
	s3 =	sadd.s32 $0x1, s3;
	v17 =	vadd.f32 v16, v16  }
0x268: {  	s10 =	sadd.s32 s3, s26  }
0x269: {  	v16 =	vpsel p0, v16, v17;
	p0 =	slt.s32 s10, s29  }
.Ltmp12:
0x26a: {  	_ = 	snop;
	(pc) =	sbr.rel @p0 .LBB2_11-.Ltmp12, $2  }
0x26b: {  	_ =	sdelay $0x2  }
0x26c: {  	s30 =	sadd.s32 $0x30, s30;
	s31 =	sadd.s32 $0x20, s31;
	s23 =	sadd.s32 $0x10, s23;
	v8 =	vadd.f32 v16, v8  }
.Ltmp13:
0x26d: {  	_ = 	snop;
	(pc) =	sbr.rel .LBB2_12-.Ltmp13, $1  }
0x26e: {  	_ =	sdelay $0x3  }
.LBB2_14:
0x26f: {  	_ =	sfence.sel $0x180000  }
0x270: {  	[bflag:$0x0] =	sbarrier.arrive $0xFFFF  }
0x271: {  	_ =	strace $0x90000047  }
0x272: {  	s0 =	stileid.u32;
	[bflag:$0x2] =	sbarrier.arrive $0xFFFF  }
0x273: {  	p0 =	sne.s32 s0, $0x0;
	s0 =	rddreg [dreg:$0x6]  }
0x274: {  	s0 =	sadd.s32 @!p0 $0x100000, s0  }
0x275: {  	[sflag:s0] =	ssyncadd.tile.s32 @!p0 $0x1;
	_ =	shalt  }
.Lfunc_end2:
_tile_overlayer_lowered:
.L_overlay_start_2:
0x276: {  	(tag) =	ssettag $0x2  }
0x277: {  	s0 =	rddreg [dreg:$0x0];
	s2 =	stileid.u32  }
0x278: {  	s1 =	rddreg [dreg:$0x1];
	p0 =	sne.s32 s2, $0x0  }
0x279: {  	s3 =	rddreg [dreg:$0x2];
	[bflag:$0x3] =	sbarrier.arrive $0xFFFF;
	s2 =	simm.s32 @!p0 $0x1C02  }
0x27a: {  	[timem:s3], [sflag:s2] =	dma.local @!p0 [hbm:s0], s1  }
0x27b: {  	s0 =	simm.s32 @!p0 $0x2  }
0x27c: {  	_ =	swait.ge @!p0 [sflag:s0], s1  }
0x27d: {  	s1 =	ssub.s32 @!p0 $0x0, s1;
	[sflag:s0] =	ssyncset.done @!p0 $0x0  }
0x27e: {  	[sflag:s0] =	ssyncadd.s32 @!p0 s1  }
0x27f: {  	[bflag:$0x3] =	sbarrier.arrive $0xFFFF  }
0x280: {  	_ =	shalt  }

</sc_bundles>
